<compile_context>
chip_gen: v7x
topology: tpu7x:2x2x1
jax: 0.10.2.dev20260603
libtpu: 0.0.44.dev20260713+nightly
codegen_flags: <defaults>
</compile_context>

<pallas_src>
import jax
import jax.numpy as jnp
from jax import lax
from jax.experimental import pallas as pl
from jax.experimental.pallas import tpu as pltpu
from jax.experimental.pallas import tpu_sc as plsc

NC = 2
NS = 16
NW = NC * NS
C = 128
PAD_ROWS = 112


def _fill_const(ref, rows, d, val):
    @pl.loop(0, rows)
    def _(r):
        for cc in range(d // 16):
            ref[r, pl.ds(cc * 16, 16)] = jnp.full((16,), val, jnp.float32)


def _make_agg(n_rows, d, k_chunks, gather, nbuf, c=C, s_chk=1, n_phases=1,
              tc_tiling=True):
    rows_per_tile = n_rows // NS
    kp = k_chunks // n_phases
    n_streams = kp // s_chk
    cs = s_chk * c
    assert n_streams % nbuf == 0 and k_chunks % (n_phases * s_chk) == 0
    idx_shape = (n_streams, cs)
    mesh = plsc.VectorSubcoreMesh(core_axis_name="c", subcore_axis_name="s")
    scratch = [pltpu.VMEM(idx_shape, jnp.int32)]
    if gather:
        scratch.append(pltpu.VMEM(idx_shape, jnp.int32))
        scratch += [pltpu.VMEM((cs, d), jnp.float32) for _ in range(nbuf)]
        scratch += [pltpu.SemaphoreType.DMA for _ in range(2 * nbuf)]
    else:
        scratch.append(pltpu.VMEM((cs, d), jnp.float32))
        scratch += [pltpu.SemaphoreType.DMA for _ in range(nbuf)]
    scratch.append(pltpu.VMEM_SHARED((n_rows, d), jnp.float32))

    def body(*refs):
        if gather:
            table, srcr, dstr, out = refs[:4]
            dst_v, src_v = refs[4:6]
            rows = refs[6:6 + nbuf]
            gsem = refs[6 + nbuf:6 + 2 * nbuf]
            ssem = refs[6 + 2 * nbuf:6 + 3 * nbuf]
            acc = refs[6 + 3 * nbuf]
        else:
            dstr, out, dst_v, ones_v = refs[:4]
            ssem = refs[4:4 + nbuf]
            acc = refs[4 + nbuf]
        cid = lax.axis_index("c")
        sid = lax.axis_index("s")
        w = cid * NS + sid

        zbuf = rows[0] if gather else ones_v
        _fill_const(zbuf, cs, d, 0.0)
        base = sid * rows_per_tile
        off = 0
        while off < rows_per_tile:
            sz = min(cs, rows_per_tile - off)
            pltpu.sync_copy(zbuf.at[pl.ds(0, sz)],
                            acc.at[pl.ds(base + off, sz)])
            off += sz
        if not gather:
            _fill_const(ones_v, cs, d, 1.0)
        plsc.subcore_barrier()

        for ph in range(n_phases):
            p = w * n_phases + ph
            pltpu.sync_copy(dstr.at[p], dst_v)
            if gather:
                pltpu.sync_copy(srcr.at[p], src_v)
                for b in range(nbuf):
                    pltpu.async_copy(table.at[src_v.at[b]], rows[b], gsem[b])

                @pl.loop(0, n_streams // nbuf)
                def _(tt):
                    t = tt * nbuf
                    for b in range(nbuf):
                        j = t + b
                        pltpu.make_async_copy(
                            table.at[pl.ds(0, cs)], rows[b], gsem[b]).wait()
                        pltpu.async_copy(rows[b], acc.at[dst_v.at[j]],
                                         ssem[b], add=True)
                        pltpu.make_async_copy(
                            rows[b], acc.at[pl.ds(0, cs)], ssem[b]).wait()

                        @pl.when(j + nbuf < n_streams)
                        def _():
                            pltpu.async_copy(table.at[src_v.at[j + nbuf]],
                                             rows[b], gsem[b])
            else:
                for b in range(nbuf):
                    pltpu.async_copy(ones_v, acc.at[dst_v.at[b]],
                                     ssem[b], add=True)

                @pl.loop(0, n_streams // nbuf)
                def _(tt):
                    t = tt * nbuf
                    for b in range(nbuf):
                        j = t + b
                        pltpu.make_async_copy(
                            ones_v, acc.at[pl.ds(0, cs)], ssem[b]).wait()

                        @pl.when(j + nbuf < n_streams)
                        def _():
                            pltpu.async_copy(ones_v,
                                             acc.at[dst_v.at[j + nbuf]],
                                             ssem[b], add=True)

        plsc.subcore_barrier()
        off = 0
        while off < rows_per_tile:
            sz = min(cs, rows_per_tile - off)
            pltpu.sync_copy(acc.at[pl.ds(base + off, sz)],
                            out.at[pl.ds(cid * n_rows + base + off, sz)])
            off += sz

    return pl.kernel(
        body,
        out_type=jax.ShapeDtypeStruct((NC * n_rows, d), jnp.float32),
        mesh=mesh,
        scratch_types=scratch,
        compiler_params=pltpu.CompilerParams(use_tc_tiling_on_sc=tc_tiling),
    )


def kernel(x, edge_index, W1, b1, gamma, beta, Wskip, bskip, W2, b2):
    n, d_in = x.shape
    d_h = W1.shape[1]
    n_cls = W2.shape[1]
    e = edge_index.shape[1]
    n_rows = n + PAD_ROWS

    def _pad_edges(shape):
        pad = 1
        for s_ in shape:
            pad *= s_
        pad -= e
        ar = jnp.arange(pad, dtype=jnp.int32)
        s = jnp.concatenate([edge_index[0], (ar * 37) % n])
        t = jnp.concatenate([edge_index[1], n + ar % PAD_ROWS])
        return s.reshape(shape), t.reshape(shape)

    ka = -(-e // (NW * 512)) * 4
    sa, ta = _pad_edges((NW, ka // 4, 4 * C))
    kb = -(-e // (NW * 96 * 12)) * 12
    sb, tb = _pad_edges((NW * 4, kb // 4, 96))

    degp = _make_agg(n_rows, 16, ka, gather=False, nbuf=4, s_chk=4,
                     tc_tiling=False)(ta)
    degp = degp.reshape(NC, n_rows, 16)

    R = 1000
    grid = (n // R,)

    def _kpre(x_ref, w_ref, wsk_ref, bsk_ref, h_ref, xr_ref):
        xv = x_ref[...]
        h_ref[...] = jnp.dot(xv, w_ref[...],
                             preferred_element_type=jnp.float32)
        xr_ref[...] = jnp.dot(xv, wsk_ref[...],
                              preferred_element_type=jnp.float32) + bsk_ref[...]

    h, xr = pl.pallas_call(
        _kpre,
        grid=grid,
        in_specs=[
            pl.BlockSpec((R, d_in), lambda i: (i, 0)),
            pl.BlockSpec((d_in, d_h), lambda i: (0, 0)),
            pl.BlockSpec((d_in, d_h), lambda i: (0, 0)),
            pl.BlockSpec((1, d_h), lambda i: (0, 0)),
        ],
        out_specs=[pl.BlockSpec((R, d_h), lambda i: (i, 0)),
                   pl.BlockSpec((R, d_h), lambda i: (i, 0))],
        out_shape=[jax.ShapeDtypeStruct((n, d_h), jnp.float32),
                   jax.ShapeDtypeStruct((n, d_h), jnp.float32)],
    )(x, W1, Wskip, bskip.reshape(1, d_h))

    def _ka(h_ref, dg_ref, g_ref):
        deg = dg_ref[0, :, 0] + dg_ref[1, :, 0] + 1.0
        dis = lax.rsqrt(deg)
        g_ref[...] = dis[:, None] * h_ref[...]

    g = pl.pallas_call(
        _ka,
        grid=grid,
        in_specs=[
            pl.BlockSpec((R, d_h), lambda i: (i, 0)),
            pl.BlockSpec((NC, R, 16), lambda i: (0, i, 0)),
        ],
        out_specs=pl.BlockSpec((R, d_h), lambda i: (i, 0)),
        out_shape=jax.ShapeDtypeStruct((n, d_h), jnp.float32),
    )(h, degp)

    sp = _make_agg(n_rows, d_h, kb, gather=True, nbuf=3, c=96,
                   n_phases=4, tc_tiling=False)(g, sb, tb)
    sp = sp.reshape(NC, n_rows, d_h)

    w2p = jnp.pad(W2, ((0, 0), (0, 16 - n_cls)))

    def _kb(sp_ref, g_ref, xr_ref, dg_ref, b1_ref,
            ga_ref, be_ref, w2_ref, out_ref):
        deg = dg_ref[0, :, 0] + dg_ref[1, :, 0] + 1.0
        dis = lax.rsqrt(deg)
        spv = sp_ref[...]
        h1 = dis[:, None] * (spv[0] + spv[1] + g_ref[...]) + b1_ref[...]
        mu = jnp.mean(h1, axis=1, keepdims=True)
        var = jnp.mean((h1 - mu) ** 2, axis=1, keepdims=True)
        ln = (h1 - mu) * lax.rsqrt(var + 1e-5) * ga_ref[...] + be_ref[...]
        z = jnp.maximum(0.8 * ln + 0.2 * xr_ref[...], 0.0)
        out_ref[...] = dis[:, None] * jnp.dot(
            z, w2_ref[...], preferred_element_type=jnp.float32)

    g2 = pl.pallas_call(
        _kb,
        grid=grid,
        in_specs=[
            pl.BlockSpec((NC, R, d_h), lambda i: (0, i, 0)),
            pl.BlockSpec((R, d_h), lambda i: (i, 0)),
            pl.BlockSpec((R, d_h), lambda i: (i, 0)),
            pl.BlockSpec((NC, R, 16), lambda i: (0, i, 0)),
            pl.BlockSpec((1, d_h), lambda i: (0, 0)),
            pl.BlockSpec((1, d_h), lambda i: (0, 0)),
            pl.BlockSpec((1, d_h), lambda i: (0, 0)),
            pl.BlockSpec((d_h, 16), lambda i: (0, 0)),
        ],
        out_specs=pl.BlockSpec((R, 16), lambda i: (i, 0)),
        out_shape=jax.ShapeDtypeStruct((n, 16), jnp.float32),
    )(sp, g, xr, degp, b1.reshape(1, d_h),
      gamma.reshape(1, d_h), beta.reshape(1, d_h), w2p)

    s2p = _make_agg(n_rows, 16, ka, gather=True, nbuf=4, s_chk=4,
                    tc_tiling=False)(g2, sa, ta)
    s2p = s2p.reshape(NC, n_rows, 16)

    def _kc(s2_ref, g2_ref, dg_ref, b2_ref, out_ref):
        deg = dg_ref[0, :, 0] + dg_ref[1, :, 0] + 1.0
        dis = lax.rsqrt(deg)
        s2v = s2_ref[...]
        tot = dis[:, None] * (s2v[0] + s2v[1] + g2_ref[...])
        out_ref[...] = tot[:, :8] + b2_ref[...]

    out = pl.pallas_call(
        _kc,
        grid=grid,
        in_specs=[
            pl.BlockSpec((NC, R, 16), lambda i: (0, i, 0)),
            pl.BlockSpec((R, 16), lambda i: (i, 0)),
            pl.BlockSpec((NC, R, 16), lambda i: (0, i, 0)),
            pl.BlockSpec((1, n_cls), lambda i: (0, 0)),
        ],
        out_specs=pl.BlockSpec((R, n_cls), lambda i: (i, 0)),
        out_shape=jax.ShapeDtypeStruct((n, n_cls), jnp.float32),
    )(s2p, g2, degp, b2.reshape(1, n_cls))

    return out

# --- scband reference (transcript-rebuilt; emitter-appended) ---
"""Pipeline reference for scband-gnn-67559835566298 (READ-ONLY COPY).

The authoritative reference and input builder live on the scoring server;
editing this copy changes nothing except your own understanding.
"""

import jax, jax.numpy as jnp
import numpy as np

N = 10000
E = 320000
D_IN = 128
D_H = 128
N_CLS = 8


def setup_inputs(seed: int = 0) -> dict:
    key = jax.random.key(seed)
    ks = jax.random.split(key, 8)
    x = jax.random.normal(ks[0], (N, D_IN), dtype=jnp.float32)
    edge_index = jax.random.randint(ks[1], (2, E), 0, N, dtype=jnp.int32)
    s1 = 1.0 / np.sqrt(D_IN)
    s2 = 1.0 / np.sqrt(D_H)
    W1 = jax.random.normal(ks[2], (D_IN, D_H), dtype=jnp.float32) * s1
    b1 = jnp.zeros((D_H,), dtype=jnp.float32)
    gamma = jnp.ones((D_H,), dtype=jnp.float32)
    beta = jnp.zeros((D_H,), dtype=jnp.float32)
    Wskip = jax.random.normal(ks[3], (D_IN, D_H), dtype=jnp.float32) * s1
    bskip = jnp.zeros((D_H,), dtype=jnp.float32)
    W2 = jax.random.normal(ks[4], (D_H, N_CLS), dtype=jnp.float32) * s2
    b2 = jnp.zeros((N_CLS,), dtype=jnp.float32)
    return {"x": x, "edge_index": edge_index, "W1": W1, "b1": b1,
            "gamma": gamma, "beta": beta, "Wskip": Wskip, "bskip": bskip,
            "W2": W2, "b2": b2}


def _gcn_conv(x, edge_index, W, b):
    # GCNConv: x' = D^{-1/2} (A + I) D^{-1/2} X W + b
    loop = jnp.arange(N, dtype=edge_index.dtype)
    src = jnp.concatenate([edge_index[0], loop])
    dst = jnp.concatenate([edge_index[1], loop])
    deg = jnp.zeros((N,), dtype=x.dtype).at[dst].add(1.0)
    dis = jnp.where(deg > 0, jax.lax.rsqrt(jnp.maximum(deg, 1e-12)), 0.0)
    norm = dis[src] * dis[dst]
    h = x @ W
    msgs = h[src] * norm[:, None]
    out = jnp.zeros((N, W.shape[1]), dtype=x.dtype).at[dst].add(msgs)
    return out + b


def _layer_norm(x, gamma, beta, eps=1e-5):
    mu = jnp.mean(x, axis=-1, keepdims=True)
    var = jnp.mean((x - mu) ** 2, axis=-1, keepdims=True)
    return (x - mu) * jax.lax.rsqrt(var + eps) * gamma + beta


def reference(x, edge_index, W1, b1, gamma, beta, Wskip, bskip, W2, b2):
    input_x = x
    h = _gcn_conv(x, edge_index, W1, b1)
    h = _layer_norm(h, gamma, beta)
    x_residual = input_x @ Wskip + bskip
    h = 0.8 * h + 0.2 * x_residual
    h = jax.nn.relu(h)
    # dropout p=0.3 is identity at inference
    out = _gcn_conv(h, edge_index, W2, b2)
    return out

if __name__ == "__main__":
    import jax
    _d = setup_inputs()
    print(jax.jit(kernel)(*tuple(_d.values())))

</pallas_src>

<mosaic_0001>
#map = affine_map<(d0, d1) -> (0, 0, 0)>
#map1 = affine_map<(d0, d1) -> (0, 0)>
module attributes {stable_mosaic.version = 14 : i64} {
  func.func @body(%arg0: i32, %arg1: i32, %arg2: memref<32x20x512xi32, #tpu.memory_space<hbm>>, %arg3: memref<20224x16xf32, #tpu.memory_space<hbm>>, %arg4: memref<20x512xi32, #tpu.memory_space<vmem>>, %arg5: memref<512x16xf32, #tpu.memory_space<vmem>>, %arg6: memref<!tpu.dma_semaphore, #tpu.memory_space<semaphore_mem>>, %arg7: memref<!tpu.dma_semaphore, #tpu.memory_space<semaphore_mem>>, %arg8: memref<!tpu.dma_semaphore, #tpu.memory_space<semaphore_mem>>, %arg9: memref<!tpu.dma_semaphore, #tpu.memory_space<semaphore_mem>>, %arg10: memref<10112x16xf32, #tpu.memory_space<vmem_shared>>) attributes {dimension_semantics = [#tpu.dimension_semantics<core_parallel>, #tpu.dimension_semantics<subcore_parallel>], iteration_bounds = array<i64: 2, 16>, scalar_prefetch = 0 : i64, scratch_operands = 7 : i64, tpu.core_type = #tpu.core_type<sc_vector_subcore>, window_params = [{transform_indices = #map}, {transform_indices = #map1}]} {
    %mul3A = arith.constant 16 : i32
    %mul3A_0 = arith.muli %arg0, %mul3A : i32
    %add3A = arith.addi %mul3A_0, %arg1 : i32
    %scan3A = arith.constant 0 : i32
    %scan3A_1 = arith.constant 512 : i32
    %scan3A_2 = arith.addi %scan3A, %scan3A_1 : i32
    %scan3A_3 = arith.constant 1 : i32
    scf.for %scan3A_67 = %scan3A to %scan3A_2 step %scan3A_3  : i32 {
      %mul3A_68 = arith.constant 1 : i32
      %mul3A_69 = arith.muli %scan3A_67, %mul3A_68 : i32
      %add3A_70 = arith.constant 0 : i32
      %add3A_71 = arith.addi %add3A_70, %mul3A_69 : i32
      %broadcast_in_dim3A = arith.constant 0.000000e+00 : f32
      %broadcast_in_dim3A_72 = vector.broadcast %broadcast_in_dim3A : f32 to vector<16xf32>
      %swap3A = arith.index_cast %add3A_71 : i32 to index
      %swap3A_73 = arith.constant 0 : index
      %swap3A_74 = tpu.vector_load %arg5[%swap3A, %swap3A_73] {strides = array<i32>} : memref<512x16xf32, #tpu.memory_space<vmem>>, vector<1x16xf32>,
      %swap3A_75 = vector.shape_cast %swap3A_74 : vector<1x16xf32> to vector<16xf32>
      %swap3A_76 = vector.shape_cast %broadcast_in_dim3A_72 : vector<16xf32> to vector<1x16xf32>
      tpu.vector_store %arg5[%swap3A, %swap3A_73], %swap3A_76 {strides = array<i32>} : memref<512x16xf32, #tpu.memory_space<vmem>>, vector<1x16xf32>,
    }
    %scan3A_4 = arith.constant 512 : i32
    %mul3A_5 = arith.constant 632 : i32
    %mul3A_6 = arith.muli %arg1, %mul3A_5 : i32
    %add3A_7 = arith.constant 0 : i32
    %add3A_8 = arith.addi %mul3A_6, %add3A_7 : i32
    "tpu.region"() ({
      %run_scoped3A = tpu.sem_alloc : memref<!tpu.dma_semaphore, #tpu.memory_space<semaphore_mem>>
      %dma_start3A_67 = arith.constant 0 : i32
      %dma_start3A_68 = arith.constant 0 : i32
      %dma_start3A_69 = tpu.memref_slice %arg5[%dma_start3A_67, %dma_start3A_68] : memref<512x16xf32, #tpu.memory_space<vmem>> -> memref<512x16xf32, #tpu.memory_space<vmem>>
      %dma_start3A_70 = arith.constant 0 : i32
      %dma_start3A_71 = tpu.memref_slice %arg10[%add3A_8, %dma_start3A_70] : memref<10112x16xf32, #tpu.memory_space<vmem_shared>> -> memref<512x16xf32, #tpu.memory_space<vmem_shared>>
      %dma_start3A_72 = arith.constant 0 : i32
      %dma_start3A_73 = tpu.memref_slice %arg10[%add3A_8, %dma_start3A_72] : memref<10112x16xf32, #tpu.memory_space<vmem_shared>> -> memref<512x16xf32, #tpu.memory_space<vmem_shared>>
      %dma_start3A_74 = arith.constant 0 : i32
      %dma_start3A_75 = arith.constant 0 : i32
      %dma_start3A_76 = tpu.memref_slice %arg5[%dma_start3A_74, %dma_start3A_75] : memref<512x16xf32, #tpu.memory_space<vmem>> -> memref<512x16xf32, #tpu.memory_space<vmem>>
      tpu.enqueue_dma source(%dma_start3A_76 : memref<512x16xf32, #tpu.memory_space<vmem>>) target(%dma_start3A_73 : memref<512x16xf32, #tpu.memory_space<vmem_shared>>) target_semaphore(%run_scoped3A : memref<!tpu.dma_semaphore, #tpu.memory_space<semaphore_mem>>)
      %dma_wait3A = arith.constant 0 : i32
      %dma_wait3A_77 = arith.constant 0 : i32
      %dma_wait3A_78 = tpu.memref_slice %arg5[%dma_wait3A, %dma_wait3A_77] : memref<512x16xf32, #tpu.memory_space<vmem>> -> memref<512x16xf32, #tpu.memory_space<vmem>>
      %dma_wait3A_79 = arith.constant 0 : i32
      %dma_wait3A_80 = tpu.memref_slice %arg10[%add3A_8, %dma_wait3A_79] : memref<10112x16xf32, #tpu.memory_space<vmem_shared>> -> memref<512x16xf32, #tpu.memory_space<vmem_shared>>
      %dma_wait3A_81 = arith.constant 0 : i32
      %dma_wait3A_82 = tpu.memref_slice %arg10[%add3A_8, %dma_wait3A_81] : memref<10112x16xf32, #tpu.memory_space<vmem_shared>> -> memref<512x16xf32, #tpu.memory_space<vmem_shared>>
      %dma_wait3A_83 = arith.constant 0 : i32
      %dma_wait3A_84 = arith.constant 0 : i32
      %dma_wait3A_85 = tpu.memref_slice %arg5[%dma_wait3A_83, %dma_wait3A_84] : memref<512x16xf32, #tpu.memory_space<vmem>> -> memref<512x16xf32, #tpu.memory_space<vmem>>
      tpu.wait_dma2 semaphore(%run_scoped3A : memref<!tpu.dma_semaphore, #tpu.memory_space<semaphore_mem>>) src(%dma_wait3A_85 : memref<512x16xf32, #tpu.memory_space<vmem>>) dst(%dma_wait3A_82 : memref<512x16xf32, #tpu.memory_space<vmem_shared>>)
      tpu.yield
    }) : () -> ()
    %add3A_9 = arith.constant 512 : i32
    %add3A_10 = arith.addi %mul3A_6, %add3A_9 : i32
    "tpu.region"() ({
      %run_scoped3A = tpu.sem_alloc : memref<!tpu.dma_semaphore, #tpu.memory_space<semaphore_mem>>
      %dma_start3A_67 = arith.constant 0 : i32
      %dma_start3A_68 = arith.constant 0 : i32
      %dma_start3A_69 = tpu.memref_slice %arg5[%dma_start3A_67, %dma_start3A_68] : memref<512x16xf32, #tpu.memory_space<vmem>> -> memref<120x16xf32, #tpu.memory_space<vmem>>
      %dma_start3A_70 = arith.constant 0 : i32
      %dma_start3A_71 = tpu.memref_slice %arg10[%add3A_10, %dma_start3A_70] : memref<10112x16xf32, #tpu.memory_space<vmem_shared>> -> memref<120x16xf32, #tpu.memory_space<vmem_shared>>
      %dma_start3A_72 = arith.constant 0 : i32
      %dma_start3A_73 = tpu.memref_slice %arg10[%add3A_10, %dma_start3A_72] : memref<10112x16xf32, #tpu.memory_space<vmem_shared>> -> memref<120x16xf32, #tpu.memory_space<vmem_shared>>
      %dma_start3A_74 = arith.constant 0 : i32
      %dma_start3A_75 = arith.constant 0 : i32
      %dma_start3A_76 = tpu.memref_slice %arg5[%dma_start3A_74, %dma_start3A_75] : memref<512x16xf32, #tpu.memory_space<vmem>> -> memref<120x16xf32, #tpu.memory_space<vmem>>
      tpu.enqueue_dma source(%dma_start3A_76 : memref<120x16xf32, #tpu.memory_space<vmem>>) target(%dma_start3A_73 : memref<120x16xf32, #tpu.memory_space<vmem_shared>>) target_semaphore(%run_scoped3A : memref<!tpu.dma_semaphore, #tpu.memory_space<semaphore_mem>>)
      %dma_wait3A = arith.constant 0 : i32
      %dma_wait3A_77 = arith.constant 0 : i32
      %dma_wait3A_78 = tpu.memref_slice %arg5[%dma_wait3A, %dma_wait3A_77] : memref<512x16xf32, #tpu.memory_space<vmem>> -> memref<120x16xf32, #tpu.memory_space<vmem>>
      %dma_wait3A_79 = arith.constant 0 : i32
      %dma_wait3A_80 = tpu.memref_slice %arg10[%add3A_10, %dma_wait3A_79] : memref<10112x16xf32, #tpu.memory_space<vmem_shared>> -> memref<120x16xf32, #tpu.memory_space<vmem_shared>>
      %dma_wait3A_81 = arith.constant 0 : i32
      %dma_wait3A_82 = tpu.memref_slice %arg10[%add3A_10, %dma_wait3A_81] : memref<10112x16xf32, #tpu.memory_space<vmem_shared>> -> memref<120x16xf32, #tpu.memory_space<vmem_shared>>
      %dma_wait3A_83 = arith.constant 0 : i32
      %dma_wait3A_84 = arith.constant 0 : i32
      %dma_wait3A_85 = tpu.memref_slice %arg5[%dma_wait3A_83, %dma_wait3A_84] : memref<512x16xf32, #tpu.memory_space<vmem>> -> memref<120x16xf32, #tpu.memory_space<vmem>>
      tpu.wait_dma2 semaphore(%run_scoped3A : memref<!tpu.dma_semaphore, #tpu.memory_space<semaphore_mem>>) src(%dma_wait3A_85 : memref<120x16xf32, #tpu.memory_space<vmem>>) dst(%dma_wait3A_82 : memref<120x16xf32, #tpu.memory_space<vmem_shared>>)
      tpu.yield
    }) : () -> ()
    %scan3A_11 = arith.constant 0 : i32
    %scan3A_12 = arith.constant 512 : i32
    %scan3A_13 = arith.addi %scan3A_11, %scan3A_12 : i32
    %scan3A_14 = arith.constant 1 : i32
    scf.for %scan3A_67 = %scan3A_11 to %scan3A_13 step %scan3A_14  : i32 {
      %mul3A_68 = arith.constant 1 : i32
      %mul3A_69 = arith.muli %scan3A_67, %mul3A_68 : i32
      %add3A_70 = arith.constant 0 : i32
      %add3A_71 = arith.addi %add3A_70, %mul3A_69 : i32
      %broadcast_in_dim3A = arith.constant 1.000000e+00 : f32
      %broadcast_in_dim3A_72 = vector.broadcast %broadcast_in_dim3A : f32 to vector<16xf32>
      %swap3A = arith.index_cast %add3A_71 : i32 to index
      %swap3A_73 = arith.constant 0 : index
      %swap3A_74 = tpu.vector_load %arg5[%swap3A, %swap3A_73] {strides = array<i32>} : memref<512x16xf32, #tpu.memory_space<vmem>>, vector<1x16xf32>,
      %swap3A_75 = vector.shape_cast %swap3A_74 : vector<1x16xf32> to vector<16xf32>
      %swap3A_76 = vector.shape_cast %broadcast_in_dim3A_72 : vector<16xf32> to vector<1x16xf32>
      tpu.vector_store %arg5[%swap3A, %swap3A_73], %swap3A_76 {strides = array<i32>} : memref<512x16xf32, #tpu.memory_space<vmem>>, vector<1x16xf32>,
    }
    %scan3A_15 = arith.constant 512 : i32
    %barrier3A = arith.constant 0 : index
    tpu.barrier barrier_id(%barrier3A)
    %mul3A_16 = arith.constant 1 : i32
    %mul3A_17 = arith.muli %add3A, %mul3A_16 : i32
    %add3A_18 = arith.constant 0 : i32
    %add3A_19 = arith.addi %mul3A_17, %add3A_18 : i32
    "tpu.region"() ({
      %run_scoped3A = tpu.sem_alloc : memref<!tpu.dma_semaphore, #tpu.memory_space<semaphore_mem>>
      %dma_start3A_67 = arith.constant 0 : i32
      %dma_start3A_68 = arith.constant 0 : i32
      %dma_start3A_69 = tpu.memref_slice %arg2[%add3A_19, %dma_start3A_67, %dma_start3A_68] : memref<32x20x512xi32, #tpu.memory_space<hbm>> -> memref<1x20x512xi32, #tpu.memory_space<hbm>>
      %dma_start3A_70 = tpu.memref_squeeze %dma_start3A_69 : memref<1x20x512xi32, #tpu.memory_space<hbm>> -> memref<20x512xi32, #tpu.memory_space<hbm>>
      %dma_start3A_71 = arith.constant 0 : i32
      %dma_start3A_72 = arith.constant 0 : i32
      %dma_start3A_73 = tpu.memref_slice %arg2[%add3A_19, %dma_start3A_71, %dma_start3A_72] : memref<32x20x512xi32, #tpu.memory_space<hbm>> -> memref<1x20x512xi32, #tpu.memory_space<hbm>>
      %dma_start3A_74 = tpu.memref_squeeze %dma_start3A_73 : memref<1x20x512xi32, #tpu.memory_space<hbm>> -> memref<20x512xi32, #tpu.memory_space<hbm>>
      tpu.enqueue_dma source(%dma_start3A_74 : memref<20x512xi32, #tpu.memory_space<hbm>>) target(%arg4 : memref<20x512xi32, #tpu.memory_space<vmem>>) target_semaphore(%run_scoped3A : memref<!tpu.dma_semaphore, #tpu.memory_space<semaphore_mem>>)
      %dma_wait3A = arith.constant 0 : i32
      %dma_wait3A_75 = arith.constant 0 : i32
      %dma_wait3A_76 = tpu.memref_slice %arg2[%add3A_19, %dma_wait3A, %dma_wait3A_75] : memref<32x20x512xi32, #tpu.memory_space<hbm>> -> memref<1x20x512xi32, #tpu.memory_space<hbm>>
      %dma_wait3A_77 = tpu.memref_squeeze %dma_wait3A_76 : memref<1x20x512xi32, #tpu.memory_space<hbm>> -> memref<20x512xi32, #tpu.memory_space<hbm>>
      %dma_wait3A_78 = arith.constant 0 : i32
      %dma_wait3A_79 = arith.constant 0 : i32
      %dma_wait3A_80 = tpu.memref_slice %arg2[%add3A_19, %dma_wait3A_78, %dma_wait3A_79] : memref<32x20x512xi32, #tpu.memory_space<hbm>> -> memref<1x20x512xi32, #tpu.memory_space<hbm>>
      %dma_wait3A_81 = tpu.memref_squeeze %dma_wait3A_80 : memref<1x20x512xi32, #tpu.memory_space<hbm>> -> memref<20x512xi32, #tpu.memory_space<hbm>>
      tpu.wait_dma2 semaphore(%run_scoped3A : memref<!tpu.dma_semaphore, #tpu.memory_space<semaphore_mem>>) src(%dma_wait3A_81 : memref<20x512xi32, #tpu.memory_space<hbm>>) dst(%arg4 : memref<20x512xi32, #tpu.memory_space<vmem>>)
      tpu.yield
    }) : () -> ()
    %dma_start3A = arith.constant 0 : i32
    %dma_start3A_20 = arith.constant 0 : i32
    %dma_start3A_21 = tpu.memref_slice %arg4[%dma_start3A, %dma_start3A_20] : memref<20x512xi32, #tpu.memory_space<vmem>> -> memref<1x512xi32, #tpu.memory_space<vmem>>
    %dma_start3A_22 = tpu.memref_squeeze %dma_start3A_21 : memref<1x512xi32, #tpu.memory_space<vmem>> -> memref<512xi32, #tpu.memory_space<vmem>>
    %dma_start3A_23 = arith.constant 0 : i32
    %dma_start3A_24 = arith.constant 0 : i32
    %dma_start3A_25 = tpu.memref_slice %arg10[%dma_start3A_23, %dma_start3A_24] : memref<10112x16xf32, #tpu.memory_space<vmem_shared>> -> memref<10112x16xf32, #tpu.memory_space<vmem_shared>>
    tpu.enqueue_indirect_dma source(%arg5 : memref<512x16xf32, #tpu.memory_space<vmem>>) target(%dma_start3A_25 : memref<10112x16xf32, #tpu.memory_space<vmem_shared>>) offsets(%dma_start3A_22 : memref<512xi32, #tpu.memory_space<vmem>>) semaphore(%arg6 : memref<!tpu.dma_semaphore, #tpu.memory_space<semaphore_mem>>) {add = true}
    %dma_start3A_26 = arith.constant 1 : i32
    %dma_start3A_27 = arith.constant 0 : i32
    %dma_start3A_28 = tpu.memref_slice %arg4[%dma_start3A_26, %dma_start3A_27] : memref<20x512xi32, #tpu.memory_space<vmem>> -> memref<1x512xi32, #tpu.memory_space<vmem>>
    %dma_start3A_29 = tpu.memref_squeeze %dma_start3A_28 : memref<1x512xi32, #tpu.memory_space<vmem>> -> memref<512xi32, #tpu.memory_space<vmem>>
    %dma_start3A_30 = arith.constant 0 : i32
    %dma_start3A_31 = arith.constant 0 : i32
    %dma_start3A_32 = tpu.memref_slice %arg10[%dma_start3A_30, %dma_start3A_31] : memref<10112x16xf32, #tpu.memory_space<vmem_shared>> -> memref<10112x16xf32, #tpu.memory_space<vmem_shared>>
    tpu.enqueue_indirect_dma source(%arg5 : memref<512x16xf32, #tpu.memory_space<vmem>>) target(%dma_start3A_32 : memref<10112x16xf32, #tpu.memory_space<vmem_shared>>) offsets(%dma_start3A_29 : memref<512xi32, #tpu.memory_space<vmem>>) semaphore(%arg7 : memref<!tpu.dma_semaphore, #tpu.memory_space<semaphore_mem>>) {add = true}
    %dma_start3A_33 = arith.constant 2 : i32
    %dma_start3A_34 = arith.constant 0 : i32
    %dma_start3A_35 = tpu.memref_slice %arg4[%dma_start3A_33, %dma_start3A_34] : memref<20x512xi32, #tpu.memory_space<vmem>> -> memref<1x512xi32, #tpu.memory_space<vmem>>
    %dma_start3A_36 = tpu.memref_squeeze %dma_start3A_35 : memref<1x512xi32, #tpu.memory_space<vmem>> -> memref<512xi32, #tpu.memory_space<vmem>>
    %dma_start3A_37 = arith.constant 0 : i32
    %dma_start3A_38 = arith.constant 0 : i32
    %dma_start3A_39 = tpu.memref_slice %arg10[%dma_start3A_37, %dma_start3A_38] : memref<10112x16xf32, #tpu.memory_space<vmem_shared>> -> memref<10112x16xf32, #tpu.memory_space<vmem_shared>>
    tpu.enqueue_indirect_dma source(%arg5 : memref<512x16xf32, #tpu.memory_space<vmem>>) target(%dma_start3A_39 : memref<10112x16xf32, #tpu.memory_space<vmem_shared>>) offsets(%dma_start3A_36 : memref<512xi32, #tpu.memory_space<vmem>>) semaphore(%arg8 : memref<!tpu.dma_semaphore, #tpu.memory_space<semaphore_mem>>) {add = true}
    %dma_start3A_40 = arith.constant 3 : i32
    %dma_start3A_41 = arith.constant 0 : i32
    %dma_start3A_42 = tpu.memref_slice %arg4[%dma_start3A_40, %dma_start3A_41] : memref<20x512xi32, #tpu.memory_space<vmem>> -> memref<1x512xi32, #tpu.memory_space<vmem>>
    %dma_start3A_43 = tpu.memref_squeeze %dma_start3A_42 : memref<1x512xi32, #tpu.memory_space<vmem>> -> memref<512xi32, #tpu.memory_space<vmem>>
    %dma_start3A_44 = arith.constant 0 : i32
    %dma_start3A_45 = arith.constant 0 : i32
    %dma_start3A_46 = tpu.memref_slice %arg10[%dma_start3A_44, %dma_start3A_45] : memref<10112x16xf32, #tpu.memory_space<vmem_shared>> -> memref<10112x16xf32, #tpu.memory_space<vmem_shared>>
    tpu.enqueue_indirect_dma source(%arg5 : memref<512x16xf32, #tpu.memory_space<vmem>>) target(%dma_start3A_46 : memref<10112x16xf32, #tpu.memory_space<vmem_shared>>) offsets(%dma_start3A_43 : memref<512xi32, #tpu.memory_space<vmem>>) semaphore(%arg9 : memref<!tpu.dma_semaphore, #tpu.memory_space<semaphore_mem>>) {add = true}
    %scan3A_47 = arith.constant 0 : i32
    %scan3A_48 = arith.constant 5 : i32
    %scan3A_49 = arith.addi %scan3A_47, %scan3A_48 : i32
    %scan3A_50 = arith.constant 1 : i32
    scf.for %scan3A_67 = %scan3A_47 to %scan3A_49 step %scan3A_50  : i32 {
      %mul3A_68 = arith.constant 1 : i32
      %mul3A_69 = arith.muli %scan3A_67, %mul3A_68 : i32
      %add3A_70 = arith.constant 0 : i32
      %add3A_71 = arith.addi %add3A_70, %mul3A_69 : i32
      %mul3A_72 = arith.constant 4 : i32
      %mul3A_73 = arith.muli %add3A_71, %mul3A_72 : i32
      %add3A_74 = arith.constant 0 : i32
      %add3A_75 = arith.addi %mul3A_73, %add3A_74 : i32
      %dma_wait3A = arith.constant 0 : i32
      %dma_wait3A_76 = arith.constant 0 : i32
      %dma_wait3A_77 = tpu.memref_slice %arg10[%dma_wait3A, %dma_wait3A_76] : memref<10112x16xf32, #tpu.memory_space<vmem_shared>> -> memref<512x16xf32, #tpu.memory_space<vmem_shared>>
      %dma_wait3A_78 = arith.constant 0 : i32
      %dma_wait3A_79 = arith.constant 0 : i32
      %dma_wait3A_80 = tpu.memref_slice %arg10[%dma_wait3A_78, %dma_wait3A_79] : memref<10112x16xf32, #tpu.memory_space<vmem_shared>> -> memref<512x16xf32, #tpu.memory_space<vmem_shared>>
      tpu.wait_dma2 semaphore(%arg6 : memref<!tpu.dma_semaphore, #tpu.memory_space<semaphore_mem>>) src(%arg5 : memref<512x16xf32, #tpu.memory_space<vmem>>) dst(%dma_wait3A_80 : memref<512x16xf32, #tpu.memory_space<vmem_shared>>)
      %add3A_81 = arith.constant 4 : i32
      %add3A_82 = arith.addi %add3A_75, %add3A_81 : i32
      %lt3A = arith.constant 20 : i32
      %lt3A_83 = arith.cmpi slt, %add3A_82, %lt3A : i32
      %convert_element_type3A = arith.extui %lt3A_83 : i1 to i32
      %cond3A = arith.constant 0 : i32
      %cond3A_84 = arith.cmpi ne, %convert_element_type3A, %cond3A : i32
      scf.if %cond3A_84 {
        %add3A_130 = arith.constant 4 : i32
        %add3A_131 = arith.addi %add3A_75, %add3A_130 : i32
        %dma_start3A_132 = arith.constant 0 : i32
        %dma_start3A_133 = tpu.memref_slice %arg4[%add3A_131, %dma_start3A_132] : memref<20x512xi32, #tpu.memory_space<vmem>> -> memref<1x512xi32, #tpu.memory_space<vmem>>
        %dma_start3A_134 = tpu.memref_squeeze %dma_start3A_133 : memref<1x512xi32, #tpu.memory_space<vmem>> -> memref<512xi32, #tpu.memory_space<vmem>>
        %dma_start3A_135 = arith.constant 0 : i32
        %dma_start3A_136 = arith.constant 0 : i32
        %dma_start3A_137 = tpu.memref_slice %arg10[%dma_start3A_135, %dma_start3A_136] : memref<10112x16xf32, #tpu.memory_space<vmem_shared>> -> memref<10112x16xf32, #tpu.memory_space<vmem_shared>>
        tpu.enqueue_indirect_dma source(%arg5 : memref<512x16xf32, #tpu.memory_space<vmem>>) target(%dma_start3A_137 : memref<10112x16xf32, #tpu.memory_space<vmem_shared>>) offsets(%dma_start3A_134 : memref<512xi32, #tpu.memory_space<vmem>>) semaphore(%arg6 : memref<!tpu.dma_semaphore, #tpu.memory_space<semaphore_mem>>) {add = true}
      } else {
      }
      %add3A_85 = arith.constant 1 : i32
      %add3A_86 = arith.addi %mul3A_73, %add3A_85 : i32
      %dma_wait3A_87 = arith.constant 0 : i32
      %dma_wait3A_88 = arith.constant 0 : i32
      %dma_wait3A_89 = tpu.memref_slice %arg10[%dma_wait3A_87, %dma_wait3A_88] : memref<10112x16xf32, #tpu.memory_space<vmem_shared>> -> memref<512x16xf32, #tpu.memory_space<vmem_shared>>
      %dma_wait3A_90 = arith.constant 0 : i32
      %dma_wait3A_91 = arith.constant 0 : i32
      %dma_wait3A_92 = tpu.memref_slice %arg10[%dma_wait3A_90, %dma_wait3A_91] : memref<10112x16xf32, #tpu.memory_space<vmem_shared>> -> memref<512x16xf32, #tpu.memory_space<vmem_shared>>
      tpu.wait_dma2 semaphore(%arg7 : memref<!tpu.dma_semaphore, #tpu.memory_space<semaphore_mem>>) src(%arg5 : memref<512x16xf32, #tpu.memory_space<vmem>>) dst(%dma_wait3A_92 : memref<512x16xf32, #tpu.memory_space<vmem_shared>>)
      %add3A_93 = arith.constant 4 : i32
      %add3A_94 = arith.addi %add3A_86, %add3A_93 : i32
      %lt3A_95 = arith.constant 20 : i32
      %lt3A_96 = arith.cmpi slt, %add3A_94, %lt3A_95 : i32
      %convert_element_type3A_97 = arith.extui %lt3A_96 : i1 to i32
      %cond3A_98 = arith.constant 0 : i32
      %cond3A_99 = arith.cmpi ne, %convert_element_type3A_97, %cond3A_98 : i32
      scf.if %cond3A_99 {
        %add3A_130 = arith.constant 4 : i32
        %add3A_131 = arith.addi %add3A_86, %add3A_130 : i32
        %dma_start3A_132 = arith.constant 0 : i32
        %dma_start3A_133 = tpu.memref_slice %arg4[%add3A_131, %dma_start3A_132] : memref<20x512xi32, #tpu.memory_space<vmem>> -> memref<1x512xi32, #tpu.memory_space<vmem>>
        %dma_start3A_134 = tpu.memref_squeeze %dma_start3A_133 : memref<1x512xi32, #tpu.memory_space<vmem>> -> memref<512xi32, #tpu.memory_space<vmem>>
        %dma_start3A_135 = arith.constant 0 : i32
        %dma_start3A_136 = arith.constant 0 : i32
        %dma_start3A_137 = tpu.memref_slice %arg10[%dma_start3A_135, %dma_start3A_136] : memref<10112x16xf32, #tpu.memory_space<vmem_shared>> -> memref<10112x16xf32, #tpu.memory_space<vmem_shared>>
        tpu.enqueue_indirect_dma source(%arg5 : memref<512x16xf32, #tpu.memory_space<vmem>>) target(%dma_start3A_137 : memref<10112x16xf32, #tpu.memory_space<vmem_shared>>) offsets(%dma_start3A_134 : memref<512xi32, #tpu.memory_space<vmem>>) semaphore(%arg7 : memref<!tpu.dma_semaphore, #tpu.memory_space<semaphore_mem>>) {add = true}
      } else {
      }
      %add3A_100 = arith.constant 2 : i32
      %add3A_101 = arith.addi %mul3A_73, %add3A_100 : i32
      %dma_wait3A_102 = arith.constant 0 : i32
      %dma_wait3A_103 = arith.constant 0 : i32
      %dma_wait3A_104 = tpu.memref_slice %arg10[%dma_wait3A_102, %dma_wait3A_103] : memref<10112x16xf32, #tpu.memory_space<vmem_shared>> -> memref<512x16xf32, #tpu.memory_space<vmem_shared>>
      %dma_wait3A_105 = arith.constant 0 : i32
      %dma_wait3A_106 = arith.constant 0 : i32
      %dma_wait3A_107 = tpu.memref_slice %arg10[%dma_wait3A_105, %dma_wait3A_106] : memref<10112x16xf32, #tpu.memory_space<vmem_shared>> -> memref<512x16xf32, #tpu.memory_space<vmem_shared>>
      tpu.wait_dma2 semaphore(%arg8 : memref<!tpu.dma_semaphore, #tpu.memory_space<semaphore_mem>>) src(%arg5 : memref<512x16xf32, #tpu.memory_space<vmem>>) dst(%dma_wait3A_107 : memref<512x16xf32, #tpu.memory_space<vmem_shared>>)
      %add3A_108 = arith.constant 4 : i32
      %add3A_109 = arith.addi %add3A_101, %add3A_108 : i32
      %lt3A_110 = arith.constant 20 : i32
      %lt3A_111 = arith.cmpi slt, %add3A_109, %lt3A_110 : i32
      %convert_element_type3A_112 = arith.extui %lt3A_111 : i1 to i32
      %cond3A_113 = arith.constant 0 : i32
      %cond3A_114 = arith.cmpi ne, %convert_element_type3A_112, %cond3A_113 : i32
      scf.if %cond3A_114 {
        %add3A_130 = arith.constant 4 : i32
        %add3A_131 = arith.addi %add3A_101, %add3A_130 : i32
        %dma_start3A_132 = arith.constant 0 : i32
        %dma_start3A_133 = tpu.memref_slice %arg4[%add3A_131, %dma_start3A_132] : memref<20x512xi32, #tpu.memory_space<vmem>> -> memref<1x512xi32, #tpu.memory_space<vmem>>
        %dma_start3A_134 = tpu.memref_squeeze %dma_start3A_133 : memref<1x512xi32, #tpu.memory_space<vmem>> -> memref<512xi32, #tpu.memory_space<vmem>>
        %dma_start3A_135 = arith.constant 0 : i32
        %dma_start3A_136 = arith.constant 0 : i32
        %dma_start3A_137 = tpu.memref_slice %arg10[%dma_start3A_135, %dma_start3A_136] : memref<10112x16xf32, #tpu.memory_space<vmem_shared>> -> memref<10112x16xf32, #tpu.memory_space<vmem_shared>>
        tpu.enqueue_indirect_dma source(%arg5 : memref<512x16xf32, #tpu.memory_space<vmem>>) target(%dma_start3A_137 : memref<10112x16xf32, #tpu.memory_space<vmem_shared>>) offsets(%dma_start3A_134 : memref<512xi32, #tpu.memory_space<vmem>>) semaphore(%arg8 : memref<!tpu.dma_semaphore, #tpu.memory_space<semaphore_mem>>) {add = true}
      } else {
      }
      %add3A_115 = arith.constant 3 : i32
      %add3A_116 = arith.addi %mul3A_73, %add3A_115 : i32
      %dma_wait3A_117 = arith.constant 0 : i32
      %dma_wait3A_118 = arith.constant 0 : i32
      %dma_wait3A_119 = tpu.memref_slice %arg10[%dma_wait3A_117, %dma_wait3A_118] : memref<10112x16xf32, #tpu.memory_space<vmem_shared>> -> memref<512x16xf32, #tpu.memory_space<vmem_shared>>
      %dma_wait3A_120 = arith.constant 0 : i32
      %dma_wait3A_121 = arith.constant 0 : i32
      %dma_wait3A_122 = tpu.memref_slice %arg10[%dma_wait3A_120, %dma_wait3A_121] : memref<10112x16xf32, #tpu.memory_space<vmem_shared>> -> memref<512x16xf32, #tpu.memory_space<vmem_shared>>
      tpu.wait_dma2 semaphore(%arg9 : memref<!tpu.dma_semaphore, #tpu.memory_space<semaphore_mem>>) src(%arg5 : memref<512x16xf32, #tpu.memory_space<vmem>>) dst(%dma_wait3A_122 : memref<512x16xf32, #tpu.memory_space<vmem_shared>>)
      %add3A_123 = arith.constant 4 : i32
      %add3A_124 = arith.addi %add3A_116, %add3A_123 : i32
      %lt3A_125 = arith.constant 20 : i32
      %lt3A_126 = arith.cmpi slt, %add3A_124, %lt3A_125 : i32
      %convert_element_type3A_127 = arith.extui %lt3A_126 : i1 to i32
      %cond3A_128 = arith.constant 0 : i32
      %cond3A_129 = arith.cmpi ne, %convert_element_type3A_127, %cond3A_128 : i32
      scf.if %cond3A_129 {
        %add3A_130 = arith.constant 4 : i32
        %add3A_131 = arith.addi %add3A_116, %add3A_130 : i32
        %dma_start3A_132 = arith.constant 0 : i32
        %dma_start3A_133 = tpu.memref_slice %arg4[%add3A_131, %dma_start3A_132] : memref<20x512xi32, #tpu.memory_space<vmem>> -> memref<1x512xi32, #tpu.memory_space<vmem>>
        %dma_start3A_134 = tpu.memref_squeeze %dma_start3A_133 : memref<1x512xi32, #tpu.memory_space<vmem>> -> memref<512xi32, #tpu.memory_space<vmem>>
        %dma_start3A_135 = arith.constant 0 : i32
        %dma_start3A_136 = arith.constant 0 : i32
        %dma_start3A_137 = tpu.memref_slice %arg10[%dma_start3A_135, %dma_start3A_136] : memref<10112x16xf32, #tpu.memory_space<vmem_shared>> -> memref<10112x16xf32, #tpu.memory_space<vmem_shared>>
        tpu.enqueue_indirect_dma source(%arg5 : memref<512x16xf32, #tpu.memory_space<vmem>>) target(%dma_start3A_137 : memref<10112x16xf32, #tpu.memory_space<vmem_shared>>) offsets(%dma_start3A_134 : memref<512xi32, #tpu.memory_space<vmem>>) semaphore(%arg9 : memref<!tpu.dma_semaphore, #tpu.memory_space<semaphore_mem>>) {add = true}
      } else {
      }
    }
    %scan3A_51 = arith.constant 5 : i32
    %barrier3A_52 = arith.constant 0 : index
    tpu.barrier barrier_id(%barrier3A_52)
    %add3A_53 = arith.constant 0 : i32
    %add3A_54 = arith.addi %mul3A_6, %add3A_53 : i32
    %mul3A_55 = arith.constant 10112 : i32
    %mul3A_56 = arith.muli %arg0, %mul3A_55 : i32
    %add3A_57 = arith.addi %mul3A_56, %mul3A_6 : i32
    %add3A_58 = arith.constant 0 : i32
    %add3A_59 = arith.addi %add3A_57, %add3A_58 : i32
    "tpu.region"() ({
      %run_scoped3A = tpu.sem_alloc : memref<!tpu.dma_semaphore, #tpu.memory_space<semaphore_mem>>
      %dma_start3A_67 = arith.constant 0 : i32
      %dma_start3A_68 = tpu.memref_slice %arg3[%add3A_59, %dma_start3A_67] : memref<20224x16xf32, #tpu.memory_space<hbm>> -> memref<512x16xf32, #tpu.memory_space<hbm>>
      %dma_start3A_69 = arith.constant 0 : i32
      %dma_start3A_70 = tpu.memref_slice %arg10[%add3A_54, %dma_start3A_69] : memref<10112x16xf32, #tpu.memory_space<vmem_shared>> -> memref<512x16xf32, #tpu.memory_space<vmem_shared>>
      tpu.enqueue_dma source(%dma_start3A_70 : memref<512x16xf32, #tpu.memory_space<vmem_shared>>) target(%dma_start3A_68 : memref<512x16xf32, #tpu.memory_space<hbm>>) target_semaphore(%run_scoped3A : memref<!tpu.dma_semaphore, #tpu.memory_space<semaphore_mem>>)
      %dma_wait3A = arith.constant 0 : i32
      %dma_wait3A_71 = tpu.memref_slice %arg3[%add3A_59, %dma_wait3A] : memref<20224x16xf32, #tpu.memory_space<hbm>> -> memref<512x16xf32, #tpu.memory_space<hbm>>
      %dma_wait3A_72 = arith.constant 0 : i32
      %dma_wait3A_73 = tpu.memref_slice %arg10[%add3A_54, %dma_wait3A_72] : memref<10112x16xf32, #tpu.memory_space<vmem_shared>> -> memref<512x16xf32, #tpu.memory_space<vmem_shared>>
      tpu.wait_dma2 semaphore(%run_scoped3A : memref<!tpu.dma_semaphore, #tpu.memory_space<semaphore_mem>>) src(%dma_wait3A_73 : memref<512x16xf32, #tpu.memory_space<vmem_shared>>) dst(%dma_wait3A_71 : memref<512x16xf32, #tpu.memory_space<hbm>>)
      tpu.yield
    }) : () -> ()
    %add3A_60 = arith.constant 512 : i32
    %add3A_61 = arith.addi %mul3A_6, %add3A_60 : i32
    %mul3A_62 = arith.constant 10112 : i32
    %mul3A_63 = arith.muli %arg0, %mul3A_62 : i32
    %add3A_64 = arith.addi %mul3A_63, %mul3A_6 : i32
    %add3A_65 = arith.constant 512 : i32
    %add3A_66 = arith.addi %add3A_64, %add3A_65 : i32
    "tpu.region"() ({
      %run_scoped3A = tpu.sem_alloc : memref<!tpu.dma_semaphore, #tpu.memory_space<semaphore_mem>>
      %dma_start3A_67 = arith.constant 0 : i32
      %dma_start3A_68 = tpu.memref_slice %arg3[%add3A_66, %dma_start3A_67] : memref<20224x16xf32, #tpu.memory_space<hbm>> -> memref<120x16xf32, #tpu.memory_space<hbm>>
      %dma_start3A_69 = arith.constant 0 : i32
      %dma_start3A_70 = tpu.memref_slice %arg10[%add3A_61, %dma_start3A_69] : memref<10112x16xf32, #tpu.memory_space<vmem_shared>> -> memref<120x16xf32, #tpu.memory_space<vmem_shared>>
      tpu.enqueue_dma source(%dma_start3A_70 : memref<120x16xf32, #tpu.memory_space<vmem_shared>>) target(%dma_start3A_68 : memref<120x16xf32, #tpu.memory_space<hbm>>) target_semaphore(%run_scoped3A : memref<!tpu.dma_semaphore, #tpu.memory_space<semaphore_mem>>)
      %dma_wait3A = arith.constant 0 : i32
      %dma_wait3A_71 = tpu.memref_slice %arg3[%add3A_66, %dma_wait3A] : memref<20224x16xf32, #tpu.memory_space<hbm>> -> memref<120x16xf32, #tpu.memory_space<hbm>>
      %dma_wait3A_72 = arith.constant 0 : i32
      %dma_wait3A_73 = tpu.memref_slice %arg10[%add3A_61, %dma_wait3A_72] : memref<10112x16xf32, #tpu.memory_space<vmem_shared>> -> memref<120x16xf32, #tpu.memory_space<vmem_shared>>
      tpu.wait_dma2 semaphore(%run_scoped3A : memref<!tpu.dma_semaphore, #tpu.memory_space<semaphore_mem>>) src(%dma_wait3A_73 : memref<120x16xf32, #tpu.memory_space<vmem_shared>>) dst(%dma_wait3A_71 : memref<120x16xf32, #tpu.memory_space<hbm>>)
      tpu.yield
    }) : () -> ()
    return
  }
}

#map = affine_map<(d0, d1) -> (0, 0)>
#map1 = affine_map<(d0, d1) -> (0, 0, 0)>
module attributes {stable_mosaic.version = 14 : i64} {
  func.func @body(%arg0: i32, %arg1: i32, %arg2: memref<10000x16xf32, #tpu.memory_space<hbm>>, %arg3: memref<32x20x512xi32, #tpu.memory_space<hbm>>, %arg4: memref<32x20x512xi32, #tpu.memory_space<hbm>>, %arg5: memref<20224x16xf32, #tpu.memory_space<hbm>>, %arg6: memref<20x512xi32, #tpu.memory_space<vmem>>, %arg7: memref<20x512xi32, #tpu.memory_space<vmem>>, %arg8: memref<512x16xf32, #tpu.memory_space<vmem>>, %arg9: memref<512x16xf32, #tpu.memory_space<vmem>>, %arg10: memref<512x16xf32, #tpu.memory_space<vmem>>, %arg11: memref<512x16xf32, #tpu.memory_space<vmem>>, %arg12: memref<!tpu.dma_semaphore, #tpu.memory_space<semaphore_mem>>, %arg13: memref<!tpu.dma_semaphore, #tpu.memory_space<semaphore_mem>>, %arg14: memref<!tpu.dma_semaphore, #tpu.memory_space<semaphore_mem>>, %arg15: memref<!tpu.dma_semaphore, #tpu.memory_space<semaphore_mem>>, %arg16: memref<!tpu.dma_semaphore, #tpu.memory_space<semaphore_mem>>, %arg17: memref<!tpu.dma_semaphore, #tpu.memory_space<semaphore_mem>>, %arg18: memref<!tpu.dma_semaphore, #tpu.memory_space<semaphore_mem>>, %arg19: memref<!tpu.dma_semaphore, #tpu.memory_space<semaphore_mem>>, %arg20: memref<10112x16xf32, #tpu.memory_space<vmem_shared>>) attributes {dimension_semantics = [#tpu.dimension_semantics<core_parallel>, #tpu.dimension_semantics<subcore_parallel>], iteration_bounds = array<i64: 2, 16>, scalar_prefetch = 0 : i64, scratch_operands = 15 : i64, tpu.core_type = #tpu.core_type<sc_vector_subcore>, window_params = [{transform_indices = #map}, {transform_indices = #map1}, {transform_indices = #map1}, {transform_indices = #map}]} {
    %mul3A = arith.constant 16 : i32
    %mul3A_0 = arith.muli %arg0, %mul3A : i32
    %add3A = arith.addi %mul3A_0, %arg1 : i32
    %scan3A = arith.constant 0 : i32
    %scan3A_1 = arith.constant 512 : i32
    %scan3A_2 = arith.addi %scan3A, %scan3A_1 : i32
    %scan3A_3 = arith.constant 1 : i32
    scf.for %scan3A_62 = %scan3A to %scan3A_2 step %scan3A_3  : i32 {
      %mul3A_63 = arith.constant 1 : i32
      %mul3A_64 = arith.muli %scan3A_62, %mul3A_63 : i32
      %add3A_65 = arith.constant 0 : i32
      %add3A_66 = arith.addi %add3A_65, %mul3A_64 : i32
      %broadcast_in_dim3A = arith.constant 0.000000e+00 : f32
      %broadcast_in_dim3A_67 = vector.broadcast %broadcast_in_dim3A : f32 to vector<16xf32>
      %swap3A = arith.index_cast %add3A_66 : i32 to index
      %swap3A_68 = arith.constant 0 : index
      %swap3A_69 = tpu.vector_load %arg8[%swap3A, %swap3A_68] {strides = array<i32>} : memref<512x16xf32, #tpu.memory_space<vmem>>, vector<1x16xf32>,
      %swap3A_70 = vector.shape_cast %swap3A_69 : vector<1x16xf32> to vector<16xf32>
      %swap3A_71 = vector.shape_cast %broadcast_in_dim3A_67 : vector<16xf32> to vector<1x16xf32>
      tpu.vector_store %arg8[%swap3A, %swap3A_68], %swap3A_71 {strides = array<i32>} : memref<512x16xf32, #tpu.memory_space<vmem>>, vector<1x16xf32>,
    }
    %scan3A_4 = arith.constant 512 : i32
    %mul3A_5 = arith.constant 632 : i32
    %mul3A_6 = arith.muli %arg1, %mul3A_5 : i32
    %add3A_7 = arith.constant 0 : i32
    %add3A_8 = arith.addi %mul3A_6, %add3A_7 : i32
    "tpu.region"() ({
      %run_scoped3A = tpu.sem_alloc : memref<!tpu.dma_semaphore, #tpu.memory_space<semaphore_mem>>
      %dma_start3A_62 = arith.constant 0 : i32
      %dma_start3A_63 = arith.constant 0 : i32
      %dma_start3A_64 = tpu.memref_slice %arg8[%dma_start3A_62, %dma_start3A_63] : memref<512x16xf32, #tpu.memory_space<vmem>> -> memref<512x16xf32, #tpu.memory_space<vmem>>
      %dma_start3A_65 = arith.constant 0 : i32
      %dma_start3A_66 = tpu.memref_slice %arg20[%add3A_8, %dma_start3A_65] : memref<10112x16xf32, #tpu.memory_space<vmem_shared>> -> memref<512x16xf32, #tpu.memory_space<vmem_shared>>
      %dma_start3A_67 = arith.constant 0 : i32
      %dma_start3A_68 = tpu.memref_slice %arg20[%add3A_8, %dma_start3A_67] : memref<10112x16xf32, #tpu.memory_space<vmem_shared>> -> memref<512x16xf32, #tpu.memory_space<vmem_shared>>
      %dma_start3A_69 = arith.constant 0 : i32
      %dma_start3A_70 = arith.constant 0 : i32
      %dma_start3A_71 = tpu.memref_slice %arg8[%dma_start3A_69, %dma_start3A_70] : memref<512x16xf32, #tpu.memory_space<vmem>> -> memref<512x16xf32, #tpu.memory_space<vmem>>
      tpu.enqueue_dma source(%dma_start3A_71 : memref<512x16xf32, #tpu.memory_space<vmem>>) target(%dma_start3A_68 : memref<512x16xf32, #tpu.memory_space<vmem_shared>>) target_semaphore(%run_scoped3A : memref<!tpu.dma_semaphore, #tpu.memory_space<semaphore_mem>>)
      %dma_wait3A = arith.constant 0 : i32
      %dma_wait3A_72 = arith.constant 0 : i32
      %dma_wait3A_73 = tpu.memref_slice %arg8[%dma_wait3A, %dma_wait3A_72] : memref<512x16xf32, #tpu.memory_space<vmem>> -> memref<512x16xf32, #tpu.memory_space<vmem>>
      %dma_wait3A_74 = arith.constant 0 : i32
      %dma_wait3A_75 = tpu.memref_slice %arg20[%add3A_8, %dma_wait3A_74] : memref<10112x16xf32, #tpu.memory_space<vmem_shared>> -> memref<512x16xf32, #tpu.memory_space<vmem_shared>>
      %dma_wait3A_76 = arith.constant 0 : i32
      %dma_wait3A_77 = tpu.memref_slice %arg20[%add3A_8, %dma_wait3A_76] : memref<10112x16xf32, #tpu.memory_space<vmem_shared>> -> memref<512x16xf32, #tpu.memory_space<vmem_shared>>
      %dma_wait3A_78 = arith.constant 0 : i32
      %dma_wait3A_79 = arith.constant 0 : i32
      %dma_wait3A_80 = tpu.memref_slice %arg8[%dma_wait3A_78, %dma_wait3A_79] : memref<512x16xf32, #tpu.memory_space<vmem>> -> memref<512x16xf32, #tpu.memory_space<vmem>>
      tpu.wait_dma2 semaphore(%run_scoped3A : memref<!tpu.dma_semaphore, #tpu.memory_space<semaphore_mem>>) src(%dma_wait3A_80 : memref<512x16xf32, #tpu.memory_space<vmem>>) dst(%dma_wait3A_77 : memref<512x16xf32, #tpu.memory_space<vmem_shared>>)
      tpu.yield
    }) : () -> ()
    %add3A_9 = arith.constant 512 : i32
    %add3A_10 = arith.addi %mul3A_6, %add3A_9 : i32
    "tpu.region"() ({
      %run_scoped3A = tpu.sem_alloc : memref<!tpu.dma_semaphore, #tpu.memory_space<semaphore_mem>>
      %dma_start3A_62 = arith.constant 0 : i32
      %dma_start3A_63 = arith.constant 0 : i32
      %dma_start3A_64 = tpu.memref_slice %arg8[%dma_start3A_62, %dma_start3A_63] : memref<512x16xf32, #tpu.memory_space<vmem>> -> memref<120x16xf32, #tpu.memory_space<vmem>>
      %dma_start3A_65 = arith.constant 0 : i32
      %dma_start3A_66 = tpu.memref_slice %arg20[%add3A_10, %dma_start3A_65] : memref<10112x16xf32, #tpu.memory_space<vmem_shared>> -> memref<120x16xf32, #tpu.memory_space<vmem_shared>>
      %dma_start3A_67 = arith.constant 0 : i32
      %dma_start3A_68 = tpu.memref_slice %arg20[%add3A_10, %dma_start3A_67] : memref<10112x16xf32, #tpu.memory_space<vmem_shared>> -> memref<120x16xf32, #tpu.memory_space<vmem_shared>>
      %dma_start3A_69 = arith.constant 0 : i32
      %dma_start3A_70 = arith.constant 0 : i32
      %dma_start3A_71 = tpu.memref_slice %arg8[%dma_start3A_69, %dma_start3A_70] : memref<512x16xf32, #tpu.memory_space<vmem>> -> memref<120x16xf32, #tpu.memory_space<vmem>>
      tpu.enqueue_dma source(%dma_start3A_71 : memref<120x16xf32, #tpu.memory_space<vmem>>) target(%dma_start3A_68 : memref<120x16xf32, #tpu.memory_space<vmem_shared>>) target_semaphore(%run_scoped3A : memref<!tpu.dma_semaphore, #tpu.memory_space<semaphore_mem>>)
      %dma_wait3A = arith.constant 0 : i32
      %dma_wait3A_72 = arith.constant 0 : i32
      %dma_wait3A_73 = tpu.memref_slice %arg8[%dma_wait3A, %dma_wait3A_72] : memref<512x16xf32, #tpu.memory_space<vmem>> -> memref<120x16xf32, #tpu.memory_space<vmem>>
      %dma_wait3A_74 = arith.constant 0 : i32
      %dma_wait3A_75 = tpu.memref_slice %arg20[%add3A_10, %dma_wait3A_74] : memref<10112x16xf32, #tpu.memory_space<vmem_shared>> -> memref<120x16xf32, #tpu.memory_space<vmem_shared>>
      %dma_wait3A_76 = arith.constant 0 : i32
      %dma_wait3A_77 = tpu.memref_slice %arg20[%add3A_10, %dma_wait3A_76] : memref<10112x16xf32, #tpu.memory_space<vmem_shared>> -> memref<120x16xf32, #tpu.memory_space<vmem_shared>>
      %dma_wait3A_78 = arith.constant 0 : i32
      %dma_wait3A_79 = arith.constant 0 : i32
      %dma_wait3A_80 = tpu.memref_slice %arg8[%dma_wait3A_78, %dma_wait3A_79] : memref<512x16xf32, #tpu.memory_space<vmem>> -> memref<120x16xf32, #tpu.memory_space<vmem>>
      tpu.wait_dma2 semaphore(%run_scoped3A : memref<!tpu.dma_semaphore, #tpu.memory_space<semaphore_mem>>) src(%dma_wait3A_80 : memref<120x16xf32, #tpu.memory_space<vmem>>) dst(%dma_wait3A_77 : memref<120x16xf32, #tpu.memory_space<vmem_shared>>)
      tpu.yield
    }) : () -> ()
    %barrier3A = arith.constant 0 : index
    tpu.barrier barrier_id(%barrier3A)
    %mul3A_11 = arith.constant 1 : i32
    %mul3A_12 = arith.muli %add3A, %mul3A_11 : i32
    %add3A_13 = arith.constant 0 : i32
    %add3A_14 = arith.addi %mul3A_12, %add3A_13 : i32
    "tpu.region"() ({
      %run_scoped3A = tpu.sem_alloc : memref<!tpu.dma_semaphore, #tpu.memory_space<semaphore_mem>>
      %dma_start3A_62 = arith.constant 0 : i32
      %dma_start3A_63 = arith.constant 0 : i32
      %dma_start3A_64 = tpu.memref_slice %arg4[%add3A_14, %dma_start3A_62, %dma_start3A_63] : memref<32x20x512xi32, #tpu.memory_space<hbm>> -> memref<1x20x512xi32, #tpu.memory_space<hbm>>
      %dma_start3A_65 = tpu.memref_squeeze %dma_start3A_64 : memref<1x20x512xi32, #tpu.memory_space<hbm>> -> memref<20x512xi32, #tpu.memory_space<hbm>>
      %dma_start3A_66 = arith.constant 0 : i32
      %dma_start3A_67 = arith.constant 0 : i32
      %dma_start3A_68 = tpu.memref_slice %arg4[%add3A_14, %dma_start3A_66, %dma_start3A_67] : memref<32x20x512xi32, #tpu.memory_space<hbm>> -> memref<1x20x512xi32, #tpu.memory_space<hbm>>
      %dma_start3A_69 = tpu.memref_squeeze %dma_start3A_68 : memref<1x20x512xi32, #tpu.memory_space<hbm>> -> memref<20x512xi32, #tpu.memory_space<hbm>>
      tpu.enqueue_dma source(%dma_start3A_69 : memref<20x512xi32, #tpu.memory_space<hbm>>) target(%arg6 : memref<20x512xi32, #tpu.memory_space<vmem>>) target_semaphore(%run_scoped3A : memref<!tpu.dma_semaphore, #tpu.memory_space<semaphore_mem>>)
      %dma_wait3A = arith.constant 0 : i32
      %dma_wait3A_70 = arith.constant 0 : i32
      %dma_wait3A_71 = tpu.memref_slice %arg4[%add3A_14, %dma_wait3A, %dma_wait3A_70] : memref<32x20x512xi32, #tpu.memory_space<hbm>> -> memref<1x20x512xi32, #tpu.memory_space<hbm>>
      %dma_wait3A_72 = tpu.memref_squeeze %dma_wait3A_71 : memref<1x20x512xi32, #tpu.memory_space<hbm>> -> memref<20x512xi32, #tpu.memory_space<hbm>>
      %dma_wait3A_73 = arith.constant 0 : i32
      %dma_wait3A_74 = arith.constant 0 : i32
      %dma_wait3A_75 = tpu.memref_slice %arg4[%add3A_14, %dma_wait3A_73, %dma_wait3A_74] : memref<32x20x512xi32, #tpu.memory_space<hbm>> -> memref<1x20x512xi32, #tpu.memory_space<hbm>>
      %dma_wait3A_76 = tpu.memref_squeeze %dma_wait3A_75 : memref<1x20x512xi32, #tpu.memory_space<hbm>> -> memref<20x512xi32, #tpu.memory_space<hbm>>
      tpu.wait_dma2 semaphore(%run_scoped3A : memref<!tpu.dma_semaphore, #tpu.memory_space<semaphore_mem>>) src(%dma_wait3A_76 : memref<20x512xi32, #tpu.memory_space<hbm>>) dst(%arg6 : memref<20x512xi32, #tpu.memory_space<vmem>>)
      tpu.yield
    }) : () -> ()
    "tpu.region"() ({
      %run_scoped3A = tpu.sem_alloc : memref<!tpu.dma_semaphore, #tpu.memory_space<semaphore_mem>>
      %dma_start3A_62 = arith.constant 0 : i32
      %dma_start3A_63 = arith.constant 0 : i32
      %dma_start3A_64 = tpu.memref_slice %arg3[%add3A_14, %dma_start3A_62, %dma_start3A_63] : memref<32x20x512xi32, #tpu.memory_space<hbm>> -> memref<1x20x512xi32, #tpu.memory_space<hbm>>
      %dma_start3A_65 = tpu.memref_squeeze %dma_start3A_64 : memref<1x20x512xi32, #tpu.memory_space<hbm>> -> memref<20x512xi32, #tpu.memory_space<hbm>>
      %dma_start3A_66 = arith.constant 0 : i32
      %dma_start3A_67 = arith.constant 0 : i32
      %dma_start3A_68 = tpu.memref_slice %arg3[%add3A_14, %dma_start3A_66, %dma_start3A_67] : memref<32x20x512xi32, #tpu.memory_space<hbm>> -> memref<1x20x512xi32, #tpu.memory_space<hbm>>
      %dma_start3A_69 = tpu.memref_squeeze %dma_start3A_68 : memref<1x20x512xi32, #tpu.memory_space<hbm>> -> memref<20x512xi32, #tpu.memory_space<hbm>>
      tpu.enqueue_dma source(%dma_start3A_69 : memref<20x512xi32, #tpu.memory_space<hbm>>) target(%arg7 : memref<20x512xi32, #tpu.memory_space<vmem>>) target_semaphore(%run_scoped3A : memref<!tpu.dma_semaphore, #tpu.memory_space<semaphore_mem>>)
      %dma_wait3A = arith.constant 0 : i32
      %dma_wait3A_70 = arith.constant 0 : i32
      %dma_wait3A_71 = tpu.memref_slice %arg3[%add3A_14, %dma_wait3A, %dma_wait3A_70] : memref<32x20x512xi32, #tpu.memory_space<hbm>> -> memref<1x20x512xi32, #tpu.memory_space<hbm>>
      %dma_wait3A_72 = tpu.memref_squeeze %dma_wait3A_71 : memref<1x20x512xi32, #tpu.memory_space<hbm>> -> memref<20x512xi32, #tpu.memory_space<hbm>>
      %dma_wait3A_73 = arith.constant 0 : i32
      %dma_wait3A_74 = arith.constant 0 : i32
      %dma_wait3A_75 = tpu.memref_slice %arg3[%add3A_14, %dma_wait3A_73, %dma_wait3A_74] : memref<32x20x512xi32, #tpu.memory_space<hbm>> -> memref<1x20x512xi32, #tpu.memory_space<hbm>>
      %dma_wait3A_76 = tpu.memref_squeeze %dma_wait3A_75 : memref<1x20x512xi32, #tpu.memory_space<hbm>> -> memref<20x512xi32, #tpu.memory_space<hbm>>
      tpu.wait_dma2 semaphore(%run_scoped3A : memref<!tpu.dma_semaphore, #tpu.memory_space<semaphore_mem>>) src(%dma_wait3A_76 : memref<20x512xi32, #tpu.memory_space<hbm>>) dst(%arg7 : memref<20x512xi32, #tpu.memory_space<vmem>>)
      tpu.yield
    }) : () -> ()
    %dma_start3A = arith.constant 0 : i32
    %dma_start3A_15 = arith.constant 0 : i32
    %dma_start3A_16 = tpu.memref_slice %arg7[%dma_start3A, %dma_start3A_15] : memref<20x512xi32, #tpu.memory_space<vmem>> -> memref<1x512xi32, #tpu.memory_space<vmem>>
    %dma_start3A_17 = tpu.memref_squeeze %dma_start3A_16 : memref<1x512xi32, #tpu.memory_space<vmem>> -> memref<512xi32, #tpu.memory_space<vmem>>
    %dma_start3A_18 = arith.constant 0 : i32
    %dma_start3A_19 = arith.constant 0 : i32
    %dma_start3A_20 = tpu.memref_slice %arg2[%dma_start3A_18, %dma_start3A_19] : memref<10000x16xf32, #tpu.memory_space<hbm>> -> memref<10000x16xf32, #tpu.memory_space<hbm>>
    tpu.enqueue_indirect_dma source(%dma_start3A_20 : memref<10000x16xf32, #tpu.memory_space<hbm>>) target(%arg8 : memref<512x16xf32, #tpu.memory_space<vmem>>) offsets(%dma_start3A_17 : memref<512xi32, #tpu.memory_space<vmem>>) semaphore(%arg12 : memref<!tpu.dma_semaphore, #tpu.memory_space<semaphore_mem>>)
    %dma_start3A_21 = arith.constant 1 : i32
    %dma_start3A_22 = arith.constant 0 : i32
    %dma_start3A_23 = tpu.memref_slice %arg7[%dma_start3A_21, %dma_start3A_22] : memref<20x512xi32, #tpu.memory_space<vmem>> -> memref<1x512xi32, #tpu.memory_space<vmem>>
    %dma_start3A_24 = tpu.memref_squeeze %dma_start3A_23 : memref<1x512xi32, #tpu.memory_space<vmem>> -> memref<512xi32, #tpu.memory_space<vmem>>
    %dma_start3A_25 = arith.constant 0 : i32
    %dma_start3A_26 = arith.constant 0 : i32
    %dma_start3A_27 = tpu.memref_slice %arg2[%dma_start3A_25, %dma_start3A_26] : memref<10000x16xf32, #tpu.memory_space<hbm>> -> memref<10000x16xf32, #tpu.memory_space<hbm>>
    tpu.enqueue_indirect_dma source(%dma_start3A_27 : memref<10000x16xf32, #tpu.memory_space<hbm>>) target(%arg9 : memref<512x16xf32, #tpu.memory_space<vmem>>) offsets(%dma_start3A_24 : memref<512xi32, #tpu.memory_space<vmem>>) semaphore(%arg13 : memref<!tpu.dma_semaphore, #tpu.memory_space<semaphore_mem>>)
    %dma_start3A_28 = arith.constant 2 : i32
    %dma_start3A_29 = arith.constant 0 : i32
    %dma_start3A_30 = tpu.memref_slice %arg7[%dma_start3A_28, %dma_start3A_29] : memref<20x512xi32, #tpu.memory_space<vmem>> -> memref<1x512xi32, #tpu.memory_space<vmem>>
    %dma_start3A_31 = tpu.memref_squeeze %dma_start3A_30 : memref<1x512xi32, #tpu.memory_space<vmem>> -> memref<512xi32, #tpu.memory_space<vmem>>
    %dma_start3A_32 = arith.constant 0 : i32
    %dma_start3A_33 = arith.constant 0 : i32
    %dma_start3A_34 = tpu.memref_slice %arg2[%dma_start3A_32, %dma_start3A_33] : memref<10000x16xf32, #tpu.memory_space<hbm>> -> memref<10000x16xf32, #tpu.memory_space<hbm>>
    tpu.enqueue_indirect_dma source(%dma_start3A_34 : memref<10000x16xf32, #tpu.memory_space<hbm>>) target(%arg10 : memref<512x16xf32, #tpu.memory_space<vmem>>) offsets(%dma_start3A_31 : memref<512xi32, #tpu.memory_space<vmem>>) semaphore(%arg14 : memref<!tpu.dma_semaphore, #tpu.memory_space<semaphore_mem>>)
    %dma_start3A_35 = arith.constant 3 : i32
    %dma_start3A_36 = arith.constant 0 : i32
    %dma_start3A_37 = tpu.memref_slice %arg7[%dma_start3A_35, %dma_start3A_36] : memref<20x512xi32, #tpu.memory_space<vmem>> -> memref<1x512xi32, #tpu.memory_space<vmem>>
    %dma_start3A_38 = tpu.memref_squeeze %dma_start3A_37 : memref<1x512xi32, #tpu.memory_space<vmem>> -> memref<512xi32, #tpu.memory_space<vmem>>
    %dma_start3A_39 = arith.constant 0 : i32
    %dma_start3A_40 = arith.constant 0 : i32
    %dma_start3A_41 = tpu.memref_slice %arg2[%dma_start3A_39, %dma_start3A_40] : memref<10000x16xf32, #tpu.memory_space<hbm>> -> memref<10000x16xf32, #tpu.memory_space<hbm>>
    tpu.enqueue_indirect_dma source(%dma_start3A_41 : memref<10000x16xf32, #tpu.memory_space<hbm>>) target(%arg11 : memref<512x16xf32, #tpu.memory_space<vmem>>) offsets(%dma_start3A_38 : memref<512xi32, #tpu.memory_space<vmem>>) semaphore(%arg15 : memref<!tpu.dma_semaphore, #tpu.memory_space<semaphore_mem>>)
    %scan3A_42 = arith.constant 0 : i32
    %scan3A_43 = arith.constant 5 : i32
    %scan3A_44 = arith.addi %scan3A_42, %scan3A_43 : i32
    %scan3A_45 = arith.constant 1 : i32
    scf.for %scan3A_62 = %scan3A_42 to %scan3A_44 step %scan3A_45  : i32 {
      %mul3A_63 = arith.constant 1 : i32
      %mul3A_64 = arith.muli %scan3A_62, %mul3A_63 : i32
      %add3A_65 = arith.constant 0 : i32
      %add3A_66 = arith.addi %add3A_65, %mul3A_64 : i32
      %mul3A_67 = arith.constant 4 : i32
      %mul3A_68 = arith.muli %add3A_66, %mul3A_67 : i32
      %add3A_69 = arith.constant 0 : i32
      %add3A_70 = arith.addi %mul3A_68, %add3A_69 : i32
      %dma_wait3A = arith.constant 0 : i32
      %dma_wait3A_71 = arith.constant 0 : i32
      %dma_wait3A_72 = tpu.memref_slice %arg2[%dma_wait3A, %dma_wait3A_71] : memref<10000x16xf32, #tpu.memory_space<hbm>> -> memref<512x16xf32, #tpu.memory_space<hbm>>
      %dma_wait3A_73 = arith.constant 0 : i32
      %dma_wait3A_74 = arith.constant 0 : i32
      %dma_wait3A_75 = tpu.memref_slice %arg2[%dma_wait3A_73, %dma_wait3A_74] : memref<10000x16xf32, #tpu.memory_space<hbm>> -> memref<512x16xf32, #tpu.memory_space<hbm>>
      tpu.wait_dma2 semaphore(%arg12 : memref<!tpu.dma_semaphore, #tpu.memory_space<semaphore_mem>>) src(%dma_wait3A_75 : memref<512x16xf32, #tpu.memory_space<hbm>>) dst(%arg8 : memref<512x16xf32, #tpu.memory_space<vmem>>)
      %dma_start3A_76 = arith.constant 0 : i32
      %dma_start3A_77 = tpu.memref_slice %arg6[%add3A_70, %dma_start3A_76] : memref<20x512xi32, #tpu.memory_space<vmem>> -> memref<1x512xi32, #tpu.memory_space<vmem>>
      %dma_start3A_78 = tpu.memref_squeeze %dma_start3A_77 : memref<1x512xi32, #tpu.memory_space<vmem>> -> memref<512xi32, #tpu.memory_space<vmem>>
      %dma_start3A_79 = arith.constant 0 : i32
      %dma_start3A_80 = arith.constant 0 : i32
      %dma_start3A_81 = tpu.memref_slice %arg20[%dma_start3A_79, %dma_start3A_80] : memref<10112x16xf32, #tpu.memory_space<vmem_shared>> -> memref<10112x16xf32, #tpu.memory_space<vmem_shared>>
      tpu.enqueue_indirect_dma source(%arg8 : memref<512x16xf32, #tpu.memory_space<vmem>>) target(%dma_start3A_81 : memref<10112x16xf32, #tpu.memory_space<vmem_shared>>) offsets(%dma_start3A_78 : memref<512xi32, #tpu.memory_space<vmem>>) semaphore(%arg16 : memref<!tpu.dma_semaphore, #tpu.memory_space<semaphore_mem>>) {add = true}
      %dma_wait3A_82 = arith.constant 0 : i32
      %dma_wait3A_83 = arith.constant 0 : i32
      %dma_wait3A_84 = tpu.memref_slice %arg20[%dma_wait3A_82, %dma_wait3A_83] : memref<10112x16xf32, #tpu.memory_space<vmem_shared>> -> memref<512x16xf32, #tpu.memory_space<vmem_shared>>
      %dma_wait3A_85 = arith.constant 0 : i32
      %dma_wait3A_86 = arith.constant 0 : i32
      %dma_wait3A_87 = tpu.memref_slice %arg20[%dma_wait3A_85, %dma_wait3A_86] : memref<10112x16xf32, #tpu.memory_space<vmem_shared>> -> memref<512x16xf32, #tpu.memory_space<vmem_shared>>
      tpu.wait_dma2 semaphore(%arg16 : memref<!tpu.dma_semaphore, #tpu.memory_space<semaphore_mem>>) src(%arg8 : memref<512x16xf32, #tpu.memory_space<vmem>>) dst(%dma_wait3A_87 : memref<512x16xf32, #tpu.memory_space<vmem_shared>>)
      %add3A_88 = arith.constant 4 : i32
      %add3A_89 = arith.addi %add3A_70, %add3A_88 : i32
      %lt3A = arith.constant 20 : i32
      %lt3A_90 = arith.cmpi slt, %add3A_89, %lt3A : i32
      %convert_element_type3A = arith.extui %lt3A_90 : i1 to i32
      %cond3A = arith.constant 0 : i32
      %cond3A_91 = arith.cmpi ne, %convert_element_type3A, %cond3A : i32
      scf.if %cond3A_91 {
        %add3A_173 = arith.constant 4 : i32
        %add3A_174 = arith.addi %add3A_70, %add3A_173 : i32
        %dma_start3A_175 = arith.constant 0 : i32
        %dma_start3A_176 = tpu.memref_slice %arg7[%add3A_174, %dma_start3A_175] : memref<20x512xi32, #tpu.memory_space<vmem>> -> memref<1x512xi32, #tpu.memory_space<vmem>>
        %dma_start3A_177 = tpu.memref_squeeze %dma_start3A_176 : memref<1x512xi32, #tpu.memory_space<vmem>> -> memref<512xi32, #tpu.memory_space<vmem>>
        %dma_start3A_178 = arith.constant 0 : i32
        %dma_start3A_179 = arith.constant 0 : i32
        %dma_start3A_180 = tpu.memref_slice %arg2[%dma_start3A_178, %dma_start3A_179] : memref<10000x16xf32, #tpu.memory_space<hbm>> -> memref<10000x16xf32, #tpu.memory_space<hbm>>
        tpu.enqueue_indirect_dma source(%dma_start3A_180 : memref<10000x16xf32, #tpu.memory_space<hbm>>) target(%arg8 : memref<512x16xf32, #tpu.memory_space<vmem>>) offsets(%dma_start3A_177 : memref<512xi32, #tpu.memory_space<vmem>>) semaphore(%arg12 : memref<!tpu.dma_semaphore, #tpu.memory_space<semaphore_mem>>)
      } else {
      }
      %add3A_92 = arith.constant 1 : i32
      %add3A_93 = arith.addi %mul3A_68, %add3A_92 : i32
      %dma_wait3A_94 = arith.constant 0 : i32
      %dma_wait3A_95 = arith.constant 0 : i32
      %dma_wait3A_96 = tpu.memref_slice %arg2[%dma_wait3A_94, %dma_wait3A_95] : memref<10000x16xf32, #tpu.memory_space<hbm>> -> memref<512x16xf32, #tpu.memory_space<hbm>>
      %dma_wait3A_97 = arith.constant 0 : i32
      %dma_wait3A_98 = arith.constant 0 : i32
      %dma_wait3A_99 = tpu.memref_slice %arg2[%dma_wait3A_97, %dma_wait3A_98] : memref<10000x16xf32, #tpu.memory_space<hbm>> -> memref<512x16xf32, #tpu.memory_space<hbm>>
      tpu.wait_dma2 semaphore(%arg13 : memref<!tpu.dma_semaphore, #tpu.memory_space<semaphore_mem>>) src(%dma_wait3A_99 : memref<512x16xf32, #tpu.memory_space<hbm>>) dst(%arg9 : memref<512x16xf32, #tpu.memory_space<vmem>>)
      %dma_start3A_100 = arith.constant 0 : i32
      %dma_start3A_101 = tpu.memref_slice %arg6[%add3A_93, %dma_start3A_100] : memref<20x512xi32, #tpu.memory_space<vmem>> -> memref<1x512xi32, #tpu.memory_space<vmem>>
      %dma_start3A_102 = tpu.memref_squeeze %dma_start3A_101 : memref<1x512xi32, #tpu.memory_space<vmem>> -> memref<512xi32, #tpu.memory_space<vmem>>
      %dma_start3A_103 = arith.constant 0 : i32
      %dma_start3A_104 = arith.constant 0 : i32
      %dma_start3A_105 = tpu.memref_slice %arg20[%dma_start3A_103, %dma_start3A_104] : memref<10112x16xf32, #tpu.memory_space<vmem_shared>> -> memref<10112x16xf32, #tpu.memory_space<vmem_shared>>
      tpu.enqueue_indirect_dma source(%arg9 : memref<512x16xf32, #tpu.memory_space<vmem>>) target(%dma_start3A_105 : memref<10112x16xf32, #tpu.memory_space<vmem_shared>>) offsets(%dma_start3A_102 : memref<512xi32, #tpu.memory_space<vmem>>) semaphore(%arg17 : memref<!tpu.dma_semaphore, #tpu.memory_space<semaphore_mem>>) {add = true}
      %dma_wait3A_106 = arith.constant 0 : i32
      %dma_wait3A_107 = arith.constant 0 : i32
      %dma_wait3A_108 = tpu.memref_slice %arg20[%dma_wait3A_106, %dma_wait3A_107] : memref<10112x16xf32, #tpu.memory_space<vmem_shared>> -> memref<512x16xf32, #tpu.memory_space<vmem_shared>>
      %dma_wait3A_109 = arith.constant 0 : i32
      %dma_wait3A_110 = arith.constant 0 : i32
      %dma_wait3A_111 = tpu.memref_slice %arg20[%dma_wait3A_109, %dma_wait3A_110] : memref<10112x16xf32, #tpu.memory_space<vmem_shared>> -> memref<512x16xf32, #tpu.memory_space<vmem_shared>>
      tpu.wait_dma2 semaphore(%arg17 : memref<!tpu.dma_semaphore, #tpu.memory_space<semaphore_mem>>) src(%arg9 : memref<512x16xf32, #tpu.memory_space<vmem>>) dst(%dma_wait3A_111 : memref<512x16xf32, #tpu.memory_space<vmem_shared>>)
      %add3A_112 = arith.constant 4 : i32
      %add3A_113 = arith.addi %add3A_93, %add3A_112 : i32
      %lt3A_114 = arith.constant 20 : i32
      %lt3A_115 = arith.cmpi slt, %add3A_113, %lt3A_114 : i32
      %convert_element_type3A_116 = arith.extui %lt3A_115 : i1 to i32
      %cond3A_117 = arith.constant 0 : i32
      %cond3A_118 = arith.cmpi ne, %convert_element_type3A_116, %cond3A_117 : i32
      scf.if %cond3A_118 {
        %add3A_173 = arith.constant 4 : i32
        %add3A_174 = arith.addi %add3A_93, %add3A_173 : i32
        %dma_start3A_175 = arith.constant 0 : i32
        %dma_start3A_176 = tpu.memref_slice %arg7[%add3A_174, %dma_start3A_175] : memref<20x512xi32, #tpu.memory_space<vmem>> -> memref<1x512xi32, #tpu.memory_space<vmem>>
        %dma_start3A_177 = tpu.memref_squeeze %dma_start3A_176 : memref<1x512xi32, #tpu.memory_space<vmem>> -> memref<512xi32, #tpu.memory_space<vmem>>
        %dma_start3A_178 = arith.constant 0 : i32
        %dma_start3A_179 = arith.constant 0 : i32
        %dma_start3A_180 = tpu.memref_slice %arg2[%dma_start3A_178, %dma_start3A_179] : memref<10000x16xf32, #tpu.memory_space<hbm>> -> memref<10000x16xf32, #tpu.memory_space<hbm>>
        tpu.enqueue_indirect_dma source(%dma_start3A_180 : memref<10000x16xf32, #tpu.memory_space<hbm>>) target(%arg9 : memref<512x16xf32, #tpu.memory_space<vmem>>) offsets(%dma_start3A_177 : memref<512xi32, #tpu.memory_space<vmem>>) semaphore(%arg13 : memref<!tpu.dma_semaphore, #tpu.memory_space<semaphore_mem>>)
      } else {
      }
      %add3A_119 = arith.constant 2 : i32
      %add3A_120 = arith.addi %mul3A_68, %add3A_119 : i32
      %dma_wait3A_121 = arith.constant 0 : i32
      %dma_wait3A_122 = arith.constant 0 : i32
      %dma_wait3A_123 = tpu.memref_slice %arg2[%dma_wait3A_121, %dma_wait3A_122] : memref<10000x16xf32, #tpu.memory_space<hbm>> -> memref<512x16xf32, #tpu.memory_space<hbm>>
      %dma_wait3A_124 = arith.constant 0 : i32
      %dma_wait3A_125 = arith.constant 0 : i32
      %dma_wait3A_126 = tpu.memref_slice %arg2[%dma_wait3A_124, %dma_wait3A_125] : memref<10000x16xf32, #tpu.memory_space<hbm>> -> memref<512x16xf32, #tpu.memory_space<hbm>>
      tpu.wait_dma2 semaphore(%arg14 : memref<!tpu.dma_semaphore, #tpu.memory_space<semaphore_mem>>) src(%dma_wait3A_126 : memref<512x16xf32, #tpu.memory_space<hbm>>) dst(%arg10 : memref<512x16xf32, #tpu.memory_space<vmem>>)
      %dma_start3A_127 = arith.constant 0 : i32
      %dma_start3A_128 = tpu.memref_slice %arg6[%add3A_120, %dma_start3A_127] : memref<20x512xi32, #tpu.memory_space<vmem>> -> memref<1x512xi32, #tpu.memory_space<vmem>>
      %dma_start3A_129 = tpu.memref_squeeze %dma_start3A_128 : memref<1x512xi32, #tpu.memory_space<vmem>> -> memref<512xi32, #tpu.memory_space<vmem>>
      %dma_start3A_130 = arith.constant 0 : i32
      %dma_start3A_131 = arith.constant 0 : i32
      %dma_start3A_132 = tpu.memref_slice %arg20[%dma_start3A_130, %dma_start3A_131] : memref<10112x16xf32, #tpu.memory_space<vmem_shared>> -> memref<10112x16xf32, #tpu.memory_space<vmem_shared>>
      tpu.enqueue_indirect_dma source(%arg10 : memref<512x16xf32, #tpu.memory_space<vmem>>) target(%dma_start3A_132 : memref<10112x16xf32, #tpu.memory_space<vmem_shared>>) offsets(%dma_start3A_129 : memref<512xi32, #tpu.memory_space<vmem>>) semaphore(%arg18 : memref<!tpu.dma_semaphore, #tpu.memory_space<semaphore_mem>>) {add = true}
      %dma_wait3A_133 = arith.constant 0 : i32
      %dma_wait3A_134 = arith.constant 0 : i32
      %dma_wait3A_135 = tpu.memref_slice %arg20[%dma_wait3A_133, %dma_wait3A_134] : memref<10112x16xf32, #tpu.memory_space<vmem_shared>> -> memref<512x16xf32, #tpu.memory_space<vmem_shared>>
      %dma_wait3A_136 = arith.constant 0 : i32
      %dma_wait3A_137 = arith.constant 0 : i32
      %dma_wait3A_138 = tpu.memref_slice %arg20[%dma_wait3A_136, %dma_wait3A_137] : memref<10112x16xf32, #tpu.memory_space<vmem_shared>> -> memref<512x16xf32, #tpu.memory_space<vmem_shared>>
      tpu.wait_dma2 semaphore(%arg18 : memref<!tpu.dma_semaphore, #tpu.memory_space<semaphore_mem>>) src(%arg10 : memref<512x16xf32, #tpu.memory_space<vmem>>) dst(%dma_wait3A_138 : memref<512x16xf32, #tpu.memory_space<vmem_shared>>)
      %add3A_139 = arith.constant 4 : i32
      %add3A_140 = arith.addi %add3A_120, %add3A_139 : i32
      %lt3A_141 = arith.constant 20 : i32
      %lt3A_142 = arith.cmpi slt, %add3A_140, %lt3A_141 : i32
      %convert_element_type3A_143 = arith.extui %lt3A_142 : i1 to i32
      %cond3A_144 = arith.constant 0 : i32
      %cond3A_145 = arith.cmpi ne, %convert_element_type3A_143, %cond3A_144 : i32
      scf.if %cond3A_145 {
        %add3A_173 = arith.constant 4 : i32
        %add3A_174 = arith.addi %add3A_120, %add3A_173 : i32
        %dma_start3A_175 = arith.constant 0 : i32
        %dma_start3A_176 = tpu.memref_slice %arg7[%add3A_174, %dma_start3A_175] : memref<20x512xi32, #tpu.memory_space<vmem>> -> memref<1x512xi32, #tpu.memory_space<vmem>>
        %dma_start3A_177 = tpu.memref_squeeze %dma_start3A_176 : memref<1x512xi32, #tpu.memory_space<vmem>> -> memref<512xi32, #tpu.memory_space<vmem>>
        %dma_start3A_178 = arith.constant 0 : i32
        %dma_start3A_179 = arith.constant 0 : i32
        %dma_start3A_180 = tpu.memref_slice %arg2[%dma_start3A_178, %dma_start3A_179] : memref<10000x16xf32, #tpu.memory_space<hbm>> -> memref<10000x16xf32, #tpu.memory_space<hbm>>
        tpu.enqueue_indirect_dma source(%dma_start3A_180 : memref<10000x16xf32, #tpu.memory_space<hbm>>) target(%arg10 : memref<512x16xf32, #tpu.memory_space<vmem>>) offsets(%dma_start3A_177 : memref<512xi32, #tpu.memory_space<vmem>>) semaphore(%arg14 : memref<!tpu.dma_semaphore, #tpu.memory_space<semaphore_mem>>)
      } else {
      }
      %add3A_146 = arith.constant 3 : i32
      %add3A_147 = arith.addi %mul3A_68, %add3A_146 : i32
      %dma_wait3A_148 = arith.constant 0 : i32
      %dma_wait3A_149 = arith.constant 0 : i32
      %dma_wait3A_150 = tpu.memref_slice %arg2[%dma_wait3A_148, %dma_wait3A_149] : memref<10000x16xf32, #tpu.memory_space<hbm>> -> memref<512x16xf32, #tpu.memory_space<hbm>>
      %dma_wait3A_151 = arith.constant 0 : i32
      %dma_wait3A_152 = arith.constant 0 : i32
      %dma_wait3A_153 = tpu.memref_slice %arg2[%dma_wait3A_151, %dma_wait3A_152] : memref<10000x16xf32, #tpu.memory_space<hbm>> -> memref<512x16xf32, #tpu.memory_space<hbm>>
      tpu.wait_dma2 semaphore(%arg15 : memref<!tpu.dma_semaphore, #tpu.memory_space<semaphore_mem>>) src(%dma_wait3A_153 : memref<512x16xf32, #tpu.memory_space<hbm>>) dst(%arg11 : memref<512x16xf32, #tpu.memory_space<vmem>>)
      %dma_start3A_154 = arith.constant 0 : i32
      %dma_start3A_155 = tpu.memref_slice %arg6[%add3A_147, %dma_start3A_154] : memref<20x512xi32, #tpu.memory_space<vmem>> -> memref<1x512xi32, #tpu.memory_space<vmem>>
      %dma_start3A_156 = tpu.memref_squeeze %dma_start3A_155 : memref<1x512xi32, #tpu.memory_space<vmem>> -> memref<512xi32, #tpu.memory_space<vmem>>
      %dma_start3A_157 = arith.constant 0 : i32
      %dma_start3A_158 = arith.constant 0 : i32
      %dma_start3A_159 = tpu.memref_slice %arg20[%dma_start3A_157, %dma_start3A_158] : memref<10112x16xf32, #tpu.memory_space<vmem_shared>> -> memref<10112x16xf32, #tpu.memory_space<vmem_shared>>
      tpu.enqueue_indirect_dma source(%arg11 : memref<512x16xf32, #tpu.memory_space<vmem>>) target(%dma_start3A_159 : memref<10112x16xf32, #tpu.memory_space<vmem_shared>>) offsets(%dma_start3A_156 : memref<512xi32, #tpu.memory_space<vmem>>) semaphore(%arg19 : memref<!tpu.dma_semaphore, #tpu.memory_space<semaphore_mem>>) {add = true}
      %dma_wait3A_160 = arith.constant 0 : i32
      %dma_wait3A_161 = arith.constant 0 : i32
      %dma_wait3A_162 = tpu.memref_slice %arg20[%dma_wait3A_160, %dma_wait3A_161] : memref<10112x16xf32, #tpu.memory_space<vmem_shared>> -> memref<512x16xf32, #tpu.memory_space<vmem_shared>>
      %dma_wait3A_163 = arith.constant 0 : i32
      %dma_wait3A_164 = arith.constant 0 : i32
      %dma_wait3A_165 = tpu.memref_slice %arg20[%dma_wait3A_163, %dma_wait3A_164] : memref<10112x16xf32, #tpu.memory_space<vmem_shared>> -> memref<512x16xf32, #tpu.memory_space<vmem_shared>>
      tpu.wait_dma2 semaphore(%arg19 : memref<!tpu.dma_semaphore, #tpu.memory_space<semaphore_mem>>) src(%arg11 : memref<512x16xf32, #tpu.memory_space<vmem>>) dst(%dma_wait3A_165 : memref<512x16xf32, #tpu.memory_space<vmem_shared>>)
      %add3A_166 = arith.constant 4 : i32
      %add3A_167 = arith.addi %add3A_147, %add3A_166 : i32
      %lt3A_168 = arith.constant 20 : i32
      %lt3A_169 = arith.cmpi slt, %add3A_167, %lt3A_168 : i32
      %convert_element_type3A_170 = arith.extui %lt3A_169 : i1 to i32
      %cond3A_171 = arith.constant 0 : i32
      %cond3A_172 = arith.cmpi ne, %convert_element_type3A_170, %cond3A_171 : i32
      scf.if %cond3A_172 {
        %add3A_173 = arith.constant 4 : i32
        %add3A_174 = arith.addi %add3A_147, %add3A_173 : i32
        %dma_start3A_175 = arith.constant 0 : i32
        %dma_start3A_176 = tpu.memref_slice %arg7[%add3A_174, %dma_start3A_175] : memref<20x512xi32, #tpu.memory_space<vmem>> -> memref<1x512xi32, #tpu.memory_space<vmem>>
        %dma_start3A_177 = tpu.memref_squeeze %dma_start3A_176 : memref<1x512xi32, #tpu.memory_space<vmem>> -> memref<512xi32, #tpu.memory_space<vmem>>
        %dma_start3A_178 = arith.constant 0 : i32
        %dma_start3A_179 = arith.constant 0 : i32
        %dma_start3A_180 = tpu.memref_slice %arg2[%dma_start3A_178, %dma_start3A_179] : memref<10000x16xf32, #tpu.memory_space<hbm>> -> memref<10000x16xf32, #tpu.memory_space<hbm>>
        tpu.enqueue_indirect_dma source(%dma_start3A_180 : memref<10000x16xf32, #tpu.memory_space<hbm>>) target(%arg11 : memref<512x16xf32, #tpu.memory_space<vmem>>) offsets(%dma_start3A_177 : memref<512xi32, #tpu.memory_space<vmem>>) semaphore(%arg15 : memref<!tpu.dma_semaphore, #tpu.memory_space<semaphore_mem>>)
      } else {
      }
    }
    %scan3A_46 = arith.constant 5 : i32
    %barrier3A_47 = arith.constant 0 : index
    tpu.barrier barrier_id(%barrier3A_47)
    %add3A_48 = arith.constant 0 : i32
    %add3A_49 = arith.addi %mul3A_6, %add3A_48 : i32
    %mul3A_50 = arith.constant 10112 : i32
    %mul3A_51 = arith.muli %arg0, %mul3A_50 : i32
    %add3A_52 = arith.addi %mul3A_51, %mul3A_6 : i32
    %add3A_53 = arith.constant 0 : i32
    %add3A_54 = arith.addi %add3A_52, %add3A_53 : i32
    "tpu.region"() ({
      %run_scoped3A = tpu.sem_alloc : memref<!tpu.dma_semaphore, #tpu.memory_space<semaphore_mem>>
      %dma_start3A_62 = arith.constant 0 : i32
      %dma_start3A_63 = tpu.memref_slice %arg5[%add3A_54, %dma_start3A_62] : memref<20224x16xf32, #tpu.memory_space<hbm>> -> memref<512x16xf32, #tpu.memory_space<hbm>>
      %dma_start3A_64 = arith.constant 0 : i32
      %dma_start3A_65 = tpu.memref_slice %arg20[%add3A_49, %dma_start3A_64] : memref<10112x16xf32, #tpu.memory_space<vmem_shared>> -> memref<512x16xf32, #tpu.memory_space<vmem_shared>>
      tpu.enqueue_dma source(%dma_start3A_65 : memref<512x16xf32, #tpu.memory_space<vmem_shared>>) target(%dma_start3A_63 : memref<512x16xf32, #tpu.memory_space<hbm>>) target_semaphore(%run_scoped3A : memref<!tpu.dma_semaphore, #tpu.memory_space<semaphore_mem>>)
      %dma_wait3A = arith.constant 0 : i32
      %dma_wait3A_66 = tpu.memref_slice %arg5[%add3A_54, %dma_wait3A] : memref<20224x16xf32, #tpu.memory_space<hbm>> -> memref<512x16xf32, #tpu.memory_space<hbm>>
      %dma_wait3A_67 = arith.constant 0 : i32
      %dma_wait3A_68 = tpu.memref_slice %arg20[%add3A_49, %dma_wait3A_67] : memref<10112x16xf32, #tpu.memory_space<vmem_shared>> -> memref<512x16xf32, #tpu.memory_space<vmem_shared>>
      tpu.wait_dma2 semaphore(%run_scoped3A : memref<!tpu.dma_semaphore, #tpu.memory_space<semaphore_mem>>) src(%dma_wait3A_68 : memref<512x16xf32, #tpu.memory_space<vmem_shared>>) dst(%dma_wait3A_66 : memref<512x16xf32, #tpu.memory_space<hbm>>)
      tpu.yield
    }) : () -> ()
    %add3A_55 = arith.constant 512 : i32
    %add3A_56 = arith.addi %mul3A_6, %add3A_55 : i32
    %mul3A_57 = arith.constant 10112 : i32
    %mul3A_58 = arith.muli %arg0, %mul3A_57 : i32
    %add3A_59 = arith.addi %mul3A_58, %mul3A_6 : i32
    %add3A_60 = arith.constant 512 : i32
    %add3A_61 = arith.addi %add3A_59, %add3A_60 : i32
    "tpu.region"() ({
      %run_scoped3A = tpu.sem_alloc : memref<!tpu.dma_semaphore, #tpu.memory_space<semaphore_mem>>
      %dma_start3A_62 = arith.constant 0 : i32
      %dma_start3A_63 = tpu.memref_slice %arg5[%add3A_61, %dma_start3A_62] : memref<20224x16xf32, #tpu.memory_space<hbm>> -> memref<120x16xf32, #tpu.memory_space<hbm>>
      %dma_start3A_64 = arith.constant 0 : i32
      %dma_start3A_65 = tpu.memref_slice %arg20[%add3A_56, %dma_start3A_64] : memref<10112x16xf32, #tpu.memory_space<vmem_shared>> -> memref<120x16xf32, #tpu.memory_space<vmem_shared>>
      tpu.enqueue_dma source(%dma_start3A_65 : memref<120x16xf32, #tpu.memory_space<vmem_shared>>) target(%dma_start3A_63 : memref<120x16xf32, #tpu.memory_space<hbm>>) target_semaphore(%run_scoped3A : memref<!tpu.dma_semaphore, #tpu.memory_space<semaphore_mem>>)
      %dma_wait3A = arith.constant 0 : i32
      %dma_wait3A_66 = tpu.memref_slice %arg5[%add3A_61, %dma_wait3A] : memref<20224x16xf32, #tpu.memory_space<hbm>> -> memref<120x16xf32, #tpu.memory_space<hbm>>
      %dma_wait3A_67 = arith.constant 0 : i32
      %dma_wait3A_68 = tpu.memref_slice %arg20[%add3A_56, %dma_wait3A_67] : memref<10112x16xf32, #tpu.memory_space<vmem_shared>> -> memref<120x16xf32, #tpu.memory_space<vmem_shared>>
      tpu.wait_dma2 semaphore(%run_scoped3A : memref<!tpu.dma_semaphore, #tpu.memory_space<semaphore_mem>>) src(%dma_wait3A_68 : memref<120x16xf32, #tpu.memory_space<vmem_shared>>) dst(%dma_wait3A_66 : memref<120x16xf32, #tpu.memory_space<hbm>>)
      tpu.yield
    }) : () -> ()
    return
  }
}

#map = affine_map<(d0, d1) -> (0, 0)>
#map1 = affine_map<(d0, d1) -> (0, 0, 0)>
module attributes {stable_mosaic.version = 14 : i64} {
  func.func @body(%arg0: i32, %arg1: i32, %arg2: memref<10000x128xf32, #tpu.memory_space<hbm>>, %arg3: memref<128x27x96xi32, #tpu.memory_space<hbm>>, %arg4: memref<128x27x96xi32, #tpu.memory_space<hbm>>, %arg5: memref<20224x128xf32, #tpu.memory_space<hbm>>, %arg6: memref<27x96xi32, #tpu.memory_space<vmem>>, %arg7: memref<27x96xi32, #tpu.memory_space<vmem>>, %arg8: memref<96x128xf32, #tpu.memory_space<vmem>>, %arg9: memref<96x128xf32, #tpu.memory_space<vmem>>, %arg10: memref<96x128xf32, #tpu.memory_space<vmem>>, %arg11: memref<!tpu.dma_semaphore, #tpu.memory_space<semaphore_mem>>, %arg12: memref<!tpu.dma_semaphore, #tpu.memory_space<semaphore_mem>>, %arg13: memref<!tpu.dma_semaphore, #tpu.memory_space<semaphore_mem>>, %arg14: memref<!tpu.dma_semaphore, #tpu.memory_space<semaphore_mem>>, %arg15: memref<!tpu.dma_semaphore, #tpu.memory_space<semaphore_mem>>, %arg16: memref<!tpu.dma_semaphore, #tpu.memory_space<semaphore_mem>>, %arg17: memref<10112x128xf32, #tpu.memory_space<vmem_shared>>) attributes {dimension_semantics = [#tpu.dimension_semantics<core_parallel>, #tpu.dimension_semantics<subcore_parallel>], iteration_bounds = array<i64: 2, 16>, scalar_prefetch = 0 : i64, scratch_operands = 12 : i64, tpu.core_type = #tpu.core_type<sc_vector_subcore>, window_params = [{transform_indices = #map}, {transform_indices = #map1}, {transform_indices = #map1}, {transform_indices = #map}]} {
    %mul3A = arith.constant 16 : i32
    %mul3A_0 = arith.muli %arg0, %mul3A : i32
    %add3A = arith.addi %mul3A_0, %arg1 : i32
    %scan3A = arith.constant 0 : i32
    %scan3A_1 = arith.constant 96 : i32
    %scan3A_2 = arith.addi %scan3A, %scan3A_1 : i32
    %scan3A_3 = arith.constant 1 : i32
    scf.for %scan3A_190 = %scan3A to %scan3A_2 step %scan3A_3  : i32 {
      %mul3A_191 = arith.constant 1 : i32
      %mul3A_192 = arith.muli %scan3A_190, %mul3A_191 : i32
      %add3A_193 = arith.constant 0 : i32
      %add3A_194 = arith.addi %add3A_193, %mul3A_192 : i32
      %broadcast_in_dim3A = arith.constant 0.000000e+00 : f32
      %broadcast_in_dim3A_195 = vector.broadcast %broadcast_in_dim3A : f32 to vector<16xf32>
      %swap3A = arith.index_cast %add3A_194 : i32 to index
      %swap3A_196 = arith.constant 0 : index
      %swap3A_197 = tpu.vector_load %arg8[%swap3A, %swap3A_196] {strides = array<i32>} : memref<96x128xf32, #tpu.memory_space<vmem>>, vector<1x16xf32>,
      %swap3A_198 = vector.shape_cast %swap3A_197 : vector<1x16xf32> to vector<16xf32>
      %swap3A_199 = vector.shape_cast %broadcast_in_dim3A_195 : vector<16xf32> to vector<1x16xf32>
      tpu.vector_store %arg8[%swap3A, %swap3A_196], %swap3A_199 {strides = array<i32>} : memref<96x128xf32, #tpu.memory_space<vmem>>, vector<1x16xf32>,
      %broadcast_in_dim3A_200 = arith.constant 0.000000e+00 : f32
      %broadcast_in_dim3A_201 = vector.broadcast %broadcast_in_dim3A_200 : f32 to vector<16xf32>
      %swap3A_202 = arith.index_cast %add3A_194 : i32 to index
      %swap3A_203 = arith.constant 16 : index
      %swap3A_204 = tpu.vector_load %arg8[%swap3A_202, %swap3A_203] {strides = array<i32>} : memref<96x128xf32, #tpu.memory_space<vmem>>, vector<1x16xf32>,
      %swap3A_205 = vector.shape_cast %swap3A_204 : vector<1x16xf32> to vector<16xf32>
      %swap3A_206 = vector.shape_cast %broadcast_in_dim3A_201 : vector<16xf32> to vector<1x16xf32>
      tpu.vector_store %arg8[%swap3A_202, %swap3A_203], %swap3A_206 {strides = array<i32>} : memref<96x128xf32, #tpu.memory_space<vmem>>, vector<1x16xf32>,
      %broadcast_in_dim3A_207 = arith.constant 0.000000e+00 : f32
      %broadcast_in_dim3A_208 = vector.broadcast %broadcast_in_dim3A_207 : f32 to vector<16xf32>
      %swap3A_209 = arith.index_cast %add3A_194 : i32 to index
      %swap3A_210 = arith.constant 32 : index
      %swap3A_211 = tpu.vector_load %arg8[%swap3A_209, %swap3A_210] {strides = array<i32>} : memref<96x128xf32, #tpu.memory_space<vmem>>, vector<1x16xf32>,
      %swap3A_212 = vector.shape_cast %swap3A_211 : vector<1x16xf32> to vector<16xf32>
      %swap3A_213 = vector.shape_cast %broadcast_in_dim3A_208 : vector<16xf32> to vector<1x16xf32>
      tpu.vector_store %arg8[%swap3A_209, %swap3A_210], %swap3A_213 {strides = array<i32>} : memref<96x128xf32, #tpu.memory_space<vmem>>, vector<1x16xf32>,
      %broadcast_in_dim3A_214 = arith.constant 0.000000e+00 : f32
      %broadcast_in_dim3A_215 = vector.broadcast %broadcast_in_dim3A_214 : f32 to vector<16xf32>
      %swap3A_216 = arith.index_cast %add3A_194 : i32 to index
      %swap3A_217 = arith.constant 48 : index
      %swap3A_218 = tpu.vector_load %arg8[%swap3A_216, %swap3A_217] {strides = array<i32>} : memref<96x128xf32, #tpu.memory_space<vmem>>, vector<1x16xf32>,
      %swap3A_219 = vector.shape_cast %swap3A_218 : vector<1x16xf32> to vector<16xf32>
      %swap3A_220 = vector.shape_cast %broadcast_in_dim3A_215 : vector<16xf32> to vector<1x16xf32>
      tpu.vector_store %arg8[%swap3A_216, %swap3A_217], %swap3A_220 {strides = array<i32>} : memref<96x128xf32, #tpu.memory_space<vmem>>, vector<1x16xf32>,
      %broadcast_in_dim3A_221 = arith.constant 0.000000e+00 : f32
      %broadcast_in_dim3A_222 = vector.broadcast %broadcast_in_dim3A_221 : f32 to vector<16xf32>
      %swap3A_223 = arith.index_cast %add3A_194 : i32 to index
      %swap3A_224 = arith.constant 64 : index
      %swap3A_225 = tpu.vector_load %arg8[%swap3A_223, %swap3A_224] {strides = array<i32>} : memref<96x128xf32, #tpu.memory_space<vmem>>, vector<1x16xf32>,
      %swap3A_226 = vector.shape_cast %swap3A_225 : vector<1x16xf32> to vector<16xf32>
      %swap3A_227 = vector.shape_cast %broadcast_in_dim3A_222 : vector<16xf32> to vector<1x16xf32>
      tpu.vector_store %arg8[%swap3A_223, %swap3A_224], %swap3A_227 {strides = array<i32>} : memref<96x128xf32, #tpu.memory_space<vmem>>, vector<1x16xf32>,
      %broadcast_in_dim3A_228 = arith.constant 0.000000e+00 : f32
      %broadcast_in_dim3A_229 = vector.broadcast %broadcast_in_dim3A_228 : f32 to vector<16xf32>
      %swap3A_230 = arith.index_cast %add3A_194 : i32 to index
      %swap3A_231 = arith.constant 80 : index
      %swap3A_232 = tpu.vector_load %arg8[%swap3A_230, %swap3A_231] {strides = array<i32>} : memref<96x128xf32, #tpu.memory_space<vmem>>, vector<1x16xf32>,
      %swap3A_233 = vector.shape_cast %swap3A_232 : vector<1x16xf32> to vector<16xf32>
      %swap3A_234 = vector.shape_cast %broadcast_in_dim3A_229 : vector<16xf32> to vector<1x16xf32>
      tpu.vector_store %arg8[%swap3A_230, %swap3A_231], %swap3A_234 {strides = array<i32>} : memref<96x128xf32, #tpu.memory_space<vmem>>, vector<1x16xf32>,
      %broadcast_in_dim3A_235 = arith.constant 0.000000e+00 : f32
      %broadcast_in_dim3A_236 = vector.broadcast %broadcast_in_dim3A_235 : f32 to vector<16xf32>
      %swap3A_237 = arith.index_cast %add3A_194 : i32 to index
      %swap3A_238 = arith.constant 96 : index
      %swap3A_239 = tpu.vector_load %arg8[%swap3A_237, %swap3A_238] {strides = array<i32>} : memref<96x128xf32, #tpu.memory_space<vmem>>, vector<1x16xf32>,
      %swap3A_240 = vector.shape_cast %swap3A_239 : vector<1x16xf32> to vector<16xf32>
      %swap3A_241 = vector.shape_cast %broadcast_in_dim3A_236 : vector<16xf32> to vector<1x16xf32>
      tpu.vector_store %arg8[%swap3A_237, %swap3A_238], %swap3A_241 {strides = array<i32>} : memref<96x128xf32, #tpu.memory_space<vmem>>, vector<1x16xf32>,
      %broadcast_in_dim3A_242 = arith.constant 0.000000e+00 : f32
      %broadcast_in_dim3A_243 = vector.broadcast %broadcast_in_dim3A_242 : f32 to vector<16xf32>
      %swap3A_244 = arith.index_cast %add3A_194 : i32 to index
      %swap3A_245 = arith.constant 112 : index
      %swap3A_246 = tpu.vector_load %arg8[%swap3A_244, %swap3A_245] {strides = array<i32>} : memref<96x128xf32, #tpu.memory_space<vmem>>, vector<1x16xf32>,
      %swap3A_247 = vector.shape_cast %swap3A_246 : vector<1x16xf32> to vector<16xf32>
      %swap3A_248 = vector.shape_cast %broadcast_in_dim3A_243 : vector<16xf32> to vector<1x16xf32>
      tpu.vector_store %arg8[%swap3A_244, %swap3A_245], %swap3A_248 {strides = array<i32>} : memref<96x128xf32, #tpu.memory_space<vmem>>, vector<1x16xf32>,
    }
    %scan3A_4 = arith.constant 96 : i32
    %mul3A_5 = arith.constant 632 : i32
    %mul3A_6 = arith.muli %arg1, %mul3A_5 : i32
    %add3A_7 = arith.constant 0 : i32
    %add3A_8 = arith.addi %mul3A_6, %add3A_7 : i32
    "tpu.region"() ({
      %run_scoped3A = tpu.sem_alloc : memref<!tpu.dma_semaphore, #tpu.memory_space<semaphore_mem>>
      %dma_start3A_190 = arith.constant 0 : i32
      %dma_start3A_191 = arith.constant 0 : i32
      %dma_start3A_192 = tpu.memref_slice %arg8[%dma_start3A_190, %dma_start3A_191] : memref<96x128xf32, #tpu.memory_space<vmem>> -> memref<96x128xf32, #tpu.memory_space<vmem>>
      %dma_start3A_193 = arith.constant 0 : i32
      %dma_start3A_194 = tpu.memref_slice %arg17[%add3A_8, %dma_start3A_193] : memref<10112x128xf32, #tpu.memory_space<vmem_shared>> -> memref<96x128xf32, #tpu.memory_space<vmem_shared>>
      %dma_start3A_195 = arith.constant 0 : i32
      %dma_start3A_196 = tpu.memref_slice %arg17[%add3A_8, %dma_start3A_195] : memref<10112x128xf32, #tpu.memory_space<vmem_shared>> -> memref<96x128xf32, #tpu.memory_space<vmem_shared>>
      %dma_start3A_197 = arith.constant 0 : i32
      %dma_start3A_198 = arith.constant 0 : i32
      %dma_start3A_199 = tpu.memref_slice %arg8[%dma_start3A_197, %dma_start3A_198] : memref<96x128xf32, #tpu.memory_space<vmem>> -> memref<96x128xf32, #tpu.memory_space<vmem>>
      tpu.enqueue_dma source(%dma_start3A_199 : memref<96x128xf32, #tpu.memory_space<vmem>>) target(%dma_start3A_196 : memref<96x128xf32, #tpu.memory_space<vmem_shared>>) target_semaphore(%run_scoped3A : memref<!tpu.dma_semaphore, #tpu.memory_space<semaphore_mem>>)
      %dma_wait3A = arith.constant 0 : i32
      %dma_wait3A_200 = arith.constant 0 : i32
      %dma_wait3A_201 = tpu.memref_slice %arg8[%dma_wait3A, %dma_wait3A_200] : memref<96x128xf32, #tpu.memory_space<vmem>> -> memref<96x128xf32, #tpu.memory_space<vmem>>
      %dma_wait3A_202 = arith.constant 0 : i32
      %dma_wait3A_203 = tpu.memref_slice %arg17[%add3A_8, %dma_wait3A_202] : memref<10112x128xf32, #tpu.memory_space<vmem_shared>> -> memref<96x128xf32, #tpu.memory_space<vmem_shared>>
      %dma_wait3A_204 = arith.constant 0 : i32
      %dma_wait3A_205 = tpu.memref_slice %arg17[%add3A_8, %dma_wait3A_204] : memref<10112x128xf32, #tpu.memory_space<vmem_shared>> -> memref<96x128xf32, #tpu.memory_space<vmem_shared>>
      %dma_wait3A_206 = arith.constant 0 : i32
      %dma_wait3A_207 = arith.constant 0 : i32
      %dma_wait3A_208 = tpu.memref_slice %arg8[%dma_wait3A_206, %dma_wait3A_207] : memref<96x128xf32, #tpu.memory_space<vmem>> -> memref<96x128xf32, #tpu.memory_space<vmem>>
      tpu.wait_dma2 semaphore(%run_scoped3A : memref<!tpu.dma_semaphore, #tpu.memory_space<semaphore_mem>>) src(%dma_wait3A_208 : memref<96x128xf32, #tpu.memory_space<vmem>>) dst(%dma_wait3A_205 : memref<96x128xf32, #tpu.memory_space<vmem_shared>>)
      tpu.yield
    }) : () -> ()
    %add3A_9 = arith.constant 96 : i32
    %add3A_10 = arith.addi %mul3A_6, %add3A_9 : i32
    "tpu.region"() ({
      %run_scoped3A = tpu.sem_alloc : memref<!tpu.dma_semaphore, #tpu.memory_space<semaphore_mem>>
      %dma_start3A_190 = arith.constant 0 : i32
      %dma_start3A_191 = arith.constant 0 : i32
      %dma_start3A_192 = tpu.memref_slice %arg8[%dma_start3A_190, %dma_start3A_191] : memref<96x128xf32, #tpu.memory_space<vmem>> -> memref<96x128xf32, #tpu.memory_space<vmem>>
      %dma_start3A_193 = arith.constant 0 : i32
      %dma_start3A_194 = tpu.memref_slice %arg17[%add3A_10, %dma_start3A_193] : memref<10112x128xf32, #tpu.memory_space<vmem_shared>> -> memref<96x128xf32, #tpu.memory_space<vmem_shared>>
      %dma_start3A_195 = arith.constant 0 : i32
      %dma_start3A_196 = tpu.memref_slice %arg17[%add3A_10, %dma_start3A_195] : memref<10112x128xf32, #tpu.memory_space<vmem_shared>> -> memref<96x128xf32, #tpu.memory_space<vmem_shared>>
      %dma_start3A_197 = arith.constant 0 : i32
      %dma_start3A_198 = arith.constant 0 : i32
      %dma_start3A_199 = tpu.memref_slice %arg8[%dma_start3A_197, %dma_start3A_198] : memref<96x128xf32, #tpu.memory_space<vmem>> -> memref<96x128xf32, #tpu.memory_space<vmem>>
      tpu.enqueue_dma source(%dma_start3A_199 : memref<96x128xf32, #tpu.memory_space<vmem>>) target(%dma_start3A_196 : memref<96x128xf32, #tpu.memory_space<vmem_shared>>) target_semaphore(%run_scoped3A : memref<!tpu.dma_semaphore, #tpu.memory_space<semaphore_mem>>)
      %dma_wait3A = arith.constant 0 : i32
      %dma_wait3A_200 = arith.constant 0 : i32
      %dma_wait3A_201 = tpu.memref_slice %arg8[%dma_wait3A, %dma_wait3A_200] : memref<96x128xf32, #tpu.memory_space<vmem>> -> memref<96x128xf32, #tpu.memory_space<vmem>>
      %dma_wait3A_202 = arith.constant 0 : i32
      %dma_wait3A_203 = tpu.memref_slice %arg17[%add3A_10, %dma_wait3A_202] : memref<10112x128xf32, #tpu.memory_space<vmem_shared>> -> memref<96x128xf32, #tpu.memory_space<vmem_shared>>
      %dma_wait3A_204 = arith.constant 0 : i32
      %dma_wait3A_205 = tpu.memref_slice %arg17[%add3A_10, %dma_wait3A_204] : memref<10112x128xf32, #tpu.memory_space<vmem_shared>> -> memref<96x128xf32, #tpu.memory_space<vmem_shared>>
      %dma_wait3A_206 = arith.constant 0 : i32
      %dma_wait3A_207 = arith.constant 0 : i32
      %dma_wait3A_208 = tpu.memref_slice %arg8[%dma_wait3A_206, %dma_wait3A_207] : memref<96x128xf32, #tpu.memory_space<vmem>> -> memref<96x128xf32, #tpu.memory_space<vmem>>
      tpu.wait_dma2 semaphore(%run_scoped3A : memref<!tpu.dma_semaphore, #tpu.memory_space<semaphore_mem>>) src(%dma_wait3A_208 : memref<96x128xf32, #tpu.memory_space<vmem>>) dst(%dma_wait3A_205 : memref<96x128xf32, #tpu.memory_space<vmem_shared>>)
      tpu.yield
    }) : () -> ()
    %add3A_11 = arith.constant 192 : i32
    %add3A_12 = arith.addi %mul3A_6, %add3A_11 : i32
    "tpu.region"() ({
      %run_scoped3A = tpu.sem_alloc : memref<!tpu.dma_semaphore, #tpu.memory_space<semaphore_mem>>
      %dma_start3A_190 = arith.constant 0 : i32
      %dma_start3A_191 = arith.constant 0 : i32
      %dma_start3A_192 = tpu.memref_slice %arg8[%dma_start3A_190, %dma_start3A_191] : memref<96x128xf32, #tpu.memory_space<vmem>> -> memref<96x128xf32, #tpu.memory_space<vmem>>
      %dma_start3A_193 = arith.constant 0 : i32
      %dma_start3A_194 = tpu.memref_slice %arg17[%add3A_12, %dma_start3A_193] : memref<10112x128xf32, #tpu.memory_space<vmem_shared>> -> memref<96x128xf32, #tpu.memory_space<vmem_shared>>
      %dma_start3A_195 = arith.constant 0 : i32
      %dma_start3A_196 = tpu.memref_slice %arg17[%add3A_12, %dma_start3A_195] : memref<10112x128xf32, #tpu.memory_space<vmem_shared>> -> memref<96x128xf32, #tpu.memory_space<vmem_shared>>
      %dma_start3A_197 = arith.constant 0 : i32
      %dma_start3A_198 = arith.constant 0 : i32
      %dma_start3A_199 = tpu.memref_slice %arg8[%dma_start3A_197, %dma_start3A_198] : memref<96x128xf32, #tpu.memory_space<vmem>> -> memref<96x128xf32, #tpu.memory_space<vmem>>
      tpu.enqueue_dma source(%dma_start3A_199 : memref<96x128xf32, #tpu.memory_space<vmem>>) target(%dma_start3A_196 : memref<96x128xf32, #tpu.memory_space<vmem_shared>>) target_semaphore(%run_scoped3A : memref<!tpu.dma_semaphore, #tpu.memory_space<semaphore_mem>>)
      %dma_wait3A = arith.constant 0 : i32
      %dma_wait3A_200 = arith.constant 0 : i32
      %dma_wait3A_201 = tpu.memref_slice %arg8[%dma_wait3A, %dma_wait3A_200] : memref<96x128xf32, #tpu.memory_space<vmem>> -> memref<96x128xf32, #tpu.memory_space<vmem>>
      %dma_wait3A_202 = arith.constant 0 : i32
      %dma_wait3A_203 = tpu.memref_slice %arg17[%add3A_12, %dma_wait3A_202] : memref<10112x128xf32, #tpu.memory_space<vmem_shared>> -> memref<96x128xf32, #tpu.memory_space<vmem_shared>>
      %dma_wait3A_204 = arith.constant 0 : i32
      %dma_wait3A_205 = tpu.memref_slice %arg17[%add3A_12, %dma_wait3A_204] : memref<10112x128xf32, #tpu.memory_space<vmem_shared>> -> memref<96x128xf32, #tpu.memory_space<vmem_shared>>
      %dma_wait3A_206 = arith.constant 0 : i32
      %dma_wait3A_207 = arith.constant 0 : i32
      %dma_wait3A_208 = tpu.memref_slice %arg8[%dma_wait3A_206, %dma_wait3A_207] : memref<96x128xf32, #tpu.memory_space<vmem>> -> memref<96x128xf32, #tpu.memory_space<vmem>>
      tpu.wait_dma2 semaphore(%run_scoped3A : memref<!tpu.dma_semaphore, #tpu.memory_space<semaphore_mem>>) src(%dma_wait3A_208 : memref<96x128xf32, #tpu.memory_space<vmem>>) dst(%dma_wait3A_205 : memref<96x128xf32, #tpu.memory_space<vmem_shared>>)
      tpu.yield
    }) : () -> ()
    %add3A_13 = arith.constant 288 : i32
    %add3A_14 = arith.addi %mul3A_6, %add3A_13 : i32
    "tpu.region"() ({
      %run_scoped3A = tpu.sem_alloc : memref<!tpu.dma_semaphore, #tpu.memory_space<semaphore_mem>>
      %dma_start3A_190 = arith.constant 0 : i32
      %dma_start3A_191 = arith.constant 0 : i32
      %dma_start3A_192 = tpu.memref_slice %arg8[%dma_start3A_190, %dma_start3A_191] : memref<96x128xf32, #tpu.memory_space<vmem>> -> memref<96x128xf32, #tpu.memory_space<vmem>>
      %dma_start3A_193 = arith.constant 0 : i32
      %dma_start3A_194 = tpu.memref_slice %arg17[%add3A_14, %dma_start3A_193] : memref<10112x128xf32, #tpu.memory_space<vmem_shared>> -> memref<96x128xf32, #tpu.memory_space<vmem_shared>>
      %dma_start3A_195 = arith.constant 0 : i32
      %dma_start3A_196 = tpu.memref_slice %arg17[%add3A_14, %dma_start3A_195] : memref<10112x128xf32, #tpu.memory_space<vmem_shared>> -> memref<96x128xf32, #tpu.memory_space<vmem_shared>>
      %dma_start3A_197 = arith.constant 0 : i32
      %dma_start3A_198 = arith.constant 0 : i32
      %dma_start3A_199 = tpu.memref_slice %arg8[%dma_start3A_197, %dma_start3A_198] : memref<96x128xf32, #tpu.memory_space<vmem>> -> memref<96x128xf32, #tpu.memory_space<vmem>>
      tpu.enqueue_dma source(%dma_start3A_199 : memref<96x128xf32, #tpu.memory_space<vmem>>) target(%dma_start3A_196 : memref<96x128xf32, #tpu.memory_space<vmem_shared>>) target_semaphore(%run_scoped3A : memref<!tpu.dma_semaphore, #tpu.memory_space<semaphore_mem>>)
      %dma_wait3A = arith.constant 0 : i32
      %dma_wait3A_200 = arith.constant 0 : i32
      %dma_wait3A_201 = tpu.memref_slice %arg8[%dma_wait3A, %dma_wait3A_200] : memref<96x128xf32, #tpu.memory_space<vmem>> -> memref<96x128xf32, #tpu.memory_space<vmem>>
      %dma_wait3A_202 = arith.constant 0 : i32
      %dma_wait3A_203 = tpu.memref_slice %arg17[%add3A_14, %dma_wait3A_202] : memref<10112x128xf32, #tpu.memory_space<vmem_shared>> -> memref<96x128xf32, #tpu.memory_space<vmem_shared>>
      %dma_wait3A_204 = arith.constant 0 : i32
      %dma_wait3A_205 = tpu.memref_slice %arg17[%add3A_14, %dma_wait3A_204] : memref<10112x128xf32, #tpu.memory_space<vmem_shared>> -> memref<96x128xf32, #tpu.memory_space<vmem_shared>>
      %dma_wait3A_206 = arith.constant 0 : i32
      %dma_wait3A_207 = arith.constant 0 : i32
      %dma_wait3A_208 = tpu.memref_slice %arg8[%dma_wait3A_206, %dma_wait3A_207] : memref<96x128xf32, #tpu.memory_space<vmem>> -> memref<96x128xf32, #tpu.memory_space<vmem>>
      tpu.wait_dma2 semaphore(%run_scoped3A : memref<!tpu.dma_semaphore, #tpu.memory_space<semaphore_mem>>) src(%dma_wait3A_208 : memref<96x128xf32, #tpu.memory_space<vmem>>) dst(%dma_wait3A_205 : memref<96x128xf32, #tpu.memory_space<vmem_shared>>)
      tpu.yield
    }) : () -> ()
    %add3A_15 = arith.constant 384 : i32
    %add3A_16 = arith.addi %mul3A_6, %add3A_15 : i32
    "tpu.region"() ({
      %run_scoped3A = tpu.sem_alloc : memref<!tpu.dma_semaphore, #tpu.memory_space<semaphore_mem>>
      %dma_start3A_190 = arith.constant 0 : i32
      %dma_start3A_191 = arith.constant 0 : i32
      %dma_start3A_192 = tpu.memref_slice %arg8[%dma_start3A_190, %dma_start3A_191] : memref<96x128xf32, #tpu.memory_space<vmem>> -> memref<96x128xf32, #tpu.memory_space<vmem>>
      %dma_start3A_193 = arith.constant 0 : i32
      %dma_start3A_194 = tpu.memref_slice %arg17[%add3A_16, %dma_start3A_193] : memref<10112x128xf32, #tpu.memory_space<vmem_shared>> -> memref<96x128xf32, #tpu.memory_space<vmem_shared>>
      %dma_start3A_195 = arith.constant 0 : i32
      %dma_start3A_196 = tpu.memref_slice %arg17[%add3A_16, %dma_start3A_195] : memref<10112x128xf32, #tpu.memory_space<vmem_shared>> -> memref<96x128xf32, #tpu.memory_space<vmem_shared>>
      %dma_start3A_197 = arith.constant 0 : i32
      %dma_start3A_198 = arith.constant 0 : i32
      %dma_start3A_199 = tpu.memref_slice %arg8[%dma_start3A_197, %dma_start3A_198] : memref<96x128xf32, #tpu.memory_space<vmem>> -> memref<96x128xf32, #tpu.memory_space<vmem>>
      tpu.enqueue_dma source(%dma_start3A_199 : memref<96x128xf32, #tpu.memory_space<vmem>>) target(%dma_start3A_196 : memref<96x128xf32, #tpu.memory_space<vmem_shared>>) target_semaphore(%run_scoped3A : memref<!tpu.dma_semaphore, #tpu.memory_space<semaphore_mem>>)
      %dma_wait3A = arith.constant 0 : i32
      %dma_wait3A_200 = arith.constant 0 : i32
      %dma_wait3A_201 = tpu.memref_slice %arg8[%dma_wait3A, %dma_wait3A_200] : memref<96x128xf32, #tpu.memory_space<vmem>> -> memref<96x128xf32, #tpu.memory_space<vmem>>
      %dma_wait3A_202 = arith.constant 0 : i32
      %dma_wait3A_203 = tpu.memref_slice %arg17[%add3A_16, %dma_wait3A_202] : memref<10112x128xf32, #tpu.memory_space<vmem_shared>> -> memref<96x128xf32, #tpu.memory_space<vmem_shared>>
      %dma_wait3A_204 = arith.constant 0 : i32
      %dma_wait3A_205 = tpu.memref_slice %arg17[%add3A_16, %dma_wait3A_204] : memref<10112x128xf32, #tpu.memory_space<vmem_shared>> -> memref<96x128xf32, #tpu.memory_space<vmem_shared>>
      %dma_wait3A_206 = arith.constant 0 : i32
      %dma_wait3A_207 = arith.constant 0 : i32
      %dma_wait3A_208 = tpu.memref_slice %arg8[%dma_wait3A_206, %dma_wait3A_207] : memref<96x128xf32, #tpu.memory_space<vmem>> -> memref<96x128xf32, #tpu.memory_space<vmem>>
      tpu.wait_dma2 semaphore(%run_scoped3A : memref<!tpu.dma_semaphore, #tpu.memory_space<semaphore_mem>>) src(%dma_wait3A_208 : memref<96x128xf32, #tpu.memory_space<vmem>>) dst(%dma_wait3A_205 : memref<96x128xf32, #tpu.memory_space<vmem_shared>>)
      tpu.yield
    }) : () -> ()
    %add3A_17 = arith.constant 480 : i32
    %add3A_18 = arith.addi %mul3A_6, %add3A_17 : i32
    "tpu.region"() ({
      %run_scoped3A = tpu.sem_alloc : memref<!tpu.dma_semaphore, #tpu.memory_space<semaphore_mem>>
      %dma_start3A_190 = arith.constant 0 : i32
      %dma_start3A_191 = arith.constant 0 : i32
      %dma_start3A_192 = tpu.memref_slice %arg8[%dma_start3A_190, %dma_start3A_191] : memref<96x128xf32, #tpu.memory_space<vmem>> -> memref<96x128xf32, #tpu.memory_space<vmem>>
      %dma_start3A_193 = arith.constant 0 : i32
      %dma_start3A_194 = tpu.memref_slice %arg17[%add3A_18, %dma_start3A_193] : memref<10112x128xf32, #tpu.memory_space<vmem_shared>> -> memref<96x128xf32, #tpu.memory_space<vmem_shared>>
      %dma_start3A_195 = arith.constant 0 : i32
      %dma_start3A_196 = tpu.memref_slice %arg17[%add3A_18, %dma_start3A_195] : memref<10112x128xf32, #tpu.memory_space<vmem_shared>> -> memref<96x128xf32, #tpu.memory_space<vmem_shared>>
      %dma_start3A_197 = arith.constant 0 : i32
      %dma_start3A_198 = arith.constant 0 : i32
      %dma_start3A_199 = tpu.memref_slice %arg8[%dma_start3A_197, %dma_start3A_198] : memref<96x128xf32, #tpu.memory_space<vmem>> -> memref<96x128xf32, #tpu.memory_space<vmem>>
      tpu.enqueue_dma source(%dma_start3A_199 : memref<96x128xf32, #tpu.memory_space<vmem>>) target(%dma_start3A_196 : memref<96x128xf32, #tpu.memory_space<vmem_shared>>) target_semaphore(%run_scoped3A : memref<!tpu.dma_semaphore, #tpu.memory_space<semaphore_mem>>)
      %dma_wait3A = arith.constant 0 : i32
      %dma_wait3A_200 = arith.constant 0 : i32
      %dma_wait3A_201 = tpu.memref_slice %arg8[%dma_wait3A, %dma_wait3A_200] : memref<96x128xf32, #tpu.memory_space<vmem>> -> memref<96x128xf32, #tpu.memory_space<vmem>>
      %dma_wait3A_202 = arith.constant 0 : i32
      %dma_wait3A_203 = tpu.memref_slice %arg17[%add3A_18, %dma_wait3A_202] : memref<10112x128xf32, #tpu.memory_space<vmem_shared>> -> memref<96x128xf32, #tpu.memory_space<vmem_shared>>
      %dma_wait3A_204 = arith.constant 0 : i32
      %dma_wait3A_205 = tpu.memref_slice %arg17[%add3A_18, %dma_wait3A_204] : memref<10112x128xf32, #tpu.memory_space<vmem_shared>> -> memref<96x128xf32, #tpu.memory_space<vmem_shared>>
      %dma_wait3A_206 = arith.constant 0 : i32
      %dma_wait3A_207 = arith.constant 0 : i32
      %dma_wait3A_208 = tpu.memref_slice %arg8[%dma_wait3A_206, %dma_wait3A_207] : memref<96x128xf32, #tpu.memory_space<vmem>> -> memref<96x128xf32, #tpu.memory_space<vmem>>
      tpu.wait_dma2 semaphore(%run_scoped3A : memref<!tpu.dma_semaphore, #tpu.memory_space<semaphore_mem>>) src(%dma_wait3A_208 : memref<96x128xf32, #tpu.memory_space<vmem>>) dst(%dma_wait3A_205 : memref<96x128xf32, #tpu.memory_space<vmem_shared>>)
      tpu.yield
    }) : () -> ()
    %add3A_19 = arith.constant 576 : i32
    %add3A_20 = arith.addi %mul3A_6, %add3A_19 : i32
    "tpu.region"() ({
      %run_scoped3A = tpu.sem_alloc : memref<!tpu.dma_semaphore, #tpu.memory_space<semaphore_mem>>
      %dma_start3A_190 = arith.constant 0 : i32
      %dma_start3A_191 = arith.constant 0 : i32
      %dma_start3A_192 = tpu.memref_slice %arg8[%dma_start3A_190, %dma_start3A_191] : memref<96x128xf32, #tpu.memory_space<vmem>> -> memref<56x128xf32, #tpu.memory_space<vmem>>
      %dma_start3A_193 = arith.constant 0 : i32
      %dma_start3A_194 = tpu.memref_slice %arg17[%add3A_20, %dma_start3A_193] : memref<10112x128xf32, #tpu.memory_space<vmem_shared>> -> memref<56x128xf32, #tpu.memory_space<vmem_shared>>
      %dma_start3A_195 = arith.constant 0 : i32
      %dma_start3A_196 = tpu.memref_slice %arg17[%add3A_20, %dma_start3A_195] : memref<10112x128xf32, #tpu.memory_space<vmem_shared>> -> memref<56x128xf32, #tpu.memory_space<vmem_shared>>
      %dma_start3A_197 = arith.constant 0 : i32
      %dma_start3A_198 = arith.constant 0 : i32
      %dma_start3A_199 = tpu.memref_slice %arg8[%dma_start3A_197, %dma_start3A_198] : memref<96x128xf32, #tpu.memory_space<vmem>> -> memref<56x128xf32, #tpu.memory_space<vmem>>
      tpu.enqueue_dma source(%dma_start3A_199 : memref<56x128xf32, #tpu.memory_space<vmem>>) target(%dma_start3A_196 : memref<56x128xf32, #tpu.memory_space<vmem_shared>>) target_semaphore(%run_scoped3A : memref<!tpu.dma_semaphore, #tpu.memory_space<semaphore_mem>>)
      %dma_wait3A = arith.constant 0 : i32
      %dma_wait3A_200 = arith.constant 0 : i32
      %dma_wait3A_201 = tpu.memref_slice %arg8[%dma_wait3A, %dma_wait3A_200] : memref<96x128xf32, #tpu.memory_space<vmem>> -> memref<56x128xf32, #tpu.memory_space<vmem>>
      %dma_wait3A_202 = arith.constant 0 : i32
      %dma_wait3A_203 = tpu.memref_slice %arg17[%add3A_20, %dma_wait3A_202] : memref<10112x128xf32, #tpu.memory_space<vmem_shared>> -> memref<56x128xf32, #tpu.memory_space<vmem_shared>>
      %dma_wait3A_204 = arith.constant 0 : i32
      %dma_wait3A_205 = tpu.memref_slice %arg17[%add3A_20, %dma_wait3A_204] : memref<10112x128xf32, #tpu.memory_space<vmem_shared>> -> memref<56x128xf32, #tpu.memory_space<vmem_shared>>
      %dma_wait3A_206 = arith.constant 0 : i32
      %dma_wait3A_207 = arith.constant 0 : i32
      %dma_wait3A_208 = tpu.memref_slice %arg8[%dma_wait3A_206, %dma_wait3A_207] : memref<96x128xf32, #tpu.memory_space<vmem>> -> memref<56x128xf32, #tpu.memory_space<vmem>>
      tpu.wait_dma2 semaphore(%run_scoped3A : memref<!tpu.dma_semaphore, #tpu.memory_space<semaphore_mem>>) src(%dma_wait3A_208 : memref<56x128xf32, #tpu.memory_space<vmem>>) dst(%dma_wait3A_205 : memref<56x128xf32, #tpu.memory_space<vmem_shared>>)
      tpu.yield
    }) : () -> ()
    %barrier3A = arith.constant 0 : index
    tpu.barrier barrier_id(%barrier3A)
    %mul3A_21 = arith.constant 4 : i32
    %mul3A_22 = arith.muli %add3A, %mul3A_21 : i32
    %add3A_23 = arith.constant 0 : i32
    %add3A_24 = arith.addi %mul3A_22, %add3A_23 : i32
    "tpu.region"() ({
      %run_scoped3A = tpu.sem_alloc : memref<!tpu.dma_semaphore, #tpu.memory_space<semaphore_mem>>
      %dma_start3A_190 = arith.constant 0 : i32
      %dma_start3A_191 = arith.constant 0 : i32
      %dma_start3A_192 = tpu.memref_slice %arg4[%add3A_24, %dma_start3A_190, %dma_start3A_191] : memref<128x27x96xi32, #tpu.memory_space<hbm>> -> memref<1x27x96xi32, #tpu.memory_space<hbm>>
      %dma_start3A_193 = tpu.memref_squeeze %dma_start3A_192 : memref<1x27x96xi32, #tpu.memory_space<hbm>> -> memref<27x96xi32, #tpu.memory_space<hbm>>
      %dma_start3A_194 = arith.constant 0 : i32
      %dma_start3A_195 = arith.constant 0 : i32
      %dma_start3A_196 = tpu.memref_slice %arg4[%add3A_24, %dma_start3A_194, %dma_start3A_195] : memref<128x27x96xi32, #tpu.memory_space<hbm>> -> memref<1x27x96xi32, #tpu.memory_space<hbm>>
      %dma_start3A_197 = tpu.memref_squeeze %dma_start3A_196 : memref<1x27x96xi32, #tpu.memory_space<hbm>> -> memref<27x96xi32, #tpu.memory_space<hbm>>
      tpu.enqueue_dma source(%dma_start3A_197 : memref<27x96xi32, #tpu.memory_space<hbm>>) target(%arg6 : memref<27x96xi32, #tpu.memory_space<vmem>>) target_semaphore(%run_scoped3A : memref<!tpu.dma_semaphore, #tpu.memory_space<semaphore_mem>>)
      %dma_wait3A = arith.constant 0 : i32
      %dma_wait3A_198 = arith.constant 0 : i32
      %dma_wait3A_199 = tpu.memref_slice %arg4[%add3A_24, %dma_wait3A, %dma_wait3A_198] : memref<128x27x96xi32, #tpu.memory_space<hbm>> -> memref<1x27x96xi32, #tpu.memory_space<hbm>>
      %dma_wait3A_200 = tpu.memref_squeeze %dma_wait3A_199 : memref<1x27x96xi32, #tpu.memory_space<hbm>> -> memref<27x96xi32, #tpu.memory_space<hbm>>
      %dma_wait3A_201 = arith.constant 0 : i32
      %dma_wait3A_202 = arith.constant 0 : i32
      %dma_wait3A_203 = tpu.memref_slice %arg4[%add3A_24, %dma_wait3A_201, %dma_wait3A_202] : memref<128x27x96xi32, #tpu.memory_space<hbm>> -> memref<1x27x96xi32, #tpu.memory_space<hbm>>
      %dma_wait3A_204 = tpu.memref_squeeze %dma_wait3A_203 : memref<1x27x96xi32, #tpu.memory_space<hbm>> -> memref<27x96xi32, #tpu.memory_space<hbm>>
      tpu.wait_dma2 semaphore(%run_scoped3A : memref<!tpu.dma_semaphore, #tpu.memory_space<semaphore_mem>>) src(%dma_wait3A_204 : memref<27x96xi32, #tpu.memory_space<hbm>>) dst(%arg6 : memref<27x96xi32, #tpu.memory_space<vmem>>)
      tpu.yield
    }) : () -> ()
    "tpu.region"() ({
      %run_scoped3A = tpu.sem_alloc : memref<!tpu.dma_semaphore, #tpu.memory_space<semaphore_mem>>
      %dma_start3A_190 = arith.constant 0 : i32
      %dma_start3A_191 = arith.constant 0 : i32
      %dma_start3A_192 = tpu.memref_slice %arg3[%add3A_24, %dma_start3A_190, %dma_start3A_191] : memref<128x27x96xi32, #tpu.memory_space<hbm>> -> memref<1x27x96xi32, #tpu.memory_space<hbm>>
      %dma_start3A_193 = tpu.memref_squeeze %dma_start3A_192 : memref<1x27x96xi32, #tpu.memory_space<hbm>> -> memref<27x96xi32, #tpu.memory_space<hbm>>
      %dma_start3A_194 = arith.constant 0 : i32
      %dma_start3A_195 = arith.constant 0 : i32
      %dma_start3A_196 = tpu.memref_slice %arg3[%add3A_24, %dma_start3A_194, %dma_start3A_195] : memref<128x27x96xi32, #tpu.memory_space<hbm>> -> memref<1x27x96xi32, #tpu.memory_space<hbm>>
      %dma_start3A_197 = tpu.memref_squeeze %dma_start3A_196 : memref<1x27x96xi32, #tpu.memory_space<hbm>> -> memref<27x96xi32, #tpu.memory_space<hbm>>
      tpu.enqueue_dma source(%dma_start3A_197 : memref<27x96xi32, #tpu.memory_space<hbm>>) target(%arg7 : memref<27x96xi32, #tpu.memory_space<vmem>>) target_semaphore(%run_scoped3A : memref<!tpu.dma_semaphore, #tpu.memory_space<semaphore_mem>>)
      %dma_wait3A = arith.constant 0 : i32
      %dma_wait3A_198 = arith.constant 0 : i32
      %dma_wait3A_199 = tpu.memref_slice %arg3[%add3A_24, %dma_wait3A, %dma_wait3A_198] : memref<128x27x96xi32, #tpu.memory_space<hbm>> -> memref<1x27x96xi32, #tpu.memory_space<hbm>>
      %dma_wait3A_200 = tpu.memref_squeeze %dma_wait3A_199 : memref<1x27x96xi32, #tpu.memory_space<hbm>> -> memref<27x96xi32, #tpu.memory_space<hbm>>
      %dma_wait3A_201 = arith.constant 0 : i32
      %dma_wait3A_202 = arith.constant 0 : i32
      %dma_wait3A_203 = tpu.memref_slice %arg3[%add3A_24, %dma_wait3A_201, %dma_wait3A_202] : memref<128x27x96xi32, #tpu.memory_space<hbm>> -> memref<1x27x96xi32, #tpu.memory_space<hbm>>
      %dma_wait3A_204 = tpu.memref_squeeze %dma_wait3A_203 : memref<1x27x96xi32, #tpu.memory_space<hbm>> -> memref<27x96xi32, #tpu.memory_space<hbm>>
      tpu.wait_dma2 semaphore(%run_scoped3A : memref<!tpu.dma_semaphore, #tpu.memory_space<semaphore_mem>>) src(%dma_wait3A_204 : memref<27x96xi32, #tpu.memory_space<hbm>>) dst(%arg7 : memref<27x96xi32, #tpu.memory_space<vmem>>)
      tpu.yield
    }) : () -> ()
    %dma_start3A = arith.constant 0 : i32
    %dma_start3A_25 = arith.constant 0 : i32
    %dma_start3A_26 = tpu.memref_slice %arg7[%dma_start3A, %dma_start3A_25] : memref<27x96xi32, #tpu.memory_space<vmem>> -> memref<1x96xi32, #tpu.memory_space<vmem>>
    %dma_start3A_27 = tpu.memref_squeeze %dma_start3A_26 : memref<1x96xi32, #tpu.memory_space<vmem>> -> memref<96xi32, #tpu.memory_space<vmem>>
    %dma_start3A_28 = arith.constant 0 : i32
    %dma_start3A_29 = arith.constant 0 : i32
    %dma_start3A_30 = tpu.memref_slice %arg2[%dma_start3A_28, %dma_start3A_29] : memref<10000x128xf32, #tpu.memory_space<hbm>> -> memref<10000x128xf32, #tpu.memory_space<hbm>>
    tpu.enqueue_indirect_dma source(%dma_start3A_30 : memref<10000x128xf32, #tpu.memory_space<hbm>>) target(%arg8 : memref<96x128xf32, #tpu.memory_space<vmem>>) offsets(%dma_start3A_27 : memref<96xi32, #tpu.memory_space<vmem>>) semaphore(%arg11 : memref<!tpu.dma_semaphore, #tpu.memory_space<semaphore_mem>>)
    %dma_start3A_31 = arith.constant 1 : i32
    %dma_start3A_32 = arith.constant 0 : i32
    %dma_start3A_33 = tpu.memref_slice %arg7[%dma_start3A_31, %dma_start3A_32] : memref<27x96xi32, #tpu.memory_space<vmem>> -> memref<1x96xi32, #tpu.memory_space<vmem>>
    %dma_start3A_34 = tpu.memref_squeeze %dma_start3A_33 : memref<1x96xi32, #tpu.memory_space<vmem>> -> memref<96xi32, #tpu.memory_space<vmem>>
    %dma_start3A_35 = arith.constant 0 : i32
    %dma_start3A_36 = arith.constant 0 : i32
    %dma_start3A_37 = tpu.memref_slice %arg2[%dma_start3A_35, %dma_start3A_36] : memref<10000x128xf32, #tpu.memory_space<hbm>> -> memref<10000x128xf32, #tpu.memory_space<hbm>>
    tpu.enqueue_indirect_dma source(%dma_start3A_37 : memref<10000x128xf32, #tpu.memory_space<hbm>>) target(%arg9 : memref<96x128xf32, #tpu.memory_space<vmem>>) offsets(%dma_start3A_34 : memref<96xi32, #tpu.memory_space<vmem>>) semaphore(%arg12 : memref<!tpu.dma_semaphore, #tpu.memory_space<semaphore_mem>>)
    %dma_start3A_38 = arith.constant 2 : i32
    %dma_start3A_39 = arith.constant 0 : i32
    %dma_start3A_40 = tpu.memref_slice %arg7[%dma_start3A_38, %dma_start3A_39] : memref<27x96xi32, #tpu.memory_space<vmem>> -> memref<1x96xi32, #tpu.memory_space<vmem>>
    %dma_start3A_41 = tpu.memref_squeeze %dma_start3A_40 : memref<1x96xi32, #tpu.memory_space<vmem>> -> memref<96xi32, #tpu.memory_space<vmem>>
    %dma_start3A_42 = arith.constant 0 : i32
    %dma_start3A_43 = arith.constant 0 : i32
    %dma_start3A_44 = tpu.memref_slice %arg2[%dma_start3A_42, %dma_start3A_43] : memref<10000x128xf32, #tpu.memory_space<hbm>> -> memref<10000x128xf32, #tpu.memory_space<hbm>>
    tpu.enqueue_indirect_dma source(%dma_start3A_44 : memref<10000x128xf32, #tpu.memory_space<hbm>>) target(%arg10 : memref<96x128xf32, #tpu.memory_space<vmem>>) offsets(%dma_start3A_41 : memref<96xi32, #tpu.memory_space<vmem>>) semaphore(%arg13 : memref<!tpu.dma_semaphore, #tpu.memory_space<semaphore_mem>>)
    %scan3A_45 = arith.constant 0 : i32
    %scan3A_46 = arith.constant 9 : i32
    %scan3A_47 = arith.addi %scan3A_45, %scan3A_46 : i32
    %scan3A_48 = arith.constant 1 : i32
    scf.for %scan3A_190 = %scan3A_45 to %scan3A_47 step %scan3A_48  : i32 {
      %mul3A_191 = arith.constant 1 : i32
      %mul3A_192 = arith.muli %scan3A_190, %mul3A_191 : i32
      %add3A_193 = arith.constant 0 : i32
      %add3A_194 = arith.addi %add3A_193, %mul3A_192 : i32
      %mul3A_195 = arith.constant 3 : i32
      %mul3A_196 = arith.muli %add3A_194, %mul3A_195 : i32
      %add3A_197 = arith.constant 0 : i32
      %add3A_198 = arith.addi %mul3A_196, %add3A_197 : i32
      %dma_wait3A = arith.constant 0 : i32
      %dma_wait3A_199 = arith.constant 0 : i32
      %dma_wait3A_200 = tpu.memref_slice %arg2[%dma_wait3A, %dma_wait3A_199] : memref<10000x128xf32, #tpu.memory_space<hbm>> -> memref<96x128xf32, #tpu.memory_space<hbm>>
      %dma_wait3A_201 = arith.constant 0 : i32
      %dma_wait3A_202 = arith.constant 0 : i32
      %dma_wait3A_203 = tpu.memref_slice %arg2[%dma_wait3A_201, %dma_wait3A_202] : memref<10000x128xf32, #tpu.memory_space<hbm>> -> memref<96x128xf32, #tpu.memory_space<hbm>>
      tpu.wait_dma2 semaphore(%arg11 : memref<!tpu.dma_semaphore, #tpu.memory_space<semaphore_mem>>) src(%dma_wait3A_203 : memref<96x128xf32, #tpu.memory_space<hbm>>) dst(%arg8 : memref<96x128xf32, #tpu.memory_space<vmem>>)
      %dma_start3A_204 = arith.constant 0 : i32
      %dma_start3A_205 = tpu.memref_slice %arg6[%add3A_198, %dma_start3A_204] : memref<27x96xi32, #tpu.memory_space<vmem>> -> memref<1x96xi32, #tpu.memory_space<vmem>>
      %dma_start3A_206 = tpu.memref_squeeze %dma_start3A_205 : memref<1x96xi32, #tpu.memory_space<vmem>> -> memref<96xi32, #tpu.memory_space<vmem>>
      %dma_start3A_207 = arith.constant 0 : i32
      %dma_start3A_208 = arith.constant 0 : i32
      %dma_start3A_209 = tpu.memref_slice %arg17[%dma_start3A_207, %dma_start3A_208] : memref<10112x128xf32, #tpu.memory_space<vmem_shared>> -> memref<10112x128xf32, #tpu.memory_space<vmem_shared>>
      tpu.enqueue_indirect_dma source(%arg8 : memref<96x128xf32, #tpu.memory_space<vmem>>) target(%dma_start3A_209 : memref<10112x128xf32, #tpu.memory_space<vmem_shared>>) offsets(%dma_start3A_206 : memref<96xi32, #tpu.memory_space<vmem>>) semaphore(%arg14 : memref<!tpu.dma_semaphore, #tpu.memory_space<semaphore_mem>>) {add = true}
      %dma_wait3A_210 = arith.constant 0 : i32
      %dma_wait3A_211 = arith.constant 0 : i32
      %dma_wait3A_212 = tpu.memref_slice %arg17[%dma_wait3A_210, %dma_wait3A_211] : memref<10112x128xf32, #tpu.memory_space<vmem_shared>> -> memref<96x128xf32, #tpu.memory_space<vmem_shared>>
      %dma_wait3A_213 = arith.constant 0 : i32
      %dma_wait3A_214 = arith.constant 0 : i32
      %dma_wait3A_215 = tpu.memref_slice %arg17[%dma_wait3A_213, %dma_wait3A_214] : memref<10112x128xf32, #tpu.memory_space<vmem_shared>> -> memref<96x128xf32, #tpu.memory_space<vmem_shared>>
      tpu.wait_dma2 semaphore(%arg14 : memref<!tpu.dma_semaphore, #tpu.memory_space<semaphore_mem>>) src(%arg8 : memref<96x128xf32, #tpu.memory_space<vmem>>) dst(%dma_wait3A_215 : memref<96x128xf32, #tpu.memory_space<vmem_shared>>)
      %add3A_216 = arith.constant 3 : i32
      %add3A_217 = arith.addi %add3A_198, %add3A_216 : i32
      %lt3A = arith.constant 27 : i32
      %lt3A_218 = arith.cmpi slt, %add3A_217, %lt3A : i32
      %convert_element_type3A = arith.extui %lt3A_218 : i1 to i32
      %cond3A = arith.constant 0 : i32
      %cond3A_219 = arith.cmpi ne, %convert_element_type3A, %cond3A : i32
      scf.if %cond3A_219 {
        %add3A_274 = arith.constant 3 : i32
        %add3A_275 = arith.addi %add3A_198, %add3A_274 : i32
        %dma_start3A_276 = arith.constant 0 : i32
        %dma_start3A_277 = tpu.memref_slice %arg7[%add3A_275, %dma_start3A_276] : memref<27x96xi32, #tpu.memory_space<vmem>> -> memref<1x96xi32, #tpu.memory_space<vmem>>
        %dma_start3A_278 = tpu.memref_squeeze %dma_start3A_277 : memref<1x96xi32, #tpu.memory_space<vmem>> -> memref<96xi32, #tpu.memory_space<vmem>>
        %dma_start3A_279 = arith.constant 0 : i32
        %dma_start3A_280 = arith.constant 0 : i32
        %dma_start3A_281 = tpu.memref_slice %arg2[%dma_start3A_279, %dma_start3A_280] : memref<10000x128xf32, #tpu.memory_space<hbm>> -> memref<10000x128xf32, #tpu.memory_space<hbm>>
        tpu.enqueue_indirect_dma source(%dma_start3A_281 : memref<10000x128xf32, #tpu.memory_space<hbm>>) target(%arg8 : memref<96x128xf32, #tpu.memory_space<vmem>>) offsets(%dma_start3A_278 : memref<96xi32, #tpu.memory_space<vmem>>) semaphore(%arg11 : memref<!tpu.dma_semaphore, #tpu.memory_space<semaphore_mem>>)
      } else {
      }
      %add3A_220 = arith.constant 1 : i32
      %add3A_221 = arith.addi %mul3A_196, %add3A_220 : i32
      %dma_wait3A_222 = arith.constant 0 : i32
      %dma_wait3A_223 = arith.constant 0 : i32
      %dma_wait3A_224 = tpu.memref_slice %arg2[%dma_wait3A_222, %dma_wait3A_223] : memref<10000x128xf32, #tpu.memory_space<hbm>> -> memref<96x128xf32, #tpu.memory_space<hbm>>
      %dma_wait3A_225 = arith.constant 0 : i32
      %dma_wait3A_226 = arith.constant 0 : i32
      %dma_wait3A_227 = tpu.memref_slice %arg2[%dma_wait3A_225, %dma_wait3A_226] : memref<10000x128xf32, #tpu.memory_space<hbm>> -> memref<96x128xf32, #tpu.memory_space<hbm>>
      tpu.wait_dma2 semaphore(%arg12 : memref<!tpu.dma_semaphore, #tpu.memory_space<semaphore_mem>>) src(%dma_wait3A_227 : memref<96x128xf32, #tpu.memory_space<hbm>>) dst(%arg9 : memref<96x128xf32, #tpu.memory_space<vmem>>)
      %dma_start3A_228 = arith.constant 0 : i32
      %dma_start3A_229 = tpu.memref_slice %arg6[%add3A_221, %dma_start3A_228] : memref<27x96xi32, #tpu.memory_space<vmem>> -> memref<1x96xi32, #tpu.memory_space<vmem>>
      %dma_start3A_230 = tpu.memref_squeeze %dma_start3A_229 : memref<1x96xi32, #tpu.memory_space<vmem>> -> memref<96xi32, #tpu.memory_space<vmem>>
      %dma_start3A_231 = arith.constant 0 : i32
      %dma_start3A_232 = arith.constant 0 : i32
      %dma_start3A_233 = tpu.memref_slice %arg17[%dma_start3A_231, %dma_start3A_232] : memref<10112x128xf32, #tpu.memory_space<vmem_shared>> -> memref<10112x128xf32, #tpu.memory_space<vmem_shared>>
      tpu.enqueue_indirect_dma source(%arg9 : memref<96x128xf32, #tpu.memory_space<vmem>>) target(%dma_start3A_233 : memref<10112x128xf32, #tpu.memory_space<vmem_shared>>) offsets(%dma_start3A_230 : memref<96xi32, #tpu.memory_space<vmem>>) semaphore(%arg15 : memref<!tpu.dma_semaphore, #tpu.memory_space<semaphore_mem>>) {add = true}
      %dma_wait3A_234 = arith.constant 0 : i32
      %dma_wait3A_235 = arith.constant 0 : i32
      %dma_wait3A_236 = tpu.memref_slice %arg17[%dma_wait3A_234, %dma_wait3A_235] : memref<10112x128xf32, #tpu.memory_space<vmem_shared>> -> memref<96x128xf32, #tpu.memory_space<vmem_shared>>
      %dma_wait3A_237 = arith.constant 0 : i32
      %dma_wait3A_238 = arith.constant 0 : i32
      %dma_wait3A_239 = tpu.memref_slice %arg17[%dma_wait3A_237, %dma_wait3A_238] : memref<10112x128xf32, #tpu.memory_space<vmem_shared>> -> memref<96x128xf32, #tpu.memory_space<vmem_shared>>
      tpu.wait_dma2 semaphore(%arg15 : memref<!tpu.dma_semaphore, #tpu.memory_space<semaphore_mem>>) src(%arg9 : memref<96x128xf32, #tpu.memory_space<vmem>>) dst(%dma_wait3A_239 : memref<96x128xf32, #tpu.memory_space<vmem_shared>>)
      %add3A_240 = arith.constant 3 : i32
      %add3A_241 = arith.addi %add3A_221, %add3A_240 : i32
      %lt3A_242 = arith.constant 27 : i32
      %lt3A_243 = arith.cmpi slt, %add3A_241, %lt3A_242 : i32
      %convert_element_type3A_244 = arith.extui %lt3A_243 : i1 to i32
      %cond3A_245 = arith.constant 0 : i32
      %cond3A_246 = arith.cmpi ne, %convert_element_type3A_244, %cond3A_245 : i32
      scf.if %cond3A_246 {
        %add3A_274 = arith.constant 3 : i32
        %add3A_275 = arith.addi %add3A_221, %add3A_274 : i32
        %dma_start3A_276 = arith.constant 0 : i32
        %dma_start3A_277 = tpu.memref_slice %arg7[%add3A_275, %dma_start3A_276] : memref<27x96xi32, #tpu.memory_space<vmem>> -> memref<1x96xi32, #tpu.memory_space<vmem>>
        %dma_start3A_278 = tpu.memref_squeeze %dma_start3A_277 : memref<1x96xi32, #tpu.memory_space<vmem>> -> memref<96xi32, #tpu.memory_space<vmem>>
        %dma_start3A_279 = arith.constant 0 : i32
        %dma_start3A_280 = arith.constant 0 : i32
        %dma_start3A_281 = tpu.memref_slice %arg2[%dma_start3A_279, %dma_start3A_280] : memref<10000x128xf32, #tpu.memory_space<hbm>> -> memref<10000x128xf32, #tpu.memory_space<hbm>>
        tpu.enqueue_indirect_dma source(%dma_start3A_281 : memref<10000x128xf32, #tpu.memory_space<hbm>>) target(%arg9 : memref<96x128xf32, #tpu.memory_space<vmem>>) offsets(%dma_start3A_278 : memref<96xi32, #tpu.memory_space<vmem>>) semaphore(%arg12 : memref<!tpu.dma_semaphore, #tpu.memory_space<semaphore_mem>>)
      } else {
      }
      %add3A_247 = arith.constant 2 : i32
      %add3A_248 = arith.addi %mul3A_196, %add3A_247 : i32
      %dma_wait3A_249 = arith.constant 0 : i32
      %dma_wait3A_250 = arith.constant 0 : i32
      %dma_wait3A_251 = tpu.memref_slice %arg2[%dma_wait3A_249, %dma_wait3A_250] : memref<10000x128xf32, #tpu.memory_space<hbm>> -> memref<96x128xf32, #tpu.memory_space<hbm>>
      %dma_wait3A_252 = arith.constant 0 : i32
      %dma_wait3A_253 = arith.constant 0 : i32
      %dma_wait3A_254 = tpu.memref_slice %arg2[%dma_wait3A_252, %dma_wait3A_253] : memref<10000x128xf32, #tpu.memory_space<hbm>> -> memref<96x128xf32, #tpu.memory_space<hbm>>
      tpu.wait_dma2 semaphore(%arg13 : memref<!tpu.dma_semaphore, #tpu.memory_space<semaphore_mem>>) src(%dma_wait3A_254 : memref<96x128xf32, #tpu.memory_space<hbm>>) dst(%arg10 : memref<96x128xf32, #tpu.memory_space<vmem>>)
      %dma_start3A_255 = arith.constant 0 : i32
      %dma_start3A_256 = tpu.memref_slice %arg6[%add3A_248, %dma_start3A_255] : memref<27x96xi32, #tpu.memory_space<vmem>> -> memref<1x96xi32, #tpu.memory_space<vmem>>
      %dma_start3A_257 = tpu.memref_squeeze %dma_start3A_256 : memref<1x96xi32, #tpu.memory_space<vmem>> -> memref<96xi32, #tpu.memory_space<vmem>>
      %dma_start3A_258 = arith.constant 0 : i32
      %dma_start3A_259 = arith.constant 0 : i32
      %dma_start3A_260 = tpu.memref_slice %arg17[%dma_start3A_258, %dma_start3A_259] : memref<10112x128xf32, #tpu.memory_space<vmem_shared>> -> memref<10112x128xf32, #tpu.memory_space<vmem_shared>>
      tpu.enqueue_indirect_dma source(%arg10 : memref<96x128xf32, #tpu.memory_space<vmem>>) target(%dma_start3A_260 : memref<10112x128xf32, #tpu.memory_space<vmem_shared>>) offsets(%dma_start3A_257 : memref<96xi32, #tpu.memory_space<vmem>>) semaphore(%arg16 : memref<!tpu.dma_semaphore, #tpu.memory_space<semaphore_mem>>) {add = true}
      %dma_wait3A_261 = arith.constant 0 : i32
      %dma_wait3A_262 = arith.constant 0 : i32
      %dma_wait3A_263 = tpu.memref_slice %arg17[%dma_wait3A_261, %dma_wait3A_262] : memref<10112x128xf32, #tpu.memory_space<vmem_shared>> -> memref<96x128xf32, #tpu.memory_space<vmem_shared>>
      %dma_wait3A_264 = arith.constant 0 : i32
      %dma_wait3A_265 = arith.constant 0 : i32
      %dma_wait3A_266 = tpu.memref_slice %arg17[%dma_wait3A_264, %dma_wait3A_265] : memref<10112x128xf32, #tpu.memory_space<vmem_shared>> -> memref<96x128xf32, #tpu.memory_space<vmem_shared>>
      tpu.wait_dma2 semaphore(%arg16 : memref<!tpu.dma_semaphore, #tpu.memory_space<semaphore_mem>>) src(%arg10 : memref<96x128xf32, #tpu.memory_space<vmem>>) dst(%dma_wait3A_266 : memref<96x128xf32, #tpu.memory_space<vmem_shared>>)
      %add3A_267 = arith.constant 3 : i32
      %add3A_268 = arith.addi %add3A_248, %add3A_267 : i32
      %lt3A_269 = arith.constant 27 : i32
      %lt3A_270 = arith.cmpi slt, %add3A_268, %lt3A_269 : i32
      %convert_element_type3A_271 = arith.extui %lt3A_270 : i1 to i32
      %cond3A_272 = arith.constant 0 : i32
      %cond3A_273 = arith.cmpi ne, %convert_element_type3A_271, %cond3A_272 : i32
      scf.if %cond3A_273 {
        %add3A_274 = arith.constant 3 : i32
        %add3A_275 = arith.addi %add3A_248, %add3A_274 : i32
        %dma_start3A_276 = arith.constant 0 : i32
        %dma_start3A_277 = tpu.memref_slice %arg7[%add3A_275, %dma_start3A_276] : memref<27x96xi32, #tpu.memory_space<vmem>> -> memref<1x96xi32, #tpu.memory_space<vmem>>
        %dma_start3A_278 = tpu.memref_squeeze %dma_start3A_277 : memref<1x96xi32, #tpu.memory_space<vmem>> -> memref<96xi32, #tpu.memory_space<vmem>>
        %dma_start3A_279 = arith.constant 0 : i32
        %dma_start3A_280 = arith.constant 0 : i32
        %dma_start3A_281 = tpu.memref_slice %arg2[%dma_start3A_279, %dma_start3A_280] : memref<10000x128xf32, #tpu.memory_space<hbm>> -> memref<10000x128xf32, #tpu.memory_space<hbm>>
        tpu.enqueue_indirect_dma source(%dma_start3A_281 : memref<10000x128xf32, #tpu.memory_space<hbm>>) target(%arg10 : memref<96x128xf32, #tpu.memory_space<vmem>>) offsets(%dma_start3A_278 : memref<96xi32, #tpu.memory_space<vmem>>) semaphore(%arg13 : memref<!tpu.dma_semaphore, #tpu.memory_space<semaphore_mem>>)
      } else {
      }
    }
    %scan3A_49 = arith.constant 9 : i32
    %mul3A_50 = arith.constant 4 : i32
    %mul3A_51 = arith.muli %add3A, %mul3A_50 : i32
    %add3A_52 = arith.constant 1 : i32
    %add3A_53 = arith.addi %mul3A_51, %add3A_52 : i32
    "tpu.region"() ({
      %run_scoped3A = tpu.sem_alloc : memref<!tpu.dma_semaphore, #tpu.memory_space<semaphore_mem>>
      %dma_start3A_190 = arith.constant 0 : i32
      %dma_start3A_191 = arith.constant 0 : i32
      %dma_start3A_192 = tpu.memref_slice %arg4[%add3A_53, %dma_start3A_190, %dma_start3A_191] : memref<128x27x96xi32, #tpu.memory_space<hbm>> -> memref<1x27x96xi32, #tpu.memory_space<hbm>>
      %dma_start3A_193 = tpu.memref_squeeze %dma_start3A_192 : memref<1x27x96xi32, #tpu.memory_space<hbm>> -> memref<27x96xi32, #tpu.memory_space<hbm>>
      %dma_start3A_194 = arith.constant 0 : i32
      %dma_start3A_195 = arith.constant 0 : i32
      %dma_start3A_196 = tpu.memref_slice %arg4[%add3A_53, %dma_start3A_194, %dma_start3A_195] : memref<128x27x96xi32, #tpu.memory_space<hbm>> -> memref<1x27x96xi32, #tpu.memory_space<hbm>>
      %dma_start3A_197 = tpu.memref_squeeze %dma_start3A_196 : memref<1x27x96xi32, #tpu.memory_space<hbm>> -> memref<27x96xi32, #tpu.memory_space<hbm>>
      tpu.enqueue_dma source(%dma_start3A_197 : memref<27x96xi32, #tpu.memory_space<hbm>>) target(%arg6 : memref<27x96xi32, #tpu.memory_space<vmem>>) target_semaphore(%run_scoped3A : memref<!tpu.dma_semaphore, #tpu.memory_space<semaphore_mem>>)
      %dma_wait3A = arith.constant 0 : i32
      %dma_wait3A_198 = arith.constant 0 : i32
      %dma_wait3A_199 = tpu.memref_slice %arg4[%add3A_53, %dma_wait3A, %dma_wait3A_198] : memref<128x27x96xi32, #tpu.memory_space<hbm>> -> memref<1x27x96xi32, #tpu.memory_space<hbm>>
      %dma_wait3A_200 = tpu.memref_squeeze %dma_wait3A_199 : memref<1x27x96xi32, #tpu.memory_space<hbm>> -> memref<27x96xi32, #tpu.memory_space<hbm>>
      %dma_wait3A_201 = arith.constant 0 : i32
      %dma_wait3A_202 = arith.constant 0 : i32
      %dma_wait3A_203 = tpu.memref_slice %arg4[%add3A_53, %dma_wait3A_201, %dma_wait3A_202] : memref<128x27x96xi32, #tpu.memory_space<hbm>> -> memref<1x27x96xi32, #tpu.memory_space<hbm>>
      %dma_wait3A_204 = tpu.memref_squeeze %dma_wait3A_203 : memref<1x27x96xi32, #tpu.memory_space<hbm>> -> memref<27x96xi32, #tpu.memory_space<hbm>>
      tpu.wait_dma2 semaphore(%run_scoped3A : memref<!tpu.dma_semaphore, #tpu.memory_space<semaphore_mem>>) src(%dma_wait3A_204 : memref<27x96xi32, #tpu.memory_space<hbm>>) dst(%arg6 : memref<27x96xi32, #tpu.memory_space<vmem>>)
      tpu.yield
    }) : () -> ()
    "tpu.region"() ({
      %run_scoped3A = tpu.sem_alloc : memref<!tpu.dma_semaphore, #tpu.memory_space<semaphore_mem>>
      %dma_start3A_190 = arith.constant 0 : i32
      %dma_start3A_191 = arith.constant 0 : i32
      %dma_start3A_192 = tpu.memref_slice %arg3[%add3A_53, %dma_start3A_190, %dma_start3A_191] : memref<128x27x96xi32, #tpu.memory_space<hbm>> -> memref<1x27x96xi32, #tpu.memory_space<hbm>>
      %dma_start3A_193 = tpu.memref_squeeze %dma_start3A_192 : memref<1x27x96xi32, #tpu.memory_space<hbm>> -> memref<27x96xi32, #tpu.memory_space<hbm>>
      %dma_start3A_194 = arith.constant 0 : i32
      %dma_start3A_195 = arith.constant 0 : i32
      %dma_start3A_196 = tpu.memref_slice %arg3[%add3A_53, %dma_start3A_194, %dma_start3A_195] : memref<128x27x96xi32, #tpu.memory_space<hbm>> -> memref<1x27x96xi32, #tpu.memory_space<hbm>>
      %dma_start3A_197 = tpu.memref_squeeze %dma_start3A_196 : memref<1x27x96xi32, #tpu.memory_space<hbm>> -> memref<27x96xi32, #tpu.memory_space<hbm>>
      tpu.enqueue_dma source(%dma_start3A_197 : memref<27x96xi32, #tpu.memory_space<hbm>>) target(%arg7 : memref<27x96xi32, #tpu.memory_space<vmem>>) target_semaphore(%run_scoped3A : memref<!tpu.dma_semaphore, #tpu.memory_space<semaphore_mem>>)
      %dma_wait3A = arith.constant 0 : i32
      %dma_wait3A_198 = arith.constant 0 : i32
      %dma_wait3A_199 = tpu.memref_slice %arg3[%add3A_53, %dma_wait3A, %dma_wait3A_198] : memref<128x27x96xi32, #tpu.memory_space<hbm>> -> memref<1x27x96xi32, #tpu.memory_space<hbm>>
      %dma_wait3A_200 = tpu.memref_squeeze %dma_wait3A_199 : memref<1x27x96xi32, #tpu.memory_space<hbm>> -> memref<27x96xi32, #tpu.memory_space<hbm>>
      %dma_wait3A_201 = arith.constant 0 : i32
      %dma_wait3A_202 = arith.constant 0 : i32
      %dma_wait3A_203 = tpu.memref_slice %arg3[%add3A_53, %dma_wait3A_201, %dma_wait3A_202] : memref<128x27x96xi32, #tpu.memory_space<hbm>> -> memref<1x27x96xi32, #tpu.memory_space<hbm>>
      %dma_wait3A_204 = tpu.memref_squeeze %dma_wait3A_203 : memref<1x27x96xi32, #tpu.memory_space<hbm>> -> memref<27x96xi32, #tpu.memory_space<hbm>>
      tpu.wait_dma2 semaphore(%run_scoped3A : memref<!tpu.dma_semaphore, #tpu.memory_space<semaphore_mem>>) src(%dma_wait3A_204 : memref<27x96xi32, #tpu.memory_space<hbm>>) dst(%arg7 : memref<27x96xi32, #tpu.memory_space<vmem>>)
      tpu.yield
    }) : () -> ()
    %dma_start3A_54 = arith.constant 0 : i32
    %dma_start3A_55 = arith.constant 0 : i32
    %dma_start3A_56 = tpu.memref_slice %arg7[%dma_start3A_54, %dma_start3A_55] : memref<27x96xi32, #tpu.memory_space<vmem>> -> memref<1x96xi32, #tpu.memory_space<vmem>>
    %dma_start3A_57 = tpu.memref_squeeze %dma_start3A_56 : memref<1x96xi32, #tpu.memory_space<vmem>> -> memref<96xi32, #tpu.memory_space<vmem>>
    %dma_start3A_58 = arith.constant 0 : i32
    %dma_start3A_59 = arith.constant 0 : i32
    %dma_start3A_60 = tpu.memref_slice %arg2[%dma_start3A_58, %dma_start3A_59] : memref<10000x128xf32, #tpu.memory_space<hbm>> -> memref<10000x128xf32, #tpu.memory_space<hbm>>
    tpu.enqueue_indirect_dma source(%dma_start3A_60 : memref<10000x128xf32, #tpu.memory_space<hbm>>) target(%arg8 : memref<96x128xf32, #tpu.memory_space<vmem>>) offsets(%dma_start3A_57 : memref<96xi32, #tpu.memory_space<vmem>>) semaphore(%arg11 : memref<!tpu.dma_semaphore, #tpu.memory_space<semaphore_mem>>)
    %dma_start3A_61 = arith.constant 1 : i32
    %dma_start3A_62 = arith.constant 0 : i32
    %dma_start3A_63 = tpu.memref_slice %arg7[%dma_start3A_61, %dma_start3A_62] : memref<27x96xi32, #tpu.memory_space<vmem>> -> memref<1x96xi32, #tpu.memory_space<vmem>>
    %dma_start3A_64 = tpu.memref_squeeze %dma_start3A_63 : memref<1x96xi32, #tpu.memory_space<vmem>> -> memref<96xi32, #tpu.memory_space<vmem>>
    %dma_start3A_65 = arith.constant 0 : i32
    %dma_start3A_66 = arith.constant 0 : i32
    %dma_start3A_67 = tpu.memref_slice %arg2[%dma_start3A_65, %dma_start3A_66] : memref<10000x128xf32, #tpu.memory_space<hbm>> -> memref<10000x128xf32, #tpu.memory_space<hbm>>
    tpu.enqueue_indirect_dma source(%dma_start3A_67 : memref<10000x128xf32, #tpu.memory_space<hbm>>) target(%arg9 : memref<96x128xf32, #tpu.memory_space<vmem>>) offsets(%dma_start3A_64 : memref<96xi32, #tpu.memory_space<vmem>>) semaphore(%arg12 : memref<!tpu.dma_semaphore, #tpu.memory_space<semaphore_mem>>)
    %dma_start3A_68 = arith.constant 2 : i32
    %dma_start3A_69 = arith.constant 0 : i32
    %dma_start3A_70 = tpu.memref_slice %arg7[%dma_start3A_68, %dma_start3A_69] : memref<27x96xi32, #tpu.memory_space<vmem>> -> memref<1x96xi32, #tpu.memory_space<vmem>>
    %dma_start3A_71 = tpu.memref_squeeze %dma_start3A_70 : memref<1x96xi32, #tpu.memory_space<vmem>> -> memref<96xi32, #tpu.memory_space<vmem>>
    %dma_start3A_72 = arith.constant 0 : i32
    %dma_start3A_73 = arith.constant 0 : i32
    %dma_start3A_74 = tpu.memref_slice %arg2[%dma_start3A_72, %dma_start3A_73] : memref<10000x128xf32, #tpu.memory_space<hbm>> -> memref<10000x128xf32, #tpu.memory_space<hbm>>
    tpu.enqueue_indirect_dma source(%dma_start3A_74 : memref<10000x128xf32, #tpu.memory_space<hbm>>) target(%arg10 : memref<96x128xf32, #tpu.memory_space<vmem>>) offsets(%dma_start3A_71 : memref<96xi32, #tpu.memory_space<vmem>>) semaphore(%arg13 : memref<!tpu.dma_semaphore, #tpu.memory_space<semaphore_mem>>)
    %scan3A_75 = arith.constant 0 : i32
    %scan3A_76 = arith.constant 9 : i32
    %scan3A_77 = arith.addi %scan3A_75, %scan3A_76 : i32
    %scan3A_78 = arith.constant 1 : i32
    scf.for %scan3A_190 = %scan3A_75 to %scan3A_77 step %scan3A_78  : i32 {
      %mul3A_191 = arith.constant 1 : i32
      %mul3A_192 = arith.muli %scan3A_190, %mul3A_191 : i32
      %add3A_193 = arith.constant 0 : i32
      %add3A_194 = arith.addi %add3A_193, %mul3A_192 : i32
      %mul3A_195 = arith.constant 3 : i32
      %mul3A_196 = arith.muli %add3A_194, %mul3A_195 : i32
      %add3A_197 = arith.constant 0 : i32
      %add3A_198 = arith.addi %mul3A_196, %add3A_197 : i32
      %dma_wait3A = arith.constant 0 : i32
      %dma_wait3A_199 = arith.constant 0 : i32
      %dma_wait3A_200 = tpu.memref_slice %arg2[%dma_wait3A, %dma_wait3A_199] : memref<10000x128xf32, #tpu.memory_space<hbm>> -> memref<96x128xf32, #tpu.memory_space<hbm>>
      %dma_wait3A_201 = arith.constant 0 : i32
      %dma_wait3A_202 = arith.constant 0 : i32
      %dma_wait3A_203 = tpu.memref_slice %arg2[%dma_wait3A_201, %dma_wait3A_202] : memref<10000x128xf32, #tpu.memory_space<hbm>> -> memref<96x128xf32, #tpu.memory_space<hbm>>
      tpu.wait_dma2 semaphore(%arg11 : memref<!tpu.dma_semaphore, #tpu.memory_space<semaphore_mem>>) src(%dma_wait3A_203 : memref<96x128xf32, #tpu.memory_space<hbm>>) dst(%arg8 : memref<96x128xf32, #tpu.memory_space<vmem>>)
      %dma_start3A_204 = arith.constant 0 : i32
      %dma_start3A_205 = tpu.memref_slice %arg6[%add3A_198, %dma_start3A_204] : memref<27x96xi32, #tpu.memory_space<vmem>> -> memref<1x96xi32, #tpu.memory_space<vmem>>
      %dma_start3A_206 = tpu.memref_squeeze %dma_start3A_205 : memref<1x96xi32, #tpu.memory_space<vmem>> -> memref<96xi32, #tpu.memory_space<vmem>>
      %dma_start3A_207 = arith.constant 0 : i32
      %dma_start3A_208 = arith.constant 0 : i32
      %dma_start3A_209 = tpu.memref_slice %arg17[%dma_start3A_207, %dma_start3A_208] : memref<10112x128xf32, #tpu.memory_space<vmem_shared>> -> memref<10112x128xf32, #tpu.memory_space<vmem_shared>>
      tpu.enqueue_indirect_dma source(%arg8 : memref<96x128xf32, #tpu.memory_space<vmem>>) target(%dma_start3A_209 : memref<10112x128xf32, #tpu.memory_space<vmem_shared>>) offsets(%dma_start3A_206 : memref<96xi32, #tpu.memory_space<vmem>>) semaphore(%arg14 : memref<!tpu.dma_semaphore, #tpu.memory_space<semaphore_mem>>) {add = true}
      %dma_wait3A_210 = arith.constant 0 : i32
      %dma_wait3A_211 = arith.constant 0 : i32
      %dma_wait3A_212 = tpu.memref_slice %arg17[%dma_wait3A_210, %dma_wait3A_211] : memref<10112x128xf32, #tpu.memory_space<vmem_shared>> -> memref<96x128xf32, #tpu.memory_space<vmem_shared>>
      %dma_wait3A_213 = arith.constant 0 : i32
      %dma_wait3A_214 = arith.constant 0 : i32
      %dma_wait3A_215 = tpu.memref_slice %arg17[%dma_wait3A_213, %dma_wait3A_214] : memref<10112x128xf32, #tpu.memory_space<vmem_shared>> -> memref<96x128xf32, #tpu.memory_space<vmem_shared>>
      tpu.wait_dma2 semaphore(%arg14 : memref<!tpu.dma_semaphore, #tpu.memory_space<semaphore_mem>>) src(%arg8 : memref<96x128xf32, #tpu.memory_space<vmem>>) dst(%dma_wait3A_215 : memref<96x128xf32, #tpu.memory_space<vmem_shared>>)
      %add3A_216 = arith.constant 3 : i32
      %add3A_217 = arith.addi %add3A_198, %add3A_216 : i32
      %lt3A = arith.constant 27 : i32
      %lt3A_218 = arith.cmpi slt, %add3A_217, %lt3A : i32
      %convert_element_type3A = arith.extui %lt3A_218 : i1 to i32
      %cond3A = arith.constant 0 : i32
      %cond3A_219 = arith.cmpi ne, %convert_element_type3A, %cond3A : i32
      scf.if %cond3A_219 {
        %add3A_274 = arith.constant 3 : i32
        %add3A_275 = arith.addi %add3A_198, %add3A_274 : i32
        %dma_start3A_276 = arith.constant 0 : i32
        %dma_start3A_277 = tpu.memref_slice %arg7[%add3A_275, %dma_start3A_276] : memref<27x96xi32, #tpu.memory_space<vmem>> -> memref<1x96xi32, #tpu.memory_space<vmem>>
        %dma_start3A_278 = tpu.memref_squeeze %dma_start3A_277 : memref<1x96xi32, #tpu.memory_space<vmem>> -> memref<96xi32, #tpu.memory_space<vmem>>
        %dma_start3A_279 = arith.constant 0 : i32
        %dma_start3A_280 = arith.constant 0 : i32
        %dma_start3A_281 = tpu.memref_slice %arg2[%dma_start3A_279, %dma_start3A_280] : memref<10000x128xf32, #tpu.memory_space<hbm>> -> memref<10000x128xf32, #tpu.memory_space<hbm>>
        tpu.enqueue_indirect_dma source(%dma_start3A_281 : memref<10000x128xf32, #tpu.memory_space<hbm>>) target(%arg8 : memref<96x128xf32, #tpu.memory_space<vmem>>) offsets(%dma_start3A_278 : memref<96xi32, #tpu.memory_space<vmem>>) semaphore(%arg11 : memref<!tpu.dma_semaphore, #tpu.memory_space<semaphore_mem>>)
      } else {
      }
      %add3A_220 = arith.constant 1 : i32
      %add3A_221 = arith.addi %mul3A_196, %add3A_220 : i32
      %dma_wait3A_222 = arith.constant 0 : i32
      %dma_wait3A_223 = arith.constant 0 : i32
      %dma_wait3A_224 = tpu.memref_slice %arg2[%dma_wait3A_222, %dma_wait3A_223] : memref<10000x128xf32, #tpu.memory_space<hbm>> -> memref<96x128xf32, #tpu.memory_space<hbm>>
      %dma_wait3A_225 = arith.constant 0 : i32
      %dma_wait3A_226 = arith.constant 0 : i32
      %dma_wait3A_227 = tpu.memref_slice %arg2[%dma_wait3A_225, %dma_wait3A_226] : memref<10000x128xf32, #tpu.memory_space<hbm>> -> memref<96x128xf32, #tpu.memory_space<hbm>>
      tpu.wait_dma2 semaphore(%arg12 : memref<!tpu.dma_semaphore, #tpu.memory_space<semaphore_mem>>) src(%dma_wait3A_227 : memref<96x128xf32, #tpu.memory_space<hbm>>) dst(%arg9 : memref<96x128xf32, #tpu.memory_space<vmem>>)
      %dma_start3A_228 = arith.constant 0 : i32
      %dma_start3A_229 = tpu.memref_slice %arg6[%add3A_221, %dma_start3A_228] : memref<27x96xi32, #tpu.memory_space<vmem>> -> memref<1x96xi32, #tpu.memory_space<vmem>>
      %dma_start3A_230 = tpu.memref_squeeze %dma_start3A_229 : memref<1x96xi32, #tpu.memory_space<vmem>> -> memref<96xi32, #tpu.memory_space<vmem>>
      %dma_start3A_231 = arith.constant 0 : i32
      %dma_start3A_232 = arith.constant 0 : i32
      %dma_start3A_233 = tpu.memref_slice %arg17[%dma_start3A_231, %dma_start3A_232] : memref<10112x128xf32, #tpu.memory_space<vmem_shared>> -> memref<10112x128xf32, #tpu.memory_space<vmem_shared>>
      tpu.enqueue_indirect_dma source(%arg9 : memref<96x128xf32, #tpu.memory_space<vmem>>) target(%dma_start3A_233 : memref<10112x128xf32, #tpu.memory_space<vmem_shared>>) offsets(%dma_start3A_230 : memref<96xi32, #tpu.memory_space<vmem>>) semaphore(%arg15 : memref<!tpu.dma_semaphore, #tpu.memory_space<semaphore_mem>>) {add = true}
      %dma_wait3A_234 = arith.constant 0 : i32
      %dma_wait3A_235 = arith.constant 0 : i32
      %dma_wait3A_236 = tpu.memref_slice %arg17[%dma_wait3A_234, %dma_wait3A_235] : memref<10112x128xf32, #tpu.memory_space<vmem_shared>> -> memref<96x128xf32, #tpu.memory_space<vmem_shared>>
      %dma_wait3A_237 = arith.constant 0 : i32
      %dma_wait3A_238 = arith.constant 0 : i32
      %dma_wait3A_239 = tpu.memref_slice %arg17[%dma_wait3A_237, %dma_wait3A_238] : memref<10112x128xf32, #tpu.memory_space<vmem_shared>> -> memref<96x128xf32, #tpu.memory_space<vmem_shared>>
      tpu.wait_dma2 semaphore(%arg15 : memref<!tpu.dma_semaphore, #tpu.memory_space<semaphore_mem>>) src(%arg9 : memref<96x128xf32, #tpu.memory_space<vmem>>) dst(%dma_wait3A_239 : memref<96x128xf32, #tpu.memory_space<vmem_shared>>)
      %add3A_240 = arith.constant 3 : i32
      %add3A_241 = arith.addi %add3A_221, %add3A_240 : i32
      %lt3A_242 = arith.constant 27 : i32
      %lt3A_243 = arith.cmpi slt, %add3A_241, %lt3A_242 : i32
      %convert_element_type3A_244 = arith.extui %lt3A_243 : i1 to i32
      %cond3A_245 = arith.constant 0 : i32
      %cond3A_246 = arith.cmpi ne, %convert_element_type3A_244, %cond3A_245 : i32
      scf.if %cond3A_246 {
        %add3A_274 = arith.constant 3 : i32
        %add3A_275 = arith.addi %add3A_221, %add3A_274 : i32
        %dma_start3A_276 = arith.constant 0 : i32
        %dma_start3A_277 = tpu.memref_slice %arg7[%add3A_275, %dma_start3A_276] : memref<27x96xi32, #tpu.memory_space<vmem>> -> memref<1x96xi32, #tpu.memory_space<vmem>>
        %dma_start3A_278 = tpu.memref_squeeze %dma_start3A_277 : memref<1x96xi32, #tpu.memory_space<vmem>> -> memref<96xi32, #tpu.memory_space<vmem>>
        %dma_start3A_279 = arith.constant 0 : i32
        %dma_start3A_280 = arith.constant 0 : i32
        %dma_start3A_281 = tpu.memref_slice %arg2[%dma_start3A_279, %dma_start3A_280] : memref<10000x128xf32, #tpu.memory_space<hbm>> -> memref<10000x128xf32, #tpu.memory_space<hbm>>
        tpu.enqueue_indirect_dma source(%dma_start3A_281 : memref<10000x128xf32, #tpu.memory_space<hbm>>) target(%arg9 : memref<96x128xf32, #tpu.memory_space<vmem>>) offsets(%dma_start3A_278 : memref<96xi32, #tpu.memory_space<vmem>>) semaphore(%arg12 : memref<!tpu.dma_semaphore, #tpu.memory_space<semaphore_mem>>)
      } else {
      }
      %add3A_247 = arith.constant 2 : i32
      %add3A_248 = arith.addi %mul3A_196, %add3A_247 : i32
      %dma_wait3A_249 = arith.constant 0 : i32
      %dma_wait3A_250 = arith.constant 0 : i32
      %dma_wait3A_251 = tpu.memref_slice %arg2[%dma_wait3A_249, %dma_wait3A_250] : memref<10000x128xf32, #tpu.memory_space<hbm>> -> memref<96x128xf32, #tpu.memory_space<hbm>>
      %dma_wait3A_252 = arith.constant 0 : i32
      %dma_wait3A_253 = arith.constant 0 : i32
      %dma_wait3A_254 = tpu.memref_slice %arg2[%dma_wait3A_252, %dma_wait3A_253] : memref<10000x128xf32, #tpu.memory_space<hbm>> -> memref<96x128xf32, #tpu.memory_space<hbm>>
      tpu.wait_dma2 semaphore(%arg13 : memref<!tpu.dma_semaphore, #tpu.memory_space<semaphore_mem>>) src(%dma_wait3A_254 : memref<96x128xf32, #tpu.memory_space<hbm>>) dst(%arg10 : memref<96x128xf32, #tpu.memory_space<vmem>>)
      %dma_start3A_255 = arith.constant 0 : i32
      %dma_start3A_256 = tpu.memref_slice %arg6[%add3A_248, %dma_start3A_255] : memref<27x96xi32, #tpu.memory_space<vmem>> -> memref<1x96xi32, #tpu.memory_space<vmem>>
      %dma_start3A_257 = tpu.memref_squeeze %dma_start3A_256 : memref<1x96xi32, #tpu.memory_space<vmem>> -> memref<96xi32, #tpu.memory_space<vmem>>
      %dma_start3A_258 = arith.constant 0 : i32
      %dma_start3A_259 = arith.constant 0 : i32
      %dma_start3A_260 = tpu.memref_slice %arg17[%dma_start3A_258, %dma_start3A_259] : memref<10112x128xf32, #tpu.memory_space<vmem_shared>> -> memref<10112x128xf32, #tpu.memory_space<vmem_shared>>
      tpu.enqueue_indirect_dma source(%arg10 : memref<96x128xf32, #tpu.memory_space<vmem>>) target(%dma_start3A_260 : memref<10112x128xf32, #tpu.memory_space<vmem_shared>>) offsets(%dma_start3A_257 : memref<96xi32, #tpu.memory_space<vmem>>) semaphore(%arg16 : memref<!tpu.dma_semaphore, #tpu.memory_space<semaphore_mem>>) {add = true}
      %dma_wait3A_261 = arith.constant 0 : i32
      %dma_wait3A_262 = arith.constant 0 : i32
      %dma_wait3A_263 = tpu.memref_slice %arg17[%dma_wait3A_261, %dma_wait3A_262] : memref<10112x128xf32, #tpu.memory_space<vmem_shared>> -> memref<96x128xf32, #tpu.memory_space<vmem_shared>>
      %dma_wait3A_264 = arith.constant 0 : i32
      %dma_wait3A_265 = arith.constant 0 : i32
      %dma_wait3A_266 = tpu.memref_slice %arg17[%dma_wait3A_264, %dma_wait3A_265] : memref<10112x128xf32, #tpu.memory_space<vmem_shared>> -> memref<96x128xf32, #tpu.memory_space<vmem_shared>>
      tpu.wait_dma2 semaphore(%arg16 : memref<!tpu.dma_semaphore, #tpu.memory_space<semaphore_mem>>) src(%arg10 : memref<96x128xf32, #tpu.memory_space<vmem>>) dst(%dma_wait3A_266 : memref<96x128xf32, #tpu.memory_space<vmem_shared>>)
      %add3A_267 = arith.constant 3 : i32
      %add3A_268 = arith.addi %add3A_248, %add3A_267 : i32
      %lt3A_269 = arith.constant 27 : i32
      %lt3A_270 = arith.cmpi slt, %add3A_268, %lt3A_269 : i32
      %convert_element_type3A_271 = arith.extui %lt3A_270 : i1 to i32
      %cond3A_272 = arith.constant 0 : i32
      %cond3A_273 = arith.cmpi ne, %convert_element_type3A_271, %cond3A_272 : i32
      scf.if %cond3A_273 {
        %add3A_274 = arith.constant 3 : i32
        %add3A_275 = arith.addi %add3A_248, %add3A_274 : i32
        %dma_start3A_276 = arith.constant 0 : i32
        %dma_start3A_277 = tpu.memref_slice %arg7[%add3A_275, %dma_start3A_276] : memref<27x96xi32, #tpu.memory_space<vmem>> -> memref<1x96xi32, #tpu.memory_space<vmem>>
        %dma_start3A_278 = tpu.memref_squeeze %dma_start3A_277 : memref<1x96xi32, #tpu.memory_space<vmem>> -> memref<96xi32, #tpu.memory_space<vmem>>
        %dma_start3A_279 = arith.constant 0 : i32
        %dma_start3A_280 = arith.constant 0 : i32
        %dma_start3A_281 = tpu.memref_slice %arg2[%dma_start3A_279, %dma_start3A_280] : memref<10000x128xf32, #tpu.memory_space<hbm>> -> memref<10000x128xf32, #tpu.memory_space<hbm>>
        tpu.enqueue_indirect_dma source(%dma_start3A_281 : memref<10000x128xf32, #tpu.memory_space<hbm>>) target(%arg10 : memref<96x128xf32, #tpu.memory_space<vmem>>) offsets(%dma_start3A_278 : memref<96xi32, #tpu.memory_space<vmem>>) semaphore(%arg13 : memref<!tpu.dma_semaphore, #tpu.memory_space<semaphore_mem>>)
      } else {
      }
    }
    %scan3A_79 = arith.constant 9 : i32
    %mul3A_80 = arith.constant 4 : i32
    %mul3A_81 = arith.muli %add3A, %mul3A_80 : i32
    %add3A_82 = arith.constant 2 : i32
    %add3A_83 = arith.addi %mul3A_81, %add3A_82 : i32
    "tpu.region"() ({
      %run_scoped3A = tpu.sem_alloc : memref<!tpu.dma_semaphore, #tpu.memory_space<semaphore_mem>>
      %dma_start3A_190 = arith.constant 0 : i32
      %dma_start3A_191 = arith.constant 0 : i32
      %dma_start3A_192 = tpu.memref_slice %arg4[%add3A_83, %dma_start3A_190, %dma_start3A_191] : memref<128x27x96xi32, #tpu.memory_space<hbm>> -> memref<1x27x96xi32, #tpu.memory_space<hbm>>
      %dma_start3A_193 = tpu.memref_squeeze %dma_start3A_192 : memref<1x27x96xi32, #tpu.memory_space<hbm>> -> memref<27x96xi32, #tpu.memory_space<hbm>>
      %dma_start3A_194 = arith.constant 0 : i32
      %dma_start3A_195 = arith.constant 0 : i32
      %dma_start3A_196 = tpu.memref_slice %arg4[%add3A_83, %dma_start3A_194, %dma_start3A_195] : memref<128x27x96xi32, #tpu.memory_space<hbm>> -> memref<1x27x96xi32, #tpu.memory_space<hbm>>
      %dma_start3A_197 = tpu.memref_squeeze %dma_start3A_196 : memref<1x27x96xi32, #tpu.memory_space<hbm>> -> memref<27x96xi32, #tpu.memory_space<hbm>>
      tpu.enqueue_dma source(%dma_start3A_197 : memref<27x96xi32, #tpu.memory_space<hbm>>) target(%arg6 : memref<27x96xi32, #tpu.memory_space<vmem>>) target_semaphore(%run_scoped3A : memref<!tpu.dma_semaphore, #tpu.memory_space<semaphore_mem>>)
      %dma_wait3A = arith.constant 0 : i32
      %dma_wait3A_198 = arith.constant 0 : i32
      %dma_wait3A_199 = tpu.memref_slice %arg4[%add3A_83, %dma_wait3A, %dma_wait3A_198] : memref<128x27x96xi32, #tpu.memory_space<hbm>> -> memref<1x27x96xi32, #tpu.memory_space<hbm>>
      %dma_wait3A_200 = tpu.memref_squeeze %dma_wait3A_199 : memref<1x27x96xi32, #tpu.memory_space<hbm>> -> memref<27x96xi32, #tpu.memory_space<hbm>>
      %dma_wait3A_201 = arith.constant 0 : i32
      %dma_wait3A_202 = arith.constant 0 : i32
      %dma_wait3A_203 = tpu.memref_slice %arg4[%add3A_83, %dma_wait3A_201, %dma_wait3A_202] : memref<128x27x96xi32, #tpu.memory_space<hbm>> -> memref<1x27x96xi32, #tpu.memory_space<hbm>>
      %dma_wait3A_204 = tpu.memref_squeeze %dma_wait3A_203 : memref<1x27x96xi32, #tpu.memory_space<hbm>> -> memref<27x96xi32, #tpu.memory_space<hbm>>
      tpu.wait_dma2 semaphore(%run_scoped3A : memref<!tpu.dma_semaphore, #tpu.memory_space<semaphore_mem>>) src(%dma_wait3A_204 : memref<27x96xi32, #tpu.memory_space<hbm>>) dst(%arg6 : memref<27x96xi32, #tpu.memory_space<vmem>>)
      tpu.yield
    }) : () -> ()
    "tpu.region"() ({
      %run_scoped3A = tpu.sem_alloc : memref<!tpu.dma_semaphore, #tpu.memory_space<semaphore_mem>>
      %dma_start3A_190 = arith.constant 0 : i32
      %dma_start3A_191 = arith.constant 0 : i32
      %dma_start3A_192 = tpu.memref_slice %arg3[%add3A_83, %dma_start3A_190, %dma_start3A_191] : memref<128x27x96xi32, #tpu.memory_space<hbm>> -> memref<1x27x96xi32, #tpu.memory_space<hbm>>
      %dma_start3A_193 = tpu.memref_squeeze %dma_start3A_192 : memref<1x27x96xi32, #tpu.memory_space<hbm>> -> memref<27x96xi32, #tpu.memory_space<hbm>>
      %dma_start3A_194 = arith.constant 0 : i32
      %dma_start3A_195 = arith.constant 0 : i32
      %dma_start3A_196 = tpu.memref_slice %arg3[%add3A_83, %dma_start3A_194, %dma_start3A_195] : memref<128x27x96xi32, #tpu.memory_space<hbm>> -> memref<1x27x96xi32, #tpu.memory_space<hbm>>
      %dma_start3A_197 = tpu.memref_squeeze %dma_start3A_196 : memref<1x27x96xi32, #tpu.memory_space<hbm>> -> memref<27x96xi32, #tpu.memory_space<hbm>>
      tpu.enqueue_dma source(%dma_start3A_197 : memref<27x96xi32, #tpu.memory_space<hbm>>) target(%arg7 : memref<27x96xi32, #tpu.memory_space<vmem>>) target_semaphore(%run_scoped3A : memref<!tpu.dma_semaphore, #tpu.memory_space<semaphore_mem>>)
      %dma_wait3A = arith.constant 0 : i32
      %dma_wait3A_198 = arith.constant 0 : i32
      %dma_wait3A_199 = tpu.memref_slice %arg3[%add3A_83, %dma_wait3A, %dma_wait3A_198] : memref<128x27x96xi32, #tpu.memory_space<hbm>> -> memref<1x27x96xi32, #tpu.memory_space<hbm>>
      %dma_wait3A_200 = tpu.memref_squeeze %dma_wait3A_199 : memref<1x27x96xi32, #tpu.memory_space<hbm>> -> memref<27x96xi32, #tpu.memory_space<hbm>>
      %dma_wait3A_201 = arith.constant 0 : i32
      %dma_wait3A_202 = arith.constant 0 : i32
      %dma_wait3A_203 = tpu.memref_slice %arg3[%add3A_83, %dma_wait3A_201, %dma_wait3A_202] : memref<128x27x96xi32, #tpu.memory_space<hbm>> -> memref<1x27x96xi32, #tpu.memory_space<hbm>>
      %dma_wait3A_204 = tpu.memref_squeeze %dma_wait3A_203 : memref<1x27x96xi32, #tpu.memory_space<hbm>> -> memref<27x96xi32, #tpu.memory_space<hbm>>
      tpu.wait_dma2 semaphore(%run_scoped3A : memref<!tpu.dma_semaphore, #tpu.memory_space<semaphore_mem>>) src(%dma_wait3A_204 : memref<27x96xi32, #tpu.memory_space<hbm>>) dst(%arg7 : memref<27x96xi32, #tpu.memory_space<vmem>>)
      tpu.yield
    }) : () -> ()
    %dma_start3A_84 = arith.constant 0 : i32
    %dma_start3A_85 = arith.constant 0 : i32
    %dma_start3A_86 = tpu.memref_slice %arg7[%dma_start3A_84, %dma_start3A_85] : memref<27x96xi32, #tpu.memory_space<vmem>> -> memref<1x96xi32, #tpu.memory_space<vmem>>
    %dma_start3A_87 = tpu.memref_squeeze %dma_start3A_86 : memref<1x96xi32, #tpu.memory_space<vmem>> -> memref<96xi32, #tpu.memory_space<vmem>>
    %dma_start3A_88 = arith.constant 0 : i32
    %dma_start3A_89 = arith.constant 0 : i32
    %dma_start3A_90 = tpu.memref_slice %arg2[%dma_start3A_88, %dma_start3A_89] : memref<10000x128xf32, #tpu.memory_space<hbm>> -> memref<10000x128xf32, #tpu.memory_space<hbm>>
    tpu.enqueue_indirect_dma source(%dma_start3A_90 : memref<10000x128xf32, #tpu.memory_space<hbm>>) target(%arg8 : memref<96x128xf32, #tpu.memory_space<vmem>>) offsets(%dma_start3A_87 : memref<96xi32, #tpu.memory_space<vmem>>) semaphore(%arg11 : memref<!tpu.dma_semaphore, #tpu.memory_space<semaphore_mem>>)
    %dma_start3A_91 = arith.constant 1 : i32
    %dma_start3A_92 = arith.constant 0 : i32
    %dma_start3A_93 = tpu.memref_slice %arg7[%dma_start3A_91, %dma_start3A_92] : memref<27x96xi32, #tpu.memory_space<vmem>> -> memref<1x96xi32, #tpu.memory_space<vmem>>
    %dma_start3A_94 = tpu.memref_squeeze %dma_start3A_93 : memref<1x96xi32, #tpu.memory_space<vmem>> -> memref<96xi32, #tpu.memory_space<vmem>>
    %dma_start3A_95 = arith.constant 0 : i32
    %dma_start3A_96 = arith.constant 0 : i32
    %dma_start3A_97 = tpu.memref_slice %arg2[%dma_start3A_95, %dma_start3A_96] : memref<10000x128xf32, #tpu.memory_space<hbm>> -> memref<10000x128xf32, #tpu.memory_space<hbm>>
    tpu.enqueue_indirect_dma source(%dma_start3A_97 : memref<10000x128xf32, #tpu.memory_space<hbm>>) target(%arg9 : memref<96x128xf32, #tpu.memory_space<vmem>>) offsets(%dma_start3A_94 : memref<96xi32, #tpu.memory_space<vmem>>) semaphore(%arg12 : memref<!tpu.dma_semaphore, #tpu.memory_space<semaphore_mem>>)
    %dma_start3A_98 = arith.constant 2 : i32
    %dma_start3A_99 = arith.constant 0 : i32
    %dma_start3A_100 = tpu.memref_slice %arg7[%dma_start3A_98, %dma_start3A_99] : memref<27x96xi32, #tpu.memory_space<vmem>> -> memref<1x96xi32, #tpu.memory_space<vmem>>
    %dma_start3A_101 = tpu.memref_squeeze %dma_start3A_100 : memref<1x96xi32, #tpu.memory_space<vmem>> -> memref<96xi32, #tpu.memory_space<vmem>>
    %dma_start3A_102 = arith.constant 0 : i32
    %dma_start3A_103 = arith.constant 0 : i32
    %dma_start3A_104 = tpu.memref_slice %arg2[%dma_start3A_102, %dma_start3A_103] : memref<10000x128xf32, #tpu.memory_space<hbm>> -> memref<10000x128xf32, #tpu.memory_space<hbm>>
    tpu.enqueue_indirect_dma source(%dma_start3A_104 : memref<10000x128xf32, #tpu.memory_space<hbm>>) target(%arg10 : memref<96x128xf32, #tpu.memory_space<vmem>>) offsets(%dma_start3A_101 : memref<96xi32, #tpu.memory_space<vmem>>) semaphore(%arg13 : memref<!tpu.dma_semaphore, #tpu.memory_space<semaphore_mem>>)
    %scan3A_105 = arith.constant 0 : i32
    %scan3A_106 = arith.constant 9 : i32
    %scan3A_107 = arith.addi %scan3A_105, %scan3A_106 : i32
    %scan3A_108 = arith.constant 1 : i32
    scf.for %scan3A_190 = %scan3A_105 to %scan3A_107 step %scan3A_108  : i32 {
      %mul3A_191 = arith.constant 1 : i32
      %mul3A_192 = arith.muli %scan3A_190, %mul3A_191 : i32
      %add3A_193 = arith.constant 0 : i32
      %add3A_194 = arith.addi %add3A_193, %mul3A_192 : i32
      %mul3A_195 = arith.constant 3 : i32
      %mul3A_196 = arith.muli %add3A_194, %mul3A_195 : i32
      %add3A_197 = arith.constant 0 : i32
      %add3A_198 = arith.addi %mul3A_196, %add3A_197 : i32
      %dma_wait3A = arith.constant 0 : i32
      %dma_wait3A_199 = arith.constant 0 : i32
      %dma_wait3A_200 = tpu.memref_slice %arg2[%dma_wait3A, %dma_wait3A_199] : memref<10000x128xf32, #tpu.memory_space<hbm>> -> memref<96x128xf32, #tpu.memory_space<hbm>>
      %dma_wait3A_201 = arith.constant 0 : i32
      %dma_wait3A_202 = arith.constant 0 : i32
      %dma_wait3A_203 = tpu.memref_slice %arg2[%dma_wait3A_201, %dma_wait3A_202] : memref<10000x128xf32, #tpu.memory_space<hbm>> -> memref<96x128xf32, #tpu.memory_space<hbm>>
      tpu.wait_dma2 semaphore(%arg11 : memref<!tpu.dma_semaphore, #tpu.memory_space<semaphore_mem>>) src(%dma_wait3A_203 : memref<96x128xf32, #tpu.memory_space<hbm>>) dst(%arg8 : memref<96x128xf32, #tpu.memory_space<vmem>>)
      %dma_start3A_204 = arith.constant 0 : i32
      %dma_start3A_205 = tpu.memref_slice %arg6[%add3A_198, %dma_start3A_204] : memref<27x96xi32, #tpu.memory_space<vmem>> -> memref<1x96xi32, #tpu.memory_space<vmem>>
      %dma_start3A_206 = tpu.memref_squeeze %dma_start3A_205 : memref<1x96xi32, #tpu.memory_space<vmem>> -> memref<96xi32, #tpu.memory_space<vmem>>
      %dma_start3A_207 = arith.constant 0 : i32
      %dma_start3A_208 = arith.constant 0 : i32
      %dma_start3A_209 = tpu.memref_slice %arg17[%dma_start3A_207, %dma_start3A_208] : memref<10112x128xf32, #tpu.memory_space<vmem_shared>> -> memref<10112x128xf32, #tpu.memory_space<vmem_shared>>
      tpu.enqueue_indirect_dma source(%arg8 : memref<96x128xf32, #tpu.memory_space<vmem>>) target(%dma_start3A_209 : memref<10112x128xf32, #tpu.memory_space<vmem_shared>>) offsets(%dma_start3A_206 : memref<96xi32, #tpu.memory_space<vmem>>) semaphore(%arg14 : memref<!tpu.dma_semaphore, #tpu.memory_space<semaphore_mem>>) {add = true}
      %dma_wait3A_210 = arith.constant 0 : i32
      %dma_wait3A_211 = arith.constant 0 : i32
      %dma_wait3A_212 = tpu.memref_slice %arg17[%dma_wait3A_210, %dma_wait3A_211] : memref<10112x128xf32, #tpu.memory_space<vmem_shared>> -> memref<96x128xf32, #tpu.memory_space<vmem_shared>>
      %dma_wait3A_213 = arith.constant 0 : i32
      %dma_wait3A_214 = arith.constant 0 : i32
      %dma_wait3A_215 = tpu.memref_slice %arg17[%dma_wait3A_213, %dma_wait3A_214] : memref<10112x128xf32, #tpu.memory_space<vmem_shared>> -> memref<96x128xf32, #tpu.memory_space<vmem_shared>>
      tpu.wait_dma2 semaphore(%arg14 : memref<!tpu.dma_semaphore, #tpu.memory_space<semaphore_mem>>) src(%arg8 : memref<96x128xf32, #tpu.memory_space<vmem>>) dst(%dma_wait3A_215 : memref<96x128xf32, #tpu.memory_space<vmem_shared>>)
      %add3A_216 = arith.constant 3 : i32
      %add3A_217 = arith.addi %add3A_198, %add3A_216 : i32
      %lt3A = arith.constant 27 : i32
      %lt3A_218 = arith.cmpi slt, %add3A_217, %lt3A : i32
      %convert_element_type3A = arith.extui %lt3A_218 : i1 to i32
      %cond3A = arith.constant 0 : i32
      %cond3A_219 = arith.cmpi ne, %convert_element_type3A, %cond3A : i32
      scf.if %cond3A_219 {
        %add3A_274 = arith.constant 3 : i32
        %add3A_275 = arith.addi %add3A_198, %add3A_274 : i32
        %dma_start3A_276 = arith.constant 0 : i32
        %dma_start3A_277 = tpu.memref_slice %arg7[%add3A_275, %dma_start3A_276] : memref<27x96xi32, #tpu.memory_space<vmem>> -> memref<1x96xi32, #tpu.memory_space<vmem>>
        %dma_start3A_278 = tpu.memref_squeeze %dma_start3A_277 : memref<1x96xi32, #tpu.memory_space<vmem>> -> memref<96xi32, #tpu.memory_space<vmem>>
        %dma_start3A_279 = arith.constant 0 : i32
        %dma_start3A_280 = arith.constant 0 : i32
        %dma_start3A_281 = tpu.memref_slice %arg2[%dma_start3A_279, %dma_start3A_280] : memref<10000x128xf32, #tpu.memory_space<hbm>> -> memref<10000x128xf32, #tpu.memory_space<hbm>>
        tpu.enqueue_indirect_dma source(%dma_start3A_281 : memref<10000x128xf32, #tpu.memory_space<hbm>>) target(%arg8 : memref<96x128xf32, #tpu.memory_space<vmem>>) offsets(%dma_start3A_278 : memref<96xi32, #tpu.memory_space<vmem>>) semaphore(%arg11 : memref<!tpu.dma_semaphore, #tpu.memory_space<semaphore_mem>>)
      } else {
      }
      %add3A_220 = arith.constant 1 : i32
      %add3A_221 = arith.addi %mul3A_196, %add3A_220 : i32
      %dma_wait3A_222 = arith.constant 0 : i32
      %dma_wait3A_223 = arith.constant 0 : i32
      %dma_wait3A_224 = tpu.memref_slice %arg2[%dma_wait3A_222, %dma_wait3A_223] : memref<10000x128xf32, #tpu.memory_space<hbm>> -> memref<96x128xf32, #tpu.memory_space<hbm>>
      %dma_wait3A_225 = arith.constant 0 : i32
      %dma_wait3A_226 = arith.constant 0 : i32
      %dma_wait3A_227 = tpu.memref_slice %arg2[%dma_wait3A_225, %dma_wait3A_226] : memref<10000x128xf32, #tpu.memory_space<hbm>> -> memref<96x128xf32, #tpu.memory_space<hbm>>
      tpu.wait_dma2 semaphore(%arg12 : memref<!tpu.dma_semaphore, #tpu.memory_space<semaphore_mem>>) src(%dma_wait3A_227 : memref<96x128xf32, #tpu.memory_space<hbm>>) dst(%arg9 : memref<96x128xf32, #tpu.memory_space<vmem>>)
      %dma_start3A_228 = arith.constant 0 : i32
      %dma_start3A_229 = tpu.memref_slice %arg6[%add3A_221, %dma_start3A_228] : memref<27x96xi32, #tpu.memory_space<vmem>> -> memref<1x96xi32, #tpu.memory_space<vmem>>
      %dma_start3A_230 = tpu.memref_squeeze %dma_start3A_229 : memref<1x96xi32, #tpu.memory_space<vmem>> -> memref<96xi32, #tpu.memory_space<vmem>>
      %dma_start3A_231 = arith.constant 0 : i32
      %dma_start3A_232 = arith.constant 0 : i32
      %dma_start3A_233 = tpu.memref_slice %arg17[%dma_start3A_231, %dma_start3A_232] : memref<10112x128xf32, #tpu.memory_space<vmem_shared>> -> memref<10112x128xf32, #tpu.memory_space<vmem_shared>>
      tpu.enqueue_indirect_dma source(%arg9 : memref<96x128xf32, #tpu.memory_space<vmem>>) target(%dma_start3A_233 : memref<10112x128xf32, #tpu.memory_space<vmem_shared>>) offsets(%dma_start3A_230 : memref<96xi32, #tpu.memory_space<vmem>>) semaphore(%arg15 : memref<!tpu.dma_semaphore, #tpu.memory_space<semaphore_mem>>) {add = true}
      %dma_wait3A_234 = arith.constant 0 : i32
      %dma_wait3A_235 = arith.constant 0 : i32
      %dma_wait3A_236 = tpu.memref_slice %arg17[%dma_wait3A_234, %dma_wait3A_235] : memref<10112x128xf32, #tpu.memory_space<vmem_shared>> -> memref<96x128xf32, #tpu.memory_space<vmem_shared>>
      %dma_wait3A_237 = arith.constant 0 : i32
      %dma_wait3A_238 = arith.constant 0 : i32
      %dma_wait3A_239 = tpu.memref_slice %arg17[%dma_wait3A_237, %dma_wait3A_238] : memref<10112x128xf32, #tpu.memory_space<vmem_shared>> -> memref<96x128xf32, #tpu.memory_space<vmem_shared>>
      tpu.wait_dma2 semaphore(%arg15 : memref<!tpu.dma_semaphore, #tpu.memory_space<semaphore_mem>>) src(%arg9 : memref<96x128xf32, #tpu.memory_space<vmem>>) dst(%dma_wait3A_239 : memref<96x128xf32, #tpu.memory_space<vmem_shared>>)
      %add3A_240 = arith.constant 3 : i32
      %add3A_241 = arith.addi %add3A_221, %add3A_240 : i32
      %lt3A_242 = arith.constant 27 : i32
      %lt3A_243 = arith.cmpi slt, %add3A_241, %lt3A_242 : i32
      %convert_element_type3A_244 = arith.extui %lt3A_243 : i1 to i32
      %cond3A_245 = arith.constant 0 : i32
      %cond3A_246 = arith.cmpi ne, %convert_element_type3A_244, %cond3A_245 : i32
      scf.if %cond3A_246 {
        %add3A_274 = arith.constant 3 : i32
        %add3A_275 = arith.addi %add3A_221, %add3A_274 : i32
        %dma_start3A_276 = arith.constant 0 : i32
        %dma_start3A_277 = tpu.memref_slice %arg7[%add3A_275, %dma_start3A_276] : memref<27x96xi32, #tpu.memory_space<vmem>> -> memref<1x96xi32, #tpu.memory_space<vmem>>
        %dma_start3A_278 = tpu.memref_squeeze %dma_start3A_277 : memref<1x96xi32, #tpu.memory_space<vmem>> -> memref<96xi32, #tpu.memory_space<vmem>>
        %dma_start3A_279 = arith.constant 0 : i32
        %dma_start3A_280 = arith.constant 0 : i32
        %dma_start3A_281 = tpu.memref_slice %arg2[%dma_start3A_279, %dma_start3A_280] : memref<10000x128xf32, #tpu.memory_space<hbm>> -> memref<10000x128xf32, #tpu.memory_space<hbm>>
        tpu.enqueue_indirect_dma source(%dma_start3A_281 : memref<10000x128xf32, #tpu.memory_space<hbm>>) target(%arg9 : memref<96x128xf32, #tpu.memory_space<vmem>>) offsets(%dma_start3A_278 : memref<96xi32, #tpu.memory_space<vmem>>) semaphore(%arg12 : memref<!tpu.dma_semaphore, #tpu.memory_space<semaphore_mem>>)
      } else {
      }
      %add3A_247 = arith.constant 2 : i32
      %add3A_248 = arith.addi %mul3A_196, %add3A_247 : i32
      %dma_wait3A_249 = arith.constant 0 : i32
      %dma_wait3A_250 = arith.constant 0 : i32
      %dma_wait3A_251 = tpu.memref_slice %arg2[%dma_wait3A_249, %dma_wait3A_250] : memref<10000x128xf32, #tpu.memory_space<hbm>> -> memref<96x128xf32, #tpu.memory_space<hbm>>
      %dma_wait3A_252 = arith.constant 0 : i32
      %dma_wait3A_253 = arith.constant 0 : i32
      %dma_wait3A_254 = tpu.memref_slice %arg2[%dma_wait3A_252, %dma_wait3A_253] : memref<10000x128xf32, #tpu.memory_space<hbm>> -> memref<96x128xf32, #tpu.memory_space<hbm>>
      tpu.wait_dma2 semaphore(%arg13 : memref<!tpu.dma_semaphore, #tpu.memory_space<semaphore_mem>>) src(%dma_wait3A_254 : memref<96x128xf32, #tpu.memory_space<hbm>>) dst(%arg10 : memref<96x128xf32, #tpu.memory_space<vmem>>)
      %dma_start3A_255 = arith.constant 0 : i32
      %dma_start3A_256 = tpu.memref_slice %arg6[%add3A_248, %dma_start3A_255] : memref<27x96xi32, #tpu.memory_space<vmem>> -> memref<1x96xi32, #tpu.memory_space<vmem>>
      %dma_start3A_257 = tpu.memref_squeeze %dma_start3A_256 : memref<1x96xi32, #tpu.memory_space<vmem>> -> memref<96xi32, #tpu.memory_space<vmem>>
      %dma_start3A_258 = arith.constant 0 : i32
      %dma_start3A_259 = arith.constant 0 : i32
      %dma_start3A_260 = tpu.memref_slice %arg17[%dma_start3A_258, %dma_start3A_259] : memref<10112x128xf32, #tpu.memory_space<vmem_shared>> -> memref<10112x128xf32, #tpu.memory_space<vmem_shared>>
      tpu.enqueue_indirect_dma source(%arg10 : memref<96x128xf32, #tpu.memory_space<vmem>>) target(%dma_start3A_260 : memref<10112x128xf32, #tpu.memory_space<vmem_shared>>) offsets(%dma_start3A_257 : memref<96xi32, #tpu.memory_space<vmem>>) semaphore(%arg16 : memref<!tpu.dma_semaphore, #tpu.memory_space<semaphore_mem>>) {add = true}
      %dma_wait3A_261 = arith.constant 0 : i32
      %dma_wait3A_262 = arith.constant 0 : i32
      %dma_wait3A_263 = tpu.memref_slice %arg17[%dma_wait3A_261, %dma_wait3A_262] : memref<10112x128xf32, #tpu.memory_space<vmem_shared>> -> memref<96x128xf32, #tpu.memory_space<vmem_shared>>
      %dma_wait3A_264 = arith.constant 0 : i32
      %dma_wait3A_265 = arith.constant 0 : i32
      %dma_wait3A_266 = tpu.memref_slice %arg17[%dma_wait3A_264, %dma_wait3A_265] : memref<10112x128xf32, #tpu.memory_space<vmem_shared>> -> memref<96x128xf32, #tpu.memory_space<vmem_shared>>
      tpu.wait_dma2 semaphore(%arg16 : memref<!tpu.dma_semaphore, #tpu.memory_space<semaphore_mem>>) src(%arg10 : memref<96x128xf32, #tpu.memory_space<vmem>>) dst(%dma_wait3A_266 : memref<96x128xf32, #tpu.memory_space<vmem_shared>>)
      %add3A_267 = arith.constant 3 : i32
      %add3A_268 = arith.addi %add3A_248, %add3A_267 : i32
      %lt3A_269 = arith.constant 27 : i32
      %lt3A_270 = arith.cmpi slt, %add3A_268, %lt3A_269 : i32
      %convert_element_type3A_271 = arith.extui %lt3A_270 : i1 to i32
      %cond3A_272 = arith.constant 0 : i32
      %cond3A_273 = arith.cmpi ne, %convert_element_type3A_271, %cond3A_272 : i32
      scf.if %cond3A_273 {
        %add3A_274 = arith.constant 3 : i32
        %add3A_275 = arith.addi %add3A_248, %add3A_274 : i32
        %dma_start3A_276 = arith.constant 0 : i32
        %dma_start3A_277 = tpu.memref_slice %arg7[%add3A_275, %dma_start3A_276] : memref<27x96xi32, #tpu.memory_space<vmem>> -> memref<1x96xi32, #tpu.memory_space<vmem>>
        %dma_start3A_278 = tpu.memref_squeeze %dma_start3A_277 : memref<1x96xi32, #tpu.memory_space<vmem>> -> memref<96xi32, #tpu.memory_space<vmem>>
        %dma_start3A_279 = arith.constant 0 : i32
        %dma_start3A_280 = arith.constant 0 : i32
        %dma_start3A_281 = tpu.memref_slice %arg2[%dma_start3A_279, %dma_start3A_280] : memref<10000x128xf32, #tpu.memory_space<hbm>> -> memref<10000x128xf32, #tpu.memory_space<hbm>>
        tpu.enqueue_indirect_dma source(%dma_start3A_281 : memref<10000x128xf32, #tpu.memory_space<hbm>>) target(%arg10 : memref<96x128xf32, #tpu.memory_space<vmem>>) offsets(%dma_start3A_278 : memref<96xi32, #tpu.memory_space<vmem>>) semaphore(%arg13 : memref<!tpu.dma_semaphore, #tpu.memory_space<semaphore_mem>>)
      } else {
      }
    }
    %scan3A_109 = arith.constant 9 : i32
    %mul3A_110 = arith.constant 4 : i32
    %mul3A_111 = arith.muli %add3A, %mul3A_110 : i32
    %add3A_112 = arith.constant 3 : i32
    %add3A_113 = arith.addi %mul3A_111, %add3A_112 : i32
    "tpu.region"() ({
      %run_scoped3A = tpu.sem_alloc : memref<!tpu.dma_semaphore, #tpu.memory_space<semaphore_mem>>
      %dma_start3A_190 = arith.constant 0 : i32
      %dma_start3A_191 = arith.constant 0 : i32
      %dma_start3A_192 = tpu.memref_slice %arg4[%add3A_113, %dma_start3A_190, %dma_start3A_191] : memref<128x27x96xi32, #tpu.memory_space<hbm>> -> memref<1x27x96xi32, #tpu.memory_space<hbm>>
      %dma_start3A_193 = tpu.memref_squeeze %dma_start3A_192 : memref<1x27x96xi32, #tpu.memory_space<hbm>> -> memref<27x96xi32, #tpu.memory_space<hbm>>
      %dma_start3A_194 = arith.constant 0 : i32
      %dma_start3A_195 = arith.constant 0 : i32
      %dma_start3A_196 = tpu.memref_slice %arg4[%add3A_113, %dma_start3A_194, %dma_start3A_195] : memref<128x27x96xi32, #tpu.memory_space<hbm>> -> memref<1x27x96xi32, #tpu.memory_space<hbm>>
      %dma_start3A_197 = tpu.memref_squeeze %dma_start3A_196 : memref<1x27x96xi32, #tpu.memory_space<hbm>> -> memref<27x96xi32, #tpu.memory_space<hbm>>
      tpu.enqueue_dma source(%dma_start3A_197 : memref<27x96xi32, #tpu.memory_space<hbm>>) target(%arg6 : memref<27x96xi32, #tpu.memory_space<vmem>>) target_semaphore(%run_scoped3A : memref<!tpu.dma_semaphore, #tpu.memory_space<semaphore_mem>>)
      %dma_wait3A = arith.constant 0 : i32
      %dma_wait3A_198 = arith.constant 0 : i32
      %dma_wait3A_199 = tpu.memref_slice %arg4[%add3A_113, %dma_wait3A, %dma_wait3A_198] : memref<128x27x96xi32, #tpu.memory_space<hbm>> -> memref<1x27x96xi32, #tpu.memory_space<hbm>>
      %dma_wait3A_200 = tpu.memref_squeeze %dma_wait3A_199 : memref<1x27x96xi32, #tpu.memory_space<hbm>> -> memref<27x96xi32, #tpu.memory_space<hbm>>
      %dma_wait3A_201 = arith.constant 0 : i32
      %dma_wait3A_202 = arith.constant 0 : i32
      %dma_wait3A_203 = tpu.memref_slice %arg4[%add3A_113, %dma_wait3A_201, %dma_wait3A_202] : memref<128x27x96xi32, #tpu.memory_space<hbm>> -> memref<1x27x96xi32, #tpu.memory_space<hbm>>
      %dma_wait3A_204 = tpu.memref_squeeze %dma_wait3A_203 : memref<1x27x96xi32, #tpu.memory_space<hbm>> -> memref<27x96xi32, #tpu.memory_space<hbm>>
      tpu.wait_dma2 semaphore(%run_scoped3A : memref<!tpu.dma_semaphore, #tpu.memory_space<semaphore_mem>>) src(%dma_wait3A_204 : memref<27x96xi32, #tpu.memory_space<hbm>>) dst(%arg6 : memref<27x96xi32, #tpu.memory_space<vmem>>)
      tpu.yield
    }) : () -> ()
    "tpu.region"() ({
      %run_scoped3A = tpu.sem_alloc : memref<!tpu.dma_semaphore, #tpu.memory_space<semaphore_mem>>
      %dma_start3A_190 = arith.constant 0 : i32
      %dma_start3A_191 = arith.constant 0 : i32
      %dma_start3A_192 = tpu.memref_slice %arg3[%add3A_113, %dma_start3A_190, %dma_start3A_191] : memref<128x27x96xi32, #tpu.memory_space<hbm>> -> memref<1x27x96xi32, #tpu.memory_space<hbm>>
      %dma_start3A_193 = tpu.memref_squeeze %dma_start3A_192 : memref<1x27x96xi32, #tpu.memory_space<hbm>> -> memref<27x96xi32, #tpu.memory_space<hbm>>
      %dma_start3A_194 = arith.constant 0 : i32
      %dma_start3A_195 = arith.constant 0 : i32
      %dma_start3A_196 = tpu.memref_slice %arg3[%add3A_113, %dma_start3A_194, %dma_start3A_195] : memref<128x27x96xi32, #tpu.memory_space<hbm>> -> memref<1x27x96xi32, #tpu.memory_space<hbm>>
      %dma_start3A_197 = tpu.memref_squeeze %dma_start3A_196 : memref<1x27x96xi32, #tpu.memory_space<hbm>> -> memref<27x96xi32, #tpu.memory_space<hbm>>
      tpu.enqueue_dma source(%dma_start3A_197 : memref<27x96xi32, #tpu.memory_space<hbm>>) target(%arg7 : memref<27x96xi32, #tpu.memory_space<vmem>>) target_semaphore(%run_scoped3A : memref<!tpu.dma_semaphore, #tpu.memory_space<semaphore_mem>>)
      %dma_wait3A = arith.constant 0 : i32
      %dma_wait3A_198 = arith.constant 0 : i32
      %dma_wait3A_199 = tpu.memref_slice %arg3[%add3A_113, %dma_wait3A, %dma_wait3A_198] : memref<128x27x96xi32, #tpu.memory_space<hbm>> -> memref<1x27x96xi32, #tpu.memory_space<hbm>>
      %dma_wait3A_200 = tpu.memref_squeeze %dma_wait3A_199 : memref<1x27x96xi32, #tpu.memory_space<hbm>> -> memref<27x96xi32, #tpu.memory_space<hbm>>
      %dma_wait3A_201 = arith.constant 0 : i32
      %dma_wait3A_202 = arith.constant 0 : i32
      %dma_wait3A_203 = tpu.memref_slice %arg3[%add3A_113, %dma_wait3A_201, %dma_wait3A_202] : memref<128x27x96xi32, #tpu.memory_space<hbm>> -> memref<1x27x96xi32, #tpu.memory_space<hbm>>
      %dma_wait3A_204 = tpu.memref_squeeze %dma_wait3A_203 : memref<1x27x96xi32, #tpu.memory_space<hbm>> -> memref<27x96xi32, #tpu.memory_space<hbm>>
      tpu.wait_dma2 semaphore(%run_scoped3A : memref<!tpu.dma_semaphore, #tpu.memory_space<semaphore_mem>>) src(%dma_wait3A_204 : memref<27x96xi32, #tpu.memory_space<hbm>>) dst(%arg7 : memref<27x96xi32, #tpu.memory_space<vmem>>)
      tpu.yield
    }) : () -> ()
    %dma_start3A_114 = arith.constant 0 : i32
    %dma_start3A_115 = arith.constant 0 : i32
    %dma_start3A_116 = tpu.memref_slice %arg7[%dma_start3A_114, %dma_start3A_115] : memref<27x96xi32, #tpu.memory_space<vmem>> -> memref<1x96xi32, #tpu.memory_space<vmem>>
    %dma_start3A_117 = tpu.memref_squeeze %dma_start3A_116 : memref<1x96xi32, #tpu.memory_space<vmem>> -> memref<96xi32, #tpu.memory_space<vmem>>
    %dma_start3A_118 = arith.constant 0 : i32
    %dma_start3A_119 = arith.constant 0 : i32
    %dma_start3A_120 = tpu.memref_slice %arg2[%dma_start3A_118, %dma_start3A_119] : memref<10000x128xf32, #tpu.memory_space<hbm>> -> memref<10000x128xf32, #tpu.memory_space<hbm>>
    tpu.enqueue_indirect_dma source(%dma_start3A_120 : memref<10000x128xf32, #tpu.memory_space<hbm>>) target(%arg8 : memref<96x128xf32, #tpu.memory_space<vmem>>) offsets(%dma_start3A_117 : memref<96xi32, #tpu.memory_space<vmem>>) semaphore(%arg11 : memref<!tpu.dma_semaphore, #tpu.memory_space<semaphore_mem>>)
    %dma_start3A_121 = arith.constant 1 : i32
    %dma_start3A_122 = arith.constant 0 : i32
    %dma_start3A_123 = tpu.memref_slice %arg7[%dma_start3A_121, %dma_start3A_122] : memref<27x96xi32, #tpu.memory_space<vmem>> -> memref<1x96xi32, #tpu.memory_space<vmem>>
    %dma_start3A_124 = tpu.memref_squeeze %dma_start3A_123 : memref<1x96xi32, #tpu.memory_space<vmem>> -> memref<96xi32, #tpu.memory_space<vmem>>
    %dma_start3A_125 = arith.constant 0 : i32
    %dma_start3A_126 = arith.constant 0 : i32
    %dma_start3A_127 = tpu.memref_slice %arg2[%dma_start3A_125, %dma_start3A_126] : memref<10000x128xf32, #tpu.memory_space<hbm>> -> memref<10000x128xf32, #tpu.memory_space<hbm>>
    tpu.enqueue_indirect_dma source(%dma_start3A_127 : memref<10000x128xf32, #tpu.memory_space<hbm>>) target(%arg9 : memref<96x128xf32, #tpu.memory_space<vmem>>) offsets(%dma_start3A_124 : memref<96xi32, #tpu.memory_space<vmem>>) semaphore(%arg12 : memref<!tpu.dma_semaphore, #tpu.memory_space<semaphore_mem>>)
    %dma_start3A_128 = arith.constant 2 : i32
    %dma_start3A_129 = arith.constant 0 : i32
    %dma_start3A_130 = tpu.memref_slice %arg7[%dma_start3A_128, %dma_start3A_129] : memref<27x96xi32, #tpu.memory_space<vmem>> -> memref<1x96xi32, #tpu.memory_space<vmem>>
    %dma_start3A_131 = tpu.memref_squeeze %dma_start3A_130 : memref<1x96xi32, #tpu.memory_space<vmem>> -> memref<96xi32, #tpu.memory_space<vmem>>
    %dma_start3A_132 = arith.constant 0 : i32
    %dma_start3A_133 = arith.constant 0 : i32
    %dma_start3A_134 = tpu.memref_slice %arg2[%dma_start3A_132, %dma_start3A_133] : memref<10000x128xf32, #tpu.memory_space<hbm>> -> memref<10000x128xf32, #tpu.memory_space<hbm>>
    tpu.enqueue_indirect_dma source(%dma_start3A_134 : memref<10000x128xf32, #tpu.memory_space<hbm>>) target(%arg10 : memref<96x128xf32, #tpu.memory_space<vmem>>) offsets(%dma_start3A_131 : memref<96xi32, #tpu.memory_space<vmem>>) semaphore(%arg13 : memref<!tpu.dma_semaphore, #tpu.memory_space<semaphore_mem>>)
    %scan3A_135 = arith.constant 0 : i32
    %scan3A_136 = arith.constant 9 : i32
    %scan3A_137 = arith.addi %scan3A_135, %scan3A_136 : i32
    %scan3A_138 = arith.constant 1 : i32
    scf.for %scan3A_190 = %scan3A_135 to %scan3A_137 step %scan3A_138  : i32 {
      %mul3A_191 = arith.constant 1 : i32
      %mul3A_192 = arith.muli %scan3A_190, %mul3A_191 : i32
      %add3A_193 = arith.constant 0 : i32
      %add3A_194 = arith.addi %add3A_193, %mul3A_192 : i32
      %mul3A_195 = arith.constant 3 : i32
      %mul3A_196 = arith.muli %add3A_194, %mul3A_195 : i32
      %add3A_197 = arith.constant 0 : i32
      %add3A_198 = arith.addi %mul3A_196, %add3A_197 : i32
      %dma_wait3A = arith.constant 0 : i32
      %dma_wait3A_199 = arith.constant 0 : i32
      %dma_wait3A_200 = tpu.memref_slice %arg2[%dma_wait3A, %dma_wait3A_199] : memref<10000x128xf32, #tpu.memory_space<hbm>> -> memref<96x128xf32, #tpu.memory_space<hbm>>
      %dma_wait3A_201 = arith.constant 0 : i32
      %dma_wait3A_202 = arith.constant 0 : i32
      %dma_wait3A_203 = tpu.memref_slice %arg2[%dma_wait3A_201, %dma_wait3A_202] : memref<10000x128xf32, #tpu.memory_space<hbm>> -> memref<96x128xf32, #tpu.memory_space<hbm>>
      tpu.wait_dma2 semaphore(%arg11 : memref<!tpu.dma_semaphore, #tpu.memory_space<semaphore_mem>>) src(%dma_wait3A_203 : memref<96x128xf32, #tpu.memory_space<hbm>>) dst(%arg8 : memref<96x128xf32, #tpu.memory_space<vmem>>)
      %dma_start3A_204 = arith.constant 0 : i32
      %dma_start3A_205 = tpu.memref_slice %arg6[%add3A_198, %dma_start3A_204] : memref<27x96xi32, #tpu.memory_space<vmem>> -> memref<1x96xi32, #tpu.memory_space<vmem>>
      %dma_start3A_206 = tpu.memref_squeeze %dma_start3A_205 : memref<1x96xi32, #tpu.memory_space<vmem>> -> memref<96xi32, #tpu.memory_space<vmem>>
      %dma_start3A_207 = arith.constant 0 : i32
      %dma_start3A_208 = arith.constant 0 : i32
      %dma_start3A_209 = tpu.memref_slice %arg17[%dma_start3A_207, %dma_start3A_208] : memref<10112x128xf32, #tpu.memory_space<vmem_shared>> -> memref<10112x128xf32, #tpu.memory_space<vmem_shared>>
      tpu.enqueue_indirect_dma source(%arg8 : memref<96x128xf32, #tpu.memory_space<vmem>>) target(%dma_start3A_209 : memref<10112x128xf32, #tpu.memory_space<vmem_shared>>) offsets(%dma_start3A_206 : memref<96xi32, #tpu.memory_space<vmem>>) semaphore(%arg14 : memref<!tpu.dma_semaphore, #tpu.memory_space<semaphore_mem>>) {add = true}
      %dma_wait3A_210 = arith.constant 0 : i32
      %dma_wait3A_211 = arith.constant 0 : i32
      %dma_wait3A_212 = tpu.memref_slice %arg17[%dma_wait3A_210, %dma_wait3A_211] : memref<10112x128xf32, #tpu.memory_space<vmem_shared>> -> memref<96x128xf32, #tpu.memory_space<vmem_shared>>
      %dma_wait3A_213 = arith.constant 0 : i32
      %dma_wait3A_214 = arith.constant 0 : i32
      %dma_wait3A_215 = tpu.memref_slice %arg17[%dma_wait3A_213, %dma_wait3A_214] : memref<10112x128xf32, #tpu.memory_space<vmem_shared>> -> memref<96x128xf32, #tpu.memory_space<vmem_shared>>
      tpu.wait_dma2 semaphore(%arg14 : memref<!tpu.dma_semaphore, #tpu.memory_space<semaphore_mem>>) src(%arg8 : memref<96x128xf32, #tpu.memory_space<vmem>>) dst(%dma_wait3A_215 : memref<96x128xf32, #tpu.memory_space<vmem_shared>>)
      %add3A_216 = arith.constant 3 : i32
      %add3A_217 = arith.addi %add3A_198, %add3A_216 : i32
      %lt3A = arith.constant 27 : i32
      %lt3A_218 = arith.cmpi slt, %add3A_217, %lt3A : i32
      %convert_element_type3A = arith.extui %lt3A_218 : i1 to i32
      %cond3A = arith.constant 0 : i32
      %cond3A_219 = arith.cmpi ne, %convert_element_type3A, %cond3A : i32
      scf.if %cond3A_219 {
        %add3A_274 = arith.constant 3 : i32
        %add3A_275 = arith.addi %add3A_198, %add3A_274 : i32
        %dma_start3A_276 = arith.constant 0 : i32
        %dma_start3A_277 = tpu.memref_slice %arg7[%add3A_275, %dma_start3A_276] : memref<27x96xi32, #tpu.memory_space<vmem>> -> memref<1x96xi32, #tpu.memory_space<vmem>>
        %dma_start3A_278 = tpu.memref_squeeze %dma_start3A_277 : memref<1x96xi32, #tpu.memory_space<vmem>> -> memref<96xi32, #tpu.memory_space<vmem>>
        %dma_start3A_279 = arith.constant 0 : i32
        %dma_start3A_280 = arith.constant 0 : i32
        %dma_start3A_281 = tpu.memref_slice %arg2[%dma_start3A_279, %dma_start3A_280] : memref<10000x128xf32, #tpu.memory_space<hbm>> -> memref<10000x128xf32, #tpu.memory_space<hbm>>
        tpu.enqueue_indirect_dma source(%dma_start3A_281 : memref<10000x128xf32, #tpu.memory_space<hbm>>) target(%arg8 : memref<96x128xf32, #tpu.memory_space<vmem>>) offsets(%dma_start3A_278 : memref<96xi32, #tpu.memory_space<vmem>>) semaphore(%arg11 : memref<!tpu.dma_semaphore, #tpu.memory_space<semaphore_mem>>)
      } else {
      }
      %add3A_220 = arith.constant 1 : i32
      %add3A_221 = arith.addi %mul3A_196, %add3A_220 : i32
      %dma_wait3A_222 = arith.constant 0 : i32
      %dma_wait3A_223 = arith.constant 0 : i32
      %dma_wait3A_224 = tpu.memref_slice %arg2[%dma_wait3A_222, %dma_wait3A_223] : memref<10000x128xf32, #tpu.memory_space<hbm>> -> memref<96x128xf32, #tpu.memory_space<hbm>>
      %dma_wait3A_225 = arith.constant 0 : i32
      %dma_wait3A_226 = arith.constant 0 : i32
      %dma_wait3A_227 = tpu.memref_slice %arg2[%dma_wait3A_225, %dma_wait3A_226] : memref<10000x128xf32, #tpu.memory_space<hbm>> -> memref<96x128xf32, #tpu.memory_space<hbm>>
      tpu.wait_dma2 semaphore(%arg12 : memref<!tpu.dma_semaphore, #tpu.memory_space<semaphore_mem>>) src(%dma_wait3A_227 : memref<96x128xf32, #tpu.memory_space<hbm>>) dst(%arg9 : memref<96x128xf32, #tpu.memory_space<vmem>>)
      %dma_start3A_228 = arith.constant 0 : i32
      %dma_start3A_229 = tpu.memref_slice %arg6[%add3A_221, %dma_start3A_228] : memref<27x96xi32, #tpu.memory_space<vmem>> -> memref<1x96xi32, #tpu.memory_space<vmem>>
      %dma_start3A_230 = tpu.memref_squeeze %dma_start3A_229 : memref<1x96xi32, #tpu.memory_space<vmem>> -> memref<96xi32, #tpu.memory_space<vmem>>
      %dma_start3A_231 = arith.constant 0 : i32
      %dma_start3A_232 = arith.constant 0 : i32
      %dma_start3A_233 = tpu.memref_slice %arg17[%dma_start3A_231, %dma_start3A_232] : memref<10112x128xf32, #tpu.memory_space<vmem_shared>> -> memref<10112x128xf32, #tpu.memory_space<vmem_shared>>
      tpu.enqueue_indirect_dma source(%arg9 : memref<96x128xf32, #tpu.memory_space<vmem>>) target(%dma_start3A_233 : memref<10112x128xf32, #tpu.memory_space<vmem_shared>>) offsets(%dma_start3A_230 : memref<96xi32, #tpu.memory_space<vmem>>) semaphore(%arg15 : memref<!tpu.dma_semaphore, #tpu.memory_space<semaphore_mem>>) {add = true}
      %dma_wait3A_234 = arith.constant 0 : i32
      %dma_wait3A_235 = arith.constant 0 : i32
      %dma_wait3A_236 = tpu.memref_slice %arg17[%dma_wait3A_234, %dma_wait3A_235] : memref<10112x128xf32, #tpu.memory_space<vmem_shared>> -> memref<96x128xf32, #tpu.memory_space<vmem_shared>>
      %dma_wait3A_237 = arith.constant 0 : i32
      %dma_wait3A_238 = arith.constant 0 : i32
      %dma_wait3A_239 = tpu.memref_slice %arg17[%dma_wait3A_237, %dma_wait3A_238] : memref<10112x128xf32, #tpu.memory_space<vmem_shared>> -> memref<96x128xf32, #tpu.memory_space<vmem_shared>>
      tpu.wait_dma2 semaphore(%arg15 : memref<!tpu.dma_semaphore, #tpu.memory_space<semaphore_mem>>) src(%arg9 : memref<96x128xf32, #tpu.memory_space<vmem>>) dst(%dma_wait3A_239 : memref<96x128xf32, #tpu.memory_space<vmem_shared>>)
      %add3A_240 = arith.constant 3 : i32
      %add3A_241 = arith.addi %add3A_221, %add3A_240 : i32
      %lt3A_242 = arith.constant 27 : i32
      %lt3A_243 = arith.cmpi slt, %add3A_241, %lt3A_242 : i32
      %convert_element_type3A_244 = arith.extui %lt3A_243 : i1 to i32
      %cond3A_245 = arith.constant 0 : i32
      %cond3A_246 = arith.cmpi ne, %convert_element_type3A_244, %cond3A_245 : i32
      scf.if %cond3A_246 {
        %add3A_274 = arith.constant 3 : i32
        %add3A_275 = arith.addi %add3A_221, %add3A_274 : i32
        %dma_start3A_276 = arith.constant 0 : i32
        %dma_start3A_277 = tpu.memref_slice %arg7[%add3A_275, %dma_start3A_276] : memref<27x96xi32, #tpu.memory_space<vmem>> -> memref<1x96xi32, #tpu.memory_space<vmem>>
        %dma_start3A_278 = tpu.memref_squeeze %dma_start3A_277 : memref<1x96xi32, #tpu.memory_space<vmem>> -> memref<96xi32, #tpu.memory_space<vmem>>
        %dma_start3A_279 = arith.constant 0 : i32
        %dma_start3A_280 = arith.constant 0 : i32
        %dma_start3A_281 = tpu.memref_slice %arg2[%dma_start3A_279, %dma_start3A_280] : memref<10000x128xf32, #tpu.memory_space<hbm>> -> memref<10000x128xf32, #tpu.memory_space<hbm>>
        tpu.enqueue_indirect_dma source(%dma_start3A_281 : memref<10000x128xf32, #tpu.memory_space<hbm>>) target(%arg9 : memref<96x128xf32, #tpu.memory_space<vmem>>) offsets(%dma_start3A_278 : memref<96xi32, #tpu.memory_space<vmem>>) semaphore(%arg12 : memref<!tpu.dma_semaphore, #tpu.memory_space<semaphore_mem>>)
      } else {
      }
      %add3A_247 = arith.constant 2 : i32
      %add3A_248 = arith.addi %mul3A_196, %add3A_247 : i32
      %dma_wait3A_249 = arith.constant 0 : i32
      %dma_wait3A_250 = arith.constant 0 : i32
      %dma_wait3A_251 = tpu.memref_slice %arg2[%dma_wait3A_249, %dma_wait3A_250] : memref<10000x128xf32, #tpu.memory_space<hbm>> -> memref<96x128xf32, #tpu.memory_space<hbm>>
      %dma_wait3A_252 = arith.constant 0 : i32
      %dma_wait3A_253 = arith.constant 0 : i32
      %dma_wait3A_254 = tpu.memref_slice %arg2[%dma_wait3A_252, %dma_wait3A_253] : memref<10000x128xf32, #tpu.memory_space<hbm>> -> memref<96x128xf32, #tpu.memory_space<hbm>>
      tpu.wait_dma2 semaphore(%arg13 : memref<!tpu.dma_semaphore, #tpu.memory_space<semaphore_mem>>) src(%dma_wait3A_254 : memref<96x128xf32, #tpu.memory_space<hbm>>) dst(%arg10 : memref<96x128xf32, #tpu.memory_space<vmem>>)
      %dma_start3A_255 = arith.constant 0 : i32
      %dma_start3A_256 = tpu.memref_slice %arg6[%add3A_248, %dma_start3A_255] : memref<27x96xi32, #tpu.memory_space<vmem>> -> memref<1x96xi32, #tpu.memory_space<vmem>>
      %dma_start3A_257 = tpu.memref_squeeze %dma_start3A_256 : memref<1x96xi32, #tpu.memory_space<vmem>> -> memref<96xi32, #tpu.memory_space<vmem>>
      %dma_start3A_258 = arith.constant 0 : i32
      %dma_start3A_259 = arith.constant 0 : i32
      %dma_start3A_260 = tpu.memref_slice %arg17[%dma_start3A_258, %dma_start3A_259] : memref<10112x128xf32, #tpu.memory_space<vmem_shared>> -> memref<10112x128xf32, #tpu.memory_space<vmem_shared>>
      tpu.enqueue_indirect_dma source(%arg10 : memref<96x128xf32, #tpu.memory_space<vmem>>) target(%dma_start3A_260 : memref<10112x128xf32, #tpu.memory_space<vmem_shared>>) offsets(%dma_start3A_257 : memref<96xi32, #tpu.memory_space<vmem>>) semaphore(%arg16 : memref<!tpu.dma_semaphore, #tpu.memory_space<semaphore_mem>>) {add = true}
      %dma_wait3A_261 = arith.constant 0 : i32
      %dma_wait3A_262 = arith.constant 0 : i32
      %dma_wait3A_263 = tpu.memref_slice %arg17[%dma_wait3A_261, %dma_wait3A_262] : memref<10112x128xf32, #tpu.memory_space<vmem_shared>> -> memref<96x128xf32, #tpu.memory_space<vmem_shared>>
      %dma_wait3A_264 = arith.constant 0 : i32
      %dma_wait3A_265 = arith.constant 0 : i32
      %dma_wait3A_266 = tpu.memref_slice %arg17[%dma_wait3A_264, %dma_wait3A_265] : memref<10112x128xf32, #tpu.memory_space<vmem_shared>> -> memref<96x128xf32, #tpu.memory_space<vmem_shared>>
      tpu.wait_dma2 semaphore(%arg16 : memref<!tpu.dma_semaphore, #tpu.memory_space<semaphore_mem>>) src(%arg10 : memref<96x128xf32, #tpu.memory_space<vmem>>) dst(%dma_wait3A_266 : memref<96x128xf32, #tpu.memory_space<vmem_shared>>)
      %add3A_267 = arith.constant 3 : i32
      %add3A_268 = arith.addi %add3A_248, %add3A_267 : i32
      %lt3A_269 = arith.constant 27 : i32
      %lt3A_270 = arith.cmpi slt, %add3A_268, %lt3A_269 : i32
      %convert_element_type3A_271 = arith.extui %lt3A_270 : i1 to i32
      %cond3A_272 = arith.constant 0 : i32
      %cond3A_273 = arith.cmpi ne, %convert_element_type3A_271, %cond3A_272 : i32
      scf.if %cond3A_273 {
        %add3A_274 = arith.constant 3 : i32
        %add3A_275 = arith.addi %add3A_248, %add3A_274 : i32
        %dma_start3A_276 = arith.constant 0 : i32
        %dma_start3A_277 = tpu.memref_slice %arg7[%add3A_275, %dma_start3A_276] : memref<27x96xi32, #tpu.memory_space<vmem>> -> memref<1x96xi32, #tpu.memory_space<vmem>>
        %dma_start3A_278 = tpu.memref_squeeze %dma_start3A_277 : memref<1x96xi32, #tpu.memory_space<vmem>> -> memref<96xi32, #tpu.memory_space<vmem>>
        %dma_start3A_279 = arith.constant 0 : i32
        %dma_start3A_280 = arith.constant 0 : i32
        %dma_start3A_281 = tpu.memref_slice %arg2[%dma_start3A_279, %dma_start3A_280] : memref<10000x128xf32, #tpu.memory_space<hbm>> -> memref<10000x128xf32, #tpu.memory_space<hbm>>
        tpu.enqueue_indirect_dma source(%dma_start3A_281 : memref<10000x128xf32, #tpu.memory_space<hbm>>) target(%arg10 : memref<96x128xf32, #tpu.memory_space<vmem>>) offsets(%dma_start3A_278 : memref<96xi32, #tpu.memory_space<vmem>>) semaphore(%arg13 : memref<!tpu.dma_semaphore, #tpu.memory_space<semaphore_mem>>)
      } else {
      }
    }
    %scan3A_139 = arith.constant 9 : i32
    %barrier3A_140 = arith.constant 0 : index
    tpu.barrier barrier_id(%barrier3A_140)
    %add3A_141 = arith.constant 0 : i32
    %add3A_142 = arith.addi %mul3A_6, %add3A_141 : i32
    %mul3A_143 = arith.constant 10112 : i32
    %mul3A_144 = arith.muli %arg0, %mul3A_143 : i32
    %add3A_145 = arith.addi %mul3A_144, %mul3A_6 : i32
    %add3A_146 = arith.constant 0 : i32
    %add3A_147 = arith.addi %add3A_145, %add3A_146 : i32
    "tpu.region"() ({
      %run_scoped3A = tpu.sem_alloc : memref<!tpu.dma_semaphore, #tpu.memory_space<semaphore_mem>>
      %dma_start3A_190 = arith.constant 0 : i32
      %dma_start3A_191 = tpu.memref_slice %arg5[%add3A_147, %dma_start3A_190] : memref<20224x128xf32, #tpu.memory_space<hbm>> -> memref<96x128xf32, #tpu.memory_space<hbm>>
      %dma_start3A_192 = arith.constant 0 : i32
      %dma_start3A_193 = tpu.memref_slice %arg17[%add3A_142, %dma_start3A_192] : memref<10112x128xf32, #tpu.memory_space<vmem_shared>> -> memref<96x128xf32, #tpu.memory_space<vmem_shared>>
      tpu.enqueue_dma source(%dma_start3A_193 : memref<96x128xf32, #tpu.memory_space<vmem_shared>>) target(%dma_start3A_191 : memref<96x128xf32, #tpu.memory_space<hbm>>) target_semaphore(%run_scoped3A : memref<!tpu.dma_semaphore, #tpu.memory_space<semaphore_mem>>)
      %dma_wait3A = arith.constant 0 : i32
      %dma_wait3A_194 = tpu.memref_slice %arg5[%add3A_147, %dma_wait3A] : memref<20224x128xf32, #tpu.memory_space<hbm>> -> memref<96x128xf32, #tpu.memory_space<hbm>>
      %dma_wait3A_195 = arith.constant 0 : i32
      %dma_wait3A_196 = tpu.memref_slice %arg17[%add3A_142, %dma_wait3A_195] : memref<10112x128xf32, #tpu.memory_space<vmem_shared>> -> memref<96x128xf32, #tpu.memory_space<vmem_shared>>
      tpu.wait_dma2 semaphore(%run_scoped3A : memref<!tpu.dma_semaphore, #tpu.memory_space<semaphore_mem>>) src(%dma_wait3A_196 : memref<96x128xf32, #tpu.memory_space<vmem_shared>>) dst(%dma_wait3A_194 : memref<96x128xf32, #tpu.memory_space<hbm>>)
      tpu.yield
    }) : () -> ()
    %add3A_148 = arith.constant 96 : i32
    %add3A_149 = arith.addi %mul3A_6, %add3A_148 : i32
    %mul3A_150 = arith.constant 10112 : i32
    %mul3A_151 = arith.muli %arg0, %mul3A_150 : i32
    %add3A_152 = arith.addi %mul3A_151, %mul3A_6 : i32
    %add3A_153 = arith.constant 96 : i32
    %add3A_154 = arith.addi %add3A_152, %add3A_153 : i32
    "tpu.region"() ({
      %run_scoped3A = tpu.sem_alloc : memref<!tpu.dma_semaphore, #tpu.memory_space<semaphore_mem>>
      %dma_start3A_190 = arith.constant 0 : i32
      %dma_start3A_191 = tpu.memref_slice %arg5[%add3A_154, %dma_start3A_190] : memref<20224x128xf32, #tpu.memory_space<hbm>> -> memref<96x128xf32, #tpu.memory_space<hbm>>
      %dma_start3A_192 = arith.constant 0 : i32
      %dma_start3A_193 = tpu.memref_slice %arg17[%add3A_149, %dma_start3A_192] : memref<10112x128xf32, #tpu.memory_space<vmem_shared>> -> memref<96x128xf32, #tpu.memory_space<vmem_shared>>
      tpu.enqueue_dma source(%dma_start3A_193 : memref<96x128xf32, #tpu.memory_space<vmem_shared>>) target(%dma_start3A_191 : memref<96x128xf32, #tpu.memory_space<hbm>>) target_semaphore(%run_scoped3A : memref<!tpu.dma_semaphore, #tpu.memory_space<semaphore_mem>>)
      %dma_wait3A = arith.constant 0 : i32
      %dma_wait3A_194 = tpu.memref_slice %arg5[%add3A_154, %dma_wait3A] : memref<20224x128xf32, #tpu.memory_space<hbm>> -> memref<96x128xf32, #tpu.memory_space<hbm>>
      %dma_wait3A_195 = arith.constant 0 : i32
      %dma_wait3A_196 = tpu.memref_slice %arg17[%add3A_149, %dma_wait3A_195] : memref<10112x128xf32, #tpu.memory_space<vmem_shared>> -> memref<96x128xf32, #tpu.memory_space<vmem_shared>>
      tpu.wait_dma2 semaphore(%run_scoped3A : memref<!tpu.dma_semaphore, #tpu.memory_space<semaphore_mem>>) src(%dma_wait3A_196 : memref<96x128xf32, #tpu.memory_space<vmem_shared>>) dst(%dma_wait3A_194 : memref<96x128xf32, #tpu.memory_space<hbm>>)
      tpu.yield
    }) : () -> ()
    %add3A_155 = arith.constant 192 : i32
    %add3A_156 = arith.addi %mul3A_6, %add3A_155 : i32
    %mul3A_157 = arith.constant 10112 : i32
    %mul3A_158 = arith.muli %arg0, %mul3A_157 : i32
    %add3A_159 = arith.addi %mul3A_158, %mul3A_6 : i32
    %add3A_160 = arith.constant 192 : i32
    %add3A_161 = arith.addi %add3A_159, %add3A_160 : i32
    "tpu.region"() ({
      %run_scoped3A = tpu.sem_alloc : memref<!tpu.dma_semaphore, #tpu.memory_space<semaphore_mem>>
      %dma_start3A_190 = arith.constant 0 : i32
      %dma_start3A_191 = tpu.memref_slice %arg5[%add3A_161, %dma_start3A_190] : memref<20224x128xf32, #tpu.memory_space<hbm>> -> memref<96x128xf32, #tpu.memory_space<hbm>>
      %dma_start3A_192 = arith.constant 0 : i32
      %dma_start3A_193 = tpu.memref_slice %arg17[%add3A_156, %dma_start3A_192] : memref<10112x128xf32, #tpu.memory_space<vmem_shared>> -> memref<96x128xf32, #tpu.memory_space<vmem_shared>>
      tpu.enqueue_dma source(%dma_start3A_193 : memref<96x128xf32, #tpu.memory_space<vmem_shared>>) target(%dma_start3A_191 : memref<96x128xf32, #tpu.memory_space<hbm>>) target_semaphore(%run_scoped3A : memref<!tpu.dma_semaphore, #tpu.memory_space<semaphore_mem>>)
      %dma_wait3A = arith.constant 0 : i32
      %dma_wait3A_194 = tpu.memref_slice %arg5[%add3A_161, %dma_wait3A] : memref<20224x128xf32, #tpu.memory_space<hbm>> -> memref<96x128xf32, #tpu.memory_space<hbm>>
      %dma_wait3A_195 = arith.constant 0 : i32
      %dma_wait3A_196 = tpu.memref_slice %arg17[%add3A_156, %dma_wait3A_195] : memref<10112x128xf32, #tpu.memory_space<vmem_shared>> -> memref<96x128xf32, #tpu.memory_space<vmem_shared>>
      tpu.wait_dma2 semaphore(%run_scoped3A : memref<!tpu.dma_semaphore, #tpu.memory_space<semaphore_mem>>) src(%dma_wait3A_196 : memref<96x128xf32, #tpu.memory_space<vmem_shared>>) dst(%dma_wait3A_194 : memref<96x128xf32, #tpu.memory_space<hbm>>)
      tpu.yield
    }) : () -> ()
    %add3A_162 = arith.constant 288 : i32
    %add3A_163 = arith.addi %mul3A_6, %add3A_162 : i32
    %mul3A_164 = arith.constant 10112 : i32
    %mul3A_165 = arith.muli %arg0, %mul3A_164 : i32
    %add3A_166 = arith.addi %mul3A_165, %mul3A_6 : i32
    %add3A_167 = arith.constant 288 : i32
    %add3A_168 = arith.addi %add3A_166, %add3A_167 : i32
    "tpu.region"() ({
      %run_scoped3A = tpu.sem_alloc : memref<!tpu.dma_semaphore, #tpu.memory_space<semaphore_mem>>
      %dma_start3A_190 = arith.constant 0 : i32
      %dma_start3A_191 = tpu.memref_slice %arg5[%add3A_168, %dma_start3A_190] : memref<20224x128xf32, #tpu.memory_space<hbm>> -> memref<96x128xf32, #tpu.memory_space<hbm>>
      %dma_start3A_192 = arith.constant 0 : i32
      %dma_start3A_193 = tpu.memref_slice %arg17[%add3A_163, %dma_start3A_192] : memref<10112x128xf32, #tpu.memory_space<vmem_shared>> -> memref<96x128xf32, #tpu.memory_space<vmem_shared>>
      tpu.enqueue_dma source(%dma_start3A_193 : memref<96x128xf32, #tpu.memory_space<vmem_shared>>) target(%dma_start3A_191 : memref<96x128xf32, #tpu.memory_space<hbm>>) target_semaphore(%run_scoped3A : memref<!tpu.dma_semaphore, #tpu.memory_space<semaphore_mem>>)
      %dma_wait3A = arith.constant 0 : i32
      %dma_wait3A_194 = tpu.memref_slice %arg5[%add3A_168, %dma_wait3A] : memref<20224x128xf32, #tpu.memory_space<hbm>> -> memref<96x128xf32, #tpu.memory_space<hbm>>
      %dma_wait3A_195 = arith.constant 0 : i32
      %dma_wait3A_196 = tpu.memref_slice %arg17[%add3A_163, %dma_wait3A_195] : memref<10112x128xf32, #tpu.memory_space<vmem_shared>> -> memref<96x128xf32, #tpu.memory_space<vmem_shared>>
      tpu.wait_dma2 semaphore(%run_scoped3A : memref<!tpu.dma_semaphore, #tpu.memory_space<semaphore_mem>>) src(%dma_wait3A_196 : memref<96x128xf32, #tpu.memory_space<vmem_shared>>) dst(%dma_wait3A_194 : memref<96x128xf32, #tpu.memory_space<hbm>>)
      tpu.yield
    }) : () -> ()
    %add3A_169 = arith.constant 384 : i32
    %add3A_170 = arith.addi %mul3A_6, %add3A_169 : i32
    %mul3A_171 = arith.constant 10112 : i32
    %mul3A_172 = arith.muli %arg0, %mul3A_171 : i32
    %add3A_173 = arith.addi %mul3A_172, %mul3A_6 : i32
    %add3A_174 = arith.constant 384 : i32
    %add3A_175 = arith.addi %add3A_173, %add3A_174 : i32
    "tpu.region"() ({
      %run_scoped3A = tpu.sem_alloc : memref<!tpu.dma_semaphore, #tpu.memory_space<semaphore_mem>>
      %dma_start3A_190 = arith.constant 0 : i32
      %dma_start3A_191 = tpu.memref_slice %arg5[%add3A_175, %dma_start3A_190] : memref<20224x128xf32, #tpu.memory_space<hbm>> -> memref<96x128xf32, #tpu.memory_space<hbm>>
      %dma_start3A_192 = arith.constant 0 : i32
      %dma_start3A_193 = tpu.memref_slice %arg17[%add3A_170, %dma_start3A_192] : memref<10112x128xf32, #tpu.memory_space<vmem_shared>> -> memref<96x128xf32, #tpu.memory_space<vmem_shared>>
      tpu.enqueue_dma source(%dma_start3A_193 : memref<96x128xf32, #tpu.memory_space<vmem_shared>>) target(%dma_start3A_191 : memref<96x128xf32, #tpu.memory_space<hbm>>) target_semaphore(%run_scoped3A : memref<!tpu.dma_semaphore, #tpu.memory_space<semaphore_mem>>)
      %dma_wait3A = arith.constant 0 : i32
      %dma_wait3A_194 = tpu.memref_slice %arg5[%add3A_175, %dma_wait3A] : memref<20224x128xf32, #tpu.memory_space<hbm>> -> memref<96x128xf32, #tpu.memory_space<hbm>>
      %dma_wait3A_195 = arith.constant 0 : i32
      %dma_wait3A_196 = tpu.memref_slice %arg17[%add3A_170, %dma_wait3A_195] : memref<10112x128xf32, #tpu.memory_space<vmem_shared>> -> memref<96x128xf32, #tpu.memory_space<vmem_shared>>
      tpu.wait_dma2 semaphore(%run_scoped3A : memref<!tpu.dma_semaphore, #tpu.memory_space<semaphore_mem>>) src(%dma_wait3A_196 : memref<96x128xf32, #tpu.memory_space<vmem_shared>>) dst(%dma_wait3A_194 : memref<96x128xf32, #tpu.memory_space<hbm>>)
      tpu.yield
    }) : () -> ()
    %add3A_176 = arith.constant 480 : i32
    %add3A_177 = arith.addi %mul3A_6, %add3A_176 : i32
    %mul3A_178 = arith.constant 10112 : i32
    %mul3A_179 = arith.muli %arg0, %mul3A_178 : i32
    %add3A_180 = arith.addi %mul3A_179, %mul3A_6 : i32
    %add3A_181 = arith.constant 480 : i32
    %add3A_182 = arith.addi %add3A_180, %add3A_181 : i32
    "tpu.region"() ({
      %run_scoped3A = tpu.sem_alloc : memref<!tpu.dma_semaphore, #tpu.memory_space<semaphore_mem>>
      %dma_start3A_190 = arith.constant 0 : i32
      %dma_start3A_191 = tpu.memref_slice %arg5[%add3A_182, %dma_start3A_190] : memref<20224x128xf32, #tpu.memory_space<hbm>> -> memref<96x128xf32, #tpu.memory_space<hbm>>
      %dma_start3A_192 = arith.constant 0 : i32
      %dma_start3A_193 = tpu.memref_slice %arg17[%add3A_177, %dma_start3A_192] : memref<10112x128xf32, #tpu.memory_space<vmem_shared>> -> memref<96x128xf32, #tpu.memory_space<vmem_shared>>
      tpu.enqueue_dma source(%dma_start3A_193 : memref<96x128xf32, #tpu.memory_space<vmem_shared>>) target(%dma_start3A_191 : memref<96x128xf32, #tpu.memory_space<hbm>>) target_semaphore(%run_scoped3A : memref<!tpu.dma_semaphore, #tpu.memory_space<semaphore_mem>>)
      %dma_wait3A = arith.constant 0 : i32
      %dma_wait3A_194 = tpu.memref_slice %arg5[%add3A_182, %dma_wait3A] : memref<20224x128xf32, #tpu.memory_space<hbm>> -> memref<96x128xf32, #tpu.memory_space<hbm>>
      %dma_wait3A_195 = arith.constant 0 : i32
      %dma_wait3A_196 = tpu.memref_slice %arg17[%add3A_177, %dma_wait3A_195] : memref<10112x128xf32, #tpu.memory_space<vmem_shared>> -> memref<96x128xf32, #tpu.memory_space<vmem_shared>>
      tpu.wait_dma2 semaphore(%run_scoped3A : memref<!tpu.dma_semaphore, #tpu.memory_space<semaphore_mem>>) src(%dma_wait3A_196 : memref<96x128xf32, #tpu.memory_space<vmem_shared>>) dst(%dma_wait3A_194 : memref<96x128xf32, #tpu.memory_space<hbm>>)
      tpu.yield
    }) : () -> ()
    %add3A_183 = arith.constant 576 : i32
    %add3A_184 = arith.addi %mul3A_6, %add3A_183 : i32
    %mul3A_185 = arith.constant 10112 : i32
    %mul3A_186 = arith.muli %arg0, %mul3A_185 : i32
    %add3A_187 = arith.addi %mul3A_186, %mul3A_6 : i32
    %add3A_188 = arith.constant 576 : i32
    %add3A_189 = arith.addi %add3A_187, %add3A_188 : i32
    "tpu.region"() ({
      %run_scoped3A = tpu.sem_alloc : memref<!tpu.dma_semaphore, #tpu.memory_space<semaphore_mem>>
      %dma_start3A_190 = arith.constant 0 : i32
      %dma_start3A_191 = tpu.memref_slice %arg5[%add3A_189, %dma_start3A_190] : memref<20224x128xf32, #tpu.memory_space<hbm>> -> memref<56x128xf32, #tpu.memory_space<hbm>>
      %dma_start3A_192 = arith.constant 0 : i32
      %dma_start3A_193 = tpu.memref_slice %arg17[%add3A_184, %dma_start3A_192] : memref<10112x128xf32, #tpu.memory_space<vmem_shared>> -> memref<56x128xf32, #tpu.memory_space<vmem_shared>>
      tpu.enqueue_dma source(%dma_start3A_193 : memref<56x128xf32, #tpu.memory_space<vmem_shared>>) target(%dma_start3A_191 : memref<56x128xf32, #tpu.memory_space<hbm>>) target_semaphore(%run_scoped3A : memref<!tpu.dma_semaphore, #tpu.memory_space<semaphore_mem>>)
      %dma_wait3A = arith.constant 0 : i32
      %dma_wait3A_194 = tpu.memref_slice %arg5[%add3A_189, %dma_wait3A] : memref<20224x128xf32, #tpu.memory_space<hbm>> -> memref<56x128xf32, #tpu.memory_space<hbm>>
      %dma_wait3A_195 = arith.constant 0 : i32
      %dma_wait3A_196 = tpu.memref_slice %arg17[%add3A_184, %dma_wait3A_195] : memref<10112x128xf32, #tpu.memory_space<vmem_shared>> -> memref<56x128xf32, #tpu.memory_space<vmem_shared>>
      tpu.wait_dma2 semaphore(%run_scoped3A : memref<!tpu.dma_semaphore, #tpu.memory_space<semaphore_mem>>) src(%dma_wait3A_196 : memref<56x128xf32, #tpu.memory_space<vmem_shared>>) dst(%dma_wait3A_194 : memref<56x128xf32, #tpu.memory_space<hbm>>)
      tpu.yield
    }) : () -> ()
    return
  }
}

module attributes {stable_mosaic.version = 14 : i64} {
  func.func @_kpre(%arg0: i32, %arg1: memref<1000x128xf32, #tpu.memory_space<vmem>>, %arg2: memref<128x128xf32, #tpu.memory_space<vmem>>, %arg3: memref<128x128xf32, #tpu.memory_space<vmem>>, %arg4: memref<1x128xf32, #tpu.memory_space<vmem>>, %arg5: memref<1000x128xf32, #tpu.memory_space<vmem>>, %arg6: memref<1000x128xf32, #tpu.memory_space<vmem>>) attributes {dimension_semantics = [#tpu.dimension_semantics<arbitrary>], iteration_bounds = array<i64: 10>, scalar_prefetch = 0 : i64, scratch_operands = 0 : i64, tpu.core_type = #tpu.core_type<tc>, window_params = [{transform_indices = @transform_0, window_bounds = array<i64: 1000, 128>}, {pipeline_mode = #tpu.pipeline_mode<synchronous>, transform_indices = @transform_1, window_bounds = array<i64: 128, 128>}, {pipeline_mode = #tpu.pipeline_mode<synchronous>, transform_indices = @transform_2, window_bounds = array<i64: 128, 128>}, {pipeline_mode = #tpu.pipeline_mode<synchronous>, transform_indices = @transform_3, window_bounds = array<i64: 1, 128>}, {transform_indices = @transform_4, window_bounds = array<i64: 1000, 128>}, {transform_indices = @transform_5, window_bounds = array<i64: 1000, 128>}]} {
    %get3A = arith.constant 0 : index
    %get3A_0 = arith.constant 0 : index
    %get3A_1 = vector.load %arg1[%get3A, %get3A_0] : memref<1000x128xf32, #tpu.memory_space<vmem>>, vector<1000x128xf32>
    %get3A_2 = arith.constant 0 : index
    %get3A_3 = arith.constant 0 : index
    %get3A_4 = vector.load %arg2[%get3A_2, %get3A_3] : memref<128x128xf32, #tpu.memory_space<vmem>>, vector<128x128xf32>
    %dot_general3A = arith.constant dense<0.000000e+00> : vector<1000x128xf32>
    %dot_general3A_5 = tpu.matmul %get3A_1, %get3A_4, %dot_general3A {dimension_numbers = #tpu.dot_dimension_numbers<[1], [0], [0], [1], [0, 0, 1, 1], [], []>, transpose_lhs_hint = false} : vector<1000x128xf32>, vector<128x128xf32>, vector<1000x128xf32> -> vector<1000x128xf32>
    %swap3A = arith.constant 0 : index
    %swap3A_6 = arith.constant 0 : index
    %swap3A_7 = vector.load %arg5[%swap3A, %swap3A_6] : memref<1000x128xf32, #tpu.memory_space<vmem>>, vector<1000x128xf32>
    tpu.vector_store %arg5[%swap3A, %swap3A_6], %dot_general3A_5 {strides = array<i32>} : memref<1000x128xf32, #tpu.memory_space<vmem>>, vector<1000x128xf32>,
    %get3A_8 = arith.constant 0 : index
    %get3A_9 = arith.constant 0 : index
    %get3A_10 = vector.load %arg3[%get3A_8, %get3A_9] : memref<128x128xf32, #tpu.memory_space<vmem>>, vector<128x128xf32>
    %dot_general3A_11 = arith.constant dense<0.000000e+00> : vector<1000x128xf32>
    %dot_general3A_12 = tpu.matmul %get3A_1, %get3A_10, %dot_general3A_11 {dimension_numbers = #tpu.dot_dimension_numbers<[1], [0], [0], [1], [0, 0, 1, 1], [], []>, transpose_lhs_hint = false} : vector<1000x128xf32>, vector<128x128xf32>, vector<1000x128xf32> -> vector<1000x128xf32>
    %get3A_13 = arith.constant 0 : index
    %get3A_14 = arith.constant 0 : index
    %get3A_15 = vector.load %arg4[%get3A_13, %get3A_14] : memref<1x128xf32, #tpu.memory_space<vmem>>, vector<1x128xf32>
    %add3A = vector.broadcast %get3A_15 : vector<1x128xf32> to vector<1000x128xf32>
    %add3A_16 = arith.addf %dot_general3A_12, %add3A : vector<1000x128xf32>
    %swap3A_17 = arith.constant 0 : index
    %swap3A_18 = arith.constant 0 : index
    %swap3A_19 = vector.load %arg6[%swap3A_17, %swap3A_18] : memref<1000x128xf32, #tpu.memory_space<vmem>>, vector<1000x128xf32>
    tpu.vector_store %arg6[%swap3A_17, %swap3A_18], %add3A_16 {strides = array<i32>} : memref<1000x128xf32, #tpu.memory_space<vmem>>, vector<1000x128xf32>,
    return
  }
  func.func @transform_0(%arg0: i32) -> (i32, i32) {
    %c0_i32 = arith.constant 0 : i32
    %c0_i32_0 = arith.constant 0 : i32
    return %arg0, %c0_i32 : i32, i32
  }
  func.func @transform_1(%arg0: i32) -> (i32, i32) {
    %c0_i32 = arith.constant 0 : i32
    %c0_i32_0 = arith.constant 0 : i32
    %c0_i32_1 = arith.constant 0 : i32
    return %c0_i32, %c0_i32_0 : i32, i32
  }
  func.func @transform_2(%arg0: i32) -> (i32, i32) {
    %c0_i32 = arith.constant 0 : i32
    %c0_i32_0 = arith.constant 0 : i32
    %c0_i32_1 = arith.constant 0 : i32
    return %c0_i32, %c0_i32_0 : i32, i32
  }
  func.func @transform_3(%arg0: i32) -> (i32, i32) {
    %c0_i32 = arith.constant 0 : i32
    %c0_i32_0 = arith.constant 0 : i32
    %c0_i32_1 = arith.constant 0 : i32
    return %c0_i32, %c0_i32_0 : i32, i32
  }
  func.func @transform_4(%arg0: i32) -> (i32, i32) {
    %c0_i32 = arith.constant 0 : i32
    %c0_i32_0 = arith.constant 0 : i32
    return %arg0, %c0_i32 : i32, i32
  }
  func.func @transform_5(%arg0: i32) -> (i32, i32) {
    %c0_i32 = arith.constant 0 : i32
    %c0_i32_0 = arith.constant 0 : i32
    return %arg0, %c0_i32 : i32, i32
  }
}

module attributes {stable_mosaic.version = 14 : i64} {
  func.func @_ka(%arg0: i32, %arg1: memref<1000x128xf32, #tpu.memory_space<vmem>>, %arg2: memref<2x1000x16xf32, #tpu.memory_space<vmem>>, %arg3: memref<1000x128xf32, #tpu.memory_space<vmem>>) attributes {dimension_semantics = [#tpu.dimension_semantics<arbitrary>], iteration_bounds = array<i64: 10>, scalar_prefetch = 0 : i64, scratch_operands = 0 : i64, tpu.core_type = #tpu.core_type<tc>, window_params = [{transform_indices = @transform_0, window_bounds = array<i64: 1000, 128>}, {transform_indices = @transform_1, window_bounds = array<i64: 2, 1000, 16>}, {transform_indices = @transform_2, window_bounds = array<i64: 1000, 128>}]} {
    %get3A = arith.constant 0 : index
    %get3A_0 = arith.constant 0 : index
    %get3A_1 = arith.constant 0 : index
    %get3A_2 = vector.load %arg2[%get3A, %get3A_0, %get3A_1] : memref<2x1000x16xf32, #tpu.memory_space<vmem>>, vector<1x1000x1xf32>
    %get3A_3 = vector.shape_cast %get3A_2 : vector<1x1000x1xf32> to vector<1000xf32>
    %get3A_4 = arith.constant 1 : index
    %get3A_5 = arith.constant 0 : index
    %get3A_6 = arith.constant 0 : index
    %get3A_7 = vector.load %arg2[%get3A_4, %get3A_5, %get3A_6] : memref<2x1000x16xf32, #tpu.memory_space<vmem>>, vector<1x1000x1xf32>
    %get3A_8 = vector.shape_cast %get3A_7 : vector<1x1000x1xf32> to vector<1000xf32>
    %add3A = arith.addf %get3A_3, %get3A_8 : vector<1000xf32>
    %add3A_9 = arith.constant 1.000000e+00 : f32
    %add3A_10 = vector.broadcast %add3A_9 : f32 to vector<1000xf32>
    %add3A_11 = arith.addf %add3A, %add3A_10 : vector<1000xf32>
    %rsqrt3A = math.rsqrt %add3A_11 : vector<1000xf32>
    %broadcast_in_dim3A = vector.shape_cast %rsqrt3A : vector<1000xf32> to vector<1000x1xf32>
    %get3A_12 = arith.constant 0 : index
    %get3A_13 = arith.constant 0 : index
    %get3A_14 = vector.load %arg1[%get3A_12, %get3A_13] : memref<1000x128xf32, #tpu.memory_space<vmem>>, vector<1000x128xf32>
    %mul3A = vector.broadcast %broadcast_in_dim3A : vector<1000x1xf32> to vector<1000x128xf32>
    %mul3A_15 = arith.mulf %mul3A, %get3A_14 : vector<1000x128xf32>
    %swap3A = arith.constant 0 : index
    %swap3A_16 = arith.constant 0 : index
    %swap3A_17 = vector.load %arg3[%swap3A, %swap3A_16] : memref<1000x128xf32, #tpu.memory_space<vmem>>, vector<1000x128xf32>
    tpu.vector_store %arg3[%swap3A, %swap3A_16], %mul3A_15 {strides = array<i32>} : memref<1000x128xf32, #tpu.memory_space<vmem>>, vector<1000x128xf32>,
    return
  }
  func.func @transform_0(%arg0: i32) -> (i32, i32) {
    %c0_i32 = arith.constant 0 : i32
    %c0_i32_0 = arith.constant 0 : i32
    return %arg0, %c0_i32 : i32, i32
  }
  func.func @transform_1(%arg0: i32) -> (i32, i32, i32) {
    %c0_i32 = arith.constant 0 : i32
    %c0_i32_0 = arith.constant 0 : i32
    %c0_i32_1 = arith.constant 0 : i32
    return %c0_i32, %arg0, %c0_i32_0 : i32, i32, i32
  }
  func.func @transform_2(%arg0: i32) -> (i32, i32) {
    %c0_i32 = arith.constant 0 : i32
    %c0_i32_0 = arith.constant 0 : i32
    return %arg0, %c0_i32 : i32, i32
  }
}

module attributes {stable_mosaic.version = 14 : i64} {
  func.func @_kb(%arg0: i32, %arg1: memref<2x1000x128xf32, #tpu.memory_space<vmem>>, %arg2: memref<1000x128xf32, #tpu.memory_space<vmem>>, %arg3: memref<1000x128xf32, #tpu.memory_space<vmem>>, %arg4: memref<2x1000x16xf32, #tpu.memory_space<vmem>>, %arg5: memref<1x128xf32, #tpu.memory_space<vmem>>, %arg6: memref<1x128xf32, #tpu.memory_space<vmem>>, %arg7: memref<1x128xf32, #tpu.memory_space<vmem>>, %arg8: memref<128x16xf32, #tpu.memory_space<vmem>>, %arg9: memref<1000x16xf32, #tpu.memory_space<vmem>>) attributes {dimension_semantics = [#tpu.dimension_semantics<arbitrary>], iteration_bounds = array<i64: 10>, scalar_prefetch = 0 : i64, scratch_operands = 0 : i64, tpu.core_type = #tpu.core_type<tc>, window_params = [{transform_indices = @transform_0, window_bounds = array<i64: 2, 1000, 128>}, {transform_indices = @transform_1, window_bounds = array<i64: 1000, 128>}, {transform_indices = @transform_2, window_bounds = array<i64: 1000, 128>}, {transform_indices = @transform_3, window_bounds = array<i64: 2, 1000, 16>}, {pipeline_mode = #tpu.pipeline_mode<synchronous>, transform_indices = @transform_4, window_bounds = array<i64: 1, 128>}, {pipeline_mode = #tpu.pipeline_mode<synchronous>, transform_indices = @transform_5, window_bounds = array<i64: 1, 128>}, {pipeline_mode = #tpu.pipeline_mode<synchronous>, transform_indices = @transform_6, window_bounds = array<i64: 1, 128>}, {pipeline_mode = #tpu.pipeline_mode<synchronous>, transform_indices = @transform_7, window_bounds = array<i64: 128, 16>}, {transform_indices = @transform_8, window_bounds = array<i64: 1000, 16>}]} {
    %get3A = arith.constant 0 : index
    %get3A_0 = arith.constant 0 : index
    %get3A_1 = arith.constant 0 : index
    %get3A_2 = vector.load %arg4[%get3A, %get3A_0, %get3A_1] : memref<2x1000x16xf32, #tpu.memory_space<vmem>>, vector<1x1000x1xf32>
    %get3A_3 = vector.shape_cast %get3A_2 : vector<1x1000x1xf32> to vector<1000xf32>
    %get3A_4 = arith.constant 1 : index
    %get3A_5 = arith.constant 0 : index
    %get3A_6 = arith.constant 0 : index
    %get3A_7 = vector.load %arg4[%get3A_4, %get3A_5, %get3A_6] : memref<2x1000x16xf32, #tpu.memory_space<vmem>>, vector<1x1000x1xf32>
    %get3A_8 = vector.shape_cast %get3A_7 : vector<1x1000x1xf32> to vector<1000xf32>
    %add3A = arith.addf %get3A_3, %get3A_8 : vector<1000xf32>
    %add3A_9 = arith.constant 1.000000e+00 : f32
    %add3A_10 = vector.broadcast %add3A_9 : f32 to vector<1000xf32>
    %add3A_11 = arith.addf %add3A, %add3A_10 : vector<1000xf32>
    %rsqrt3A = math.rsqrt %add3A_11 : vector<1000xf32>
    %get3A_12 = arith.constant 0 : index
    %get3A_13 = arith.constant 0 : index
    %get3A_14 = arith.constant 0 : index
    %get3A_15 = vector.load %arg1[%get3A_12, %get3A_13, %get3A_14] : memref<2x1000x128xf32, #tpu.memory_space<vmem>>, vector<2x1000x128xf32>
    %broadcast_in_dim3A = vector.shape_cast %rsqrt3A : vector<1000xf32> to vector<1000x1xf32>
    %slice3A = vector.extract_strided_slice %get3A_15 {offsets = [0, 0, 0], sizes = [1, 1000, 128], strides = [1, 1, 1]} : vector<2x1000x128xf32> to vector<1x1000x128xf32>
    %squeeze3A = vector.shape_cast %slice3A : vector<1x1000x128xf32> to vector<1000x128xf32>
    %slice3A_16 = vector.extract_strided_slice %get3A_15 {offsets = [1, 0, 0], sizes = [1, 1000, 128], strides = [1, 1, 1]} : vector<2x1000x128xf32> to vector<1x1000x128xf32>
    %squeeze3A_17 = vector.shape_cast %slice3A_16 : vector<1x1000x128xf32> to vector<1000x128xf32>
    %add3A_18 = arith.addf %squeeze3A, %squeeze3A_17 : vector<1000x128xf32>
    %get3A_19 = arith.constant 0 : index
    %get3A_20 = arith.constant 0 : index
    %get3A_21 = vector.load %arg2[%get3A_19, %get3A_20] : memref<1000x128xf32, #tpu.memory_space<vmem>>, vector<1000x128xf32>
    %add3A_22 = arith.addf %add3A_18, %get3A_21 : vector<1000x128xf32>
    %mul3A = vector.broadcast %broadcast_in_dim3A : vector<1000x1xf32> to vector<1000x128xf32>
    %mul3A_23 = arith.mulf %mul3A, %add3A_22 : vector<1000x128xf32>
    %get3A_24 = arith.constant 0 : index
    %get3A_25 = arith.constant 0 : index
    %get3A_26 = vector.load %arg5[%get3A_24, %get3A_25] : memref<1x128xf32, #tpu.memory_space<vmem>>, vector<1x128xf32>
    %add3A_27 = vector.broadcast %get3A_26 : vector<1x128xf32> to vector<1000x128xf32>
    %add3A_28 = arith.addf %mul3A_23, %add3A_27 : vector<1000x128xf32>
    %reduce_sum3A = arith.constant dense<0.000000e+00> : vector<1000xf32>
    %reduce_sum3A_29 = vector.multi_reduction <add>, %add3A_28, %reduce_sum3A [1] : vector<1000x128xf32> to vector<1000xf32>
    %broadcast_in_dim3A_30 = vector.shape_cast %reduce_sum3A_29 : vector<1000xf32> to vector<1000x1xf32>
    %div3A = arith.constant 1.280000e+02 : f32
    %div3A_31 = vector.broadcast %div3A : f32 to vector<1000x1xf32>
    %div3A_32 = arith.divf %broadcast_in_dim3A_30, %div3A_31 : vector<1000x1xf32>
    %sub3A = vector.broadcast %div3A_32 : vector<1000x1xf32> to vector<1000x128xf32>
    %sub3A_33 = arith.subf %add3A_28, %sub3A : vector<1000x128xf32>
    %integer_pow3A = arith.mulf %sub3A_33, %sub3A_33 : vector<1000x128xf32>
    %reduce_sum3A_34 = arith.constant dense<0.000000e+00> : vector<1000xf32>
    %reduce_sum3A_35 = vector.multi_reduction <add>, %integer_pow3A, %reduce_sum3A_34 [1] : vector<1000x128xf32> to vector<1000xf32>
    %broadcast_in_dim3A_36 = vector.shape_cast %reduce_sum3A_35 : vector<1000xf32> to vector<1000x1xf32>
    %div3A_37 = arith.constant 1.280000e+02 : f32
    %div3A_38 = vector.broadcast %div3A_37 : f32 to vector<1000x1xf32>
    %div3A_39 = arith.divf %broadcast_in_dim3A_36, %div3A_38 : vector<1000x1xf32>
    %sub3A_40 = vector.broadcast %div3A_32 : vector<1000x1xf32> to vector<1000x128xf32>
    %sub3A_41 = arith.subf %add3A_28, %sub3A_40 : vector<1000x128xf32>
    %add3A_42 = arith.constant 9.99999974E-6 : f32
    %add3A_43 = vector.broadcast %add3A_42 : f32 to vector<1000x1xf32>
    %add3A_44 = arith.addf %div3A_39, %add3A_43 : vector<1000x1xf32>
    %rsqrt3A_45 = math.rsqrt %add3A_44 : vector<1000x1xf32>
    %mul3A_46 = vector.broadcast %rsqrt3A_45 : vector<1000x1xf32> to vector<1000x128xf32>
    %mul3A_47 = arith.mulf %sub3A_41, %mul3A_46 : vector<1000x128xf32>
    %get3A_48 = arith.constant 0 : index
    %get3A_49 = arith.constant 0 : index
    %get3A_50 = vector.load %arg6[%get3A_48, %get3A_49] : memref<1x128xf32, #tpu.memory_space<vmem>>, vector<1x128xf32>
    %mul3A_51 = vector.broadcast %get3A_50 : vector<1x128xf32> to vector<1000x128xf32>
    %mul3A_52 = arith.mulf %mul3A_47, %mul3A_51 : vector<1000x128xf32>
    %get3A_53 = arith.constant 0 : index
    %get3A_54 = arith.constant 0 : index
    %get3A_55 = vector.load %arg7[%get3A_53, %get3A_54] : memref<1x128xf32, #tpu.memory_space<vmem>>, vector<1x128xf32>
    %add3A_56 = vector.broadcast %get3A_55 : vector<1x128xf32> to vector<1000x128xf32>
    %add3A_57 = arith.addf %mul3A_52, %add3A_56 : vector<1000x128xf32>
    %mul3A_58 = arith.constant 8.000000e-01 : f32
    %mul3A_59 = vector.broadcast %mul3A_58 : f32 to vector<1000x128xf32>
    %mul3A_60 = arith.mulf %mul3A_59, %add3A_57 : vector<1000x128xf32>
    %get3A_61 = arith.constant 0 : index
    %get3A_62 = arith.constant 0 : index
    %get3A_63 = vector.load %arg3[%get3A_61, %get3A_62] : memref<1000x128xf32, #tpu.memory_space<vmem>>, vector<1000x128xf32>
    %mul3A_64 = arith.constant 2.000000e-01 : f32
    %mul3A_65 = vector.broadcast %mul3A_64 : f32 to vector<1000x128xf32>
    %mul3A_66 = arith.mulf %mul3A_65, %get3A_63 : vector<1000x128xf32>
    %add3A_67 = arith.addf %mul3A_60, %mul3A_66 : vector<1000x128xf32>
    %max3A = arith.constant 0.000000e+00 : f32
    %max3A_68 = vector.broadcast %max3A : f32 to vector<1000x128xf32>
    %max3A_69 = arith.maximumf %add3A_67, %max3A_68 : vector<1000x128xf32>
    %broadcast_in_dim3A_70 = vector.shape_cast %rsqrt3A : vector<1000xf32> to vector<1000x1xf32>
    %get3A_71 = arith.constant 0 : index
    %get3A_72 = arith.constant 0 : index
    %get3A_73 = vector.load %arg8[%get3A_71, %get3A_72] : memref<128x16xf32, #tpu.memory_space<vmem>>, vector<128x16xf32>
    %dot_general3A = arith.constant dense<0.000000e+00> : vector<1000x16xf32>
    %dot_general3A_74 = tpu.matmul %max3A_69, %get3A_73, %dot_general3A {dimension_numbers = #tpu.dot_dimension_numbers<[1], [0], [0], [1], [0, 0, 1, 1], [], []>, transpose_lhs_hint = false} : vector<1000x128xf32>, vector<128x16xf32>, vector<1000x16xf32> -> vector<1000x16xf32>
    %mul3A_75 = vector.broadcast %broadcast_in_dim3A_70 : vector<1000x1xf32> to vector<1000x16xf32>
    %mul3A_76 = arith.mulf %mul3A_75, %dot_general3A_74 : vector<1000x16xf32>
    %swap3A = arith.constant 0 : index
    %swap3A_77 = arith.constant 0 : index
    %swap3A_78 = vector.load %arg9[%swap3A, %swap3A_77] : memref<1000x16xf32, #tpu.memory_space<vmem>>, vector<1000x16xf32>
    tpu.vector_store %arg9[%swap3A, %swap3A_77], %mul3A_76 {strides = array<i32>} : memref<1000x16xf32, #tpu.memory_space<vmem>>, vector<1000x16xf32>,
    return
  }
  func.func @transform_0(%arg0: i32) -> (i32, i32, i32) {
    %c0_i32 = arith.constant 0 : i32
    %c0_i32_0 = arith.constant 0 : i32
    %c0_i32_1 = arith.constant 0 : i32
    return %c0_i32, %arg0, %c0_i32_0 : i32, i32, i32
  }
  func.func @transform_1(%arg0: i32) -> (i32, i32) {
    %c0_i32 = arith.constant 0 : i32
    %c0_i32_0 = arith.constant 0 : i32
    return %arg0, %c0_i32 : i32, i32
  }
  func.func @transform_2(%arg0: i32) -> (i32, i32) {
    %c0_i32 = arith.constant 0 : i32
    %c0_i32_0 = arith.constant 0 : i32
    return %arg0, %c0_i32 : i32, i32
  }
  func.func @transform_3(%arg0: i32) -> (i32, i32, i32) {
    %c0_i32 = arith.constant 0 : i32
    %c0_i32_0 = arith.constant 0 : i32
    %c0_i32_1 = arith.constant 0 : i32
    return %c0_i32, %arg0, %c0_i32_0 : i32, i32, i32
  }
  func.func @transform_4(%arg0: i32) -> (i32, i32) {
    %c0_i32 = arith.constant 0 : i32
    %c0_i32_0 = arith.constant 0 : i32
    %c0_i32_1 = arith.constant 0 : i32
    return %c0_i32, %c0_i32_0 : i32, i32
  }
  func.func @transform_5(%arg0: i32) -> (i32, i32) {
    %c0_i32 = arith.constant 0 : i32
    %c0_i32_0 = arith.constant 0 : i32
    %c0_i32_1 = arith.constant 0 : i32
    return %c0_i32, %c0_i32_0 : i32, i32
  }
  func.func @transform_6(%arg0: i32) -> (i32, i32) {
    %c0_i32 = arith.constant 0 : i32
    %c0_i32_0 = arith.constant 0 : i32
    %c0_i32_1 = arith.constant 0 : i32
    return %c0_i32, %c0_i32_0 : i32, i32
  }
  func.func @transform_7(%arg0: i32) -> (i32, i32) {
    %c0_i32 = arith.constant 0 : i32
    %c0_i32_0 = arith.constant 0 : i32
    %c0_i32_1 = arith.constant 0 : i32
    return %c0_i32, %c0_i32_0 : i32, i32
  }
  func.func @transform_8(%arg0: i32) -> (i32, i32) {
    %c0_i32 = arith.constant 0 : i32
    %c0_i32_0 = arith.constant 0 : i32
    return %arg0, %c0_i32 : i32, i32
  }
}

module attributes {stable_mosaic.version = 14 : i64} {
  func.func @_kc(%arg0: i32, %arg1: memref<2x1000x16xf32, #tpu.memory_space<vmem>>, %arg2: memref<1000x16xf32, #tpu.memory_space<vmem>>, %arg3: memref<2x1000x16xf32, #tpu.memory_space<vmem>>, %arg4: memref<1x8xf32, #tpu.memory_space<vmem>>, %arg5: memref<1000x8xf32, #tpu.memory_space<vmem>>) attributes {dimension_semantics = [#tpu.dimension_semantics<arbitrary>], iteration_bounds = array<i64: 10>, scalar_prefetch = 0 : i64, scratch_operands = 0 : i64, tpu.core_type = #tpu.core_type<tc>, window_params = [{transform_indices = @transform_0, window_bounds = array<i64: 2, 1000, 16>}, {transform_indices = @transform_1, window_bounds = array<i64: 1000, 16>}, {transform_indices = @transform_2, window_bounds = array<i64: 2, 1000, 16>}, {pipeline_mode = #tpu.pipeline_mode<synchronous>, transform_indices = @transform_3, window_bounds = array<i64: 1, 8>}, {transform_indices = @transform_4, window_bounds = array<i64: 1000, 8>}]} {
    %get3A = arith.constant 0 : index
    %get3A_0 = arith.constant 0 : index
    %get3A_1 = arith.constant 0 : index
    %get3A_2 = vector.load %arg3[%get3A, %get3A_0, %get3A_1] : memref<2x1000x16xf32, #tpu.memory_space<vmem>>, vector<1x1000x1xf32>
    %get3A_3 = vector.shape_cast %get3A_2 : vector<1x1000x1xf32> to vector<1000xf32>
    %get3A_4 = arith.constant 1 : index
    %get3A_5 = arith.constant 0 : index
    %get3A_6 = arith.constant 0 : index
    %get3A_7 = vector.load %arg3[%get3A_4, %get3A_5, %get3A_6] : memref<2x1000x16xf32, #tpu.memory_space<vmem>>, vector<1x1000x1xf32>
    %get3A_8 = vector.shape_cast %get3A_7 : vector<1x1000x1xf32> to vector<1000xf32>
    %add3A = arith.addf %get3A_3, %get3A_8 : vector<1000xf32>
    %add3A_9 = arith.constant 1.000000e+00 : f32
    %add3A_10 = vector.broadcast %add3A_9 : f32 to vector<1000xf32>
    %add3A_11 = arith.addf %add3A, %add3A_10 : vector<1000xf32>
    %rsqrt3A = math.rsqrt %add3A_11 : vector<1000xf32>
    %get3A_12 = arith.constant 0 : index
    %get3A_13 = arith.constant 0 : index
    %get3A_14 = arith.constant 0 : index
    %get3A_15 = vector.load %arg1[%get3A_12, %get3A_13, %get3A_14] : memref<2x1000x16xf32, #tpu.memory_space<vmem>>, vector<2x1000x16xf32>
    %broadcast_in_dim3A = vector.shape_cast %rsqrt3A : vector<1000xf32> to vector<1000x1xf32>
    %slice3A = vector.extract_strided_slice %get3A_15 {offsets = [0, 0, 0], sizes = [1, 1000, 16], strides = [1, 1, 1]} : vector<2x1000x16xf32> to vector<1x1000x16xf32>
    %squeeze3A = vector.shape_cast %slice3A : vector<1x1000x16xf32> to vector<1000x16xf32>
    %slice3A_16 = vector.extract_strided_slice %get3A_15 {offsets = [1, 0, 0], sizes = [1, 1000, 16], strides = [1, 1, 1]} : vector<2x1000x16xf32> to vector<1x1000x16xf32>
    %squeeze3A_17 = vector.shape_cast %slice3A_16 : vector<1x1000x16xf32> to vector<1000x16xf32>
    %add3A_18 = arith.addf %squeeze3A, %squeeze3A_17 : vector<1000x16xf32>
    %get3A_19 = arith.constant 0 : index
    %get3A_20 = arith.constant 0 : index
    %get3A_21 = vector.load %arg2[%get3A_19, %get3A_20] : memref<1000x16xf32, #tpu.memory_space<vmem>>, vector<1000x16xf32>
    %add3A_22 = arith.addf %add3A_18, %get3A_21 : vector<1000x16xf32>
    %mul3A = vector.broadcast %broadcast_in_dim3A : vector<1000x1xf32> to vector<1000x16xf32>
    %mul3A_23 = arith.mulf %mul3A, %add3A_22 : vector<1000x16xf32>
    %slice3A_24 = vector.extract_strided_slice %mul3A_23 {offsets = [0, 0], sizes = [1000, 8], strides = [1, 1]} : vector<1000x16xf32> to vector<1000x8xf32>
    %get3A_25 = arith.constant 0 : index
    %get3A_26 = arith.constant 0 : index
    %get3A_27 = vector.load %arg4[%get3A_25, %get3A_26] : memref<1x8xf32, #tpu.memory_space<vmem>>, vector<1x8xf32>
    %add3A_28 = vector.broadcast %get3A_27 : vector<1x8xf32> to vector<1000x8xf32>
    %add3A_29 = arith.addf %slice3A_24, %add3A_28 : vector<1000x8xf32>
    %swap3A = arith.constant 0 : index
    %swap3A_30 = arith.constant 0 : index
    %swap3A_31 = vector.load %arg5[%swap3A, %swap3A_30] : memref<1000x8xf32, #tpu.memory_space<vmem>>, vector<1000x8xf32>
    tpu.vector_store %arg5[%swap3A, %swap3A_30], %add3A_29 {strides = array<i32>} : memref<1000x8xf32, #tpu.memory_space<vmem>>, vector<1000x8xf32>,
    return
  }
  func.func @transform_0(%arg0: i32) -> (i32, i32, i32) {
    %c0_i32 = arith.constant 0 : i32
    %c0_i32_0 = arith.constant 0 : i32
    %c0_i32_1 = arith.constant 0 : i32
    return %c0_i32, %arg0, %c0_i32_0 : i32, i32, i32
  }
  func.func @transform_1(%arg0: i32) -> (i32, i32) {
    %c0_i32 = arith.constant 0 : i32
    %c0_i32_0 = arith.constant 0 : i32
    return %arg0, %c0_i32 : i32, i32
  }
  func.func @transform_2(%arg0: i32) -> (i32, i32, i32) {
    %c0_i32 = arith.constant 0 : i32
    %c0_i32_0 = arith.constant 0 : i32
    %c0_i32_1 = arith.constant 0 : i32
    return %c0_i32, %arg0, %c0_i32_0 : i32, i32, i32
  }
  func.func @transform_3(%arg0: i32) -> (i32, i32) {
    %c0_i32 = arith.constant 0 : i32
    %c0_i32_0 = arith.constant 0 : i32
    %c0_i32_1 = arith.constant 0 : i32
    return %c0_i32, %c0_i32_0 : i32, i32
  }
  func.func @transform_4(%arg0: i32) -> (i32, i32) {
    %c0_i32 = arith.constant 0 : i32
    %c0_i32_0 = arith.constant 0 : i32
    return %arg0, %c0_i32 : i32, i32
  }
}

</mosaic_0001>

<sc_bundles>
// kernel: kernel.12.cloned.1.call-start
scs
__scs_entry_jumppad:
0x0: {  	(pc) =	sbr.rel $0x88, $3  }
0x1: {  	(tag) =	ssettag $0x0;
	lr =	simm.s32 $0x1  }
0x2: {  	[smem:$0x3F97] =	sst lr;
	_ =	strace $0xD0000000  }
0x3: {  	_ = 	snop  }
0x4: {  	_ = 	snop  }
0x5: {  	_ = 	snop  }
0x6: {  	_ = 	snop  }
0x7: {  	_ = 	snop  }
__scs_overlays_trampoline_lowered:
0x8: {  	[smem:$0x3FA6] =	sst s0  }
0x9: {  	[smem:$0x3FA7] =	sst s1  }
0xa: {  	[smem:$0x3FA8] =	sst s2  }
0xb: {  	[smem:$0x3FA9] =	sst s3  }
0xc: {  	[smem:$0x3FAA] =	sst s4  }
0xd: {  	[smem:$0x3FAB] =	sst s5  }
0xe: {  	[smem:$0x3FAC] =	sst s6  }
0xf: {  	[smem:$0x3FAD] =	sst s7  }
0x10: {  	[smem:$0x3FAE] =	sst s8  }
0x11: {  	[smem:$0x3FAF] =	sst s9;
	s0 =	simm.s32 @!p0 $0x0  }
0x12: {  	s1 =	sld [smem:$0x3F95];
	s0 =	simm.s32 @p0 $0x1  }
0x13: {  	[smem:$0x3FB0] =	sst s0;
	s0 =	simm.s32 @!p1 $0x0  }
0x14: {  	s2 =	sld [smem:$0x3F94];
	s0 =	simm.s32 @p1 $0x1  }
0x15: {  	[smem:$0x3FB1] =	sst s0;
	s0 =	simm.s32 @!p2 $0x0  }
0x16: {  	s3 =	sld [smem:$0x3FDB];
	s0 =	simm.s32 @p2 $0x1  }
0x17: {  	s4 =	simm.s32 $0x1BF5;
	[smem:$0x3FB3] =	sst s0  }
0x18: {  	s0 =	sld [smem:$0x3F96];
	_ =	swait.ge [sflag:s4], $0x0  }
0x19: {  	s7 =	sld [smem:$0x3F97]  }
0x1a: {  	s8 =	sadd.s32 $0xFFFFE003, lr  }
0x1b: {  	s9 =	sadd.s32 $0xFFFFFEF7, lr;
	s5 =	simm.s32 $0xFFFFFFFF;
	p2 =	slt.u32 s8, $0xFFFFF086  }
0x1c: {  	p1 =	slt.u32 s9, $0xF7A;
	s5 =	simm.s32 @!p2 $0x0  }
0x1d: {  	s5 =	simm.s32 @p1 $0x1;
	p0 =	seq.s32 s7, s2  }
0x1e: {  	s7 =	smul.u32 @!p0 $0xF7A, s2;
	p2 =	seq.s32 @!p0 s5, $0x0  }
0x1f: {  	s9 =	smul.u32 $0xF7A, s1;
	s8 =	simm.s32 @!p0 $0x1BF5;
	p2 =	por !p2, p0  }
0x20: {  	[sflag:s8] =	ssyncset.s32 @!p0 $0xFFFFF086;
	s6 =	sadd.s32 @!p0 s3, s7;
	s7 =	simm.s32 @!p0 $0x108  }
0x21: {  	s3 =	sadd.s32 s3, s9;
	s6 =	sadd.s32 @!p0 $0x88, s6;
	s7 =	simm.s32 @p2 $0x1082  }
0x22: {  	[simem:s7], [sflag:s8] =	dma.local @!p0 [hbm:s6], $0xF7A  }
0x23: {  	s9 =	sor.u32 $0xD0000000, s2;
	s6 =	simm.s32 $0x108;
	_ =	swait.ge @!p0 [sflag:s8], $0x0  }
0x24: {  	s3 =	sadd.s32 $0x88, s3;
	s6 =	simm.s32 @!p1 $0x1082;
	[sflag:s4] =	ssyncset.s32 $0xFFFFF086  }
0x25: {  	[simem:s6], [sflag:s4] =	dma.local [hbm:s3], $0xF7A  }
0x26: {  	[smem:$0x3F97] =	sst s1;
	(tag) =	ssettag s2;
	_ =	strace s9  }
0x27: {  	s1 =	sld [smem:$0x3FA7]  }
0x28: {  	s2 =	sld [smem:$0x3FA8]  }
0x29: {  	s4 =	sld [smem:$0x3FAA]  }
0x2a: {  	p0 =	seq.s32 s5, $0x0;
	s5 =	sld [smem:$0x3FAB]  }
0x2b: {  	s6 =	sld [smem:$0x3FAC]  }
0x2c: {  	s7 =	sld [smem:$0x3FAD]  }
0x2d: {  	s3 =	simm.s32 $0x108;
	s8 =	sld [smem:$0x3FAE]  }
0x2e: {  	s3 =	simm.s32 @!p0 $0x1082;
	s9 =	sld [smem:$0x3FAF]  }
0x2f: {  	lr =	sadd.s32 s0, s3;
	s0 =	sld [smem:$0x3FA6]  }
0x30: {  	s3 =	sld [smem:$0x3FA9]  }
0x31: {  	[smem:$0x3FB2] =	sst s10  }
0x32: {  	s10 =	sld [smem:$0x3FB0];
	_ =	sdelay $0x3  }
0x33: {  	p0 =	seq.s32 s10, $0x1;
	s10 =	sld [smem:$0x3FB2];
	_ =	sdelay $0x3  }
0x34: {  	[smem:$0x3FB2] =	sst s10  }
0x35: {  	s10 =	sld [smem:$0x3FB1];
	_ =	sdelay $0x3  }
0x36: {  	p1 =	seq.s32 s10, $0x1;
	s10 =	sld [smem:$0x3FB2];
	_ =	sdelay $0x3  }
0x37: {  	[smem:$0x3FB2] =	sst s10  }
0x38: {  	s10 =	sld [smem:$0x3FB3]  }
0x39: {  	_ = 	snop;
	(pc) =	sbr.ind lr, $3  }
0x3a: {  	_ = 	snop  }
0x3b: {  	_ = 	snop  }
0x3c: {  	p2 =	seq.s32 s10, $0x1;
	s10 =	sld [smem:$0x3FB2]  }
0x3d: {  	_ =	shalt  }
0x3e: {  	_ =	shalt  }
0x3f: {  	_ =	shalt  }
0x40: {  	_ =	shalt  }
0x41: {  	_ =	shalt  }
0x42: {  	_ =	shalt  }
0x43: {  	_ =	shalt  }
0x44: {  	_ =	shalt  }
0x45: {  	_ =	shalt  }
0x46: {  	_ =	shalt  }
0x47: {  	_ =	shalt  }
0x48: {  	_ =	shalt  }
0x49: {  	_ =	shalt  }
0x4a: {  	_ =	shalt  }
0x4b: {  	_ =	shalt  }
0x4c: {  	_ =	shalt  }
0x4d: {  	_ =	shalt  }
0x4e: {  	_ =	shalt  }
0x4f: {  	_ =	shalt  }
0x50: {  	_ =	shalt  }
0x51: {  	_ =	shalt  }
0x52: {  	_ =	shalt  }
0x53: {  	_ =	shalt  }
0x54: {  	_ =	shalt  }
0x55: {  	_ =	shalt  }
0x56: {  	_ =	shalt  }
0x57: {  	_ =	shalt  }
0x58: {  	_ =	shalt  }
0x59: {  	_ =	shalt  }
0x5a: {  	_ =	shalt  }
0x5b: {  	_ =	shalt  }
0x5c: {  	_ =	shalt  }
0x5d: {  	_ =	shalt  }
0x5e: {  	_ =	shalt  }
0x5f: {  	_ =	shalt  }
0x60: {  	_ =	shalt  }
0x61: {  	_ =	shalt  }
0x62: {  	_ =	shalt  }
0x63: {  	_ =	shalt  }
0x64: {  	_ =	shalt  }
0x65: {  	_ =	shalt  }
0x66: {  	_ =	shalt  }
0x67: {  	_ =	shalt  }
0x68: {  	_ =	shalt  }
0x69: {  	_ =	shalt  }
0x6a: {  	_ =	shalt  }
0x6b: {  	_ =	shalt  }
0x6c: {  	_ =	shalt  }
0x6d: {  	_ =	shalt  }
0x6e: {  	_ =	shalt  }
0x6f: {  	_ =	shalt  }
0x70: {  	_ =	shalt  }
0x71: {  	_ =	shalt  }
0x72: {  	_ =	shalt  }
0x73: {  	_ =	shalt  }
0x74: {  	_ =	shalt  }
0x75: {  	_ =	shalt  }
0x76: {  	_ =	shalt  }
0x77: {  	_ =	shalt  }
0x78: {  	_ =	shalt  }
0x79: {  	_ =	shalt  }
0x7a: {  	_ =	shalt  }
0x7b: {  	_ =	shalt  }
0x7c: {  	_ =	shalt  }
0x7d: {  	_ =	shalt  }
0x7e: {  	_ =	shalt  }
0x7f: {  	_ =	shalt  }
0x80: {  	_ =	shalt  }
0x81: {  	_ =	shalt  }
0x82: {  	_ =	shalt  }
0x83: {  	_ =	shalt  }
0x84: {  	_ =	shalt  }
0x85: {  	_ =	shalt  }
0x86: {  	_ =	shalt  }
0x87: {  	_ =	shalt  }
.Lfunc_end0:
.L_simem_size_0:
called_computation.1_lowered:
.L_overlay_start_0:
0x88: {  	s2 =	sld [smem:$0x3FD9]  }
0x89: {  	s3 =	sld [smem:$0x3FFE];
	_ =	sdelay $0x1  }
0x8a: {  	s1 =	srdreg.scid  }
0x8b: {  	s0 =	sand.u32 $0x1, s1  }
0x8c: {  	s16 =	sshll.u32 s0, $0xA;
	s2 =	sadd.s32 s3, s2  }
0x8d: {  	s2 =	sadd.s32 s2, s16  }
0x8e: {  	[smem:$0x3FBE] =	sst s2  }
0x8f: {  	_ = 	snop  }
0x90: {  	(tm) =	ssettm $0x1  }
0x91: {  	s17 =	sld [smem:$0x3FFB];
	_ =	sdelay $0x3  }
0x92: {  	_ =	strace s17  }
0x93: {  	s2 =	sld [smem:$0x3FFC];
	_ =	sdelay $0x3  }
0x94: {  	_ =	strace s2  }
0x95: {  	s2 =	sld [smem:$0x3FFD];
	_ =	sdelay $0x3  }
0x96: {  	_ =	strace s2  }
0x97: {  	_ =	strace $0x8FFFFFFF  }
0x98: {  	s18 =	sld [smem:$0x3FDB];
	_ =	sdelay $0x1  }
0x99: {  	s19 =	simm.s32 $_scs_section_size  }
0x9a: {  	s4 =	simm.s32 $_size__tile_overlayer_lowered;
	s5 =	simm.s32 $_tile_overlayer_lowered  }
0x9b: {  	s22 =	simm.s32 $0x1BFF;
	s21 =	sshll.u32 s5, $0x1;
	s2 =	sadd.s32 s19, s18  }
0x9c: {  	s6 =	simm.s32 $0x0;
	s20 =	sshll.u32 s4, $0x1;
	s4 =	sadd.s32 s21, s2  }
0x9d: {  	[timem:s6], [sflag:s22] =	dma.local [hbm:s4], s20  }
0x9e: {  	_ =	swait.ge [sflag:s22], s20  }
0x9f: {  	s3 =	ssub.s32 $0x0, s20;
	[sflag:s22] =	ssyncset.done $0x0  }
0xa0: {  	[sflag:s22] =	ssyncadd.s32 s3;
	_ =	sdelay $0x1  }
0xa1: {  	s23 =	simm.s32 $0x1B8B  }
0xa2: {  	_ =	swait.ge [sflag:s23], $0x1  }
0xa3: {  	[sflag:s23] =	ssyncset.done $0x0  }
0xa4: {  	s25 =	simm.s32 $0x1B8E;
	s24 =	sld [smem:$0x3FFE];
	[sflag:s23] =	ssyncadd.s32 $0xFFFFFFFF  }
0xa5: {  	s26 =	simm.s32 $execute0_lowered;
	[smem:$0x3FD2] =	sst s25  }
0xa6: {  	s4 =	sshll.u32 s26, $0x1;
	_ =	strace $0x80000049;
	[dreg:$0x1] =	wrdreg $0xFFFFFFFF  }
0xa7: {  	s28 =	simm.s32 $_size_execute0_lowered;
	s2 =	sadd.s32 s2, s4;
	[dreg:$0x0] =	wrdreg $0x0  }
0xa8: {  	s4 =	sshll.u32 s28, $0x1;
	[dreg:$0x2] =	wrdreg s2  }
0xa9: {  	[dreg:$0x3] =	wrdreg s4  }
0xaa: {  	[dreg:$0x4] =	wrdreg $0xC0  }
0xab: {  	_ =	task [dreg:s6], $0x5FFFF  }
0xac: {  	[dreg:$0x1] =	wrdreg $0xFFFFFFFF  }
0xad: {  	[dreg:$0x0] =	wrdreg $0x60  }
0xae: {  	[dreg:$0x2] =	wrdreg s24  }
0xaf: {  	[dreg:$0x3] =	wrdreg $0xA4400  }
0xb0: {  	[dreg:$0x4] =	wrdreg $0x9  }
0xb1: {  	_ =	task.clear_ibuf [dreg:s6], $0x5FFFF;
	_ =	strace $0x90000049  }
0xb2: {  	s29 =	simm.s32 $0x9;
	_ =	strace $0x8000004B  }
0xb3: {  	_ =	swait.ge [sflag:s29], $0x1  }
0xb4: {  	[sflag:s29] =	ssyncadd.s32 $0xFFFFFFFF  }
0xb5: {  	_ =	strace $0x9000004B  }
0xb6: {  	_ =	sfence  }
0xb7: {  	s30 =	sld [smem:$0x0];
	_ =	sdelay $0x2  }
0xb8: {  	s31 =	sshll.u32 s1, $0xD;
	s1 =	sshrl.u32 s1, $0x2  }
0xb9: {  	s3 =	sand.u32 $0x4000, s31;
	s1 =	sadd.s32 s1, s30  }
0xba: {  	s0 =	sor.u32 s3, s0;
	s1 =	sshll.u32 s1, $0x11  }
0xbb: {  	s0 =	sor.u32 s1, s0  }
0xbc: {  	s0 =	sadd.s32 $0x8F2B, s0  }
0xbd: {  	[sflag:s0] =	ssyncadd.remote.s32 $0x1  }
0xbe: {  	_ =	sfence.sel $0xFFFF  }
0xbf: {  	[dreg:$0x0] =	wrdreg $0xFFFFFFFF;
	(pc) =	sbr.abs _section_cstart, $3  }
0xc0: {  	[dreg:$0x1] =	wrdreg $0xFFFFFFFF  }
0xc1: {  	_ =	task.clear_ibuf [dreg:s6], $0x2FFFF;
	_ =	strace $0x9FFFFFFF  }
0xc2: {  	(tm) =	ssettm $0x7FFFFFFF  }
0xc3: {  	_ =	shalt  }
tec
execute0_lowered:
.L_overlay_start_1:
0x0: {  	(tag) =	ssettag $0x1  }
0x1: {  	s0 =	rddreg [dreg:$0x0]  }
0x2: {  	s2 =	rddreg [dreg:$0x1]  }
0x3: {  	s1 =	srdreg.scid;
	s7 =	stileid.u32  }
0x4: {  	s3 =	simm.s32 $0x0;
	s29 =	simm.s32 $0x1440;
	s30 =	simm.s32 $0x7  }
0x5: {  	s31 =	simm.s32 $0xA20;
	s1 =	sand.u32 $0x1, s1;
	s5 =	smul.u32 $0x278, s7  }
0x6: {  	[smem:$0x7FF] =	sst s3;
	s4 =	sadd.s32 $0x84000, s0;
	s10 =	sadd.s32 $0x20C00, s0  }
0x7: {  	s11 =	sadd.s32 $0x2AE00, s0;
	s15 =	smul.u32 $0x4F000, s7;
	s7 =	sshll.u32 s7, $0x2  }
0x8: {  	s6 =	smul.u32 $0x2780, s1;
	s16 =	sshll.u32 s1, $0x6;
	s1 =	ssub.s32 $0x2, s1  }
0x9: {  	_ =	strace $0x8000004A;
	s7 =	sor.u32 s7, s16;
	s8 =	sshrl.u32 s1, $0x1  }
0xa: {  	s16 =	simm.s32 $0x5;
	s5 =	sadd.s32 s5, s6;
	s9 =	smul.u32 $0xA20, s7  }
0xb: {  	s6 =	sshrl.u32 s15, $0x2;
	s12 =	smul.u32 $0x144, s7;
	s5 =	sshll.u32 s5, $0x4  }
0xc: {  	s1 =	ssub.s32 s1, s8;
	s15 =	simm.s32 $0x2;
	s0 =	sadd.s32 s5, s0  }
0xd: {  	s5 =	sadd.s32 s6, s2;
	s13 =	sshrl.u32 s9, $0x3;
	s14 =	sadd.s32 s11, s12  }
0xe: {  	s12 =	sadd.s32 s10, s12;
	s6 =	sadd.s32 $0x3000, s5;
	[dreg:$0x3] =	wrdreg s14  }
0xf: {  	s7 =	sadd.s32 $0x6000, s5;
	[dreg:$0x4] =	wrdreg s12;
	s21 =	sadd.s32 $0xAB200, s0  }
0x10: {  	s8 =	sadd.s32 $0x9000, s5;
	s22 =	sadd.s32 $0xAB800, s0;
	[dreg:$0xb] =	wrdreg s21  }
0x11: {  	s9 =	sadd.s32 $0xC000, s5;
	s23 =	sadd.s32 $0xABE00, s0;
	[dreg:$0xc] =	wrdreg s22  }
0x12: {  	s17 =	sadd.s32 $0x144, s13;
	s24 =	sadd.s32 $0xAC400, s0;
	[dreg:$0xd] =	wrdreg s23  }
0x13: {  	s19 =	sadd.s32 $0x288, s13;
	s25 =	sadd.s32 $0xACA00, s0;
	[dreg:$0xe] =	wrdreg s24  }
0x14: {  	s13 =	sadd.s32 $0x3CC, s13;
	s26 =	sadd.s32 $0xAD000, s0;
	[dreg:$0xf] =	wrdreg s25  }
0x15: {  	s0 =	sadd.s32 $0xAD600, s0;
	s28 =	sadd.s32 $0x12000, s5;
	[dreg:$0x10] =	wrdreg s26  }
0x16: {  	s18 =	sadd.s32 s11, s17;
	s14 =	sadd.s32 s10, s17;
	[dreg:$0x11] =	wrdreg s0  }
0x17: {  	s20 =	sadd.s32 s11, s19;
	s12 =	sadd.s32 s10, s19;
	[dreg:$0x5] =	wrdreg s18  }
0x18: {  	s11 =	sadd.s32 s11, s13;
	s10 =	sadd.s32 s10, s13;
	[dreg:$0x6] =	wrdreg s14  }
0x19: {  	s25 =	smax.u32 s1, $0x1;
	s26 =	sadd.s32 $0xF000, s5;
	[dreg:$0x7] =	wrdreg s20  }
0x1a: {  	s0 =	simm.s32 $0x60;
	s1 =	simm.s32 $0xA80;
	[dreg:$0x8] =	wrdreg s12  }
0x1b: {  	s13 =	simm.s32 $0x1;
	s17 =	simm.s32 $0x3;
	[dreg:$0x9] =	wrdreg s11  }
0x1c: {  	s19 =	simm.s32 $0x900;
	s21 =	simm.s32 $0x9C0;
	[dreg:$0xa] =	wrdreg s10  }
0x1d: {  	s10 =	simm.s32 $0x4440;
	s11 =	simm.s32 $0xAE0;
	s12 =	simm.s32 $0x7440  }
0x1e: {  	v0 =	vimm.f32 $0.0e+00;
	s14 =	simm.s32 $0x4;
	s18 =	simm.s32 $0x6;
	s20 =	simm.s32 $0x960  }
.LBB2_1:
0x1f: {  	s22 =	simm.s32 $0x0;
	s23 =	simm.s32 $0x200  }
.LBB2_2:
0x20: {  	p0 =	sne.s32 s23, $0xBE00;
	[tilespmem:s22+$0x14B0] =	vst v0  }
0x21: {  	[tilespmem:s22+$0x1440] =	vst v0  }
0x22: {  	[tilespmem:s22+$0x1450] =	vst v0  }
.Ltmp0:
0x23: {  	[tilespmem:s22+$0x1460] =	vst v0;
	(pc) =	sbr.rel @p0 .LBB2_2-.Ltmp0, $4  }
0x24: {  	[tilespmem:s22+$0x1470] =	vst v0  }
0x25: {  	[tilespmem:s22+$0x1480] =	vst v0  }
0x26: {  	[tilespmem:s22+$0x1490] =	vst v0  }
0x27: {  	[tilespmem:s22+$0x14A0] =	vst v0;
	s22 =	sshra.s32 s23, $0x2;
	s23 =	sadd.s32 $0x200, s23  }
0x28: {  	[tilespmem:s22+$0x14B0] =	vst v0  }
0x29: {  	[tilespmem:s22+$0x1440] =	vst v0  }
0x2a: {  	[tilespmem:s22+$0x1450] =	vst v0  }
0x2b: {  	[tilespmem:s22+$0x1460] =	vst v0  }
0x2c: {  	[tilespmem:s22+$0x1470] =	vst v0  }
0x2d: {  	[tilespmem:s22+$0x1480] =	vst v0  }
0x2e: {  	[tilespmem:s22+$0x1490] =	vst v0  }
0x2f: {  	[tilespmem:s22+$0x14A0] =	vst v0  }
0x30: {  	[spmem:s5] =	stream.linear.scatter [tilespmem:s29], [sflag:$0x7], $0x3000, $0x38;
	[tilespmem:$0x1E040] =	vst v63  }
0x31: {  	_ =	swait.ge [sflag:s30], $0x3000  }
0x32: {  	[sflag:s30] =	ssyncset.done $0x0  }
0x33: {  	[sflag:s30] =	ssyncadd.s32 $0xFFFFD000  }
0x34: {  	[spmem:s6] =	stream.linear.scatter [tilespmem:s29], [sflag:$0x7], $0x3000, $0x38;
	[tilespmem:$0x1E040] =	vst v63  }
0x35: {  	_ =	swait.ge [sflag:s30], $0x3000  }
0x36: {  	[sflag:s30] =	ssyncset.done $0x0  }
0x37: {  	[sflag:s30] =	ssyncadd.s32 $0xFFFFD000  }
0x38: {  	[spmem:s7] =	stream.linear.scatter [tilespmem:s29], [sflag:$0x7], $0x3000, $0x38;
	[tilespmem:$0x1E040] =	vst v63  }
0x39: {  	_ =	swait.ge [sflag:s30], $0x3000  }
0x3a: {  	[sflag:s30] =	ssyncset.done $0x0  }
0x3b: {  	[sflag:s30] =	ssyncadd.s32 $0xFFFFD000  }
0x3c: {  	[spmem:s8] =	stream.linear.scatter [tilespmem:s29], [sflag:$0x7], $0x3000, $0x38;
	[tilespmem:$0x1E040] =	vst v63  }
0x3d: {  	_ =	swait.ge [sflag:s30], $0x3000  }
0x3e: {  	[sflag:s30] =	ssyncset.done $0x0  }
0x3f: {  	[sflag:s30] =	ssyncadd.s32 $0xFFFFD000  }
0x40: {  	[spmem:s9] =	stream.linear.scatter [tilespmem:s29], [sflag:$0x7], $0x3000, $0x38;
	[tilespmem:$0x1E040] =	vst v63  }
0x41: {  	_ =	swait.ge [sflag:s30], $0x3000  }
0x42: {  	[sflag:s30] =	ssyncset.done $0x0  }
0x43: {  	[sflag:s30] =	ssyncadd.s32 $0xFFFFD000  }
0x44: {  	[spmem:s26] =	stream.linear.scatter [tilespmem:s29], [sflag:$0x7], $0x3000, $0x38;
	[tilespmem:$0x1E040] =	vst v63  }
0x45: {  	_ =	swait.ge [sflag:s30], $0x3000  }
0x46: {  	[sflag:s30] =	ssyncset.done $0x0  }
0x47: {  	[sflag:s30] =	ssyncadd.s32 $0xFFFFD000  }
0x48: {  	[spmem:s28] =	stream.linear.scatter [tilespmem:s29], [sflag:$0x7], $0x1C00, $0x38;
	[tilespmem:$0x1E040] =	vst v63  }
0x49: {  	_ =	swait.ge [sflag:s30], $0x1C00  }
0x4a: {  	[sflag:s30] =	ssyncset.done $0x0  }
0x4b: {  	[sflag:s30] =	ssyncadd.s32 $0xFFFFE400  }
0x4c: {  	[bflag:$0x0] =	sbarrier.arrive $0xFFFF  }
0x4d: {  	s22 =	simm.s32 $0x0;
	s23 =	rddreg [dreg:$0x3]  }
0x4e: {  	[tilespmem:s22], [sflag:$0x7] =	stream.linear.gather [hbm4b:s23+s22], $0xA20, $0x38;
	[tilespmem:$0x1E040] =	vst v63  }
0x4f: {  	_ =	swait.ge [sflag:s30], $0xA20  }
0x50: {  	[sflag:s30] =	ssyncset.done $0x0  }
0x51: {  	s24 =	rddreg [dreg:$0x4];
	[sflag:s30] =	ssyncadd.s32 $0xFFFFF5E0  }
0x52: {  	[tilespmem:s31], [sflag:$0x7] =	stream.linear.gather [hbm4b:s24+s22], $0xA20, $0x38;
	[tilespmem:$0x1E040] =	vst v63  }
0x53: {  	_ =	swait.ge [sflag:s30], $0xA20  }
0x54: {  	[sflag:s30] =	ssyncset.done $0x0  }
0x55: {  	[sflag:s30] =	ssyncadd.s32 $0xFFFFF5E0  }
0x56: {  	[tilespmem:s29], [sflag:$0x1] =	stream.indirect.gather [hbm4b:s4+s0], $0x80, s31, s0, $0xb8;
	[tilespmem:$0x1E040] =	vst v63  }
0x57: {  	_ = 	snop  }
0x58: {  	[tilespmem:s10], [sflag:$0x2] =	stream.indirect.gather [hbm4b:s4+s0], $0x80, s1, s0, $0xb8;
	[tilespmem:$0x1E040] =	vst v63  }
0x59: {  	_ = 	snop  }
0x5a: {  	[tilespmem:s12], [sflag:$0x3] =	stream.indirect.gather [hbm4b:s4+s0], $0x80, s11, s0, $0xb8;
	[tilespmem:$0x1E040] =	vst v63  }
0x5b: {  	_ =	swait.ge [sflag:s13], $0x3000  }
0x5c: {  	[sflag:s13] =	ssyncset.done $0x0  }
0x5d: {  	s24 =	simm.s32 $0x0;
	[sflag:s13] =	ssyncadd.s32 $0xFFFFD000  }
0x5e: {  	[spmem:s2] =	stream.indirect.scatter.add.f32 [tilespmem:s29], [sflag:$0x4], $0x80, s24, s0, $0xb8;
	[tilespmem:$0x1E040] =	vst v63  }
0x5f: {  	_ =	swait.ge [sflag:s14], $0x3000  }
0x60: {  	[sflag:s14] =	ssyncset.done $0x0  }
0x61: {  	s23 =	simm.s32 $0xB40;
	[sflag:s14] =	ssyncadd.s32 $0xFFFFD000  }
0x62: {  	[tilespmem:s29], [sflag:$0x1] =	stream.indirect.gather [hbm4b:s4+s0], $0x80, s23, s0, $0xb8;
	[tilespmem:$0x1E040] =	vst v63  }
0x63: {  	_ =	swait.ge [sflag:s15], $0x3000  }
0x64: {  	[sflag:s15] =	ssyncset.done $0x0  }
0x65: {  	s24 =	simm.s32 $0x60;
	[sflag:s15] =	ssyncadd.s32 $0xFFFFD000  }
0x66: {  	[spmem:s2] =	stream.indirect.scatter.add.f32 [tilespmem:s10], [sflag:$0x5], $0x80, s24, s0, $0xb8;
	[tilespmem:$0x1E040] =	vst v63  }
0x67: {  	_ =	swait.ge [sflag:s16], $0x3000  }
0x68: {  	[sflag:s16] =	ssyncset.done $0x0  }
0x69: {  	s23 =	simm.s32 $0xBA0;
	[sflag:s16] =	ssyncadd.s32 $0xFFFFD000  }
0x6a: {  	[tilespmem:s10], [sflag:$0x2] =	stream.indirect.gather [hbm4b:s4+s0], $0x80, s23, s0, $0xb8;
	[tilespmem:$0x1E040] =	vst v63  }
0x6b: {  	_ =	swait.ge [sflag:s17], $0x3000  }
0x6c: {  	[sflag:s17] =	ssyncset.done $0x0  }
0x6d: {  	s24 =	simm.s32 $0xC0;
	[sflag:s17] =	ssyncadd.s32 $0xFFFFD000  }
0x6e: {  	[spmem:s2] =	stream.indirect.scatter.add.f32 [tilespmem:s12], [sflag:$0x6], $0x80, s24, s0, $0xb8;
	[tilespmem:$0x1E040] =	vst v63  }
0x6f: {  	_ =	swait.ge [sflag:s18], $0x3000  }
0x70: {  	[sflag:s18] =	ssyncset.done $0x0  }
0x71: {  	s22 =	simm.s32 $0x480;
	s23 =	simm.s32 $0xC00;
	[sflag:s18] =	ssyncadd.s32 $0xFFFFD000  }
.LBB2_4:
0x72: {  	[tilespmem:s12], [sflag:$0x3] =	stream.indirect.gather [hbm4b:s4+s0], $0x80, s23, s0, $0xb8;
	[tilespmem:$0x1E040] =	vst v63  }
0x73: {  	s23 =	smov.u32 s22  }
0x74: {  	p0 =	sne.s32 s22, $0x1F80;
	s22 =	sadd.s32 $0x480, s22;
	_ =	swait.ge [sflag:s13], $0x3000  }
0x75: {  	[sflag:s13] =	ssyncset.done $0x0  }
0x76: {  	s23 =	sshra.s32 s23, $0x2;
	[sflag:s13] =	ssyncadd.s32 $0xFFFFD000  }
0x77: {  	[spmem:s2] =	stream.indirect.scatter.add.f32 [tilespmem:s29], [sflag:$0x4], $0x80, s23, s0, $0xb8;
	[tilespmem:$0x1E040] =	vst v63  }
0x78: {  	_ =	swait.ge [sflag:s14], $0x3000  }
0x79: {  	[sflag:s14] =	ssyncset.done $0x0  }
0x7a: {  	s24 =	sadd.s32 $0xB40, s23;
	[sflag:s14] =	ssyncadd.s32 $0xFFFFD000  }
0x7b: {  	[tilespmem:s29], [sflag:$0x1] =	stream.indirect.gather [hbm4b:s4+s0], $0x80, s24, s0, $0xb8;
	[tilespmem:$0x1E040] =	vst v63  }
0x7c: {  	_ =	swait.ge [sflag:s15], $0x3000  }
0x7d: {  	[sflag:s15] =	ssyncset.done $0x0  }
0x7e: {  	s24 =	sadd.s32 $0x60, s23;
	[sflag:s15] =	ssyncadd.s32 $0xFFFFD000  }
0x7f: {  	[spmem:s2] =	stream.indirect.scatter.add.f32 [tilespmem:s10], [sflag:$0x5], $0x80, s24, s0, $0xb8;
	[tilespmem:$0x1E040] =	vst v63  }
0x80: {  	_ =	swait.ge [sflag:s16], $0x3000  }
0x81: {  	[sflag:s16] =	ssyncset.done $0x0  }
0x82: {  	s24 =	sadd.s32 $0xBA0, s23;
	[sflag:s16] =	ssyncadd.s32 $0xFFFFD000  }
0x83: {  	[tilespmem:s10], [sflag:$0x2] =	stream.indirect.gather [hbm4b:s4+s0], $0x80, s24, s0, $0xb8;
	[tilespmem:$0x1E040] =	vst v63  }
0x84: {  	_ =	swait.ge [sflag:s17], $0x3000  }
0x85: {  	[sflag:s17] =	ssyncset.done $0x0  }
.Ltmp1:
0x86: {  	s24 =	sadd.s32 $0xC0, s23;
	[sflag:s17] =	ssyncadd.s32 $0xFFFFD000;
	(pc) =	sbr.rel @p0 .LBB2_4-.Ltmp1, $4  }
0x87: {  	[spmem:s2] =	stream.indirect.scatter.add.f32 [tilespmem:s12], [sflag:$0x6], $0x80, s24, s0, $0xb8;
	[tilespmem:$0x1E040] =	vst v63  }
0x88: {  	_ =	swait.ge [sflag:s18], $0x3000  }
0x89: {  	[sflag:s18] =	ssyncset.done $0x0  }
0x8a: {  	s23 =	sadd.s32 $0xC00, s23;
	[sflag:s18] =	ssyncadd.s32 $0xFFFFD000  }
0x8b: {  	[tilespmem:s12], [sflag:$0x3] =	stream.indirect.gather [hbm4b:s4+s0], $0x80, s23, s0, $0xb8;
	[tilespmem:$0x1E040] =	vst v63  }
0x8c: {  	_ =	swait.ge [sflag:s13], $0x3000  }
0x8d: {  	[sflag:s13] =	ssyncset.done $0x0  }
0x8e: {  	[sflag:s13] =	ssyncadd.s32 $0xFFFFD000  }
0x8f: {  	[spmem:s2] =	stream.indirect.scatter.add.f32 [tilespmem:s29], [sflag:$0x4], $0x80, s19, s0, $0xb8;
	[tilespmem:$0x1E040] =	vst v63  }
0x90: {  	_ =	swait.ge [sflag:s14], $0x3000  }
0x91: {  	[sflag:s14] =	ssyncset.done $0x0  }
0x92: {  	[sflag:s14] =	ssyncadd.s32 $0xFFFFD000  }
0x93: {  	_ =	swait.ge [sflag:s15], $0x3000  }
0x94: {  	[sflag:s15] =	ssyncset.done $0x0  }
0x95: {  	[sflag:s15] =	ssyncadd.s32 $0xFFFFD000  }
0x96: {  	[spmem:s2] =	stream.indirect.scatter.add.f32 [tilespmem:s10], [sflag:$0x5], $0x80, s20, s0, $0xb8;
	[tilespmem:$0x1E040] =	vst v63  }
0x97: {  	_ =	swait.ge [sflag:s16], $0x3000  }
0x98: {  	[sflag:s16] =	ssyncset.done $0x0  }
0x99: {  	[sflag:s16] =	ssyncadd.s32 $0xFFFFD000  }
0x9a: {  	_ =	swait.ge [sflag:s17], $0x3000  }
0x9b: {  	[sflag:s17] =	ssyncset.done $0x0  }
0x9c: {  	[sflag:s17] =	ssyncadd.s32 $0xFFFFD000  }
0x9d: {  	[spmem:s2] =	stream.indirect.scatter.add.f32 [tilespmem:s12], [sflag:$0x6], $0x80, s21, s0, $0xb8;
	[tilespmem:$0x1E040] =	vst v63  }
0x9e: {  	_ =	swait.ge [sflag:s18], $0x3000  }
0x9f: {  	[sflag:s18] =	ssyncset.done $0x0  }
0xa0: {  	s22 =	simm.s32 $0x0;
	s24 =	rddreg [dreg:$0x5];
	[sflag:s18] =	ssyncadd.s32 $0xFFFFD000  }
0xa1: {  	[tilespmem:s22], [sflag:$0x7] =	stream.linear.gather [hbm4b:s24+s22], $0xA20, $0x38;
	[tilespmem:$0x1E040] =	vst v63  }
0xa2: {  	_ =	swait.ge [sflag:s30], $0xA20  }
0xa3: {  	[sflag:s30] =	ssyncset.done $0x0  }
0xa4: {  	s24 =	rddreg [dreg:$0x6];
	[sflag:s30] =	ssyncadd.s32 $0xFFFFF5E0  }
0xa5: {  	[tilespmem:s31], [sflag:$0x7] =	stream.linear.gather [hbm4b:s24+s22], $0xA20, $0x38;
	[tilespmem:$0x1E040] =	vst v63  }
0xa6: {  	_ =	swait.ge [sflag:s30], $0xA20  }
0xa7: {  	[sflag:s30] =	ssyncset.done $0x0  }
0xa8: {  	[sflag:s30] =	ssyncadd.s32 $0xFFFFF5E0  }
0xa9: {  	[tilespmem:s29], [sflag:$0x1] =	stream.indirect.gather [hbm4b:s4+s0], $0x80, s31, s0, $0xb8;
	[tilespmem:$0x1E040] =	vst v63  }
0xaa: {  	_ = 	snop  }
0xab: {  	[tilespmem:s10], [sflag:$0x2] =	stream.indirect.gather [hbm4b:s4+s0], $0x80, s1, s0, $0xb8;
	[tilespmem:$0x1E040] =	vst v63  }
0xac: {  	_ = 	snop  }
0xad: {  	[tilespmem:s12], [sflag:$0x3] =	stream.indirect.gather [hbm4b:s4+s0], $0x80, s11, s0, $0xb8;
	[tilespmem:$0x1E040] =	vst v63  }
0xae: {  	_ =	swait.ge [sflag:s13], $0x3000  }
0xaf: {  	[sflag:s13] =	ssyncset.done $0x0  }
0xb0: {  	s24 =	simm.s32 $0x0;
	[sflag:s13] =	ssyncadd.s32 $0xFFFFD000  }
0xb1: {  	[spmem:s2] =	stream.indirect.scatter.add.f32 [tilespmem:s29], [sflag:$0x4], $0x80, s24, s0, $0xb8;
	[tilespmem:$0x1E040] =	vst v63  }
0xb2: {  	_ =	swait.ge [sflag:s14], $0x3000  }
0xb3: {  	[sflag:s14] =	ssyncset.done $0x0  }
0xb4: {  	s23 =	simm.s32 $0xB40;
	[sflag:s14] =	ssyncadd.s32 $0xFFFFD000  }
0xb5: {  	[tilespmem:s29], [sflag:$0x1] =	stream.indirect.gather [hbm4b:s4+s0], $0x80, s23, s0, $0xb8;
	[tilespmem:$0x1E040] =	vst v63  }
0xb6: {  	_ =	swait.ge [sflag:s15], $0x3000  }
0xb7: {  	[sflag:s15] =	ssyncset.done $0x0  }
0xb8: {  	s24 =	simm.s32 $0x60;
	[sflag:s15] =	ssyncadd.s32 $0xFFFFD000  }
0xb9: {  	[spmem:s2] =	stream.indirect.scatter.add.f32 [tilespmem:s10], [sflag:$0x5], $0x80, s24, s0, $0xb8;
	[tilespmem:$0x1E040] =	vst v63  }
0xba: {  	_ =	swait.ge [sflag:s16], $0x3000  }
0xbb: {  	[sflag:s16] =	ssyncset.done $0x0  }
0xbc: {  	s23 =	simm.s32 $0xBA0;
	[sflag:s16] =	ssyncadd.s32 $0xFFFFD000  }
0xbd: {  	[tilespmem:s10], [sflag:$0x2] =	stream.indirect.gather [hbm4b:s4+s0], $0x80, s23, s0, $0xb8;
	[tilespmem:$0x1E040] =	vst v63  }
0xbe: {  	_ =	swait.ge [sflag:s17], $0x3000  }
0xbf: {  	[sflag:s17] =	ssyncset.done $0x0  }
0xc0: {  	s24 =	simm.s32 $0xC0;
	[sflag:s17] =	ssyncadd.s32 $0xFFFFD000  }
0xc1: {  	[spmem:s2] =	stream.indirect.scatter.add.f32 [tilespmem:s12], [sflag:$0x6], $0x80, s24, s0, $0xb8;
	[tilespmem:$0x1E040] =	vst v63  }
0xc2: {  	_ =	swait.ge [sflag:s18], $0x3000  }
0xc3: {  	[sflag:s18] =	ssyncset.done $0x0  }
0xc4: {  	s22 =	simm.s32 $0x480;
	s23 =	simm.s32 $0xC00;
	[sflag:s18] =	ssyncadd.s32 $0xFFFFD000  }
.LBB2_6:
0xc5: {  	[tilespmem:s12], [sflag:$0x3] =	stream.indirect.gather [hbm4b:s4+s0], $0x80, s23, s0, $0xb8;
	[tilespmem:$0x1E040] =	vst v63  }
0xc6: {  	s23 =	smov.u32 s22  }
0xc7: {  	p0 =	sne.s32 s22, $0x1F80;
	s22 =	sadd.s32 $0x480, s22;
	_ =	swait.ge [sflag:s13], $0x3000  }
0xc8: {  	[sflag:s13] =	ssyncset.done $0x0  }
0xc9: {  	s23 =	sshra.s32 s23, $0x2;
	[sflag:s13] =	ssyncadd.s32 $0xFFFFD000  }
0xca: {  	[spmem:s2] =	stream.indirect.scatter.add.f32 [tilespmem:s29], [sflag:$0x4], $0x80, s23, s0, $0xb8;
	[tilespmem:$0x1E040] =	vst v63  }
0xcb: {  	_ =	swait.ge [sflag:s14], $0x3000  }
0xcc: {  	[sflag:s14] =	ssyncset.done $0x0  }
0xcd: {  	s24 =	sadd.s32 $0xB40, s23;
	[sflag:s14] =	ssyncadd.s32 $0xFFFFD000  }
0xce: {  	[tilespmem:s29], [sflag:$0x1] =	stream.indirect.gather [hbm4b:s4+s0], $0x80, s24, s0, $0xb8;
	[tilespmem:$0x1E040] =	vst v63  }
0xcf: {  	_ =	swait.ge [sflag:s15], $0x3000  }
0xd0: {  	[sflag:s15] =	ssyncset.done $0x0  }
0xd1: {  	s24 =	sadd.s32 $0x60, s23;
	[sflag:s15] =	ssyncadd.s32 $0xFFFFD000  }
0xd2: {  	[spmem:s2] =	stream.indirect.scatter.add.f32 [tilespmem:s10], [sflag:$0x5], $0x80, s24, s0, $0xb8;
	[tilespmem:$0x1E040] =	vst v63  }
0xd3: {  	_ =	swait.ge [sflag:s16], $0x3000  }
0xd4: {  	[sflag:s16] =	ssyncset.done $0x0  }
0xd5: {  	s24 =	sadd.s32 $0xBA0, s23;
	[sflag:s16] =	ssyncadd.s32 $0xFFFFD000  }
0xd6: {  	[tilespmem:s10], [sflag:$0x2] =	stream.indirect.gather [hbm4b:s4+s0], $0x80, s24, s0, $0xb8;
	[tilespmem:$0x1E040] =	vst v63  }
0xd7: {  	_ =	swait.ge [sflag:s17], $0x3000  }
0xd8: {  	[sflag:s17] =	ssyncset.done $0x0  }
.Ltmp2:
0xd9: {  	s24 =	sadd.s32 $0xC0, s23;
	[sflag:s17] =	ssyncadd.s32 $0xFFFFD000;
	(pc) =	sbr.rel @p0 .LBB2_6-.Ltmp2, $4  }
0xda: {  	[spmem:s2] =	stream.indirect.scatter.add.f32 [tilespmem:s12], [sflag:$0x6], $0x80, s24, s0, $0xb8;
	[tilespmem:$0x1E040] =	vst v63  }
0xdb: {  	_ =	swait.ge [sflag:s18], $0x3000  }
0xdc: {  	[sflag:s18] =	ssyncset.done $0x0  }
0xdd: {  	s23 =	sadd.s32 $0xC00, s23;
	[sflag:s18] =	ssyncadd.s32 $0xFFFFD000  }
0xde: {  	[tilespmem:s12], [sflag:$0x3] =	stream.indirect.gather [hbm4b:s4+s0], $0x80, s23, s0, $0xb8;
	[tilespmem:$0x1E040] =	vst v63  }
0xdf: {  	_ =	swait.ge [sflag:s13], $0x3000  }
0xe0: {  	[sflag:s13] =	ssyncset.done $0x0  }
0xe1: {  	[sflag:s13] =	ssyncadd.s32 $0xFFFFD000  }
0xe2: {  	[spmem:s2] =	stream.indirect.scatter.add.f32 [tilespmem:s29], [sflag:$0x4], $0x80, s19, s0, $0xb8;
	[tilespmem:$0x1E040] =	vst v63  }
0xe3: {  	_ =	swait.ge [sflag:s14], $0x3000  }
0xe4: {  	[sflag:s14] =	ssyncset.done $0x0  }
0xe5: {  	[sflag:s14] =	ssyncadd.s32 $0xFFFFD000  }
0xe6: {  	_ =	swait.ge [sflag:s15], $0x3000  }
0xe7: {  	[sflag:s15] =	ssyncset.done $0x0  }
0xe8: {  	[sflag:s15] =	ssyncadd.s32 $0xFFFFD000  }
0xe9: {  	[spmem:s2] =	stream.indirect.scatter.add.f32 [tilespmem:s10], [sflag:$0x5], $0x80, s20, s0, $0xb8;
	[tilespmem:$0x1E040] =	vst v63  }
0xea: {  	_ =	swait.ge [sflag:s16], $0x3000  }
0xeb: {  	[sflag:s16] =	ssyncset.done $0x0  }
0xec: {  	[sflag:s16] =	ssyncadd.s32 $0xFFFFD000  }
0xed: {  	_ =	swait.ge [sflag:s17], $0x3000  }
0xee: {  	[sflag:s17] =	ssyncset.done $0x0  }
0xef: {  	[sflag:s17] =	ssyncadd.s32 $0xFFFFD000  }
0xf0: {  	[spmem:s2] =	stream.indirect.scatter.add.f32 [tilespmem:s12], [sflag:$0x6], $0x80, s21, s0, $0xb8;
	[tilespmem:$0x1E040] =	vst v63  }
0xf1: {  	_ =	swait.ge [sflag:s18], $0x3000  }
0xf2: {  	[sflag:s18] =	ssyncset.done $0x0  }
0xf3: {  	s22 =	simm.s32 $0x0;
	s24 =	rddreg [dreg:$0x7];
	[sflag:s18] =	ssyncadd.s32 $0xFFFFD000  }
0xf4: {  	[tilespmem:s22], [sflag:$0x7] =	stream.linear.gather [hbm4b:s24+s22], $0xA20, $0x38;
	[tilespmem:$0x1E040] =	vst v63  }
0xf5: {  	_ =	swait.ge [sflag:s30], $0xA20  }
0xf6: {  	[sflag:s30] =	ssyncset.done $0x0  }
0xf7: {  	s24 =	rddreg [dreg:$0x8];
	[sflag:s30] =	ssyncadd.s32 $0xFFFFF5E0  }
0xf8: {  	[tilespmem:s31], [sflag:$0x7] =	stream.linear.gather [hbm4b:s24+s22], $0xA20, $0x38;
	[tilespmem:$0x1E040] =	vst v63  }
0xf9: {  	_ =	swait.ge [sflag:s30], $0xA20  }
0xfa: {  	[sflag:s30] =	ssyncset.done $0x0  }
0xfb: {  	[sflag:s30] =	ssyncadd.s32 $0xFFFFF5E0  }
0xfc: {  	[tilespmem:s29], [sflag:$0x1] =	stream.indirect.gather [hbm4b:s4+s0], $0x80, s31, s0, $0xb8;
	[tilespmem:$0x1E040] =	vst v63  }
0xfd: {  	_ = 	snop  }
0xfe: {  	[tilespmem:s10], [sflag:$0x2] =	stream.indirect.gather [hbm4b:s4+s0], $0x80, s1, s0, $0xb8;
	[tilespmem:$0x1E040] =	vst v63  }
0xff: {  	_ = 	snop  }
0x100: {  	[tilespmem:s12], [sflag:$0x3] =	stream.indirect.gather [hbm4b:s4+s0], $0x80, s11, s0, $0xb8;
	[tilespmem:$0x1E040] =	vst v63  }
0x101: {  	_ =	swait.ge [sflag:s13], $0x3000  }
0x102: {  	[sflag:s13] =	ssyncset.done $0x0  }
0x103: {  	s24 =	simm.s32 $0x0;
	[sflag:s13] =	ssyncadd.s32 $0xFFFFD000  }
0x104: {  	[spmem:s2] =	stream.indirect.scatter.add.f32 [tilespmem:s29], [sflag:$0x4], $0x80, s24, s0, $0xb8;
	[tilespmem:$0x1E040] =	vst v63  }
0x105: {  	_ =	swait.ge [sflag:s14], $0x3000  }
0x106: {  	[sflag:s14] =	ssyncset.done $0x0  }
0x107: {  	s23 =	simm.s32 $0xB40;
	[sflag:s14] =	ssyncadd.s32 $0xFFFFD000  }
0x108: {  	[tilespmem:s29], [sflag:$0x1] =	stream.indirect.gather [hbm4b:s4+s0], $0x80, s23, s0, $0xb8;
	[tilespmem:$0x1E040] =	vst v63  }
0x109: {  	_ =	swait.ge [sflag:s15], $0x3000  }
0x10a: {  	[sflag:s15] =	ssyncset.done $0x0  }
0x10b: {  	s24 =	simm.s32 $0x60;
	[sflag:s15] =	ssyncadd.s32 $0xFFFFD000  }
0x10c: {  	[spmem:s2] =	stream.indirect.scatter.add.f32 [tilespmem:s10], [sflag:$0x5], $0x80, s24, s0, $0xb8;
	[tilespmem:$0x1E040] =	vst v63  }
0x10d: {  	_ =	swait.ge [sflag:s16], $0x3000  }
0x10e: {  	[sflag:s16] =	ssyncset.done $0x0  }
0x10f: {  	s23 =	simm.s32 $0xBA0;
	[sflag:s16] =	ssyncadd.s32 $0xFFFFD000  }
0x110: {  	[tilespmem:s10], [sflag:$0x2] =	stream.indirect.gather [hbm4b:s4+s0], $0x80, s23, s0, $0xb8;
	[tilespmem:$0x1E040] =	vst v63  }
0x111: {  	_ =	swait.ge [sflag:s17], $0x3000  }
0x112: {  	[sflag:s17] =	ssyncset.done $0x0  }
0x113: {  	s24 =	simm.s32 $0xC0;
	[sflag:s17] =	ssyncadd.s32 $0xFFFFD000  }
0x114: {  	[spmem:s2] =	stream.indirect.scatter.add.f32 [tilespmem:s12], [sflag:$0x6], $0x80, s24, s0, $0xb8;
	[tilespmem:$0x1E040] =	vst v63  }
0x115: {  	_ =	swait.ge [sflag:s18], $0x3000  }
0x116: {  	[sflag:s18] =	ssyncset.done $0x0  }
0x117: {  	s22 =	simm.s32 $0x480;
	s23 =	simm.s32 $0xC00;
	[sflag:s18] =	ssyncadd.s32 $0xFFFFD000  }
.LBB2_8:
0x118: {  	[tilespmem:s12], [sflag:$0x3] =	stream.indirect.gather [hbm4b:s4+s0], $0x80, s23, s0, $0xb8;
	[tilespmem:$0x1E040] =	vst v63  }
0x119: {  	s23 =	smov.u32 s22  }
0x11a: {  	p0 =	sne.s32 s22, $0x1F80;
	s22 =	sadd.s32 $0x480, s22;
	_ =	swait.ge [sflag:s13], $0x3000  }
0x11b: {  	[sflag:s13] =	ssyncset.done $0x0  }
0x11c: {  	s23 =	sshra.s32 s23, $0x2;
	[sflag:s13] =	ssyncadd.s32 $0xFFFFD000  }
0x11d: {  	[spmem:s2] =	stream.indirect.scatter.add.f32 [tilespmem:s29], [sflag:$0x4], $0x80, s23, s0, $0xb8;
	[tilespmem:$0x1E040] =	vst v63  }
0x11e: {  	_ =	swait.ge [sflag:s14], $0x3000  }
0x11f: {  	[sflag:s14] =	ssyncset.done $0x0  }
0x120: {  	s24 =	sadd.s32 $0xB40, s23;
	[sflag:s14] =	ssyncadd.s32 $0xFFFFD000  }
0x121: {  	[tilespmem:s29], [sflag:$0x1] =	stream.indirect.gather [hbm4b:s4+s0], $0x80, s24, s0, $0xb8;
	[tilespmem:$0x1E040] =	vst v63  }
0x122: {  	_ =	swait.ge [sflag:s15], $0x3000  }
0x123: {  	[sflag:s15] =	ssyncset.done $0x0  }
0x124: {  	s24 =	sadd.s32 $0x60, s23;
	[sflag:s15] =	ssyncadd.s32 $0xFFFFD000  }
0x125: {  	[spmem:s2] =	stream.indirect.scatter.add.f32 [tilespmem:s10], [sflag:$0x5], $0x80, s24, s0, $0xb8;
	[tilespmem:$0x1E040] =	vst v63  }
0x126: {  	_ =	swait.ge [sflag:s16], $0x3000  }
0x127: {  	[sflag:s16] =	ssyncset.done $0x0  }
0x128: {  	s24 =	sadd.s32 $0xBA0, s23;
	[sflag:s16] =	ssyncadd.s32 $0xFFFFD000  }
0x129: {  	[tilespmem:s10], [sflag:$0x2] =	stream.indirect.gather [hbm4b:s4+s0], $0x80, s24, s0, $0xb8;
	[tilespmem:$0x1E040] =	vst v63  }
0x12a: {  	_ =	swait.ge [sflag:s17], $0x3000  }
0x12b: {  	[sflag:s17] =	ssyncset.done $0x0  }
.Ltmp3:
0x12c: {  	s24 =	sadd.s32 $0xC0, s23;
	[sflag:s17] =	ssyncadd.s32 $0xFFFFD000;
	(pc) =	sbr.rel @p0 .LBB2_8-.Ltmp3, $4  }
0x12d: {  	[spmem:s2] =	stream.indirect.scatter.add.f32 [tilespmem:s12], [sflag:$0x6], $0x80, s24, s0, $0xb8;
	[tilespmem:$0x1E040] =	vst v63  }
0x12e: {  	_ =	swait.ge [sflag:s18], $0x3000  }
0x12f: {  	[sflag:s18] =	ssyncset.done $0x0  }
0x130: {  	s23 =	sadd.s32 $0xC00, s23;
	[sflag:s18] =	ssyncadd.s32 $0xFFFFD000  }
0x131: {  	[tilespmem:s12], [sflag:$0x3] =	stream.indirect.gather [hbm4b:s4+s0], $0x80, s23, s0, $0xb8;
	[tilespmem:$0x1E040] =	vst v63  }
0x132: {  	_ =	swait.ge [sflag:s13], $0x3000  }
0x133: {  	[sflag:s13] =	ssyncset.done $0x0  }
0x134: {  	[sflag:s13] =	ssyncadd.s32 $0xFFFFD000  }
0x135: {  	[spmem:s2] =	stream.indirect.scatter.add.f32 [tilespmem:s29], [sflag:$0x4], $0x80, s19, s0, $0xb8;
	[tilespmem:$0x1E040] =	vst v63  }
0x136: {  	_ =	swait.ge [sflag:s14], $0x3000  }
0x137: {  	[sflag:s14] =	ssyncset.done $0x0  }
0x138: {  	[sflag:s14] =	ssyncadd.s32 $0xFFFFD000  }
0x139: {  	_ =	swait.ge [sflag:s15], $0x3000  }
0x13a: {  	[sflag:s15] =	ssyncset.done $0x0  }
0x13b: {  	[sflag:s15] =	ssyncadd.s32 $0xFFFFD000  }
0x13c: {  	[spmem:s2] =	stream.indirect.scatter.add.f32 [tilespmem:s10], [sflag:$0x5], $0x80, s20, s0, $0xb8;
	[tilespmem:$0x1E040] =	vst v63  }
0x13d: {  	_ =	swait.ge [sflag:s16], $0x3000  }
0x13e: {  	[sflag:s16] =	ssyncset.done $0x0  }
0x13f: {  	[sflag:s16] =	ssyncadd.s32 $0xFFFFD000  }
0x140: {  	_ =	swait.ge [sflag:s17], $0x3000  }
0x141: {  	[sflag:s17] =	ssyncset.done $0x0  }
0x142: {  	[sflag:s17] =	ssyncadd.s32 $0xFFFFD000  }
0x143: {  	[spmem:s2] =	stream.indirect.scatter.add.f32 [tilespmem:s12], [sflag:$0x6], $0x80, s21, s0, $0xb8;
	[tilespmem:$0x1E040] =	vst v63  }
0x144: {  	_ =	swait.ge [sflag:s18], $0x3000  }
0x145: {  	[sflag:s18] =	ssyncset.done $0x0  }
0x146: {  	s22 =	simm.s32 $0x0;
	s24 =	rddreg [dreg:$0x9];
	[sflag:s18] =	ssyncadd.s32 $0xFFFFD000  }
0x147: {  	[tilespmem:s22], [sflag:$0x7] =	stream.linear.gather [hbm4b:s24+s22], $0xA20, $0x38;
	[tilespmem:$0x1E040] =	vst v63  }
0x148: {  	_ =	swait.ge [sflag:s30], $0xA20  }
0x149: {  	[sflag:s30] =	ssyncset.done $0x0  }
0x14a: {  	s24 =	rddreg [dreg:$0xa];
	[sflag:s30] =	ssyncadd.s32 $0xFFFFF5E0  }
0x14b: {  	[tilespmem:s31], [sflag:$0x7] =	stream.linear.gather [hbm4b:s24+s22], $0xA20, $0x38;
	[tilespmem:$0x1E040] =	vst v63  }
0x14c: {  	_ =	swait.ge [sflag:s30], $0xA20  }
0x14d: {  	[sflag:s30] =	ssyncset.done $0x0  }
0x14e: {  	[sflag:s30] =	ssyncadd.s32 $0xFFFFF5E0  }
0x14f: {  	[tilespmem:s29], [sflag:$0x1] =	stream.indirect.gather [hbm4b:s4+s0], $0x80, s31, s0, $0xb8;
	[tilespmem:$0x1E040] =	vst v63  }
0x150: {  	_ = 	snop  }
0x151: {  	[tilespmem:s10], [sflag:$0x2] =	stream.indirect.gather [hbm4b:s4+s0], $0x80, s1, s0, $0xb8;
	[tilespmem:$0x1E040] =	vst v63  }
0x152: {  	_ = 	snop  }
0x153: {  	[tilespmem:s12], [sflag:$0x3] =	stream.indirect.gather [hbm4b:s4+s0], $0x80, s11, s0, $0xb8;
	[tilespmem:$0x1E040] =	vst v63  }
0x154: {  	_ =	swait.ge [sflag:s13], $0x3000  }
0x155: {  	[sflag:s13] =	ssyncset.done $0x0  }
0x156: {  	s24 =	simm.s32 $0x0;
	[sflag:s13] =	ssyncadd.s32 $0xFFFFD000  }
0x157: {  	[spmem:s2] =	stream.indirect.scatter.add.f32 [tilespmem:s29], [sflag:$0x4], $0x80, s24, s0, $0xb8;
	[tilespmem:$0x1E040] =	vst v63  }
0x158: {  	_ =	swait.ge [sflag:s14], $0x3000  }
0x159: {  	[sflag:s14] =	ssyncset.done $0x0  }
0x15a: {  	s23 =	simm.s32 $0xB40;
	[sflag:s14] =	ssyncadd.s32 $0xFFFFD000  }
0x15b: {  	[tilespmem:s29], [sflag:$0x1] =	stream.indirect.gather [hbm4b:s4+s0], $0x80, s23, s0, $0xb8;
	[tilespmem:$0x1E040] =	vst v63  }
0x15c: {  	_ =	swait.ge [sflag:s15], $0x3000  }
0x15d: {  	[sflag:s15] =	ssyncset.done $0x0  }
0x15e: {  	s24 =	simm.s32 $0x60;
	[sflag:s15] =	ssyncadd.s32 $0xFFFFD000  }
0x15f: {  	[spmem:s2] =	stream.indirect.scatter.add.f32 [tilespmem:s10], [sflag:$0x5], $0x80, s24, s0, $0xb8;
	[tilespmem:$0x1E040] =	vst v63  }
0x160: {  	_ =	swait.ge [sflag:s16], $0x3000  }
0x161: {  	[sflag:s16] =	ssyncset.done $0x0  }
0x162: {  	s23 =	simm.s32 $0xBA0;
	[sflag:s16] =	ssyncadd.s32 $0xFFFFD000  }
0x163: {  	[tilespmem:s10], [sflag:$0x2] =	stream.indirect.gather [hbm4b:s4+s0], $0x80, s23, s0, $0xb8;
	[tilespmem:$0x1E040] =	vst v63  }
0x164: {  	_ =	swait.ge [sflag:s17], $0x3000  }
0x165: {  	[sflag:s17] =	ssyncset.done $0x0  }
0x166: {  	s24 =	simm.s32 $0xC0;
	[sflag:s17] =	ssyncadd.s32 $0xFFFFD000  }
0x167: {  	[spmem:s2] =	stream.indirect.scatter.add.f32 [tilespmem:s12], [sflag:$0x6], $0x80, s24, s0, $0xb8;
	[tilespmem:$0x1E040] =	vst v63  }
0x168: {  	_ =	swait.ge [sflag:s18], $0x3000  }
0x169: {  	[sflag:s18] =	ssyncset.done $0x0  }
0x16a: {  	s22 =	simm.s32 $0x480;
	s23 =	simm.s32 $0xC00;
	[sflag:s18] =	ssyncadd.s32 $0xFFFFD000  }
.LBB2_10:
0x16b: {  	[tilespmem:s12], [sflag:$0x3] =	stream.indirect.gather [hbm4b:s4+s0], $0x80, s23, s0, $0xb8;
	[tilespmem:$0x1E040] =	vst v63  }
0x16c: {  	s23 =	smov.u32 s22  }
0x16d: {  	p0 =	sne.s32 s22, $0x1F80;
	s22 =	sadd.s32 $0x480, s22;
	_ =	swait.ge [sflag:s13], $0x3000  }
0x16e: {  	[sflag:s13] =	ssyncset.done $0x0  }
0x16f: {  	s23 =	sshra.s32 s23, $0x2;
	[sflag:s13] =	ssyncadd.s32 $0xFFFFD000  }
0x170: {  	[spmem:s2] =	stream.indirect.scatter.add.f32 [tilespmem:s29], [sflag:$0x4], $0x80, s23, s0, $0xb8;
	[tilespmem:$0x1E040] =	vst v63  }
0x171: {  	_ =	swait.ge [sflag:s14], $0x3000  }
0x172: {  	[sflag:s14] =	ssyncset.done $0x0  }
0x173: {  	s24 =	sadd.s32 $0xB40, s23;
	[sflag:s14] =	ssyncadd.s32 $0xFFFFD000  }
0x174: {  	[tilespmem:s29], [sflag:$0x1] =	stream.indirect.gather [hbm4b:s4+s0], $0x80, s24, s0, $0xb8;
	[tilespmem:$0x1E040] =	vst v63  }
0x175: {  	_ =	swait.ge [sflag:s15], $0x3000  }
0x176: {  	[sflag:s15] =	ssyncset.done $0x0  }
0x177: {  	s24 =	sadd.s32 $0x60, s23;
	[sflag:s15] =	ssyncadd.s32 $0xFFFFD000  }
0x178: {  	[spmem:s2] =	stream.indirect.scatter.add.f32 [tilespmem:s10], [sflag:$0x5], $0x80, s24, s0, $0xb8;
	[tilespmem:$0x1E040] =	vst v63  }
0x179: {  	_ =	swait.ge [sflag:s16], $0x3000  }
0x17a: {  	[sflag:s16] =	ssyncset.done $0x0  }
0x17b: {  	s24 =	sadd.s32 $0xBA0, s23;
	[sflag:s16] =	ssyncadd.s32 $0xFFFFD000  }
0x17c: {  	[tilespmem:s10], [sflag:$0x2] =	stream.indirect.gather [hbm4b:s4+s0], $0x80, s24, s0, $0xb8;
	[tilespmem:$0x1E040] =	vst v63  }
0x17d: {  	_ =	swait.ge [sflag:s17], $0x3000  }
0x17e: {  	[sflag:s17] =	ssyncset.done $0x0  }
.Ltmp4:
0x17f: {  	s24 =	sadd.s32 $0xC0, s23;
	[sflag:s17] =	ssyncadd.s32 $0xFFFFD000;
	(pc) =	sbr.rel @p0 .LBB2_10-.Ltmp4, $4  }
0x180: {  	[spmem:s2] =	stream.indirect.scatter.add.f32 [tilespmem:s12], [sflag:$0x6], $0x80, s24, s0, $0xb8;
	[tilespmem:$0x1E040] =	vst v63  }
0x181: {  	_ =	swait.ge [sflag:s18], $0x3000  }
0x182: {  	[sflag:s18] =	ssyncset.done $0x0  }
0x183: {  	s23 =	sadd.s32 $0xC00, s23;
	[sflag:s18] =	ssyncadd.s32 $0xFFFFD000  }
0x184: {  	[tilespmem:s12], [sflag:$0x3] =	stream.indirect.gather [hbm4b:s4+s0], $0x80, s23, s0, $0xb8;
	[tilespmem:$0x1E040] =	vst v63  }
0x185: {  	_ =	swait.ge [sflag:s13], $0x3000  }
0x186: {  	[sflag:s13] =	ssyncset.done $0x0  }
0x187: {  	[sflag:s13] =	ssyncadd.s32 $0xFFFFD000  }
0x188: {  	[spmem:s2] =	stream.indirect.scatter.add.f32 [tilespmem:s29], [sflag:$0x4], $0x80, s19, s0, $0xb8;
	[tilespmem:$0x1E040] =	vst v63  }
0x189: {  	_ =	swait.ge [sflag:s14], $0x3000  }
0x18a: {  	[sflag:s14] =	ssyncset.done $0x0  }
0x18b: {  	[sflag:s14] =	ssyncadd.s32 $0xFFFFD000  }
0x18c: {  	_ =	swait.ge [sflag:s15], $0x3000  }
0x18d: {  	[sflag:s15] =	ssyncset.done $0x0  }
0x18e: {  	[sflag:s15] =	ssyncadd.s32 $0xFFFFD000  }
0x18f: {  	[spmem:s2] =	stream.indirect.scatter.add.f32 [tilespmem:s10], [sflag:$0x5], $0x80, s20, s0, $0xb8;
	[tilespmem:$0x1E040] =	vst v63  }
0x190: {  	_ =	swait.ge [sflag:s16], $0x3000  }
0x191: {  	[sflag:s16] =	ssyncset.done $0x0  }
0x192: {  	[sflag:s16] =	ssyncadd.s32 $0xFFFFD000  }
0x193: {  	_ =	swait.ge [sflag:s17], $0x3000  }
0x194: {  	[sflag:s17] =	ssyncset.done $0x0  }
0x195: {  	[sflag:s17] =	ssyncadd.s32 $0xFFFFD000  }
0x196: {  	[spmem:s2] =	stream.indirect.scatter.add.f32 [tilespmem:s12], [sflag:$0x6], $0x80, s21, s0, $0xb8;
	[tilespmem:$0x1E040] =	vst v63  }
0x197: {  	_ =	swait.ge [sflag:s18], $0x3000  }
0x198: {  	[sflag:s18] =	ssyncset.done $0x0  }
0x199: {  	s22 =	stileid.u32;
	[sflag:s18] =	ssyncadd.s32 $0xFFFFD000  }
0x19a: {  	s22 =	sshll.u32 s22, $0x6;
	[bflag:$0x0] =	sbarrier.arrive $0xFFFF  }
0x19b: {  	s23 =	sshrl.u32 s5, $0x3;
	s22 =	sor.u32 $0x1C07, s22;
	s24 =	rddreg [dreg:$0xb]  }
0x19c: {  	[hbm:s24], [sflag:s22] =	dma.local [spmem:s23], $0x600  }
0x19d: {  	_ =	swait.ge [sflag:s30], $0x600  }
0x19e: {  	[sflag:s30] =	ssyncset.done $0x0  }
0x19f: {  	s23 =	sshrl.u32 s6, $0x3;
	s24 =	rddreg [dreg:$0xc];
	[sflag:s30] =	ssyncadd.s32 $0xFFFFFA00  }
0x1a0: {  	[hbm:s24], [sflag:s22] =	dma.local [spmem:s23], $0x600  }
0x1a1: {  	_ =	swait.ge [sflag:s30], $0x600  }
0x1a2: {  	[sflag:s30] =	ssyncset.done $0x0  }
0x1a3: {  	s23 =	sshrl.u32 s7, $0x3;
	s24 =	rddreg [dreg:$0xd];
	[sflag:s30] =	ssyncadd.s32 $0xFFFFFA00  }
0x1a4: {  	[hbm:s24], [sflag:s22] =	dma.local [spmem:s23], $0x600  }
0x1a5: {  	_ =	swait.ge [sflag:s30], $0x600  }
0x1a6: {  	[sflag:s30] =	ssyncset.done $0x0  }
0x1a7: {  	s23 =	sshrl.u32 s8, $0x3;
	s24 =	rddreg [dreg:$0xe];
	[sflag:s30] =	ssyncadd.s32 $0xFFFFFA00  }
0x1a8: {  	[hbm:s24], [sflag:s22] =	dma.local [spmem:s23], $0x600  }
0x1a9: {  	_ =	swait.ge [sflag:s30], $0x600  }
0x1aa: {  	[sflag:s30] =	ssyncset.done $0x0  }
0x1ab: {  	s23 =	sshrl.u32 s9, $0x3;
	s24 =	rddreg [dreg:$0xf];
	[sflag:s30] =	ssyncadd.s32 $0xFFFFFA00  }
0x1ac: {  	[hbm:s24], [sflag:s22] =	dma.local [spmem:s23], $0x600  }
0x1ad: {  	_ =	swait.ge [sflag:s30], $0x600  }
0x1ae: {  	[sflag:s30] =	ssyncset.done $0x0  }
0x1af: {  	s23 =	sshrl.u32 s26, $0x3;
	s24 =	rddreg [dreg:$0x10];
	[sflag:s30] =	ssyncadd.s32 $0xFFFFFA00  }
0x1b0: {  	[hbm:s24], [sflag:s22] =	dma.local [spmem:s23], $0x600  }
0x1b1: {  	s3 =	sadd.s32 $0x1, s3;
	_ =	swait.ge [sflag:s30], $0x600  }
0x1b2: {  	p0 =	sne.s32 s3, s25;
	s23 =	sshrl.u32 s28, $0x3;
	[sflag:s30] =	ssyncset.done $0x0  }
.Ltmp5:
0x1b3: {  	s24 =	rddreg [dreg:$0x11];
	[sflag:s30] =	ssyncadd.s32 $0xFFFFFA00;
	(pc) =	sbr.rel @p0 .LBB2_1-.Ltmp5, $4  }
0x1b4: {  	[hbm:s24], [sflag:s22] =	dma.local [spmem:s23], $0x380  }
0x1b5: {  	_ =	swait.ge [sflag:s30], $0x380  }
0x1b6: {  	[sflag:s30] =	ssyncset.done $0x0  }
0x1b7: {  	[sflag:s30] =	ssyncadd.s32 $0xFFFFFC80  }
0x1b8: {  	_ =	sfence.sel $0x180000  }
0x1b9: {  	[bflag:$0x0] =	sbarrier.arrive $0xFFFF  }
0x1ba: {  	_ =	strace $0x9000004A  }
0x1bb: {  	s0 =	stileid.u32;
	[bflag:$0x2] =	sbarrier.arrive $0xFFFF  }
0x1bc: {  	p0 =	sne.s32 s0, $0x0;
	s0 =	rddreg [dreg:$0x2]  }
0x1bd: {  	s0 =	sadd.s32 @!p0 $0x100000, s0  }
0x1be: {  	[sflag:s0] =	ssyncadd.tile.s32 @!p0 $0x1;
	_ =	shalt  }
.Lfunc_end2:
_tile_overlayer_lowered:
.L_overlay_start_2:
0x1bf: {  	(tag) =	ssettag $0x2  }
0x1c0: {  	s0 =	rddreg [dreg:$0x0];
	s2 =	stileid.u32  }
0x1c1: {  	s1 =	rddreg [dreg:$0x1];
	p0 =	sne.s32 s2, $0x0  }
0x1c2: {  	s3 =	rddreg [dreg:$0x2];
	[bflag:$0x3] =	sbarrier.arrive $0xFFFF;
	s2 =	simm.s32 @!p0 $0x1C07  }
0x1c3: {  	[timem:s3], [sflag:s2] =	dma.local @!p0 [hbm:s0], s1  }
0x1c4: {  	s0 =	simm.s32 @!p0 $0x7  }
0x1c5: {  	_ =	swait.ge @!p0 [sflag:s0], s1  }
0x1c6: {  	s1 =	ssub.s32 @!p0 $0x0, s1;
	[sflag:s0] =	ssyncset.done @!p0 $0x0  }
0x1c7: {  	[sflag:s0] =	ssyncadd.s32 @!p0 s1  }
0x1c8: {  	[bflag:$0x3] =	sbarrier.arrive $0xFFFF  }
0x1c9: {  	_ =	shalt  }

// kernel: kernel.15.cloned.1.call-start
scs
__scs_entry_jumppad:
0x0: {  	(pc) =	sbr.rel $0x88, $3  }
0x1: {  	(tag) =	ssettag $0x0;
	lr =	simm.s32 $0x1  }
0x2: {  	[smem:$0x3F97] =	sst lr;
	_ =	strace $0xD0000000  }
0x3: {  	_ = 	snop  }
0x4: {  	_ = 	snop  }
0x5: {  	_ = 	snop  }
0x6: {  	_ = 	snop  }
0x7: {  	_ = 	snop  }
__scs_overlays_trampoline_lowered:
0x8: {  	[smem:$0x3FA6] =	sst s0  }
0x9: {  	[smem:$0x3FA7] =	sst s1  }
0xa: {  	[smem:$0x3FA8] =	sst s2  }
0xb: {  	[smem:$0x3FA9] =	sst s3  }
0xc: {  	[smem:$0x3FAA] =	sst s4  }
0xd: {  	[smem:$0x3FAB] =	sst s5  }
0xe: {  	[smem:$0x3FAC] =	sst s6  }
0xf: {  	[smem:$0x3FAD] =	sst s7  }
0x10: {  	[smem:$0x3FAE] =	sst s8  }
0x11: {  	[smem:$0x3FAF] =	sst s9;
	s0 =	simm.s32 @!p0 $0x0  }
0x12: {  	s1 =	sld [smem:$0x3F95];
	s0 =	simm.s32 @p0 $0x1  }
0x13: {  	[smem:$0x3FB0] =	sst s0;
	s0 =	simm.s32 @!p1 $0x0  }
0x14: {  	s2 =	sld [smem:$0x3F94];
	s0 =	simm.s32 @p1 $0x1  }
0x15: {  	[smem:$0x3FB1] =	sst s0;
	s0 =	simm.s32 @!p2 $0x0  }
0x16: {  	s3 =	sld [smem:$0x3FDB];
	s0 =	simm.s32 @p2 $0x1  }
0x17: {  	s4 =	simm.s32 $0x1BF5;
	[smem:$0x3FB3] =	sst s0  }
0x18: {  	s0 =	sld [smem:$0x3F96];
	_ =	swait.ge [sflag:s4], $0x0  }
0x19: {  	s7 =	sld [smem:$0x3F97]  }
0x1a: {  	s8 =	sadd.s32 $0xFFFFE003, lr  }
0x1b: {  	s9 =	sadd.s32 $0xFFFFFEF7, lr;
	s5 =	simm.s32 $0xFFFFFFFF;
	p2 =	slt.u32 s8, $0xFFFFF086  }
0x1c: {  	p1 =	slt.u32 s9, $0xF7A;
	s5 =	simm.s32 @!p2 $0x0  }
0x1d: {  	s5 =	simm.s32 @p1 $0x1;
	p0 =	seq.s32 s7, s2  }
0x1e: {  	s7 =	smul.u32 @!p0 $0xF7A, s2;
	p2 =	seq.s32 @!p0 s5, $0x0  }
0x1f: {  	s9 =	smul.u32 $0xF7A, s1;
	s8 =	simm.s32 @!p0 $0x1BF5;
	p2 =	por !p2, p0  }
0x20: {  	[sflag:s8] =	ssyncset.s32 @!p0 $0xFFFFF086;
	s6 =	sadd.s32 @!p0 s3, s7;
	s7 =	simm.s32 @!p0 $0x108  }
0x21: {  	s3 =	sadd.s32 s3, s9;
	s6 =	sadd.s32 @!p0 $0x88, s6;
	s7 =	simm.s32 @p2 $0x1082  }
0x22: {  	[simem:s7], [sflag:s8] =	dma.local @!p0 [hbm:s6], $0xF7A  }
0x23: {  	s9 =	sor.u32 $0xD0000000, s2;
	s6 =	simm.s32 $0x108;
	_ =	swait.ge @!p0 [sflag:s8], $0x0  }
0x24: {  	s3 =	sadd.s32 $0x88, s3;
	s6 =	simm.s32 @!p1 $0x1082;
	[sflag:s4] =	ssyncset.s32 $0xFFFFF086  }
0x25: {  	[simem:s6], [sflag:s4] =	dma.local [hbm:s3], $0xF7A  }
0x26: {  	[smem:$0x3F97] =	sst s1;
	(tag) =	ssettag s2;
	_ =	strace s9  }
0x27: {  	s1 =	sld [smem:$0x3FA7]  }
0x28: {  	s2 =	sld [smem:$0x3FA8]  }
0x29: {  	s4 =	sld [smem:$0x3FAA]  }
0x2a: {  	p0 =	seq.s32 s5, $0x0;
	s5 =	sld [smem:$0x3FAB]  }
0x2b: {  	s6 =	sld [smem:$0x3FAC]  }
0x2c: {  	s7 =	sld [smem:$0x3FAD]  }
0x2d: {  	s3 =	simm.s32 $0x108;
	s8 =	sld [smem:$0x3FAE]  }
0x2e: {  	s3 =	simm.s32 @!p0 $0x1082;
	s9 =	sld [smem:$0x3FAF]  }
0x2f: {  	lr =	sadd.s32 s0, s3;
	s0 =	sld [smem:$0x3FA6]  }
0x30: {  	s3 =	sld [smem:$0x3FA9]  }
0x31: {  	[smem:$0x3FB2] =	sst s10  }
0x32: {  	s10 =	sld [smem:$0x3FB0];
	_ =	sdelay $0x3  }
0x33: {  	p0 =	seq.s32 s10, $0x1;
	s10 =	sld [smem:$0x3FB2];
	_ =	sdelay $0x3  }
0x34: {  	[smem:$0x3FB2] =	sst s10  }
0x35: {  	s10 =	sld [smem:$0x3FB1];
	_ =	sdelay $0x3  }
0x36: {  	p1 =	seq.s32 s10, $0x1;
	s10 =	sld [smem:$0x3FB2];
	_ =	sdelay $0x3  }
0x37: {  	[smem:$0x3FB2] =	sst s10  }
0x38: {  	s10 =	sld [smem:$0x3FB3]  }
0x39: {  	_ = 	snop;
	(pc) =	sbr.ind lr, $3  }
0x3a: {  	_ = 	snop  }
0x3b: {  	_ = 	snop  }
0x3c: {  	p2 =	seq.s32 s10, $0x1;
	s10 =	sld [smem:$0x3FB2]  }
0x3d: {  	_ =	shalt  }
0x3e: {  	_ =	shalt  }
0x3f: {  	_ =	shalt  }
0x40: {  	_ =	shalt  }
0x41: {  	_ =	shalt  }
0x42: {  	_ =	shalt  }
0x43: {  	_ =	shalt  }
0x44: {  	_ =	shalt  }
0x45: {  	_ =	shalt  }
0x46: {  	_ =	shalt  }
0x47: {  	_ =	shalt  }
0x48: {  	_ =	shalt  }
0x49: {  	_ =	shalt  }
0x4a: {  	_ =	shalt  }
0x4b: {  	_ =	shalt  }
0x4c: {  	_ =	shalt  }
0x4d: {  	_ =	shalt  }
0x4e: {  	_ =	shalt  }
0x4f: {  	_ =	shalt  }
0x50: {  	_ =	shalt  }
0x51: {  	_ =	shalt  }
0x52: {  	_ =	shalt  }
0x53: {  	_ =	shalt  }
0x54: {  	_ =	shalt  }
0x55: {  	_ =	shalt  }
0x56: {  	_ =	shalt  }
0x57: {  	_ =	shalt  }
0x58: {  	_ =	shalt  }
0x59: {  	_ =	shalt  }
0x5a: {  	_ =	shalt  }
0x5b: {  	_ =	shalt  }
0x5c: {  	_ =	shalt  }
0x5d: {  	_ =	shalt  }
0x5e: {  	_ =	shalt  }
0x5f: {  	_ =	shalt  }
0x60: {  	_ =	shalt  }
0x61: {  	_ =	shalt  }
0x62: {  	_ =	shalt  }
0x63: {  	_ =	shalt  }
0x64: {  	_ =	shalt  }
0x65: {  	_ =	shalt  }
0x66: {  	_ =	shalt  }
0x67: {  	_ =	shalt  }
0x68: {  	_ =	shalt  }
0x69: {  	_ =	shalt  }
0x6a: {  	_ =	shalt  }
0x6b: {  	_ =	shalt  }
0x6c: {  	_ =	shalt  }
0x6d: {  	_ =	shalt  }
0x6e: {  	_ =	shalt  }
0x6f: {  	_ =	shalt  }
0x70: {  	_ =	shalt  }
0x71: {  	_ =	shalt  }
0x72: {  	_ =	shalt  }
0x73: {  	_ =	shalt  }
0x74: {  	_ =	shalt  }
0x75: {  	_ =	shalt  }
0x76: {  	_ =	shalt  }
0x77: {  	_ =	shalt  }
0x78: {  	_ =	shalt  }
0x79: {  	_ =	shalt  }
0x7a: {  	_ =	shalt  }
0x7b: {  	_ =	shalt  }
0x7c: {  	_ =	shalt  }
0x7d: {  	_ =	shalt  }
0x7e: {  	_ =	shalt  }
0x7f: {  	_ =	shalt  }
0x80: {  	_ =	shalt  }
0x81: {  	_ =	shalt  }
0x82: {  	_ =	shalt  }
0x83: {  	_ =	shalt  }
0x84: {  	_ =	shalt  }
0x85: {  	_ =	shalt  }
0x86: {  	_ =	shalt  }
0x87: {  	_ =	shalt  }
.Lfunc_end0:
.L_simem_size_0:
called_computation.2_lowered:
.L_overlay_start_0:
0x88: {  	s2 =	sld [smem:$0x3FD9]  }
0x89: {  	s3 =	sld [smem:$0x3FFE];
	_ =	sdelay $0x1  }
0x8a: {  	s1 =	srdreg.scid  }
0x8b: {  	s0 =	sand.u32 $0x1, s1  }
0x8c: {  	s16 =	sshll.u32 s0, $0xA;
	s2 =	sadd.s32 s3, s2  }
0x8d: {  	s2 =	sadd.s32 s2, s16  }
0x8e: {  	[smem:$0x3FBE] =	sst s2  }
0x8f: {  	_ = 	snop  }
0x90: {  	(tm) =	ssettm $0x1  }
0x91: {  	s17 =	sld [smem:$0x3FFB];
	_ =	sdelay $0x3  }
0x92: {  	_ =	strace s17  }
0x93: {  	s2 =	sld [smem:$0x3FFC];
	_ =	sdelay $0x3  }
0x94: {  	_ =	strace s2  }
0x95: {  	s2 =	sld [smem:$0x3FFD];
	_ =	sdelay $0x3  }
0x96: {  	_ =	strace s2  }
0x97: {  	_ =	strace $0x8FFFFFFF  }
0x98: {  	s18 =	sld [smem:$0x3FDB];
	_ =	sdelay $0x1  }
0x99: {  	s19 =	simm.s32 $_scs_section_size  }
0x9a: {  	s4 =	simm.s32 $_size__tile_overlayer_lowered;
	s5 =	simm.s32 $_tile_overlayer_lowered  }
0x9b: {  	s22 =	simm.s32 $0x1BFF;
	s21 =	sshll.u32 s5, $0x1;
	s2 =	sadd.s32 s19, s18  }
0x9c: {  	s6 =	simm.s32 $0x0;
	s20 =	sshll.u32 s4, $0x1;
	s4 =	sadd.s32 s21, s2  }
0x9d: {  	[timem:s6], [sflag:s22] =	dma.local [hbm:s4], s20  }
0x9e: {  	_ =	swait.ge [sflag:s22], s20  }
0x9f: {  	s3 =	ssub.s32 $0x0, s20;
	[sflag:s22] =	ssyncset.done $0x0  }
0xa0: {  	[sflag:s22] =	ssyncadd.s32 s3;
	_ =	sdelay $0x1  }
0xa1: {  	s23 =	simm.s32 $0x1B8B  }
0xa2: {  	_ =	swait.ge [sflag:s23], $0x1  }
0xa3: {  	[sflag:s23] =	ssyncset.done $0x0  }
0xa4: {  	s25 =	simm.s32 $0x1B8E;
	s24 =	sld [smem:$0x3FFE];
	[sflag:s23] =	ssyncadd.s32 $0xFFFFFFFF  }
0xa5: {  	s26 =	simm.s32 $execute0_lowered;
	[smem:$0x3FD2] =	sst s25  }
0xa6: {  	s4 =	sshll.u32 s26, $0x1;
	_ =	strace $0x8000004C;
	[dreg:$0x1] =	wrdreg $0xFFFFFFFF  }
0xa7: {  	s28 =	simm.s32 $_size_execute0_lowered;
	s2 =	sadd.s32 s2, s4;
	[dreg:$0x0] =	wrdreg $0x0  }
0xa8: {  	s4 =	sshll.u32 s28, $0x1;
	[dreg:$0x2] =	wrdreg s2  }
0xa9: {  	[dreg:$0x3] =	wrdreg s4  }
0xaa: {  	[dreg:$0x4] =	wrdreg $0xC0  }
0xab: {  	_ =	task [dreg:s6], $0x5FFFF  }
0xac: {  	[dreg:$0x1] =	wrdreg $0xFFFFFFFF  }
0xad: {  	[dreg:$0x0] =	wrdreg $0x60  }
0xae: {  	[dreg:$0x2] =	wrdreg s24  }
0xaf: {  	[dreg:$0x3] =	wrdreg $0xD0000  }
0xb0: {  	[dreg:$0x4] =	wrdreg $0x9  }
0xb1: {  	_ =	task.clear_ibuf [dreg:s6], $0x5FFFF;
	_ =	strace $0x9000004C  }
0xb2: {  	s29 =	simm.s32 $0x9;
	_ =	strace $0x8000004E  }
0xb3: {  	_ =	swait.ge [sflag:s29], $0x1  }
0xb4: {  	[sflag:s29] =	ssyncadd.s32 $0xFFFFFFFF  }
0xb5: {  	_ =	strace $0x9000004E  }
0xb6: {  	_ =	sfence  }
0xb7: {  	s30 =	sld [smem:$0x0];
	_ =	sdelay $0x2  }
0xb8: {  	s31 =	sshll.u32 s1, $0xD;
	s1 =	sshrl.u32 s1, $0x2  }
0xb9: {  	s3 =	sand.u32 $0x4000, s31;
	s1 =	sadd.s32 s1, s30  }
0xba: {  	s0 =	sor.u32 s3, s0;
	s1 =	sshll.u32 s1, $0x11  }
0xbb: {  	s0 =	sor.u32 s1, s0  }
0xbc: {  	s0 =	sadd.s32 $0x8F2B, s0  }
0xbd: {  	[sflag:s0] =	ssyncadd.remote.s32 $0x1  }
0xbe: {  	_ =	sfence.sel $0xFFFF  }
0xbf: {  	[dreg:$0x0] =	wrdreg $0xFFFFFFFF;
	(pc) =	sbr.abs _section_cstart, $3  }
0xc0: {  	[dreg:$0x1] =	wrdreg $0xFFFFFFFF  }
0xc1: {  	_ =	task.clear_ibuf [dreg:s6], $0x2FFFF;
	_ =	strace $0x9FFFFFFF  }
0xc2: {  	(tm) =	ssettm $0x7FFFFFFF  }
0xc3: {  	_ =	shalt  }
tec
execute0_lowered:
.L_overlay_start_1:
0x0: {  	(tag) =	ssettag $0x1  }
0x1: {  	s0 =	srdreg.scid;
	s5 =	rddreg [dreg:$0x0]  }
0x2: {  	s4 =	stileid.u32;
	s2 =	rddreg [dreg:$0x1]  }
0x3: {  	s3 =	simm.s32 $0x0;
	s12 =	simm.s32 $0x5000;
	s13 =	simm.s32 $0x9  }
0x4: {  	s14 =	simm.s32 $0x2800;
	s15 =	simm.s32 $0x200;
	s17 =	simm.s32 $0x7000  }
0x5: {  	s19 =	simm.s32 $0x9000;
	s21 =	simm.s32 $0xB000;
	s22 =	simm.s32 $0x1  }
0x6: {  	s23 =	simm.s32 $0x5;
	s29 =	simm.s32 $0x3;
	s31 =	simm.s32 $0x7  }
0x7: {  	s18 =	simm.s32 $0x8;
	s28 =	simm.s32 $0x2200;
	s30 =	simm.s32 $0x2400  }
0x8: {  	s16 =	simm.s32 $0x0;
	s0 =	sand.u32 $0x1, s0;
	s6 =	smul.u32 $0x278, s4  }
0x9: {  	[smem:$0x7FF] =	sst s3;
	s8 =	smul.u32 $0x9E00, s4;
	s1 =	sshll.u32 s0, $0x4  }
0xa: {  	s7 =	smul.u32 $0x2780, s0;
	_ =	strace $0x8000004D;
	s0 =	ssub.s32 $0x2, s0  }
0xb: {  	s1 =	sor.u32 s4, s1;
	s4 =	sadd.s32 $0x16E00, s5;
	s25 =	sshrl.u32 s8, $0x2  }
0xc: {  	s26 =	sshrl.u32 s0, $0x1;
	s1 =	smul.u32 $0x500, s1;
	s6 =	sadd.s32 s6, s7  }
0xd: {  	s0 =	ssub.s32 s0, s26;
	s26 =	simm.s32 $0x6;
	s6 =	sshll.u32 s6, $0x1  }
0xe: {  	s11 =	smax.u32 s0, $0x1;
	s0 =	simm.s32 $0x4;
	s1 =	sadd.s32 s1, s5  }
0xf: {  	s10 =	sadd.s32 s6, s5;
	s5 =	sadd.s32 s25, s2;
	s25 =	simm.s32 $0x2  }
0x10: {  	s6 =	sadd.s32 $0x2000, s5;
	s7 =	sadd.s32 $0x2E00, s1;
	s8 =	sadd.s32 $0xCE00, s1  }
0x11: {  	v0 =	vimm.f32 $0.0e+00;
	s9 =	sadd.s32 $0x1BE00, s10;
	s10 =	sadd.s32 $0x1C200, s10;
	s1 =	simm.s32 $0x2600  }
.LBB2_1:
0x12: {  	s20 =	simm.s32 $0x40;
	s24 =	simm.s32 $0x0  }
.LBB2_2:
0x13: {  	p0 =	sne.s32 s20, $0x7FC0;
	[tilespmem:s24+$0x5000] =	vst v0;
	s24 =	smov.u32 s20;
	s20 =	sadd.s32 $0x40, s20  }
.Ltmp0:
0x14: {  	(pc) =	sbr.rel @p0 .LBB2_2-.Ltmp0, $2  }
0x15: {  	_ =	sdelay $0x2  }
0x16: {  	s24 =	sshra.s32 s24, $0x2  }
0x17: {  	[tilespmem:s24+$0x5000] =	vst v0  }
0x18: {  	[spmem:s5] =	stream.linear.scatter [tilespmem:s12], [sflag:$0x9], $0x2000, $0x38;
	[tilespmem:$0xF780] =	vst v63  }
0x19: {  	_ =	swait.ge [sflag:s13], $0x2000  }
0x1a: {  	[sflag:s13] =	ssyncset.done $0x0  }
0x1b: {  	[sflag:s13] =	ssyncadd.s32 $0xFFFFE000  }
0x1c: {  	[spmem:s6] =	stream.linear.scatter [tilespmem:s12], [sflag:$0x9], $0x780, $0x38;
	[tilespmem:$0xF780] =	vst v63  }
0x1d: {  	_ =	swait.ge [sflag:s13], $0x780  }
0x1e: {  	[sflag:s13] =	ssyncset.done $0x0  }
0x1f: {  	[sflag:s13] =	ssyncadd.s32 $0xFFFFF880  }
0x20: {  	[bflag:$0x0] =	sbarrier.arrive $0xFFFF  }
0x21: {  	[tilespmem:s3], [sflag:$0x9] =	stream.linear.gather [hbm4b:s7+s3], $0x2800, $0x38;
	[tilespmem:$0xF780] =	vst v63  }
0x22: {  	_ =	swait.ge [sflag:s13], $0x2800  }
0x23: {  	[sflag:s13] =	ssyncset.done $0x0  }
0x24: {  	[sflag:s13] =	ssyncadd.s32 $0xFFFFD800  }
0x25: {  	[tilespmem:s14], [sflag:$0x9] =	stream.linear.gather [hbm4b:s8+s3], $0x2800, $0x38;
	[tilespmem:$0xF780] =	vst v63  }
0x26: {  	_ =	swait.ge [sflag:s13], $0x2800  }
0x27: {  	[sflag:s13] =	ssyncset.done $0x0  }
0x28: {  	[sflag:s13] =	ssyncadd.s32 $0xFFFFD800  }
0x29: {  	[tilespmem:s12], [sflag:$0x1] =	stream.indirect.gather [hbm4b:s4+s15], $0x10, s14, s15, $0xb8;
	[tilespmem:$0xF780] =	vst v63  }
0x2a: {  	s20 =	simm.s32 $0x2A00  }
0x2b: {  	[tilespmem:s17], [sflag:$0x2] =	stream.indirect.gather [hbm4b:s4+s15], $0x10, s20, s15, $0xb8;
	[tilespmem:$0xF780] =	vst v63  }
0x2c: {  	s24 =	simm.s32 $0x2C00  }
0x2d: {  	[tilespmem:s19], [sflag:$0x3] =	stream.indirect.gather [hbm4b:s4+s15], $0x10, s24, s15, $0xb8;
	[tilespmem:$0xF780] =	vst v63  }
0x2e: {  	s24 =	simm.s32 $0x2E00  }
0x2f: {  	[tilespmem:s21], [sflag:$0x4] =	stream.indirect.gather [hbm4b:s4+s15], $0x10, s24, s15, $0xb8;
	[tilespmem:$0xF780] =	vst v63  }
0x30: {  	_ =	swait.ge [sflag:s22], $0x2000  }
0x31: {  	[sflag:s22] =	ssyncset.done $0x0  }
0x32: {  	[sflag:s22] =	ssyncadd.s32 $0xFFFFE000  }
0x33: {  	[spmem:s2] =	stream.indirect.scatter.add.f32 [tilespmem:s12], [sflag:$0x5], $0x10, s3, s15, $0xb8;
	[tilespmem:$0xF780] =	vst v63  }
0x34: {  	_ =	swait.ge [sflag:s23], $0x2000  }
0x35: {  	[sflag:s23] =	ssyncset.done $0x0  }
0x36: {  	s24 =	simm.s32 $0x3000;
	[sflag:s23] =	ssyncadd.s32 $0xFFFFE000  }
0x37: {  	[tilespmem:s12], [sflag:$0x1] =	stream.indirect.gather [hbm4b:s4+s15], $0x10, s24, s15, $0xb8;
	[tilespmem:$0xF780] =	vst v63  }
0x38: {  	_ =	swait.ge [sflag:s25], $0x2000  }
0x39: {  	[sflag:s25] =	ssyncset.done $0x0  }
0x3a: {  	[sflag:s25] =	ssyncadd.s32 $0xFFFFE000  }
0x3b: {  	[spmem:s2] =	stream.indirect.scatter.add.f32 [tilespmem:s17], [sflag:$0x6], $0x10, s15, s15, $0xb8;
	[tilespmem:$0xF780] =	vst v63  }
0x3c: {  	_ =	swait.ge [sflag:s26], $0x2000  }
0x3d: {  	[sflag:s26] =	ssyncset.done $0x0  }
0x3e: {  	s24 =	simm.s32 $0x3200;
	[sflag:s26] =	ssyncadd.s32 $0xFFFFE000  }
0x3f: {  	[tilespmem:s17], [sflag:$0x2] =	stream.indirect.gather [hbm4b:s4+s15], $0x10, s24, s15, $0xb8;
	[tilespmem:$0xF780] =	vst v63  }
0x40: {  	_ =	swait.ge [sflag:s29], $0x2000  }
0x41: {  	[sflag:s29] =	ssyncset.done $0x0  }
0x42: {  	s24 =	simm.s32 $0x400;
	[sflag:s29] =	ssyncadd.s32 $0xFFFFE000  }
0x43: {  	[spmem:s2] =	stream.indirect.scatter.add.f32 [tilespmem:s19], [sflag:$0x7], $0x10, s24, s15, $0xb8;
	[tilespmem:$0xF780] =	vst v63  }
0x44: {  	_ =	swait.ge [sflag:s31], $0x2000  }
0x45: {  	[sflag:s31] =	ssyncset.done $0x0  }
0x46: {  	s24 =	simm.s32 $0x3400;
	[sflag:s31] =	ssyncadd.s32 $0xFFFFE000  }
0x47: {  	[tilespmem:s19], [sflag:$0x3] =	stream.indirect.gather [hbm4b:s4+s15], $0x10, s24, s15, $0xb8;
	[tilespmem:$0xF780] =	vst v63  }
0x48: {  	_ =	swait.ge [sflag:s0], $0x2000  }
0x49: {  	[sflag:s0] =	ssyncset.done $0x0  }
0x4a: {  	s24 =	simm.s32 $0x600;
	[sflag:s0] =	ssyncadd.s32 $0xFFFFE000  }
0x4b: {  	[spmem:s2] =	stream.indirect.scatter.add.f32 [tilespmem:s21], [sflag:$0x8], $0x10, s24, s15, $0xb8;
	[tilespmem:$0xF780] =	vst v63  }
0x4c: {  	_ =	swait.ge [sflag:s18], $0x2000  }
0x4d: {  	[sflag:s18] =	ssyncset.done $0x0  }
0x4e: {  	s24 =	simm.s32 $0x3600;
	[sflag:s18] =	ssyncadd.s32 $0xFFFFE000  }
0x4f: {  	[tilespmem:s21], [sflag:$0x4] =	stream.indirect.gather [hbm4b:s4+s15], $0x10, s24, s15, $0xb8;
	[tilespmem:$0xF780] =	vst v63  }
0x50: {  	_ =	swait.ge [sflag:s22], $0x2000  }
0x51: {  	[sflag:s22] =	ssyncset.done $0x0  }
0x52: {  	s24 =	simm.s32 $0x800;
	[sflag:s22] =	ssyncadd.s32 $0xFFFFE000  }
0x53: {  	[spmem:s2] =	stream.indirect.scatter.add.f32 [tilespmem:s12], [sflag:$0x5], $0x10, s24, s15, $0xb8;
	[tilespmem:$0xF780] =	vst v63  }
0x54: {  	_ =	swait.ge [sflag:s23], $0x2000  }
0x55: {  	[sflag:s23] =	ssyncset.done $0x0  }
0x56: {  	s24 =	simm.s32 $0x3800;
	[sflag:s23] =	ssyncadd.s32 $0xFFFFE000  }
0x57: {  	[tilespmem:s12], [sflag:$0x1] =	stream.indirect.gather [hbm4b:s4+s15], $0x10, s24, s15, $0xb8;
	[tilespmem:$0xF780] =	vst v63  }
0x58: {  	_ =	swait.ge [sflag:s25], $0x2000  }
0x59: {  	[sflag:s25] =	ssyncset.done $0x0  }
0x5a: {  	s24 =	simm.s32 $0xA00;
	[sflag:s25] =	ssyncadd.s32 $0xFFFFE000  }
0x5b: {  	[spmem:s2] =	stream.indirect.scatter.add.f32 [tilespmem:s17], [sflag:$0x6], $0x10, s24, s15, $0xb8;
	[tilespmem:$0xF780] =	vst v63  }
0x5c: {  	_ =	swait.ge [sflag:s26], $0x2000  }
0x5d: {  	[sflag:s26] =	ssyncset.done $0x0  }
0x5e: {  	s24 =	simm.s32 $0x3A00;
	[sflag:s26] =	ssyncadd.s32 $0xFFFFE000  }
0x5f: {  	[tilespmem:s17], [sflag:$0x2] =	stream.indirect.gather [hbm4b:s4+s15], $0x10, s24, s15, $0xb8;
	[tilespmem:$0xF780] =	vst v63  }
0x60: {  	_ =	swait.ge [sflag:s29], $0x2000  }
0x61: {  	[sflag:s29] =	ssyncset.done $0x0  }
0x62: {  	s24 =	simm.s32 $0xC00;
	[sflag:s29] =	ssyncadd.s32 $0xFFFFE000  }
0x63: {  	[spmem:s2] =	stream.indirect.scatter.add.f32 [tilespmem:s19], [sflag:$0x7], $0x10, s24, s15, $0xb8;
	[tilespmem:$0xF780] =	vst v63  }
0x64: {  	_ =	swait.ge [sflag:s31], $0x2000  }
0x65: {  	[sflag:s31] =	ssyncset.done $0x0  }
0x66: {  	s24 =	simm.s32 $0x3C00;
	[sflag:s31] =	ssyncadd.s32 $0xFFFFE000  }
0x67: {  	[tilespmem:s19], [sflag:$0x3] =	stream.indirect.gather [hbm4b:s4+s15], $0x10, s24, s15, $0xb8;
	[tilespmem:$0xF780] =	vst v63  }
0x68: {  	_ =	swait.ge [sflag:s0], $0x2000  }
0x69: {  	[sflag:s0] =	ssyncset.done $0x0  }
0x6a: {  	s24 =	simm.s32 $0xE00;
	[sflag:s0] =	ssyncadd.s32 $0xFFFFE000  }
0x6b: {  	[spmem:s2] =	stream.indirect.scatter.add.f32 [tilespmem:s21], [sflag:$0x8], $0x10, s24, s15, $0xb8;
	[tilespmem:$0xF780] =	vst v63  }
0x6c: {  	_ =	swait.ge [sflag:s18], $0x2000  }
0x6d: {  	[sflag:s18] =	ssyncset.done $0x0  }
0x6e: {  	s24 =	simm.s32 $0x3E00;
	[sflag:s18] =	ssyncadd.s32 $0xFFFFE000  }
0x6f: {  	[tilespmem:s21], [sflag:$0x4] =	stream.indirect.gather [hbm4b:s4+s15], $0x10, s24, s15, $0xb8;
	[tilespmem:$0xF780] =	vst v63  }
0x70: {  	_ =	swait.ge [sflag:s22], $0x2000  }
0x71: {  	[sflag:s22] =	ssyncset.done $0x0  }
0x72: {  	s24 =	simm.s32 $0x1000;
	[sflag:s22] =	ssyncadd.s32 $0xFFFFE000  }
0x73: {  	[spmem:s2] =	stream.indirect.scatter.add.f32 [tilespmem:s12], [sflag:$0x5], $0x10, s24, s15, $0xb8;
	[tilespmem:$0xF780] =	vst v63  }
0x74: {  	_ =	swait.ge [sflag:s23], $0x2000  }
0x75: {  	[sflag:s23] =	ssyncset.done $0x0  }
0x76: {  	s24 =	simm.s32 $0x4000;
	[sflag:s23] =	ssyncadd.s32 $0xFFFFE000  }
0x77: {  	[tilespmem:s12], [sflag:$0x1] =	stream.indirect.gather [hbm4b:s4+s15], $0x10, s24, s15, $0xb8;
	[tilespmem:$0xF780] =	vst v63  }
0x78: {  	_ =	swait.ge [sflag:s25], $0x2000  }
0x79: {  	[sflag:s25] =	ssyncset.done $0x0  }
0x7a: {  	s24 =	simm.s32 $0x1200;
	[sflag:s25] =	ssyncadd.s32 $0xFFFFE000  }
0x7b: {  	[spmem:s2] =	stream.indirect.scatter.add.f32 [tilespmem:s17], [sflag:$0x6], $0x10, s24, s15, $0xb8;
	[tilespmem:$0xF780] =	vst v63  }
0x7c: {  	_ =	swait.ge [sflag:s26], $0x2000  }
0x7d: {  	[sflag:s26] =	ssyncset.done $0x0  }
0x7e: {  	s24 =	simm.s32 $0x4200;
	[sflag:s26] =	ssyncadd.s32 $0xFFFFE000  }
0x7f: {  	[tilespmem:s17], [sflag:$0x2] =	stream.indirect.gather [hbm4b:s4+s15], $0x10, s24, s15, $0xb8;
	[tilespmem:$0xF780] =	vst v63  }
0x80: {  	_ =	swait.ge [sflag:s29], $0x2000  }
0x81: {  	[sflag:s29] =	ssyncset.done $0x0  }
0x82: {  	s24 =	simm.s32 $0x1400;
	[sflag:s29] =	ssyncadd.s32 $0xFFFFE000  }
0x83: {  	[spmem:s2] =	stream.indirect.scatter.add.f32 [tilespmem:s19], [sflag:$0x7], $0x10, s24, s15, $0xb8;
	[tilespmem:$0xF780] =	vst v63  }
0x84: {  	_ =	swait.ge [sflag:s31], $0x2000  }
0x85: {  	[sflag:s31] =	ssyncset.done $0x0  }
0x86: {  	s24 =	simm.s32 $0x4400;
	[sflag:s31] =	ssyncadd.s32 $0xFFFFE000  }
0x87: {  	[tilespmem:s19], [sflag:$0x3] =	stream.indirect.gather [hbm4b:s4+s15], $0x10, s24, s15, $0xb8;
	[tilespmem:$0xF780] =	vst v63  }
0x88: {  	_ =	swait.ge [sflag:s0], $0x2000  }
0x89: {  	[sflag:s0] =	ssyncset.done $0x0  }
0x8a: {  	s24 =	simm.s32 $0x1600;
	[sflag:s0] =	ssyncadd.s32 $0xFFFFE000  }
0x8b: {  	[spmem:s2] =	stream.indirect.scatter.add.f32 [tilespmem:s21], [sflag:$0x8], $0x10, s24, s15, $0xb8;
	[tilespmem:$0xF780] =	vst v63  }
0x8c: {  	_ =	swait.ge [sflag:s18], $0x2000  }
0x8d: {  	[sflag:s18] =	ssyncset.done $0x0  }
0x8e: {  	s24 =	simm.s32 $0x4600;
	[sflag:s18] =	ssyncadd.s32 $0xFFFFE000  }
0x8f: {  	[tilespmem:s21], [sflag:$0x4] =	stream.indirect.gather [hbm4b:s4+s15], $0x10, s24, s15, $0xb8;
	[tilespmem:$0xF780] =	vst v63  }
0x90: {  	_ =	swait.ge [sflag:s22], $0x2000  }
0x91: {  	[sflag:s22] =	ssyncset.done $0x0  }
0x92: {  	s24 =	simm.s32 $0x1800;
	[sflag:s22] =	ssyncadd.s32 $0xFFFFE000  }
0x93: {  	[spmem:s2] =	stream.indirect.scatter.add.f32 [tilespmem:s12], [sflag:$0x5], $0x10, s24, s15, $0xb8;
	[tilespmem:$0xF780] =	vst v63  }
0x94: {  	_ =	swait.ge [sflag:s23], $0x2000  }
0x95: {  	[sflag:s23] =	ssyncset.done $0x0  }
0x96: {  	s24 =	simm.s32 $0x4800;
	[sflag:s23] =	ssyncadd.s32 $0xFFFFE000  }
0x97: {  	[tilespmem:s12], [sflag:$0x1] =	stream.indirect.gather [hbm4b:s4+s15], $0x10, s24, s15, $0xb8;
	[tilespmem:$0xF780] =	vst v63  }
0x98: {  	_ =	swait.ge [sflag:s25], $0x2000  }
0x99: {  	[sflag:s25] =	ssyncset.done $0x0  }
0x9a: {  	s24 =	simm.s32 $0x1A00;
	[sflag:s25] =	ssyncadd.s32 $0xFFFFE000  }
0x9b: {  	[spmem:s2] =	stream.indirect.scatter.add.f32 [tilespmem:s17], [sflag:$0x6], $0x10, s24, s15, $0xb8;
	[tilespmem:$0xF780] =	vst v63  }
0x9c: {  	_ =	swait.ge [sflag:s26], $0x2000  }
0x9d: {  	[sflag:s26] =	ssyncset.done $0x0  }
0x9e: {  	s24 =	simm.s32 $0x4A00;
	[sflag:s26] =	ssyncadd.s32 $0xFFFFE000  }
0x9f: {  	[tilespmem:s17], [sflag:$0x2] =	stream.indirect.gather [hbm4b:s4+s15], $0x10, s24, s15, $0xb8;
	[tilespmem:$0xF780] =	vst v63  }
0xa0: {  	_ =	swait.ge [sflag:s29], $0x2000  }
0xa1: {  	[sflag:s29] =	ssyncset.done $0x0  }
0xa2: {  	s24 =	simm.s32 $0x1C00;
	[sflag:s29] =	ssyncadd.s32 $0xFFFFE000  }
0xa3: {  	[spmem:s2] =	stream.indirect.scatter.add.f32 [tilespmem:s19], [sflag:$0x7], $0x10, s24, s15, $0xb8;
	[tilespmem:$0xF780] =	vst v63  }
0xa4: {  	_ =	swait.ge [sflag:s31], $0x2000  }
0xa5: {  	[sflag:s31] =	ssyncset.done $0x0  }
0xa6: {  	s24 =	simm.s32 $0x4C00;
	[sflag:s31] =	ssyncadd.s32 $0xFFFFE000  }
0xa7: {  	[tilespmem:s19], [sflag:$0x3] =	stream.indirect.gather [hbm4b:s4+s15], $0x10, s24, s15, $0xb8;
	[tilespmem:$0xF780] =	vst v63  }
0xa8: {  	_ =	swait.ge [sflag:s0], $0x2000  }
0xa9: {  	[sflag:s0] =	ssyncset.done $0x0  }
0xaa: {  	s24 =	simm.s32 $0x1E00;
	[sflag:s0] =	ssyncadd.s32 $0xFFFFE000  }
0xab: {  	[spmem:s2] =	stream.indirect.scatter.add.f32 [tilespmem:s21], [sflag:$0x8], $0x10, s24, s15, $0xb8;
	[tilespmem:$0xF780] =	vst v63  }
0xac: {  	_ =	swait.ge [sflag:s18], $0x2000  }
0xad: {  	[sflag:s18] =	ssyncset.done $0x0  }
0xae: {  	s24 =	simm.s32 $0x4E00;
	[sflag:s18] =	ssyncadd.s32 $0xFFFFE000  }
0xaf: {  	[tilespmem:s21], [sflag:$0x4] =	stream.indirect.gather [hbm4b:s4+s15], $0x10, s24, s15, $0xb8;
	[tilespmem:$0xF780] =	vst v63  }
0xb0: {  	_ =	swait.ge [sflag:s22], $0x2000  }
0xb1: {  	[sflag:s22] =	ssyncset.done $0x0  }
0xb2: {  	s24 =	simm.s32 $0x2000;
	[sflag:s22] =	ssyncadd.s32 $0xFFFFE000  }
0xb3: {  	[spmem:s2] =	stream.indirect.scatter.add.f32 [tilespmem:s12], [sflag:$0x5], $0x10, s24, s15, $0xb8;
	[tilespmem:$0xF780] =	vst v63  }
0xb4: {  	_ =	swait.ge [sflag:s23], $0x2000  }
0xb5: {  	[sflag:s23] =	ssyncset.done $0x0  }
0xb6: {  	[sflag:s23] =	ssyncadd.s32 $0xFFFFE000  }
0xb7: {  	_ =	swait.ge [sflag:s25], $0x2000  }
0xb8: {  	[sflag:s25] =	ssyncset.done $0x0  }
0xb9: {  	[sflag:s25] =	ssyncadd.s32 $0xFFFFE000  }
0xba: {  	[spmem:s2] =	stream.indirect.scatter.add.f32 [tilespmem:s17], [sflag:$0x6], $0x10, s28, s15, $0xb8;
	[tilespmem:$0xF780] =	vst v63  }
0xbb: {  	_ =	swait.ge [sflag:s26], $0x2000  }
0xbc: {  	[sflag:s26] =	ssyncset.done $0x0  }
0xbd: {  	[sflag:s26] =	ssyncadd.s32 $0xFFFFE000  }
0xbe: {  	_ =	swait.ge [sflag:s29], $0x2000  }
0xbf: {  	[sflag:s29] =	ssyncset.done $0x0  }
0xc0: {  	[sflag:s29] =	ssyncadd.s32 $0xFFFFE000  }
0xc1: {  	[spmem:s2] =	stream.indirect.scatter.add.f32 [tilespmem:s19], [sflag:$0x7], $0x10, s30, s15, $0xb8;
	[tilespmem:$0xF780] =	vst v63  }
0xc2: {  	_ =	swait.ge [sflag:s31], $0x2000  }
0xc3: {  	[sflag:s31] =	ssyncset.done $0x0  }
0xc4: {  	[sflag:s31] =	ssyncadd.s32 $0xFFFFE000  }
0xc5: {  	_ =	swait.ge [sflag:s0], $0x2000  }
0xc6: {  	[sflag:s0] =	ssyncset.done $0x0  }
0xc7: {  	[sflag:s0] =	ssyncadd.s32 $0xFFFFE000  }
0xc8: {  	[spmem:s2] =	stream.indirect.scatter.add.f32 [tilespmem:s21], [sflag:$0x8], $0x10, s1, s15, $0xb8;
	[tilespmem:$0xF780] =	vst v63  }
0xc9: {  	_ =	swait.ge [sflag:s18], $0x2000  }
0xca: {  	s24 =	stileid.u32;
	[sflag:s18] =	ssyncset.done $0x0  }
0xcb: {  	s20 =	sshll.u32 s24, $0x6;
	[sflag:s18] =	ssyncadd.s32 $0xFFFFE000  }
0xcc: {  	s24 =	sshrl.u32 s5, $0x3;
	s20 =	sor.u32 $0x1C09, s20;
	[bflag:$0x0] =	sbarrier.arrive $0xFFFF  }
0xcd: {  	[hbm:s9], [sflag:s20] =	dma.local [spmem:s24], $0x400  }
0xce: {  	s16 =	sadd.s32 $0x1, s16;
	_ =	swait.ge [sflag:s13], $0x400  }
0xcf: {  	p0 =	sne.s32 s16, s11;
	[sflag:s13] =	ssyncset.done $0x0  }
.Ltmp1:
0xd0: {  	s24 =	sshrl.u32 s6, $0x3;
	[sflag:s13] =	ssyncadd.s32 $0xFFFFFC00;
	(pc) =	sbr.rel @p0 .LBB2_1-.Ltmp1, $4  }
0xd1: {  	[hbm:s10], [sflag:s20] =	dma.local [spmem:s24], $0xF0  }
0xd2: {  	_ =	swait.ge [sflag:s13], $0xF0  }
0xd3: {  	[sflag:s13] =	ssyncset.done $0x0  }
0xd4: {  	[sflag:s13] =	ssyncadd.s32 $0xFFFFFF10  }
0xd5: {  	_ =	sfence.sel $0x180000  }
0xd6: {  	[bflag:$0x0] =	sbarrier.arrive $0xFFFF  }
0xd7: {  	_ =	strace $0x9000004D  }
0xd8: {  	s0 =	stileid.u32;
	[bflag:$0x2] =	sbarrier.arrive $0xFFFF  }
0xd9: {  	p0 =	sne.s32 s0, $0x0;
	s0 =	rddreg [dreg:$0x2]  }
0xda: {  	s0 =	sadd.s32 @!p0 $0x100000, s0  }
0xdb: {  	[sflag:s0] =	ssyncadd.tile.s32 @!p0 $0x1;
	_ =	shalt  }
.Lfunc_end2:
_tile_overlayer_lowered:
.L_overlay_start_2:
0xdc: {  	(tag) =	ssettag $0x2  }
0xdd: {  	s0 =	rddreg [dreg:$0x0];
	s2 =	stileid.u32  }
0xde: {  	s1 =	rddreg [dreg:$0x1];
	p0 =	sne.s32 s2, $0x0  }
0xdf: {  	s3 =	rddreg [dreg:$0x2];
	[bflag:$0x3] =	sbarrier.arrive $0xFFFF;
	s2 =	simm.s32 @!p0 $0x1C09  }
0xe0: {  	[timem:s3], [sflag:s2] =	dma.local @!p0 [hbm:s0], s1  }
0xe1: {  	s0 =	simm.s32 @!p0 $0x9  }
0xe2: {  	_ =	swait.ge @!p0 [sflag:s0], s1  }
0xe3: {  	s1 =	ssub.s32 @!p0 $0x0, s1;
	[sflag:s0] =	ssyncset.done @!p0 $0x0  }
0xe4: {  	[sflag:s0] =	ssyncadd.s32 @!p0 s1  }
0xe5: {  	[bflag:$0x3] =	sbarrier.arrive $0xFFFF  }
0xe6: {  	_ =	shalt  }

// kernel: kernel.9.cloned.1.call-start
scs
__scs_entry_jumppad:
0x0: {  	(pc) =	sbr.rel $0x88, $3  }
0x1: {  	(tag) =	ssettag $0x0;
	lr =	simm.s32 $0x1  }
0x2: {  	[smem:$0x3F97] =	sst lr;
	_ =	strace $0xD0000000  }
0x3: {  	_ = 	snop  }
0x4: {  	_ = 	snop  }
0x5: {  	_ = 	snop  }
0x6: {  	_ = 	snop  }
0x7: {  	_ = 	snop  }
__scs_overlays_trampoline_lowered:
0x8: {  	[smem:$0x3FA6] =	sst s0  }
0x9: {  	[smem:$0x3FA7] =	sst s1  }
0xa: {  	[smem:$0x3FA8] =	sst s2  }
0xb: {  	[smem:$0x3FA9] =	sst s3  }
0xc: {  	[smem:$0x3FAA] =	sst s4  }
0xd: {  	[smem:$0x3FAB] =	sst s5  }
0xe: {  	[smem:$0x3FAC] =	sst s6  }
0xf: {  	[smem:$0x3FAD] =	sst s7  }
0x10: {  	[smem:$0x3FAE] =	sst s8  }
0x11: {  	[smem:$0x3FAF] =	sst s9;
	s0 =	simm.s32 @!p0 $0x0  }
0x12: {  	s1 =	sld [smem:$0x3F95];
	s0 =	simm.s32 @p0 $0x1  }
0x13: {  	[smem:$0x3FB0] =	sst s0;
	s0 =	simm.s32 @!p1 $0x0  }
0x14: {  	s2 =	sld [smem:$0x3F94];
	s0 =	simm.s32 @p1 $0x1  }
0x15: {  	[smem:$0x3FB1] =	sst s0;
	s0 =	simm.s32 @!p2 $0x0  }
0x16: {  	s3 =	sld [smem:$0x3FDB];
	s0 =	simm.s32 @p2 $0x1  }
0x17: {  	s4 =	simm.s32 $0x1BF5;
	[smem:$0x3FB3] =	sst s0  }
0x18: {  	s0 =	sld [smem:$0x3F96];
	_ =	swait.ge [sflag:s4], $0x0  }
0x19: {  	s7 =	sld [smem:$0x3F97]  }
0x1a: {  	s8 =	sadd.s32 $0xFFFFE003, lr  }
0x1b: {  	s9 =	sadd.s32 $0xFFFFFEF7, lr;
	s5 =	simm.s32 $0xFFFFFFFF;
	p2 =	slt.u32 s8, $0xFFFFF086  }
0x1c: {  	p1 =	slt.u32 s9, $0xF7A;
	s5 =	simm.s32 @!p2 $0x0  }
0x1d: {  	s5 =	simm.s32 @p1 $0x1;
	p0 =	seq.s32 s7, s2  }
0x1e: {  	s7 =	smul.u32 @!p0 $0xF7A, s2;
	p2 =	seq.s32 @!p0 s5, $0x0  }
0x1f: {  	s9 =	smul.u32 $0xF7A, s1;
	s8 =	simm.s32 @!p0 $0x1BF5;
	p2 =	por !p2, p0  }
0x20: {  	[sflag:s8] =	ssyncset.s32 @!p0 $0xFFFFF086;
	s6 =	sadd.s32 @!p0 s3, s7;
	s7 =	simm.s32 @!p0 $0x108  }
0x21: {  	s3 =	sadd.s32 s3, s9;
	s6 =	sadd.s32 @!p0 $0x88, s6;
	s7 =	simm.s32 @p2 $0x1082  }
0x22: {  	[simem:s7], [sflag:s8] =	dma.local @!p0 [hbm:s6], $0xF7A  }
0x23: {  	s9 =	sor.u32 $0xD0000000, s2;
	s6 =	simm.s32 $0x108;
	_ =	swait.ge @!p0 [sflag:s8], $0x0  }
0x24: {  	s3 =	sadd.s32 $0x88, s3;
	s6 =	simm.s32 @!p1 $0x1082;
	[sflag:s4] =	ssyncset.s32 $0xFFFFF086  }
0x25: {  	[simem:s6], [sflag:s4] =	dma.local [hbm:s3], $0xF7A  }
0x26: {  	[smem:$0x3F97] =	sst s1;
	(tag) =	ssettag s2;
	_ =	strace s9  }
0x27: {  	s1 =	sld [smem:$0x3FA7]  }
0x28: {  	s2 =	sld [smem:$0x3FA8]  }
0x29: {  	s4 =	sld [smem:$0x3FAA]  }
0x2a: {  	p0 =	seq.s32 s5, $0x0;
	s5 =	sld [smem:$0x3FAB]  }
0x2b: {  	s6 =	sld [smem:$0x3FAC]  }
0x2c: {  	s7 =	sld [smem:$0x3FAD]  }
0x2d: {  	s3 =	simm.s32 $0x108;
	s8 =	sld [smem:$0x3FAE]  }
0x2e: {  	s3 =	simm.s32 @!p0 $0x1082;
	s9 =	sld [smem:$0x3FAF]  }
0x2f: {  	lr =	sadd.s32 s0, s3;
	s0 =	sld [smem:$0x3FA6]  }
0x30: {  	s3 =	sld [smem:$0x3FA9]  }
0x31: {  	[smem:$0x3FB2] =	sst s10  }
0x32: {  	s10 =	sld [smem:$0x3FB0];
	_ =	sdelay $0x3  }
0x33: {  	p0 =	seq.s32 s10, $0x1;
	s10 =	sld [smem:$0x3FB2];
	_ =	sdelay $0x3  }
0x34: {  	[smem:$0x3FB2] =	sst s10  }
0x35: {  	s10 =	sld [smem:$0x3FB1];
	_ =	sdelay $0x3  }
0x36: {  	p1 =	seq.s32 s10, $0x1;
	s10 =	sld [smem:$0x3FB2];
	_ =	sdelay $0x3  }
0x37: {  	[smem:$0x3FB2] =	sst s10  }
0x38: {  	s10 =	sld [smem:$0x3FB3]  }
0x39: {  	_ = 	snop;
	(pc) =	sbr.ind lr, $3  }
0x3a: {  	_ = 	snop  }
0x3b: {  	_ = 	snop  }
0x3c: {  	p2 =	seq.s32 s10, $0x1;
	s10 =	sld [smem:$0x3FB2]  }
0x3d: {  	_ =	shalt  }
0x3e: {  	_ =	shalt  }
0x3f: {  	_ =	shalt  }
0x40: {  	_ =	shalt  }
0x41: {  	_ =	shalt  }
0x42: {  	_ =	shalt  }
0x43: {  	_ =	shalt  }
0x44: {  	_ =	shalt  }
0x45: {  	_ =	shalt  }
0x46: {  	_ =	shalt  }
0x47: {  	_ =	shalt  }
0x48: {  	_ =	shalt  }
0x49: {  	_ =	shalt  }
0x4a: {  	_ =	shalt  }
0x4b: {  	_ =	shalt  }
0x4c: {  	_ =	shalt  }
0x4d: {  	_ =	shalt  }
0x4e: {  	_ =	shalt  }
0x4f: {  	_ =	shalt  }
0x50: {  	_ =	shalt  }
0x51: {  	_ =	shalt  }
0x52: {  	_ =	shalt  }
0x53: {  	_ =	shalt  }
0x54: {  	_ =	shalt  }
0x55: {  	_ =	shalt  }
0x56: {  	_ =	shalt  }
0x57: {  	_ =	shalt  }
0x58: {  	_ =	shalt  }
0x59: {  	_ =	shalt  }
0x5a: {  	_ =	shalt  }
0x5b: {  	_ =	shalt  }
0x5c: {  	_ =	shalt  }
0x5d: {  	_ =	shalt  }
0x5e: {  	_ =	shalt  }
0x5f: {  	_ =	shalt  }
0x60: {  	_ =	shalt  }
0x61: {  	_ =	shalt  }
0x62: {  	_ =	shalt  }
0x63: {  	_ =	shalt  }
0x64: {  	_ =	shalt  }
0x65: {  	_ =	shalt  }
0x66: {  	_ =	shalt  }
0x67: {  	_ =	shalt  }
0x68: {  	_ =	shalt  }
0x69: {  	_ =	shalt  }
0x6a: {  	_ =	shalt  }
0x6b: {  	_ =	shalt  }
0x6c: {  	_ =	shalt  }
0x6d: {  	_ =	shalt  }
0x6e: {  	_ =	shalt  }
0x6f: {  	_ =	shalt  }
0x70: {  	_ =	shalt  }
0x71: {  	_ =	shalt  }
0x72: {  	_ =	shalt  }
0x73: {  	_ =	shalt  }
0x74: {  	_ =	shalt  }
0x75: {  	_ =	shalt  }
0x76: {  	_ =	shalt  }
0x77: {  	_ =	shalt  }
0x78: {  	_ =	shalt  }
0x79: {  	_ =	shalt  }
0x7a: {  	_ =	shalt  }
0x7b: {  	_ =	shalt  }
0x7c: {  	_ =	shalt  }
0x7d: {  	_ =	shalt  }
0x7e: {  	_ =	shalt  }
0x7f: {  	_ =	shalt  }
0x80: {  	_ =	shalt  }
0x81: {  	_ =	shalt  }
0x82: {  	_ =	shalt  }
0x83: {  	_ =	shalt  }
0x84: {  	_ =	shalt  }
0x85: {  	_ =	shalt  }
0x86: {  	_ =	shalt  }
0x87: {  	_ =	shalt  }
.Lfunc_end0:
.L_simem_size_0:
called_computation_lowered:
.L_overlay_start_0:
0x88: {  	s2 =	sld [smem:$0x3FD9]  }
0x89: {  	s3 =	sld [smem:$0x3FFE];
	_ =	sdelay $0x1  }
0x8a: {  	s1 =	srdreg.scid  }
0x8b: {  	s0 =	sand.u32 $0x1, s1  }
0x8c: {  	s16 =	sshll.u32 s0, $0xA;
	s2 =	sadd.s32 s3, s2  }
0x8d: {  	s2 =	sadd.s32 s2, s16  }
0x8e: {  	[smem:$0x3FBE] =	sst s2  }
0x8f: {  	_ = 	snop  }
0x90: {  	(tm) =	ssettm $0x1  }
0x91: {  	s17 =	sld [smem:$0x3FFB];
	_ =	sdelay $0x3  }
0x92: {  	_ =	strace s17  }
0x93: {  	s2 =	sld [smem:$0x3FFC];
	_ =	sdelay $0x3  }
0x94: {  	_ =	strace s2  }
0x95: {  	s2 =	sld [smem:$0x3FFD];
	_ =	sdelay $0x3  }
0x96: {  	_ =	strace s2  }
0x97: {  	_ =	strace $0x8FFFFFFF  }
0x98: {  	s18 =	sld [smem:$0x3FDB];
	_ =	sdelay $0x1  }
0x99: {  	s19 =	simm.s32 $_scs_section_size  }
0x9a: {  	s4 =	simm.s32 $_size__tile_overlayer_lowered;
	s5 =	simm.s32 $_tile_overlayer_lowered  }
0x9b: {  	s22 =	simm.s32 $0x1BFF;
	s21 =	sshll.u32 s5, $0x1;
	s2 =	sadd.s32 s19, s18  }
0x9c: {  	s6 =	simm.s32 $0x0;
	s20 =	sshll.u32 s4, $0x1;
	s4 =	sadd.s32 s21, s2  }
0x9d: {  	[timem:s6], [sflag:s22] =	dma.local [hbm:s4], s20  }
0x9e: {  	_ =	swait.ge [sflag:s22], s20  }
0x9f: {  	s3 =	ssub.s32 $0x0, s20;
	[sflag:s22] =	ssyncset.done $0x0  }
0xa0: {  	[sflag:s22] =	ssyncadd.s32 s3;
	_ =	sdelay $0x1  }
0xa1: {  	s23 =	simm.s32 $0x1B8B  }
0xa2: {  	_ =	swait.ge [sflag:s23], $0x1  }
0xa3: {  	[sflag:s23] =	ssyncset.done $0x0  }
0xa4: {  	s25 =	simm.s32 $0x1B8E;
	s24 =	sld [smem:$0x3FFE];
	[sflag:s23] =	ssyncadd.s32 $0xFFFFFFFF  }
0xa5: {  	s26 =	simm.s32 $execute0_lowered;
	[smem:$0x3FD2] =	sst s25  }
0xa6: {  	s4 =	sshll.u32 s26, $0x1;
	_ =	strace $0x80000046;
	[dreg:$0x1] =	wrdreg $0xFFFFFFFF  }
0xa7: {  	s28 =	simm.s32 $_size_execute0_lowered;
	s2 =	sadd.s32 s2, s4;
	[dreg:$0x0] =	wrdreg $0x0  }
0xa8: {  	s4 =	sshll.u32 s28, $0x1;
	[dreg:$0x2] =	wrdreg s2  }
0xa9: {  	[dreg:$0x3] =	wrdreg s4  }
0xaa: {  	[dreg:$0x4] =	wrdreg $0xC0  }
0xab: {  	_ =	task [dreg:s6], $0x5FFFF  }
0xac: {  	[dreg:$0x1] =	wrdreg $0xFFFFFFFF  }
0xad: {  	[dreg:$0x0] =	wrdreg $0x60  }
0xae: {  	[dreg:$0x2] =	wrdreg s24  }
0xaf: {  	[dreg:$0x3] =	wrdreg $0x48000  }
0xb0: {  	[dreg:$0x4] =	wrdreg $0x9  }
0xb1: {  	_ =	task.clear_ibuf [dreg:s6], $0x5FFFF;
	_ =	strace $0x90000046  }
0xb2: {  	s29 =	simm.s32 $0x9;
	_ =	strace $0x80000048  }
0xb3: {  	_ =	swait.ge [sflag:s29], $0x1  }
0xb4: {  	[sflag:s29] =	ssyncadd.s32 $0xFFFFFFFF  }
0xb5: {  	_ =	strace $0x90000048  }
0xb6: {  	_ =	sfence  }
0xb7: {  	s30 =	sld [smem:$0x0];
	_ =	sdelay $0x2  }
0xb8: {  	s31 =	sshll.u32 s1, $0xD;
	s1 =	sshrl.u32 s1, $0x2  }
0xb9: {  	s3 =	sand.u32 $0x4000, s31;
	s1 =	sadd.s32 s1, s30  }
0xba: {  	s0 =	sor.u32 s3, s0;
	s1 =	sshll.u32 s1, $0x11  }
0xbb: {  	s0 =	sor.u32 s1, s0  }
0xbc: {  	s0 =	sadd.s32 $0x8F2B, s0  }
0xbd: {  	[sflag:s0] =	ssyncadd.remote.s32 $0x1  }
0xbe: {  	_ =	sfence.sel $0xFFFF  }
0xbf: {  	[dreg:$0x0] =	wrdreg $0xFFFFFFFF;
	(pc) =	sbr.abs _section_cstart, $3  }
0xc0: {  	[dreg:$0x1] =	wrdreg $0xFFFFFFFF  }
0xc1: {  	_ =	task.clear_ibuf [dreg:s6], $0x2FFFF;
	_ =	strace $0x9FFFFFFF  }
0xc2: {  	(tm) =	ssettm $0x7FFFFFFF  }
0xc3: {  	_ =	shalt  }
tec
execute0_lowered:
.L_overlay_start_1:
0x0: {  	(tag) =	ssettag $0x1  }
0x1: {  	s0 =	srdreg.scid;
	s5 =	rddreg [dreg:$0x0]  }
0x2: {  	s7 =	stileid.u32;
	s2 =	rddreg [dreg:$0x1]  }
0x3: {  	s3 =	simm.s32 $0x0;
	s10 =	simm.s32 $0x2800;
	s11 =	simm.s32 $0x5  }
0x4: {  	s12 =	simm.s32 $0x200;
	s15 =	simm.s32 $0x1;
	s17 =	simm.s32 $0x2  }
0x5: {  	s19 =	simm.s32 $0x3;
	s21 =	simm.s32 $0x4;
	s22 =	simm.s32 $0xE00  }
0x6: {  	s23 =	simm.s32 $0x1000;
	s24 =	simm.s32 $0x1200;
	s28 =	simm.s32 $0x1800  }
0x7: {  	s29 =	simm.s32 $0x1A00;
	s30 =	simm.s32 $0x1C00;
	s31 =	simm.s32 $0x1E00  }
0x8: {  	s13 =	simm.s32 $0x2400;
	s14 =	simm.s32 $0x2600;
	s16 =	simm.s32 $0x0  }
0x9: {  	s0 =	sand.u32 $0x1, s0;
	s4 =	smul.u32 $0x278, s7;
	[smem:$0x7FF] =	sst s3  }
0xa: {  	s1 =	sshll.u32 s0, $0x4;
	s6 =	smul.u32 $0x2780, s0;
	_ =	strace $0x80000047  }
0xb: {  	s0 =	ssub.s32 $0x2, s0;
	s1 =	sor.u32 s7, s1;
	s7 =	smul.u32 $0x9E00, s7  }
0xc: {  	s8 =	sshrl.u32 s0, $0x1;
	s1 =	smul.u32 $0x500, s1;
	s4 =	sadd.s32 s4, s6  }
0xd: {  	s0 =	ssub.s32 s0, s8;
	s25 =	sshrl.u32 s7, $0x2;
	s26 =	sshll.u32 s4, $0x1  }
0xe: {  	s1 =	sadd.s32 s1, s5;
	s4 =	sadd.s32 s25, s2;
	s9 =	sadd.s32 s26, s5  }
0xf: {  	s25 =	simm.s32 $0x1400;
	s26 =	simm.s32 $0x1600;
	s5 =	sadd.s32 $0x2000, s4  }
0x10: {  	s6 =	sadd.s32 $0x2E00, s1;
	s7 =	sadd.s32 $0x16E00, s9;
	s8 =	sadd.s32 $0x17200, s9  }
0x11: {  	v0 =	vimm.f32 $0.0e+00;
	v1 =	vimm.f32 $1.000000000e+00;
	s9 =	smax.u32 s0, $0x1;
	s1 =	simm.s32 $0x2000;
	s0 =	simm.s32 $0x2200  }
.LBB2_1:
0x12: {  	s18 =	simm.s32 $0x40;
	s20 =	simm.s32 $0x0  }
.LBB2_2:
0x13: {  	p0 =	sne.s32 s18, $0x7FC0;
	[tilespmem:s20+$0x2800] =	vst v0;
	s20 =	smov.u32 s18;
	s18 =	sadd.s32 $0x40, s18  }
.Ltmp0:
0x14: {  	(pc) =	sbr.rel @p0 .LBB2_2-.Ltmp0, $2  }
0x15: {  	_ =	sdelay $0x2  }
0x16: {  	s20 =	sshra.s32 s20, $0x2  }
0x17: {  	[tilespmem:s20+$0x2800] =	vst v0  }
0x18: {  	[spmem:s4] =	stream.linear.scatter [tilespmem:s10], [sflag:$0x5], $0x2000, $0x38;
	[tilespmem:$0x6F80] =	vst v63  }
0x19: {  	_ =	swait.ge [sflag:s11], $0x2000  }
0x1a: {  	[sflag:s11] =	ssyncset.done $0x0  }
0x1b: {  	[sflag:s11] =	ssyncadd.s32 $0xFFFFE000  }
0x1c: {  	[spmem:s5] =	stream.linear.scatter [tilespmem:s10], [sflag:$0x5], $0x780, $0x38;
	[tilespmem:$0x6F80] =	vst v63  }
0x1d: {  	_ =	swait.ge [sflag:s11], $0x780  }
0x1e: {  	[sflag:s11] =	ssyncset.done $0x0  }
0x1f: {  	s18 =	simm.s32 $0x40;
	s20 =	simm.s32 $0x0;
	[sflag:s11] =	ssyncadd.s32 $0xFFFFF880  }
.LBB2_4:
0x20: {  	p0 =	sne.s32 s18, $0x7FC0;
	[tilespmem:s20+$0x2800] =	vst v1;
	s20 =	smov.u32 s18;
	s18 =	sadd.s32 $0x40, s18  }
.Ltmp1:
0x21: {  	(pc) =	sbr.rel @p0 .LBB2_4-.Ltmp1, $2  }
0x22: {  	_ =	sdelay $0x2  }
0x23: {  	s20 =	sshra.s32 s20, $0x2  }
0x24: {  	[tilespmem:s20+$0x2800] =	vst v1  }
0x25: {  	[bflag:$0x0] =	sbarrier.arrive $0xFFFF  }
0x26: {  	[tilespmem:s3], [sflag:$0x5] =	stream.linear.gather [hbm4b:s6+s3], $0x2800, $0x38;
	[tilespmem:$0x6F80] =	vst v63  }
0x27: {  	_ =	swait.ge [sflag:s11], $0x2800  }
0x28: {  	[sflag:s11] =	ssyncset.done $0x0  }
0x29: {  	[sflag:s11] =	ssyncadd.s32 $0xFFFFD800  }
0x2a: {  	[spmem:s2] =	stream.indirect.scatter.add.f32 [tilespmem:s10], [sflag:$0x1], $0x10, s3, s12, $0xb8;
	[tilespmem:$0x6F80] =	vst v63  }
0x2b: {  	_ = 	snop  }
0x2c: {  	[spmem:s2] =	stream.indirect.scatter.add.f32 [tilespmem:s10], [sflag:$0x2], $0x10, s12, s12, $0xb8;
	[tilespmem:$0x6F80] =	vst v63  }
0x2d: {  	s18 =	simm.s32 $0x400  }
0x2e: {  	[spmem:s2] =	stream.indirect.scatter.add.f32 [tilespmem:s10], [sflag:$0x3], $0x10, s18, s12, $0xb8;
	[tilespmem:$0x6F80] =	vst v63  }
0x2f: {  	s20 =	simm.s32 $0x600  }
0x30: {  	[spmem:s2] =	stream.indirect.scatter.add.f32 [tilespmem:s10], [sflag:$0x4], $0x10, s20, s12, $0xb8;
	[tilespmem:$0x6F80] =	vst v63  }
0x31: {  	_ =	swait.ge [sflag:s15], $0x2000  }
0x32: {  	[sflag:s15] =	ssyncset.done $0x0  }
0x33: {  	s20 =	simm.s32 $0x800;
	[sflag:s15] =	ssyncadd.s32 $0xFFFFE000  }
0x34: {  	[spmem:s2] =	stream.indirect.scatter.add.f32 [tilespmem:s10], [sflag:$0x1], $0x10, s20, s12, $0xb8;
	[tilespmem:$0x6F80] =	vst v63  }
0x35: {  	_ =	swait.ge [sflag:s17], $0x2000  }
0x36: {  	[sflag:s17] =	ssyncset.done $0x0  }
0x37: {  	s20 =	simm.s32 $0xA00;
	[sflag:s17] =	ssyncadd.s32 $0xFFFFE000  }
0x38: {  	[spmem:s2] =	stream.indirect.scatter.add.f32 [tilespmem:s10], [sflag:$0x2], $0x10, s20, s12, $0xb8;
	[tilespmem:$0x6F80] =	vst v63  }
0x39: {  	_ =	swait.ge [sflag:s19], $0x2000  }
0x3a: {  	[sflag:s19] =	ssyncset.done $0x0  }
0x3b: {  	s20 =	simm.s32 $0xC00;
	[sflag:s19] =	ssyncadd.s32 $0xFFFFE000  }
0x3c: {  	[spmem:s2] =	stream.indirect.scatter.add.f32 [tilespmem:s10], [sflag:$0x3], $0x10, s20, s12, $0xb8;
	[tilespmem:$0x6F80] =	vst v63  }
0x3d: {  	_ =	swait.ge [sflag:s21], $0x2000  }
0x3e: {  	[sflag:s21] =	ssyncset.done $0x0  }
0x3f: {  	[sflag:s21] =	ssyncadd.s32 $0xFFFFE000  }
0x40: {  	[spmem:s2] =	stream.indirect.scatter.add.f32 [tilespmem:s10], [sflag:$0x4], $0x10, s22, s12, $0xb8;
	[tilespmem:$0x6F80] =	vst v63  }
0x41: {  	_ =	swait.ge [sflag:s15], $0x2000  }
0x42: {  	[sflag:s15] =	ssyncset.done $0x0  }
0x43: {  	[sflag:s15] =	ssyncadd.s32 $0xFFFFE000  }
0x44: {  	[spmem:s2] =	stream.indirect.scatter.add.f32 [tilespmem:s10], [sflag:$0x1], $0x10, s23, s12, $0xb8;
	[tilespmem:$0x6F80] =	vst v63  }
0x45: {  	_ =	swait.ge [sflag:s17], $0x2000  }
0x46: {  	[sflag:s17] =	ssyncset.done $0x0  }
0x47: {  	[sflag:s17] =	ssyncadd.s32 $0xFFFFE000  }
0x48: {  	[spmem:s2] =	stream.indirect.scatter.add.f32 [tilespmem:s10], [sflag:$0x2], $0x10, s24, s12, $0xb8;
	[tilespmem:$0x6F80] =	vst v63  }
0x49: {  	_ =	swait.ge [sflag:s19], $0x2000  }
0x4a: {  	[sflag:s19] =	ssyncset.done $0x0  }
0x4b: {  	[sflag:s19] =	ssyncadd.s32 $0xFFFFE000  }
0x4c: {  	[spmem:s2] =	stream.indirect.scatter.add.f32 [tilespmem:s10], [sflag:$0x3], $0x10, s25, s12, $0xb8;
	[tilespmem:$0x6F80] =	vst v63  }
0x4d: {  	_ =	swait.ge [sflag:s21], $0x2000  }
0x4e: {  	[sflag:s21] =	ssyncset.done $0x0  }
0x4f: {  	[sflag:s21] =	ssyncadd.s32 $0xFFFFE000  }
0x50: {  	[spmem:s2] =	stream.indirect.scatter.add.f32 [tilespmem:s10], [sflag:$0x4], $0x10, s26, s12, $0xb8;
	[tilespmem:$0x6F80] =	vst v63  }
0x51: {  	_ =	swait.ge [sflag:s15], $0x2000  }
0x52: {  	[sflag:s15] =	ssyncset.done $0x0  }
0x53: {  	[sflag:s15] =	ssyncadd.s32 $0xFFFFE000  }
0x54: {  	[spmem:s2] =	stream.indirect.scatter.add.f32 [tilespmem:s10], [sflag:$0x1], $0x10, s28, s12, $0xb8;
	[tilespmem:$0x6F80] =	vst v63  }
0x55: {  	_ =	swait.ge [sflag:s17], $0x2000  }
0x56: {  	[sflag:s17] =	ssyncset.done $0x0  }
0x57: {  	[sflag:s17] =	ssyncadd.s32 $0xFFFFE000  }
0x58: {  	[spmem:s2] =	stream.indirect.scatter.add.f32 [tilespmem:s10], [sflag:$0x2], $0x10, s29, s12, $0xb8;
	[tilespmem:$0x6F80] =	vst v63  }
0x59: {  	_ =	swait.ge [sflag:s19], $0x2000  }
0x5a: {  	[sflag:s19] =	ssyncset.done $0x0  }
0x5b: {  	[sflag:s19] =	ssyncadd.s32 $0xFFFFE000  }
0x5c: {  	[spmem:s2] =	stream.indirect.scatter.add.f32 [tilespmem:s10], [sflag:$0x3], $0x10, s30, s12, $0xb8;
	[tilespmem:$0x6F80] =	vst v63  }
0x5d: {  	_ =	swait.ge [sflag:s21], $0x2000  }
0x5e: {  	[sflag:s21] =	ssyncset.done $0x0  }
0x5f: {  	[sflag:s21] =	ssyncadd.s32 $0xFFFFE000  }
0x60: {  	[spmem:s2] =	stream.indirect.scatter.add.f32 [tilespmem:s10], [sflag:$0x4], $0x10, s31, s12, $0xb8;
	[tilespmem:$0x6F80] =	vst v63  }
0x61: {  	_ =	swait.ge [sflag:s15], $0x2000  }
0x62: {  	[sflag:s15] =	ssyncset.done $0x0  }
0x63: {  	[sflag:s15] =	ssyncadd.s32 $0xFFFFE000  }
0x64: {  	[spmem:s2] =	stream.indirect.scatter.add.f32 [tilespmem:s10], [sflag:$0x1], $0x10, s1, s12, $0xb8;
	[tilespmem:$0x6F80] =	vst v63  }
0x65: {  	_ =	swait.ge [sflag:s17], $0x2000  }
0x66: {  	[sflag:s17] =	ssyncset.done $0x0  }
0x67: {  	[sflag:s17] =	ssyncadd.s32 $0xFFFFE000  }
0x68: {  	[spmem:s2] =	stream.indirect.scatter.add.f32 [tilespmem:s10], [sflag:$0x2], $0x10, s0, s12, $0xb8;
	[tilespmem:$0x6F80] =	vst v63  }
0x69: {  	_ =	swait.ge [sflag:s19], $0x2000  }
0x6a: {  	[sflag:s19] =	ssyncset.done $0x0  }
0x6b: {  	[sflag:s19] =	ssyncadd.s32 $0xFFFFE000  }
0x6c: {  	[spmem:s2] =	stream.indirect.scatter.add.f32 [tilespmem:s10], [sflag:$0x3], $0x10, s13, s12, $0xb8;
	[tilespmem:$0x6F80] =	vst v63  }
0x6d: {  	_ =	swait.ge [sflag:s21], $0x2000  }
0x6e: {  	[sflag:s21] =	ssyncset.done $0x0  }
0x6f: {  	[sflag:s21] =	ssyncadd.s32 $0xFFFFE000  }
0x70: {  	[spmem:s2] =	stream.indirect.scatter.add.f32 [tilespmem:s10], [sflag:$0x4], $0x10, s14, s12, $0xb8;
	[tilespmem:$0x6F80] =	vst v63  }
0x71: {  	_ =	swait.ge [sflag:s15], $0x2000  }
0x72: {  	[sflag:s15] =	ssyncset.done $0x0  }
0x73: {  	[sflag:s15] =	ssyncadd.s32 $0xFFFFE000  }
0x74: {  	_ =	swait.ge [sflag:s17], $0x2000  }
0x75: {  	[sflag:s17] =	ssyncset.done $0x0  }
0x76: {  	[sflag:s17] =	ssyncadd.s32 $0xFFFFE000  }
0x77: {  	_ =	swait.ge [sflag:s19], $0x2000  }
0x78: {  	[sflag:s19] =	ssyncset.done $0x0  }
0x79: {  	[sflag:s19] =	ssyncadd.s32 $0xFFFFE000  }
0x7a: {  	_ =	swait.ge [sflag:s21], $0x2000  }
0x7b: {  	s20 =	stileid.u32;
	[sflag:s21] =	ssyncset.done $0x0  }
0x7c: {  	s18 =	sshll.u32 s20, $0x6;
	[sflag:s21] =	ssyncadd.s32 $0xFFFFE000  }
0x7d: {  	s20 =	sshrl.u32 s4, $0x3;
	s18 =	sor.u32 $0x1C05, s18;
	[bflag:$0x0] =	sbarrier.arrive $0xFFFF  }
0x7e: {  	[hbm:s7], [sflag:s18] =	dma.local [spmem:s20], $0x400  }
0x7f: {  	s16 =	sadd.s32 $0x1, s16;
	_ =	swait.ge [sflag:s11], $0x400  }
0x80: {  	p0 =	sne.s32 s16, s9;
	[sflag:s11] =	ssyncset.done $0x0  }
.Ltmp2:
0x81: {  	s20 =	sshrl.u32 s5, $0x3;
	[sflag:s11] =	ssyncadd.s32 $0xFFFFFC00;
	(pc) =	sbr.rel @p0 .LBB2_1-.Ltmp2, $4  }
0x82: {  	[hbm:s8], [sflag:s18] =	dma.local [spmem:s20], $0xF0  }
0x83: {  	_ =	swait.ge [sflag:s11], $0xF0  }
0x84: {  	[sflag:s11] =	ssyncset.done $0x0  }
0x85: {  	[sflag:s11] =	ssyncadd.s32 $0xFFFFFF10  }
0x86: {  	_ =	sfence.sel $0x180000  }
0x87: {  	[bflag:$0x0] =	sbarrier.arrive $0xFFFF  }
0x88: {  	_ =	strace $0x90000047  }
0x89: {  	s0 =	stileid.u32;
	[bflag:$0x2] =	sbarrier.arrive $0xFFFF  }
0x8a: {  	p0 =	sne.s32 s0, $0x0;
	s0 =	rddreg [dreg:$0x2]  }
0x8b: {  	s0 =	sadd.s32 @!p0 $0x100000, s0  }
0x8c: {  	[sflag:s0] =	ssyncadd.tile.s32 @!p0 $0x1;
	_ =	shalt  }
.Lfunc_end2:
_tile_overlayer_lowered:
.L_overlay_start_2:
0x8d: {  	(tag) =	ssettag $0x2  }
0x8e: {  	s0 =	rddreg [dreg:$0x0];
	s2 =	stileid.u32  }
0x8f: {  	s1 =	rddreg [dreg:$0x1];
	p0 =	sne.s32 s2, $0x0  }
0x90: {  	s3 =	rddreg [dreg:$0x2];
	[bflag:$0x3] =	sbarrier.arrive $0xFFFF;
	s2 =	simm.s32 @!p0 $0x1C05  }
0x91: {  	[timem:s3], [sflag:s2] =	dma.local @!p0 [hbm:s0], s1  }
0x92: {  	s0 =	simm.s32 @!p0 $0x5  }
0x93: {  	_ =	swait.ge @!p0 [sflag:s0], s1  }
0x94: {  	s1 =	ssub.s32 @!p0 $0x0, s1;
	[sflag:s0] =	ssyncset.done @!p0 $0x0  }
0x95: {  	[sflag:s0] =	ssyncadd.s32 @!p0 s1  }
0x96: {  	[bflag:$0x3] =	sbarrier.arrive $0xFFFF  }
0x97: {  	_ =	shalt  }

</sc_bundles>
